<compile_context>
chip_gen: v7x
topology: tpu7x:2x2x1
jax: 0.10.2.dev20260603
libtpu: 0.0.44.dev20260713+nightly
codegen_flags: <defaults>
</compile_context>

<pallas_src>
import functools

import jax
import jax.numpy as jnp
from jax import lax
from jax.experimental import pallas as pl
from jax.experimental.pallas import tpu as pltpu
from jax.experimental.pallas import tpu_sc as plsc

H = 128
N_ITEMS = 100000
N_NODES = 10000
N_EDGES = 320000
N_SESS = 50

NPAD = 10240
SPAD = 64
NW = 32
CH = 128
EPW = 10240
EPAD = EPW * NW
NCHUNK = EPW // CH
CHE = 32
ROWS_PW = NPAD // NW
STRIPE = NPAD // 16
RT = 1280
NT = NPAD // RT
VT = 2048
NVT = -(-N_ITEMS // VT)


def _sc_body(x_ref, eint_ref, table_ref, tpk_ref, zeros_ref,
             emb_out, me_out, mo_out,
             x_v, sd_v, xid_v, rows_v, rowso_v, ebuf_v,
             me_sh, mo_sh,
             gsem0, gsem1, isem0, isem1, isem2, isem3):
    cid = lax.axis_index("c")
    sid = lax.axis_index("s")
    wid = sid * 2 + cid

    pltpu.sync_copy(x_ref, x_v)
    pltpu.sync_copy(zeros_ref, me_sh.at[pl.ds(sid * STRIPE, STRIPE)])
    pltpu.sync_copy(zeros_ref, mo_sh.at[pl.ds(sid * STRIPE, STRIPE)])
    plsc.subcore_barrier()

    esems = (gsem0, gsem1)

    def estart(k, b):
        off = wid * ROWS_PW + k * CHE
        return pltpu.async_copy(
            table_ref.at[x_v.at[pl.ds(off, CHE)]],
            ebuf_v.at[b], esems[b])

    def estore(k, b):
        off = wid * ROWS_PW + k * CHE
        pltpu.sync_copy(ebuf_v.at[b], emb_out.at[pl.ds(off, CHE)])

    NE = ROWS_PW // CHE
    descs = {0: estart(0, 0), 1: estart(1, 1)}
    for k in range(NE):
        b = k % 2
        descs[b].wait()
        estore(k, b)
        if k + 2 < NE:
            descs[b] = estart(k + 2, b)

    gsems = (gsem0, gsem1)
    isems = (isem0, isem1, isem2, isem3)

    def istart(c, ib):
        pltpu.async_copy(eint_ref.at[wid * NCHUNK + c], sd_v.at[ib],
                         isems[ib])

    def iwait(c, ib):
        pltpu.make_async_copy(eint_ref.at[wid * NCHUNK + c], sd_v.at[ib],
                              isems[ib]).wait()

    def gstart(ib, rb):
        for j in range(CH // 16):
            s16 = sd_v[ib, 0, pl.ds(j * 16, 16)]
            xid_v[rb, pl.ds(j * 16, 16)] = plsc.load_gather(x_v, [s16])
        pltpu.async_copy(tpk_ref.at[xid_v.at[rb]], rows_v.at[rb],
                         gsems[rb])

    def gwait(rb):
        pltpu.make_async_copy(tpk_ref.at[xid_v.at[rb]], rows_v.at[rb],
                              gsems[rb]).wait()

    MSK = jnp.int32(-65536)

    def scatter(ib, rb):
        def conv_row(r, carry):
            for k in range(4):
                sl = pl.ds(k * 16, 16)
                vi = plsc.bitcast(rows_v[rb, r, sl], jnp.int32)
                rows_v[rb, r, sl] = plsc.bitcast(
                    jnp.left_shift(vi, 16), jnp.float32)
                rowso_v[r, sl] = plsc.bitcast(
                    jnp.bitwise_and(vi, MSK), jnp.float32)
            return carry

        lax.fori_loop(0, CH, conv_row, 0)
        pltpu.sync_copy(rows_v.at[rb], me_sh.at[sd_v.at[ib, 1]], add=True)
        pltpu.sync_copy(rowso_v, mo_sh.at[sd_v.at[ib, 1]], add=True)

    istart(0, 0)
    istart(1, 1)
    iwait(0, 0)
    gstart(0, 0)

    NQ = NCHUNK // 4

    def quad(i, carry):
        a = 4 * i
        iwait(a + 1, 1)
        gstart(1, 1)
        istart(a + 2, 2)
        gwait(0)
        scatter(0, 0)
        istart(a + 3, 3)
        iwait(a + 2, 2)
        gstart(2, 0)
        gwait(1)
        scatter(1, 1)
        istart(a + 4, 0)
        iwait(a + 3, 3)
        gstart(3, 1)
        gwait(0)
        scatter(2, 0)
        istart(a + 5, 1)
        gwait(1)
        scatter(3, 1)
        iwait(a + 4, 0)
        gstart(0, 0)
        return carry

    lax.fori_loop(0, NQ - 1, quad, 0)

    a = NCHUNK - 4
    iwait(a + 1, 1)
    gstart(1, 1)
    istart(a + 2, 2)
    gwait(0)
    scatter(0, 0)
    istart(a + 3, 3)
    iwait(a + 2, 2)
    gstart(2, 0)
    gwait(1)
    scatter(1, 1)
    iwait(a + 3, 3)
    gstart(3, 1)
    gwait(0)
    scatter(2, 0)
    gwait(1)
    scatter(3, 1)

    plsc.subcore_barrier()

    pltpu.sync_copy(me_sh.at[pl.ds(sid * STRIPE, STRIPE)],
                    me_out.at[cid, pl.ds(sid * STRIPE, STRIPE)])
    pltpu.sync_copy(mo_sh.at[pl.ds(sid * STRIPE, STRIPE)],
                    mo_out.at[cid, pl.ds(sid * STRIPE, STRIPE)])


@functools.lru_cache(maxsize=1)
def _sc_graph():
    mesh = plsc.VectorSubcoreMesh(core_axis_name="c", subcore_axis_name="s")
    return pl.kernel(
        _sc_body,
        out_type=[
            jax.ShapeDtypeStruct((NPAD, H), jnp.float32),
            jax.ShapeDtypeStruct((2, NPAD, H // 2), jnp.float32),
            jax.ShapeDtypeStruct((2, NPAD, H // 2), jnp.float32),
        ],
        mesh=mesh,
        scratch_types=[
            pltpu.VMEM((NPAD,), jnp.int32),
            pltpu.VMEM((4, 2, CH), jnp.int32),
            pltpu.VMEM((2, CH), jnp.int32),
            pltpu.VMEM((2, CH, H // 2), jnp.float32),
            pltpu.VMEM((CH, H // 2), jnp.float32),
            pltpu.VMEM((2, CHE, H), jnp.float32),
            pltpu.VMEM_SHARED((NPAD, H // 2), jnp.float32),
            pltpu.VMEM_SHARED((NPAD, H // 2), jnp.float32),
            pltpu.SemaphoreType.DMA,
            pltpu.SemaphoreType.DMA,
            pltpu.SemaphoreType.DMA,
            pltpu.SemaphoreType.DMA,
            pltpu.SemaphoreType.DMA,
            pltpu.SemaphoreType.DMA,
        ],
        compiler_params=pltpu.CompilerParams(needs_layout_passes=False, use_tc_tiling_on_sc=False),
    )


def _gru_body(emb_ref, me0_ref, me1_ref, mo0_ref, mo1_ref,
              wihe_ref, wiho_ref, whh_ref, out_ref):
    emb = emb_ref[...]
    bf = jnp.bfloat16
    me = me0_ref[...] + me1_ref[...]
    mo = mo0_ref[...] + mo1_ref[...]
    dn = (((1,), (1,)), ((), ()))
    gi = (lax.dot_general(me.astype(bf), wihe_ref[...].astype(bf), dn,
                          preferred_element_type=jnp.float32)
          + lax.dot_general(mo.astype(bf), wiho_ref[...].astype(bf), dn,
                            preferred_element_type=jnp.float32))
    gh = lax.dot_general(emb.astype(bf), whh_ref[...].astype(bf), dn,
                         preferred_element_type=jnp.float32)
    r = jax.nn.sigmoid(gi[:, :H] + gh[:, :H])
    z = jax.nn.sigmoid(gi[:, H:2 * H] + gh[:, H:2 * H])
    n = jnp.tanh(gi[:, 2 * H:] + r * gh[:, 2 * H:])
    out_ref[...] = (1.0 - z) * n + z * emb


def _gru(emb, me0, me1, mo0, mo1, w_ihe, w_iho, w_hh):
    return pl.pallas_call(
        _gru_body,
        grid=(NT,),
        in_specs=[
            pl.BlockSpec((RT, H), lambda t: (t, 0)),
            pl.BlockSpec((RT, H // 2), lambda t: (t, 0)),
            pl.BlockSpec((RT, H // 2), lambda t: (t, 0)),
            pl.BlockSpec((RT, H // 2), lambda t: (t, 0)),
            pl.BlockSpec((RT, H // 2), lambda t: (t, 0)),
            pl.BlockSpec((3 * H, H // 2), lambda t: (0, 0)),
            pl.BlockSpec((3 * H, H // 2), lambda t: (0, 0)),
            pl.BlockSpec((3 * H, H), lambda t: (0, 0)),
        ],
        out_specs=pl.BlockSpec((RT, H), lambda t: (t, 0)),
        out_shape=jax.ShapeDtypeStruct((NPAD, H), jnp.float32),
    )(emb, me0, me1, mo0, mo1, w_ihe, w_iho, w_hh)


def _vn_body(v_ref, b_ref, bn_ref, vn_out, cnt_out):
    t = pl.program_id(0)

    @pl.when(t == 0)
    def _():
        vn_out[...] = jnp.zeros_like(vn_out)
        cnt_out[...] = jnp.zeros_like(cnt_out)

    bt = b_ref[0]
    bnt = bn_ref[0]
    ioc = lax.broadcasted_iota(jnp.int32, (SPAD, RT), 0)
    oh_t = (ioc == bt).astype(jnp.float32)
    lastf = (bt != bnt).astype(jnp.float32)
    dn = (((1,), (0,)), ((), ()))
    vn_out[...] += lax.dot_general(oh_t * lastf, v_ref[...], dn,
                                   precision=lax.Precision.HIGHEST,
                                   preferred_element_type=jnp.float32)
    cnt_out[...] += jnp.sum(oh_t, axis=1, keepdims=True)


def _vn(v_i, batch2, bnext2):
    return pl.pallas_call(
        _vn_body,
        grid=(NT,),
        in_specs=[
            pl.BlockSpec((RT, H), lambda t: (t, 0)),
            pl.BlockSpec((1, 1, RT), lambda t: (t, 0, 0)),
            pl.BlockSpec((1, 1, RT), lambda t: (t, 0, 0)),
        ],
        out_specs=[
            pl.BlockSpec((SPAD, H), lambda t: (0, 0)),
            pl.BlockSpec((SPAD, 1), lambda t: (0, 0)),
        ],
        out_shape=[
            jax.ShapeDtypeStruct((SPAD, H), jnp.float32),
            jax.ShapeDtypeStruct((SPAD, 1), jnp.float32),
        ],
    )(v_i, batch2, bnext2)


def _att_body(v_ref, b_ref, vn_ref, cnt_ref, w1_ref, w2_ref, w2b_ref,
              w3_ref, qw_ref, qb_ref, sh_out, vnf, sg):
    t = pl.program_id(0)

    @pl.when(t == 0)
    def _():
        v0 = v_ref[0:1, :]
        vnf[...] = jnp.where(cnt_ref[...] > 0.0, vn_ref[...], v0)
        sg[...] = jnp.zeros_like(sg)

    bt = b_ref[0]
    ioc = lax.broadcasted_iota(jnp.int32, (SPAD, RT), 0)
    oh_t = (ioc == bt).astype(jnp.float32)
    bf = jnp.bfloat16
    f32 = jnp.float32
    dnr = (((1,), (1,)), ((), ()))
    v = v_ref[...]
    vrep = lax.dot_general(oh_t, vnf[...], (((0,), (0,)), ((), ())),
                           precision=lax.Precision.HIGHEST,
                           preferred_element_type=f32)
    q1 = lax.dot_general(vrep.astype(bf), w1_ref[...].astype(bf), dnr,
                         preferred_element_type=f32)
    q2 = lax.dot_general(v.astype(bf), w2_ref[...].astype(bf), dnr,
                         preferred_element_type=f32) + w2b_ref[...]
    sig = jax.nn.sigmoid(q1 + q2)
    alpha = jnp.sum(sig.astype(bf).astype(f32)
                    * qw_ref[...].astype(bf).astype(f32),
                    axis=1, keepdims=True) + qb_ref[...]
    sg[...] += lax.dot_general(oh_t, alpha * v, (((1,), (0,)), ((), ())),
                               precision=lax.Precision.HIGHEST,
                               preferred_element_type=f32)

    @pl.when(t == NT - 1)
    def _():
        w3 = w3_ref[...].astype(bf)
        sh_out[...] = (
            lax.dot_general(vnf[...].astype(bf), w3[:, :H], dnr,
                            preferred_element_type=f32)
            + lax.dot_general(sg[...].astype(bf), w3[:, H:], dnr,
                              preferred_element_type=f32))


def _att(v_i, batch2, vn, cnt, w1, w2, w2b, w3, qw, qb):
    return pl.pallas_call(
        _att_body,
        grid=(NT,),
        in_specs=[
            pl.BlockSpec((RT, H), lambda t: (t, 0)),
            pl.BlockSpec((1, 1, RT), lambda t: (t, 0, 0)),
            pl.BlockSpec((SPAD, H), lambda t: (0, 0)),
            pl.BlockSpec((SPAD, 1), lambda t: (0, 0)),
            pl.BlockSpec((H, H), lambda t: (0, 0)),
            pl.BlockSpec((H, H), lambda t: (0, 0)),
            pl.BlockSpec((1, H), lambda t: (0, 0)),
            pl.BlockSpec((H, 2 * H), lambda t: (0, 0)),
            pl.BlockSpec((1, H), lambda t: (0, 0)),
            pl.BlockSpec((1, 1), lambda t: (0, 0)),
        ],
        out_specs=pl.BlockSpec((SPAD, H), lambda t: (0, 0)),
        out_shape=jax.ShapeDtypeStruct((SPAD, H), jnp.float32),
        scratch_shapes=[
            pltpu.VMEM((SPAD, H), jnp.float32),
            pltpu.VMEM((SPAD, H), jnp.float32),
        ],
    )(v_i, batch2, vn, cnt, w1, w2, w2b, w3, qw, qb)


def _readout_body(sh_ref, tab_ref, out_ref):
    bf = jnp.bfloat16
    out_ref[...] = lax.dot_general(sh_ref[...].astype(bf),
                                   tab_ref[...].astype(bf),
                                   (((1,), (1,)), ((), ())),
                                   preferred_element_type=jnp.float32)


def _readout(sh, table):
    return pl.pallas_call(
        _readout_body,
        grid=(NVT,),
        in_specs=[
            pl.BlockSpec((N_SESS, H), lambda t: (0, 0)),
            pl.BlockSpec((VT, H), lambda t: (t, 0)),
        ],
        out_specs=pl.BlockSpec((N_SESS, VT), lambda t: (0, t)),
        out_shape=jax.ShapeDtypeStruct((N_SESS, N_ITEMS), jnp.float32),
    )(sh, table)


def kernel(x, edge_index, batch, emb_table, W_ih, W_hh, W1_w, W2_w, W2_b,
           W3_w, q_w, q_b):
    i32 = jnp.int32
    f32 = jnp.float32
    x = x.astype(i32)
    src = edge_index[0].astype(i32)
    dst = edge_index[1].astype(i32)
    batch = batch.astype(i32)

    x_pad = jnp.concatenate([x, jnp.zeros((NPAD - N_NODES,), i32)])
    src_pad = jnp.concatenate([src, jnp.zeros((EPAD - N_EDGES,), i32)])
    dst_pad = jnp.concatenate(
        [dst, jnp.full((EPAD - N_EDGES,), NPAD - 1, i32)])
    eint = jnp.stack([src_pad.reshape(-1, CH), dst_pad.reshape(-1, CH)],
                     axis=1)
    zeros = jnp.zeros((STRIPE, H // 2), f32)
    table_f = emb_table.astype(f32)
    tbl_pk = lax.bitcast_convert_type(
        emb_table.astype(jnp.bfloat16).reshape(N_ITEMS, H // 2, 2), f32)

    emb_pad, me_p, mo_p = _sc_graph()(x_pad, eint, table_f, tbl_pk, zeros)

    v_i = _gru(emb_pad, me_p[0], me_p[1], mo_p[0], mo_p[1],
               W_ih[:, 0::2], W_ih[:, 1::2], W_hh)

    batch_pad = jnp.concatenate(
        [batch, jnp.full((NPAD - N_NODES,), SPAD - 1, i32)])
    bnext = jnp.concatenate([batch_pad[1:], jnp.full((1,), 1 << 20, i32)])
    batch2 = batch_pad.reshape(NT, 1, RT)
    bnext2 = bnext.reshape(NT, 1, RT)

    vn, cnt = _vn(v_i, batch2, bnext2)
    sh = _att(v_i, batch2, vn, cnt, W1_w, W2_w,
              W2_b.reshape(1, H), W3_w, q_w.reshape(1, H),
              q_b.reshape(1, 1))

    return _readout(sh[:N_SESS], table_f)

# --- scband reference (transcript-rebuilt; emitter-appended) ---
"""Pipeline reference for scband-srgnn-6030134083732 (READ-ONLY COPY).

The authoritative reference and input builder live on the scoring server;
editing this copy changes nothing except your own understanding.
"""

import jax, jax.numpy as jnp
import numpy as np

HIDDEN = 128
N_ITEMS = 100000
N_NODES = 10000
N_EDGES = 320000
N_SESS = 50


def setup_inputs(seed: int = 0) -> dict:
    key = jax.random.key(seed)
    ks = [jax.random.fold_in(key, i) for i in range(16)]
    stdv = 1.0 / np.sqrt(HIDDEN)

    x = jax.random.randint(ks[0], (N_NODES,), 0, N_ITEMS, dtype=jnp.int64 if jax.config.jax_enable_x64 else jnp.int32)
    edge_index = jax.random.randint(ks[1], (2, N_EDGES), 0, N_NODES, dtype=jnp.int32)
    batch = jnp.sort(jax.random.randint(ks[2], (N_NODES,), 0, N_SESS, dtype=jnp.int32))

    def unif(k, shape):
        return jax.random.uniform(k, shape, dtype=jnp.float32, minval=-stdv, maxval=stdv)

    emb_table = unif(ks[3], (N_ITEMS, HIDDEN))
    W_ih = unif(ks[4], (3 * HIDDEN, HIDDEN))   # GRUCell input weights (r,z,n), bias=False
    W_hh = unif(ks[5], (3 * HIDDEN, HIDDEN))   # GRUCell hidden weights (r,z,n), bias=False
    W1_w = unif(ks[6], (HIDDEN, HIDDEN))        # W_1, no bias
    W2_w = unif(ks[7], (HIDDEN, HIDDEN))        # W_2
    W2_b = unif(ks[8], (HIDDEN,))
    W3_w = unif(ks[9], (HIDDEN, 2 * HIDDEN))    # W_3, no bias
    q_w = unif(ks[10], (1, HIDDEN))             # q linear
    q_b = unif(ks[11], (1,))

    return {
        "x": x, "edge_index": edge_index, "batch": batch,
        "emb_table": emb_table, "W_ih": W_ih, "W_hh": W_hh,
        "W1_w": W1_w, "W2_w": W2_w, "W2_b": W2_b,
        "W3_w": W3_w, "q_w": q_w, "q_b": q_b,
    }


def reference(x, edge_index, batch, emb_table, W_ih, W_hh, W1_w, W2_w, W2_b, W3_w, q_w, q_b):
    H = HIDDEN
    # embedding lookup
    emb = jnp.take(emb_table, x, axis=0)  # [N, H]

    # gated graph conv: scatter-add of source features into targets (aggr='add')
    src = edge_index[0]
    dst = edge_index[1]
    m = jnp.zeros((N_NODES, H), dtype=emb.dtype).at[dst].add(jnp.take(emb, src, axis=0))

    # GRUCell(m, emb) with bias=False, gate order (r, z, n)
    gi = m @ W_ih.T    # [N, 3H]
    gh = emb @ W_hh.T  # [N, 3H]
    r = jax.nn.sigmoid(gi[:, :H] + gh[:, :H])
    z = jax.nn.sigmoid(gi[:, H:2 * H] + gh[:, H:2 * H])
    n = jnp.tanh(gi[:, 2 * H:] + r * gh[:, 2 * H:])
    v_i = (1.0 - z) * n + z * emb  # [N, H]

    # last node of each session (batch is sorted)
    idx = jnp.arange(N_NODES, dtype=jnp.int32)
    last_idx = jax.ops.segment_max(idx, batch, num_segments=N_SESS)
    last_idx = jnp.clip(last_idx, 0, N_NODES - 1)
    v_n = jnp.take(v_i, last_idx, axis=0)         # [B, H]
    v_n_repeat = jnp.take(v_n, batch, axis=0)      # [N, H]

    q1 = v_n_repeat @ W1_w.T
    q2 = v_i @ W2_w.T + W2_b
    alpha = jax.nn.sigmoid(q1 + q2) @ q_w.T + q_b  # [N, 1]

    s_g = jax.ops.segment_sum(alpha * v_i, batch, num_segments=N_SESS)  # [B, H]
    s_l = v_n
    s_h = jnp.concatenate([s_l, s_g], axis=-1) @ W3_w.T  # [B, H]

    z_out = s_h @ emb_table.T  # [B, n_items]
    return z_out

if __name__ == "__main__":
    import jax
    _d = setup_inputs()
    print(jax.jit(kernel)(*tuple(_d.values())))

</pallas_src>

<mosaic_0001>
#map = affine_map<(d0, d1) -> (0)>
#map1 = affine_map<(d0, d1) -> (0, 0, 0)>
#map2 = affine_map<(d0, d1) -> (0, 0)>
module attributes {stable_mosaic.version = 14 : i64} {
  func.func @_sc_body(%arg0: i32, %arg1: i32, %arg2: memref<10240xi32, #tpu.memory_space<hbm>>, %arg3: memref<2560x2x128xi32, #tpu.memory_space<hbm>>, %arg4: memref<100000x128xf32, #tpu.memory_space<hbm>>, %arg5: memref<100000x64xf32, #tpu.memory_space<hbm>>, %arg6: memref<640x64xf32, #tpu.memory_space<hbm>>, %arg7: memref<10240x128xf32, #tpu.memory_space<hbm>>, %arg8: memref<2x10240x64xf32, #tpu.memory_space<hbm>>, %arg9: memref<2x10240x64xf32, #tpu.memory_space<hbm>>, %arg10: memref<10240xi32, #tpu.memory_space<vmem>>, %arg11: memref<4x2x128xi32, #tpu.memory_space<vmem>>, %arg12: memref<2x128xi32, #tpu.memory_space<vmem>>, %arg13: memref<2x128x64xf32, #tpu.memory_space<vmem>>, %arg14: memref<128x64xf32, #tpu.memory_space<vmem>>, %arg15: memref<2x32x128xf32, #tpu.memory_space<vmem>>, %arg16: memref<10240x64xf32, #tpu.memory_space<vmem_shared>>, %arg17: memref<10240x64xf32, #tpu.memory_space<vmem_shared>>, %arg18: memref<!tpu.dma_semaphore, #tpu.memory_space<semaphore_mem>>, %arg19: memref<!tpu.dma_semaphore, #tpu.memory_space<semaphore_mem>>, %arg20: memref<!tpu.dma_semaphore, #tpu.memory_space<semaphore_mem>>, %arg21: memref<!tpu.dma_semaphore, #tpu.memory_space<semaphore_mem>>, %arg22: memref<!tpu.dma_semaphore, #tpu.memory_space<semaphore_mem>>, %arg23: memref<!tpu.dma_semaphore, #tpu.memory_space<semaphore_mem>>) attributes {dimension_semantics = [#tpu.dimension_semantics<core_parallel>, #tpu.dimension_semantics<subcore_parallel>], iteration_bounds = array<i64: 2, 16>, scalar_prefetch = 0 : i64, scratch_operands = 14 : i64, tpu.core_type = #tpu.core_type<sc_vector_subcore>, window_params = [{transform_indices = #map}, {transform_indices = #map1}, {transform_indices = #map2}, {transform_indices = #map2}, {transform_indices = #map2}, {transform_indices = #map2}, {transform_indices = #map1}, {transform_indices = #map1}]} {
    %mul3A = arith.constant 2 : i32
    %mul3A_0 = arith.muli %arg1, %mul3A : i32
    %add3A = arith.addi %mul3A_0, %arg0 : i32
    "tpu.region"() ({
      %run_scoped3A_948 = tpu.sem_alloc : memref<!tpu.dma_semaphore, #tpu.memory_space<semaphore_mem>>
      tpu.enqueue_dma source(%arg2 : memref<10240xi32, #tpu.memory_space<hbm>>) target(%arg10 : memref<10240xi32, #tpu.memory_space<vmem>>) target_semaphore(%run_scoped3A_948 : memref<!tpu.dma_semaphore, #tpu.memory_space<semaphore_mem>>)
      tpu.wait_dma2 semaphore(%run_scoped3A_948 : memref<!tpu.dma_semaphore, #tpu.memory_space<semaphore_mem>>) src(%arg2 : memref<10240xi32, #tpu.memory_space<hbm>>) dst(%arg10 : memref<10240xi32, #tpu.memory_space<vmem>>)
      tpu.yield
    }) : () -> ()
    %mul3A_1 = arith.constant 640 : i32
    %mul3A_2 = arith.muli %arg1, %mul3A_1 : i32
    "tpu.region"() ({
      %run_scoped3A_948 = tpu.sem_alloc : memref<!tpu.dma_semaphore, #tpu.memory_space<semaphore_mem>>
      %dma_start3A_949 = arith.constant 0 : i32
      %dma_start3A_950 = tpu.memref_slice %arg16[%mul3A_2, %dma_start3A_949] : memref<10240x64xf32, #tpu.memory_space<vmem_shared>> -> memref<640x64xf32, #tpu.memory_space<vmem_shared>>
      tpu.enqueue_dma source(%arg6 : memref<640x64xf32, #tpu.memory_space<hbm>>) target(%dma_start3A_950 : memref<640x64xf32, #tpu.memory_space<vmem_shared>>) target_semaphore(%run_scoped3A_948 : memref<!tpu.dma_semaphore, #tpu.memory_space<semaphore_mem>>)
      %dma_wait3A_951 = arith.constant 0 : i32
      %dma_wait3A_952 = tpu.memref_slice %arg16[%mul3A_2, %dma_wait3A_951] : memref<10240x64xf32, #tpu.memory_space<vmem_shared>> -> memref<640x64xf32, #tpu.memory_space<vmem_shared>>
      tpu.wait_dma2 semaphore(%run_scoped3A_948 : memref<!tpu.dma_semaphore, #tpu.memory_space<semaphore_mem>>) src(%arg6 : memref<640x64xf32, #tpu.memory_space<hbm>>) dst(%dma_wait3A_952 : memref<640x64xf32, #tpu.memory_space<vmem_shared>>)
      tpu.yield
    }) : () -> ()
    %mul3A_3 = arith.constant 640 : i32
    %mul3A_4 = arith.muli %arg1, %mul3A_3 : i32
    "tpu.region"() ({
      %run_scoped3A_948 = tpu.sem_alloc : memref<!tpu.dma_semaphore, #tpu.memory_space<semaphore_mem>>
      %dma_start3A_949 = arith.constant 0 : i32
      %dma_start3A_950 = tpu.memref_slice %arg17[%mul3A_4, %dma_start3A_949] : memref<10240x64xf32, #tpu.memory_space<vmem_shared>> -> memref<640x64xf32, #tpu.memory_space<vmem_shared>>
      tpu.enqueue_dma source(%arg6 : memref<640x64xf32, #tpu.memory_space<hbm>>) target(%dma_start3A_950 : memref<640x64xf32, #tpu.memory_space<vmem_shared>>) target_semaphore(%run_scoped3A_948 : memref<!tpu.dma_semaphore, #tpu.memory_space<semaphore_mem>>)
      %dma_wait3A_951 = arith.constant 0 : i32
      %dma_wait3A_952 = tpu.memref_slice %arg17[%mul3A_4, %dma_wait3A_951] : memref<10240x64xf32, #tpu.memory_space<vmem_shared>> -> memref<640x64xf32, #tpu.memory_space<vmem_shared>>
      tpu.wait_dma2 semaphore(%run_scoped3A_948 : memref<!tpu.dma_semaphore, #tpu.memory_space<semaphore_mem>>) src(%arg6 : memref<640x64xf32, #tpu.memory_space<hbm>>) dst(%dma_wait3A_952 : memref<640x64xf32, #tpu.memory_space<vmem_shared>>)
      tpu.yield
    }) : () -> ()
    %barrier3A = arith.constant 0 : index
    tpu.barrier barrier_id(%barrier3A)
    %mul3A_5 = arith.constant 320 : i32
    %mul3A_6 = arith.muli %add3A, %mul3A_5 : i32
    %add3A_7 = arith.constant 0 : i32
    %add3A_8 = arith.addi %mul3A_6, %add3A_7 : i32
    %dma_start3A = arith.constant 0 : i32
    %dma_start3A_9 = arith.constant 0 : i32
    %dma_start3A_10 = arith.constant 0 : i32
    %dma_start3A_11 = tpu.memref_slice %arg15[%dma_start3A, %dma_start3A_9, %dma_start3A_10] : memref<2x32x128xf32, #tpu.memory_space<vmem>> -> memref<1x32x128xf32, #tpu.memory_space<vmem>>
    %dma_start3A_12 = tpu.memref_squeeze %dma_start3A_11 : memref<1x32x128xf32, #tpu.memory_space<vmem>> -> memref<32x128xf32, #tpu.memory_space<vmem>>
    %dma_start3A_13 = tpu.memref_slice %arg10[%add3A_8] : memref<10240xi32, #tpu.memory_space<vmem>> -> memref<32xi32, #tpu.memory_space<vmem>>
    %dma_start3A_14 = arith.constant 0 : i32
    %dma_start3A_15 = arith.constant 0 : i32
    %dma_start3A_16 = tpu.memref_slice %arg4[%dma_start3A_14, %dma_start3A_15] : memref<100000x128xf32, #tpu.memory_space<hbm>> -> memref<100000x128xf32, #tpu.memory_space<hbm>>
    tpu.enqueue_indirect_dma source(%dma_start3A_16 : memref<100000x128xf32, #tpu.memory_space<hbm>>) target(%dma_start3A_12 : memref<32x128xf32, #tpu.memory_space<vmem>>) offsets(%dma_start3A_13 : memref<32xi32, #tpu.memory_space<vmem>>) semaphore(%arg18 : memref<!tpu.dma_semaphore, #tpu.memory_space<semaphore_mem>>)
    %mul3A_17 = arith.constant 320 : i32
    %mul3A_18 = arith.muli %add3A, %mul3A_17 : i32
    %add3A_19 = arith.constant 32 : i32
    %add3A_20 = arith.addi %mul3A_18, %add3A_19 : i32
    %dma_start3A_21 = arith.constant 1 : i32
    %dma_start3A_22 = arith.constant 0 : i32
    %dma_start3A_23 = arith.constant 0 : i32
    %dma_start3A_24 = tpu.memref_slice %arg15[%dma_start3A_21, %dma_start3A_22, %dma_start3A_23] : memref<2x32x128xf32, #tpu.memory_space<vmem>> -> memref<1x32x128xf32, #tpu.memory_space<vmem>>
    %dma_start3A_25 = tpu.memref_squeeze %dma_start3A_24 : memref<1x32x128xf32, #tpu.memory_space<vmem>> -> memref<32x128xf32, #tpu.memory_space<vmem>>
    %dma_start3A_26 = tpu.memref_slice %arg10[%add3A_20] : memref<10240xi32, #tpu.memory_space<vmem>> -> memref<32xi32, #tpu.memory_space<vmem>>
    %dma_start3A_27 = arith.constant 0 : i32
    %dma_start3A_28 = arith.constant 0 : i32
    %dma_start3A_29 = tpu.memref_slice %arg4[%dma_start3A_27, %dma_start3A_28] : memref<100000x128xf32, #tpu.memory_space<hbm>> -> memref<100000x128xf32, #tpu.memory_space<hbm>>
    tpu.enqueue_indirect_dma source(%dma_start3A_29 : memref<100000x128xf32, #tpu.memory_space<hbm>>) target(%dma_start3A_25 : memref<32x128xf32, #tpu.memory_space<vmem>>) offsets(%dma_start3A_26 : memref<32xi32, #tpu.memory_space<vmem>>) semaphore(%arg19 : memref<!tpu.dma_semaphore, #tpu.memory_space<semaphore_mem>>)
    %dma_wait3A = arith.constant 0 : i32
    %dma_wait3A_30 = arith.constant 0 : i32
    %dma_wait3A_31 = arith.constant 0 : i32
    %dma_wait3A_32 = tpu.memref_slice %arg15[%dma_wait3A, %dma_wait3A_30, %dma_wait3A_31] : memref<2x32x128xf32, #tpu.memory_space<vmem>> -> memref<1x32x128xf32, #tpu.memory_space<vmem>>
    %dma_wait3A_33 = tpu.memref_squeeze %dma_wait3A_32 : memref<1x32x128xf32, #tpu.memory_space<vmem>> -> memref<32x128xf32, #tpu.memory_space<vmem>>
    %dma_wait3A_34 = tpu.memref_slice %arg10[%add3A_8] : memref<10240xi32, #tpu.memory_space<vmem>> -> memref<32xi32, #tpu.memory_space<vmem>>
    %dma_wait3A_35 = arith.constant 0 : i32
    %dma_wait3A_36 = arith.constant 0 : i32
    %dma_wait3A_37 = tpu.memref_slice %arg4[%dma_wait3A_35, %dma_wait3A_36] : memref<100000x128xf32, #tpu.memory_space<hbm>> -> memref<100000x128xf32, #tpu.memory_space<hbm>>
    tpu.wait_indirect_dma semaphore(%arg18 : memref<!tpu.dma_semaphore, #tpu.memory_space<semaphore_mem>>) src(%dma_wait3A_37 : memref<100000x128xf32, #tpu.memory_space<hbm>>) dst(%dma_wait3A_33 : memref<32x128xf32, #tpu.memory_space<vmem>>)
    %mul3A_38 = arith.constant 320 : i32
    %mul3A_39 = arith.muli %add3A, %mul3A_38 : i32
    %add3A_40 = arith.constant 0 : i32
    %add3A_41 = arith.addi %mul3A_39, %add3A_40 : i32
    %run_scoped3A = arith.constant 0 : i32
    "tpu.region"() ({
      %run_scoped3A_948 = tpu.sem_alloc : memref<!tpu.dma_semaphore, #tpu.memory_space<semaphore_mem>>
      %dma_start3A_949 = arith.constant 0 : i32
      %dma_start3A_950 = arith.constant 0 : i32
      %dma_start3A_951 = tpu.memref_slice %arg15[%run_scoped3A, %dma_start3A_949, %dma_start3A_950] : memref<2x32x128xf32, #tpu.memory_space<vmem>> -> memref<1x32x128xf32, #tpu.memory_space<vmem>>
      %dma_start3A_952 = tpu.memref_squeeze %dma_start3A_951 : memref<1x32x128xf32, #tpu.memory_space<vmem>> -> memref<32x128xf32, #tpu.memory_space<vmem>>
      %dma_start3A_953 = arith.constant 0 : i32
      %dma_start3A_954 = tpu.memref_slice %arg7[%add3A_41, %dma_start3A_953] : memref<10240x128xf32, #tpu.memory_space<hbm>> -> memref<32x128xf32, #tpu.memory_space<hbm>>
      %dma_start3A_955 = arith.constant 0 : i32
      %dma_start3A_956 = tpu.memref_slice %arg7[%add3A_41, %dma_start3A_955] : memref<10240x128xf32, #tpu.memory_space<hbm>> -> memref<32x128xf32, #tpu.memory_space<hbm>>
      %dma_start3A_957 = arith.constant 0 : i32
      %dma_start3A_958 = arith.constant 0 : i32
      %dma_start3A_959 = tpu.memref_slice %arg15[%run_scoped3A, %dma_start3A_957, %dma_start3A_958] : memref<2x32x128xf32, #tpu.memory_space<vmem>> -> memref<1x32x128xf32, #tpu.memory_space<vmem>>
      %dma_start3A_960 = tpu.memref_squeeze %dma_start3A_959 : memref<1x32x128xf32, #tpu.memory_space<vmem>> -> memref<32x128xf32, #tpu.memory_space<vmem>>
      tpu.enqueue_dma source(%dma_start3A_960 : memref<32x128xf32, #tpu.memory_space<vmem>>) target(%dma_start3A_956 : memref<32x128xf32, #tpu.memory_space<hbm>>) target_semaphore(%run_scoped3A_948 : memref<!tpu.dma_semaphore, #tpu.memory_space<semaphore_mem>>)
      %dma_wait3A_961 = arith.constant 0 : i32
      %dma_wait3A_962 = arith.constant 0 : i32
      %dma_wait3A_963 = tpu.memref_slice %arg15[%run_scoped3A, %dma_wait3A_961, %dma_wait3A_962] : memref<2x32x128xf32, #tpu.memory_space<vmem>> -> memref<1x32x128xf32, #tpu.memory_space<vmem>>
      %dma_wait3A_964 = tpu.memref_squeeze %dma_wait3A_963 : memref<1x32x128xf32, #tpu.memory_space<vmem>> -> memref<32x128xf32, #tpu.memory_space<vmem>>
      %dma_wait3A_965 = arith.constant 0 : i32
      %dma_wait3A_966 = tpu.memref_slice %arg7[%add3A_41, %dma_wait3A_965] : memref<10240x128xf32, #tpu.memory_space<hbm>> -> memref<32x128xf32, #tpu.memory_space<hbm>>
      %dma_wait3A_967 = arith.constant 0 : i32
      %dma_wait3A_968 = tpu.memref_slice %arg7[%add3A_41, %dma_wait3A_967] : memref<10240x128xf32, #tpu.memory_space<hbm>> -> memref<32x128xf32, #tpu.memory_space<hbm>>
      %dma_wait3A_969 = arith.constant 0 : i32
      %dma_wait3A_970 = arith.constant 0 : i32
      %dma_wait3A_971 = tpu.memref_slice %arg15[%run_scoped3A, %dma_wait3A_969, %dma_wait3A_970] : memref<2x32x128xf32, #tpu.memory_space<vmem>> -> memref<1x32x128xf32, #tpu.memory_space<vmem>>
      %dma_wait3A_972 = tpu.memref_squeeze %dma_wait3A_971 : memref<1x32x128xf32, #tpu.memory_space<vmem>> -> memref<32x128xf32, #tpu.memory_space<vmem>>
      tpu.wait_dma2 semaphore(%run_scoped3A_948 : memref<!tpu.dma_semaphore, #tpu.memory_space<semaphore_mem>>) src(%dma_wait3A_972 : memref<32x128xf32, #tpu.memory_space<vmem>>) dst(%dma_wait3A_968 : memref<32x128xf32, #tpu.memory_space<hbm>>)
      tpu.yield
    }) : () -> ()
    %mul3A_42 = arith.constant 320 : i32
    %mul3A_43 = arith.muli %add3A, %mul3A_42 : i32
    %add3A_44 = arith.constant 64 : i32
    %add3A_45 = arith.addi %mul3A_43, %add3A_44 : i32
    %dma_start3A_46 = arith.constant 0 : i32
    %dma_start3A_47 = arith.constant 0 : i32
    %dma_start3A_48 = arith.constant 0 : i32
    %dma_start3A_49 = tpu.memref_slice %arg15[%dma_start3A_46, %dma_start3A_47, %dma_start3A_48] : memref<2x32x128xf32, #tpu.memory_space<vmem>> -> memref<1x32x128xf32, #tpu.memory_space<vmem>>
    %dma_start3A_50 = tpu.memref_squeeze %dma_start3A_49 : memref<1x32x128xf32, #tpu.memory_space<vmem>> -> memref<32x128xf32, #tpu.memory_space<vmem>>
    %dma_start3A_51 = tpu.memref_slice %arg10[%add3A_45] : memref<10240xi32, #tpu.memory_space<vmem>> -> memref<32xi32, #tpu.memory_space<vmem>>
    %dma_start3A_52 = arith.constant 0 : i32
    %dma_start3A_53 = arith.constant 0 : i32
    %dma_start3A_54 = tpu.memref_slice %arg4[%dma_start3A_52, %dma_start3A_53] : memref<100000x128xf32, #tpu.memory_space<hbm>> -> memref<100000x128xf32, #tpu.memory_space<hbm>>
    tpu.enqueue_indirect_dma source(%dma_start3A_54 : memref<100000x128xf32, #tpu.memory_space<hbm>>) target(%dma_start3A_50 : memref<32x128xf32, #tpu.memory_space<vmem>>) offsets(%dma_start3A_51 : memref<32xi32, #tpu.memory_space<vmem>>) semaphore(%arg18 : memref<!tpu.dma_semaphore, #tpu.memory_space<semaphore_mem>>)
    %dma_wait3A_55 = arith.constant 1 : i32
    %dma_wait3A_56 = arith.constant 0 : i32
    %dma_wait3A_57 = arith.constant 0 : i32
    %dma_wait3A_58 = tpu.memref_slice %arg15[%dma_wait3A_55, %dma_wait3A_56, %dma_wait3A_57] : memref<2x32x128xf32, #tpu.memory_space<vmem>> -> memref<1x32x128xf32, #tpu.memory_space<vmem>>
    %dma_wait3A_59 = tpu.memref_squeeze %dma_wait3A_58 : memref<1x32x128xf32, #tpu.memory_space<vmem>> -> memref<32x128xf32, #tpu.memory_space<vmem>>
    %dma_wait3A_60 = tpu.memref_slice %arg10[%add3A_20] : memref<10240xi32, #tpu.memory_space<vmem>> -> memref<32xi32, #tpu.memory_space<vmem>>
    %dma_wait3A_61 = arith.constant 0 : i32
    %dma_wait3A_62 = arith.constant 0 : i32
    %dma_wait3A_63 = tpu.memref_slice %arg4[%dma_wait3A_61, %dma_wait3A_62] : memref<100000x128xf32, #tpu.memory_space<hbm>> -> memref<100000x128xf32, #tpu.memory_space<hbm>>
    tpu.wait_indirect_dma semaphore(%arg19 : memref<!tpu.dma_semaphore, #tpu.memory_space<semaphore_mem>>) src(%dma_wait3A_63 : memref<100000x128xf32, #tpu.memory_space<hbm>>) dst(%dma_wait3A_59 : memref<32x128xf32, #tpu.memory_space<vmem>>)
    %mul3A_64 = arith.constant 320 : i32
    %mul3A_65 = arith.muli %add3A, %mul3A_64 : i32
    %add3A_66 = arith.constant 32 : i32
    %add3A_67 = arith.addi %mul3A_65, %add3A_66 : i32
    %run_scoped3A_68 = arith.constant 1 : i32
    "tpu.region"() ({
      %run_scoped3A_948 = tpu.sem_alloc : memref<!tpu.dma_semaphore, #tpu.memory_space<semaphore_mem>>
      %dma_start3A_949 = arith.constant 0 : i32
      %dma_start3A_950 = arith.constant 0 : i32
      %dma_start3A_951 = tpu.memref_slice %arg15[%run_scoped3A_68, %dma_start3A_949, %dma_start3A_950] : memref<2x32x128xf32, #tpu.memory_space<vmem>> -> memref<1x32x128xf32, #tpu.memory_space<vmem>>
      %dma_start3A_952 = tpu.memref_squeeze %dma_start3A_951 : memref<1x32x128xf32, #tpu.memory_space<vmem>> -> memref<32x128xf32, #tpu.memory_space<vmem>>
      %dma_start3A_953 = arith.constant 0 : i32
      %dma_start3A_954 = tpu.memref_slice %arg7[%add3A_67, %dma_start3A_953] : memref<10240x128xf32, #tpu.memory_space<hbm>> -> memref<32x128xf32, #tpu.memory_space<hbm>>
      %dma_start3A_955 = arith.constant 0 : i32
      %dma_start3A_956 = tpu.memref_slice %arg7[%add3A_67, %dma_start3A_955] : memref<10240x128xf32, #tpu.memory_space<hbm>> -> memref<32x128xf32, #tpu.memory_space<hbm>>
      %dma_start3A_957 = arith.constant 0 : i32
      %dma_start3A_958 = arith.constant 0 : i32
      %dma_start3A_959 = tpu.memref_slice %arg15[%run_scoped3A_68, %dma_start3A_957, %dma_start3A_958] : memref<2x32x128xf32, #tpu.memory_space<vmem>> -> memref<1x32x128xf32, #tpu.memory_space<vmem>>
      %dma_start3A_960 = tpu.memref_squeeze %dma_start3A_959 : memref<1x32x128xf32, #tpu.memory_space<vmem>> -> memref<32x128xf32, #tpu.memory_space<vmem>>
      tpu.enqueue_dma source(%dma_start3A_960 : memref<32x128xf32, #tpu.memory_space<vmem>>) target(%dma_start3A_956 : memref<32x128xf32, #tpu.memory_space<hbm>>) target_semaphore(%run_scoped3A_948 : memref<!tpu.dma_semaphore, #tpu.memory_space<semaphore_mem>>)
      %dma_wait3A_961 = arith.constant 0 : i32
      %dma_wait3A_962 = arith.constant 0 : i32
      %dma_wait3A_963 = tpu.memref_slice %arg15[%run_scoped3A_68, %dma_wait3A_961, %dma_wait3A_962] : memref<2x32x128xf32, #tpu.memory_space<vmem>> -> memref<1x32x128xf32, #tpu.memory_space<vmem>>
      %dma_wait3A_964 = tpu.memref_squeeze %dma_wait3A_963 : memref<1x32x128xf32, #tpu.memory_space<vmem>> -> memref<32x128xf32, #tpu.memory_space<vmem>>
      %dma_wait3A_965 = arith.constant 0 : i32
      %dma_wait3A_966 = tpu.memref_slice %arg7[%add3A_67, %dma_wait3A_965] : memref<10240x128xf32, #tpu.memory_space<hbm>> -> memref<32x128xf32, #tpu.memory_space<hbm>>
      %dma_wait3A_967 = arith.constant 0 : i32
      %dma_wait3A_968 = tpu.memref_slice %arg7[%add3A_67, %dma_wait3A_967] : memref<10240x128xf32, #tpu.memory_space<hbm>> -> memref<32x128xf32, #tpu.memory_space<hbm>>
      %dma_wait3A_969 = arith.constant 0 : i32
      %dma_wait3A_970 = arith.constant 0 : i32
      %dma_wait3A_971 = tpu.memref_slice %arg15[%run_scoped3A_68, %dma_wait3A_969, %dma_wait3A_970] : memref<2x32x128xf32, #tpu.memory_space<vmem>> -> memref<1x32x128xf32, #tpu.memory_space<vmem>>
      %dma_wait3A_972 = tpu.memref_squeeze %dma_wait3A_971 : memref<1x32x128xf32, #tpu.memory_space<vmem>> -> memref<32x128xf32, #tpu.memory_space<vmem>>
      tpu.wait_dma2 semaphore(%run_scoped3A_948 : memref<!tpu.dma_semaphore, #tpu.memory_space<semaphore_mem>>) src(%dma_wait3A_972 : memref<32x128xf32, #tpu.memory_space<vmem>>) dst(%dma_wait3A_968 : memref<32x128xf32, #tpu.memory_space<hbm>>)
      tpu.yield
    }) : () -> ()
    %mul3A_69 = arith.constant 320 : i32
    %mul3A_70 = arith.muli %add3A, %mul3A_69 : i32
    %add3A_71 = arith.constant 96 : i32
    %add3A_72 = arith.addi %mul3A_70, %add3A_71 : i32
    %dma_start3A_73 = arith.constant 1 : i32
    %dma_start3A_74 = arith.constant 0 : i32
    %dma_start3A_75 = arith.constant 0 : i32
    %dma_start3A_76 = tpu.memref_slice %arg15[%dma_start3A_73, %dma_start3A_74, %dma_start3A_75] : memref<2x32x128xf32, #tpu.memory_space<vmem>> -> memref<1x32x128xf32, #tpu.memory_space<vmem>>
    %dma_start3A_77 = tpu.memref_squeeze %dma_start3A_76 : memref<1x32x128xf32, #tpu.memory_space<vmem>> -> memref<32x128xf32, #tpu.memory_space<vmem>>
    %dma_start3A_78 = tpu.memref_slice %arg10[%add3A_72] : memref<10240xi32, #tpu.memory_space<vmem>> -> memref<32xi32, #tpu.memory_space<vmem>>
    %dma_start3A_79 = arith.constant 0 : i32
    %dma_start3A_80 = arith.constant 0 : i32
    %dma_start3A_81 = tpu.memref_slice %arg4[%dma_start3A_79, %dma_start3A_80] : memref<100000x128xf32, #tpu.memory_space<hbm>> -> memref<100000x128xf32, #tpu.memory_space<hbm>>
    tpu.enqueue_indirect_dma source(%dma_start3A_81 : memref<100000x128xf32, #tpu.memory_space<hbm>>) target(%dma_start3A_77 : memref<32x128xf32, #tpu.memory_space<vmem>>) offsets(%dma_start3A_78 : memref<32xi32, #tpu.memory_space<vmem>>) semaphore(%arg19 : memref<!tpu.dma_semaphore, #tpu.memory_space<semaphore_mem>>)
    %dma_wait3A_82 = arith.constant 0 : i32
    %dma_wait3A_83 = arith.constant 0 : i32
    %dma_wait3A_84 = arith.constant 0 : i32
    %dma_wait3A_85 = tpu.memref_slice %arg15[%dma_wait3A_82, %dma_wait3A_83, %dma_wait3A_84] : memref<2x32x128xf32, #tpu.memory_space<vmem>> -> memref<1x32x128xf32, #tpu.memory_space<vmem>>
    %dma_wait3A_86 = tpu.memref_squeeze %dma_wait3A_85 : memref<1x32x128xf32, #tpu.memory_space<vmem>> -> memref<32x128xf32, #tpu.memory_space<vmem>>
    %dma_wait3A_87 = tpu.memref_slice %arg10[%add3A_45] : memref<10240xi32, #tpu.memory_space<vmem>> -> memref<32xi32, #tpu.memory_space<vmem>>
    %dma_wait3A_88 = arith.constant 0 : i32
    %dma_wait3A_89 = arith.constant 0 : i32
    %dma_wait3A_90 = tpu.memref_slice %arg4[%dma_wait3A_88, %dma_wait3A_89] : memref<100000x128xf32, #tpu.memory_space<hbm>> -> memref<100000x128xf32, #tpu.memory_space<hbm>>
    tpu.wait_indirect_dma semaphore(%arg18 : memref<!tpu.dma_semaphore, #tpu.memory_space<semaphore_mem>>) src(%dma_wait3A_90 : memref<100000x128xf32, #tpu.memory_space<hbm>>) dst(%dma_wait3A_86 : memref<32x128xf32, #tpu.memory_space<vmem>>)
    %mul3A_91 = arith.constant 320 : i32
    %mul3A_92 = arith.muli %add3A, %mul3A_91 : i32
    %add3A_93 = arith.constant 64 : i32
    %add3A_94 = arith.addi %mul3A_92, %add3A_93 : i32
    %run_scoped3A_95 = arith.constant 0 : i32
    "tpu.region"() ({
      %run_scoped3A_948 = tpu.sem_alloc : memref<!tpu.dma_semaphore, #tpu.memory_space<semaphore_mem>>
      %dma_start3A_949 = arith.constant 0 : i32
      %dma_start3A_950 = arith.constant 0 : i32
      %dma_start3A_951 = tpu.memref_slice %arg15[%run_scoped3A_95, %dma_start3A_949, %dma_start3A_950] : memref<2x32x128xf32, #tpu.memory_space<vmem>> -> memref<1x32x128xf32, #tpu.memory_space<vmem>>
      %dma_start3A_952 = tpu.memref_squeeze %dma_start3A_951 : memref<1x32x128xf32, #tpu.memory_space<vmem>> -> memref<32x128xf32, #tpu.memory_space<vmem>>
      %dma_start3A_953 = arith.constant 0 : i32
      %dma_start3A_954 = tpu.memref_slice %arg7[%add3A_94, %dma_start3A_953] : memref<10240x128xf32, #tpu.memory_space<hbm>> -> memref<32x128xf32, #tpu.memory_space<hbm>>
      %dma_start3A_955 = arith.constant 0 : i32
      %dma_start3A_956 = tpu.memref_slice %arg7[%add3A_94, %dma_start3A_955] : memref<10240x128xf32, #tpu.memory_space<hbm>> -> memref<32x128xf32, #tpu.memory_space<hbm>>
      %dma_start3A_957 = arith.constant 0 : i32
      %dma_start3A_958 = arith.constant 0 : i32
      %dma_start3A_959 = tpu.memref_slice %arg15[%run_scoped3A_95, %dma_start3A_957, %dma_start3A_958] : memref<2x32x128xf32, #tpu.memory_space<vmem>> -> memref<1x32x128xf32, #tpu.memory_space<vmem>>
      %dma_start3A_960 = tpu.memref_squeeze %dma_start3A_959 : memref<1x32x128xf32, #tpu.memory_space<vmem>> -> memref<32x128xf32, #tpu.memory_space<vmem>>
      tpu.enqueue_dma source(%dma_start3A_960 : memref<32x128xf32, #tpu.memory_space<vmem>>) target(%dma_start3A_956 : memref<32x128xf32, #tpu.memory_space<hbm>>) target_semaphore(%run_scoped3A_948 : memref<!tpu.dma_semaphore, #tpu.memory_space<semaphore_mem>>)
      %dma_wait3A_961 = arith.constant 0 : i32
      %dma_wait3A_962 = arith.constant 0 : i32
      %dma_wait3A_963 = tpu.memref_slice %arg15[%run_scoped3A_95, %dma_wait3A_961, %dma_wait3A_962] : memref<2x32x128xf32, #tpu.memory_space<vmem>> -> memref<1x32x128xf32, #tpu.memory_space<vmem>>
      %dma_wait3A_964 = tpu.memref_squeeze %dma_wait3A_963 : memref<1x32x128xf32, #tpu.memory_space<vmem>> -> memref<32x128xf32, #tpu.memory_space<vmem>>
      %dma_wait3A_965 = arith.constant 0 : i32
      %dma_wait3A_966 = tpu.memref_slice %arg7[%add3A_94, %dma_wait3A_965] : memref<10240x128xf32, #tpu.memory_space<hbm>> -> memref<32x128xf32, #tpu.memory_space<hbm>>
      %dma_wait3A_967 = arith.constant 0 : i32
      %dma_wait3A_968 = tpu.memref_slice %arg7[%add3A_94, %dma_wait3A_967] : memref<10240x128xf32, #tpu.memory_space<hbm>> -> memref<32x128xf32, #tpu.memory_space<hbm>>
      %dma_wait3A_969 = arith.constant 0 : i32
      %dma_wait3A_970 = arith.constant 0 : i32
      %dma_wait3A_971 = tpu.memref_slice %arg15[%run_scoped3A_95, %dma_wait3A_969, %dma_wait3A_970] : memref<2x32x128xf32, #tpu.memory_space<vmem>> -> memref<1x32x128xf32, #tpu.memory_space<vmem>>
      %dma_wait3A_972 = tpu.memref_squeeze %dma_wait3A_971 : memref<1x32x128xf32, #tpu.memory_space<vmem>> -> memref<32x128xf32, #tpu.memory_space<vmem>>
      tpu.wait_dma2 semaphore(%run_scoped3A_948 : memref<!tpu.dma_semaphore, #tpu.memory_space<semaphore_mem>>) src(%dma_wait3A_972 : memref<32x128xf32, #tpu.memory_space<vmem>>) dst(%dma_wait3A_968 : memref<32x128xf32, #tpu.memory_space<hbm>>)
      tpu.yield
    }) : () -> ()
    %mul3A_96 = arith.constant 320 : i32
    %mul3A_97 = arith.muli %add3A, %mul3A_96 : i32
    %add3A_98 = arith.constant 128 : i32
    %add3A_99 = arith.addi %mul3A_97, %add3A_98 : i32
    %dma_start3A_100 = arith.constant 0 : i32
    %dma_start3A_101 = arith.constant 0 : i32
    %dma_start3A_102 = arith.constant 0 : i32
    %dma_start3A_103 = tpu.memref_slice %arg15[%dma_start3A_100, %dma_start3A_101, %dma_start3A_102] : memref<2x32x128xf32, #tpu.memory_space<vmem>> -> memref<1x32x128xf32, #tpu.memory_space<vmem>>
    %dma_start3A_104 = tpu.memref_squeeze %dma_start3A_103 : memref<1x32x128xf32, #tpu.memory_space<vmem>> -> memref<32x128xf32, #tpu.memory_space<vmem>>
    %dma_start3A_105 = tpu.memref_slice %arg10[%add3A_99] : memref<10240xi32, #tpu.memory_space<vmem>> -> memref<32xi32, #tpu.memory_space<vmem>>
    %dma_start3A_106 = arith.constant 0 : i32
    %dma_start3A_107 = arith.constant 0 : i32
    %dma_start3A_108 = tpu.memref_slice %arg4[%dma_start3A_106, %dma_start3A_107] : memref<100000x128xf32, #tpu.memory_space<hbm>> -> memref<100000x128xf32, #tpu.memory_space<hbm>>
    tpu.enqueue_indirect_dma source(%dma_start3A_108 : memref<100000x128xf32, #tpu.memory_space<hbm>>) target(%dma_start3A_104 : memref<32x128xf32, #tpu.memory_space<vmem>>) offsets(%dma_start3A_105 : memref<32xi32, #tpu.memory_space<vmem>>) semaphore(%arg18 : memref<!tpu.dma_semaphore, #tpu.memory_space<semaphore_mem>>)
    %dma_wait3A_109 = arith.constant 1 : i32
    %dma_wait3A_110 = arith.constant 0 : i32
    %dma_wait3A_111 = arith.constant 0 : i32
    %dma_wait3A_112 = tpu.memref_slice %arg15[%dma_wait3A_109, %dma_wait3A_110, %dma_wait3A_111] : memref<2x32x128xf32, #tpu.memory_space<vmem>> -> memref<1x32x128xf32, #tpu.memory_space<vmem>>
    %dma_wait3A_113 = tpu.memref_squeeze %dma_wait3A_112 : memref<1x32x128xf32, #tpu.memory_space<vmem>> -> memref<32x128xf32, #tpu.memory_space<vmem>>
    %dma_wait3A_114 = tpu.memref_slice %arg10[%add3A_72] : memref<10240xi32, #tpu.memory_space<vmem>> -> memref<32xi32, #tpu.memory_space<vmem>>
    %dma_wait3A_115 = arith.constant 0 : i32
    %dma_wait3A_116 = arith.constant 0 : i32
    %dma_wait3A_117 = tpu.memref_slice %arg4[%dma_wait3A_115, %dma_wait3A_116] : memref<100000x128xf32, #tpu.memory_space<hbm>> -> memref<100000x128xf32, #tpu.memory_space<hbm>>
    tpu.wait_indirect_dma semaphore(%arg19 : memref<!tpu.dma_semaphore, #tpu.memory_space<semaphore_mem>>) src(%dma_wait3A_117 : memref<100000x128xf32, #tpu.memory_space<hbm>>) dst(%dma_wait3A_113 : memref<32x128xf32, #tpu.memory_space<vmem>>)
    %mul3A_118 = arith.constant 320 : i32
    %mul3A_119 = arith.muli %add3A, %mul3A_118 : i32
    %add3A_120 = arith.constant 96 : i32
    %add3A_121 = arith.addi %mul3A_119, %add3A_120 : i32
    %run_scoped3A_122 = arith.constant 1 : i32
    "tpu.region"() ({
      %run_scoped3A_948 = tpu.sem_alloc : memref<!tpu.dma_semaphore, #tpu.memory_space<semaphore_mem>>
      %dma_start3A_949 = arith.constant 0 : i32
      %dma_start3A_950 = arith.constant 0 : i32
      %dma_start3A_951 = tpu.memref_slice %arg15[%run_scoped3A_122, %dma_start3A_949, %dma_start3A_950] : memref<2x32x128xf32, #tpu.memory_space<vmem>> -> memref<1x32x128xf32, #tpu.memory_space<vmem>>
      %dma_start3A_952 = tpu.memref_squeeze %dma_start3A_951 : memref<1x32x128xf32, #tpu.memory_space<vmem>> -> memref<32x128xf32, #tpu.memory_space<vmem>>
      %dma_start3A_953 = arith.constant 0 : i32
      %dma_start3A_954 = tpu.memref_slice %arg7[%add3A_121, %dma_start3A_953] : memref<10240x128xf32, #tpu.memory_space<hbm>> -> memref<32x128xf32, #tpu.memory_space<hbm>>
      %dma_start3A_955 = arith.constant 0 : i32
      %dma_start3A_956 = tpu.memref_slice %arg7[%add3A_121, %dma_start3A_955] : memref<10240x128xf32, #tpu.memory_space<hbm>> -> memref<32x128xf32, #tpu.memory_space<hbm>>
      %dma_start3A_957 = arith.constant 0 : i32
      %dma_start3A_958 = arith.constant 0 : i32
      %dma_start3A_959 = tpu.memref_slice %arg15[%run_scoped3A_122, %dma_start3A_957, %dma_start3A_958] : memref<2x32x128xf32, #tpu.memory_space<vmem>> -> memref<1x32x128xf32, #tpu.memory_space<vmem>>
      %dma_start3A_960 = tpu.memref_squeeze %dma_start3A_959 : memref<1x32x128xf32, #tpu.memory_space<vmem>> -> memref<32x128xf32, #tpu.memory_space<vmem>>
      tpu.enqueue_dma source(%dma_start3A_960 : memref<32x128xf32, #tpu.memory_space<vmem>>) target(%dma_start3A_956 : memref<32x128xf32, #tpu.memory_space<hbm>>) target_semaphore(%run_scoped3A_948 : memref<!tpu.dma_semaphore, #tpu.memory_space<semaphore_mem>>)
      %dma_wait3A_961 = arith.constant 0 : i32
      %dma_wait3A_962 = arith.constant 0 : i32
      %dma_wait3A_963 = tpu.memref_slice %arg15[%run_scoped3A_122, %dma_wait3A_961, %dma_wait3A_962] : memref<2x32x128xf32, #tpu.memory_space<vmem>> -> memref<1x32x128xf32, #tpu.memory_space<vmem>>
      %dma_wait3A_964 = tpu.memref_squeeze %dma_wait3A_963 : memref<1x32x128xf32, #tpu.memory_space<vmem>> -> memref<32x128xf32, #tpu.memory_space<vmem>>
      %dma_wait3A_965 = arith.constant 0 : i32
      %dma_wait3A_966 = tpu.memref_slice %arg7[%add3A_121, %dma_wait3A_965] : memref<10240x128xf32, #tpu.memory_space<hbm>> -> memref<32x128xf32, #tpu.memory_space<hbm>>
      %dma_wait3A_967 = arith.constant 0 : i32
      %dma_wait3A_968 = tpu.memref_slice %arg7[%add3A_121, %dma_wait3A_967] : memref<10240x128xf32, #tpu.memory_space<hbm>> -> memref<32x128xf32, #tpu.memory_space<hbm>>
      %dma_wait3A_969 = arith.constant 0 : i32
      %dma_wait3A_970 = arith.constant 0 : i32
      %dma_wait3A_971 = tpu.memref_slice %arg15[%run_scoped3A_122, %dma_wait3A_969, %dma_wait3A_970] : memref<2x32x128xf32, #tpu.memory_space<vmem>> -> memref<1x32x128xf32, #tpu.memory_space<vmem>>
      %dma_wait3A_972 = tpu.memref_squeeze %dma_wait3A_971 : memref<1x32x128xf32, #tpu.memory_space<vmem>> -> memref<32x128xf32, #tpu.memory_space<vmem>>
      tpu.wait_dma2 semaphore(%run_scoped3A_948 : memref<!tpu.dma_semaphore, #tpu.memory_space<semaphore_mem>>) src(%dma_wait3A_972 : memref<32x128xf32, #tpu.memory_space<vmem>>) dst(%dma_wait3A_968 : memref<32x128xf32, #tpu.memory_space<hbm>>)
      tpu.yield
    }) : () -> ()
    %mul3A_123 = arith.constant 320 : i32
    %mul3A_124 = arith.muli %add3A, %mul3A_123 : i32
    %add3A_125 = arith.constant 160 : i32
    %add3A_126 = arith.addi %mul3A_124, %add3A_125 : i32
    %dma_start3A_127 = arith.constant 1 : i32
    %dma_start3A_128 = arith.constant 0 : i32
    %dma_start3A_129 = arith.constant 0 : i32
    %dma_start3A_130 = tpu.memref_slice %arg15[%dma_start3A_127, %dma_start3A_128, %dma_start3A_129] : memref<2x32x128xf32, #tpu.memory_space<vmem>> -> memref<1x32x128xf32, #tpu.memory_space<vmem>>
    %dma_start3A_131 = tpu.memref_squeeze %dma_start3A_130 : memref<1x32x128xf32, #tpu.memory_space<vmem>> -> memref<32x128xf32, #tpu.memory_space<vmem>>
    %dma_start3A_132 = tpu.memref_slice %arg10[%add3A_126] : memref<10240xi32, #tpu.memory_space<vmem>> -> memref<32xi32, #tpu.memory_space<vmem>>
    %dma_start3A_133 = arith.constant 0 : i32
    %dma_start3A_134 = arith.constant 0 : i32
    %dma_start3A_135 = tpu.memref_slice %arg4[%dma_start3A_133, %dma_start3A_134] : memref<100000x128xf32, #tpu.memory_space<hbm>> -> memref<100000x128xf32, #tpu.memory_space<hbm>>
    tpu.enqueue_indirect_dma source(%dma_start3A_135 : memref<100000x128xf32, #tpu.memory_space<hbm>>) target(%dma_start3A_131 : memref<32x128xf32, #tpu.memory_space<vmem>>) offsets(%dma_start3A_132 : memref<32xi32, #tpu.memory_space<vmem>>) semaphore(%arg19 : memref<!tpu.dma_semaphore, #tpu.memory_space<semaphore_mem>>)
    %dma_wait3A_136 = arith.constant 0 : i32
    %dma_wait3A_137 = arith.constant 0 : i32
    %dma_wait3A_138 = arith.constant 0 : i32
    %dma_wait3A_139 = tpu.memref_slice %arg15[%dma_wait3A_136, %dma_wait3A_137, %dma_wait3A_138] : memref<2x32x128xf32, #tpu.memory_space<vmem>> -> memref<1x32x128xf32, #tpu.memory_space<vmem>>
    %dma_wait3A_140 = tpu.memref_squeeze %dma_wait3A_139 : memref<1x32x128xf32, #tpu.memory_space<vmem>> -> memref<32x128xf32, #tpu.memory_space<vmem>>
    %dma_wait3A_141 = tpu.memref_slice %arg10[%add3A_99] : memref<10240xi32, #tpu.memory_space<vmem>> -> memref<32xi32, #tpu.memory_space<vmem>>
    %dma_wait3A_142 = arith.constant 0 : i32
    %dma_wait3A_143 = arith.constant 0 : i32
    %dma_wait3A_144 = tpu.memref_slice %arg4[%dma_wait3A_142, %dma_wait3A_143] : memref<100000x128xf32, #tpu.memory_space<hbm>> -> memref<100000x128xf32, #tpu.memory_space<hbm>>
    tpu.wait_indirect_dma semaphore(%arg18 : memref<!tpu.dma_semaphore, #tpu.memory_space<semaphore_mem>>) src(%dma_wait3A_144 : memref<100000x128xf32, #tpu.memory_space<hbm>>) dst(%dma_wait3A_140 : memref<32x128xf32, #tpu.memory_space<vmem>>)
    %mul3A_145 = arith.constant 320 : i32
    %mul3A_146 = arith.muli %add3A, %mul3A_145 : i32
    %add3A_147 = arith.constant 128 : i32
    %add3A_148 = arith.addi %mul3A_146, %add3A_147 : i32
    %run_scoped3A_149 = arith.constant 0 : i32
    "tpu.region"() ({
      %run_scoped3A_948 = tpu.sem_alloc : memref<!tpu.dma_semaphore, #tpu.memory_space<semaphore_mem>>
      %dma_start3A_949 = arith.constant 0 : i32
      %dma_start3A_950 = arith.constant 0 : i32
      %dma_start3A_951 = tpu.memref_slice %arg15[%run_scoped3A_149, %dma_start3A_949, %dma_start3A_950] : memref<2x32x128xf32, #tpu.memory_space<vmem>> -> memref<1x32x128xf32, #tpu.memory_space<vmem>>
      %dma_start3A_952 = tpu.memref_squeeze %dma_start3A_951 : memref<1x32x128xf32, #tpu.memory_space<vmem>> -> memref<32x128xf32, #tpu.memory_space<vmem>>
      %dma_start3A_953 = arith.constant 0 : i32
      %dma_start3A_954 = tpu.memref_slice %arg7[%add3A_148, %dma_start3A_953] : memref<10240x128xf32, #tpu.memory_space<hbm>> -> memref<32x128xf32, #tpu.memory_space<hbm>>
      %dma_start3A_955 = arith.constant 0 : i32
      %dma_start3A_956 = tpu.memref_slice %arg7[%add3A_148, %dma_start3A_955] : memref<10240x128xf32, #tpu.memory_space<hbm>> -> memref<32x128xf32, #tpu.memory_space<hbm>>
      %dma_start3A_957 = arith.constant 0 : i32
      %dma_start3A_958 = arith.constant 0 : i32
      %dma_start3A_959 = tpu.memref_slice %arg15[%run_scoped3A_149, %dma_start3A_957, %dma_start3A_958] : memref<2x32x128xf32, #tpu.memory_space<vmem>> -> memref<1x32x128xf32, #tpu.memory_space<vmem>>
      %dma_start3A_960 = tpu.memref_squeeze %dma_start3A_959 : memref<1x32x128xf32, #tpu.memory_space<vmem>> -> memref<32x128xf32, #tpu.memory_space<vmem>>
      tpu.enqueue_dma source(%dma_start3A_960 : memref<32x128xf32, #tpu.memory_space<vmem>>) target(%dma_start3A_956 : memref<32x128xf32, #tpu.memory_space<hbm>>) target_semaphore(%run_scoped3A_948 : memref<!tpu.dma_semaphore, #tpu.memory_space<semaphore_mem>>)
      %dma_wait3A_961 = arith.constant 0 : i32
      %dma_wait3A_962 = arith.constant 0 : i32
      %dma_wait3A_963 = tpu.memref_slice %arg15[%run_scoped3A_149, %dma_wait3A_961, %dma_wait3A_962] : memref<2x32x128xf32, #tpu.memory_space<vmem>> -> memref<1x32x128xf32, #tpu.memory_space<vmem>>
      %dma_wait3A_964 = tpu.memref_squeeze %dma_wait3A_963 : memref<1x32x128xf32, #tpu.memory_space<vmem>> -> memref<32x128xf32, #tpu.memory_space<vmem>>
      %dma_wait3A_965 = arith.constant 0 : i32
      %dma_wait3A_966 = tpu.memref_slice %arg7[%add3A_148, %dma_wait3A_965] : memref<10240x128xf32, #tpu.memory_space<hbm>> -> memref<32x128xf32, #tpu.memory_space<hbm>>
      %dma_wait3A_967 = arith.constant 0 : i32
      %dma_wait3A_968 = tpu.memref_slice %arg7[%add3A_148, %dma_wait3A_967] : memref<10240x128xf32, #tpu.memory_space<hbm>> -> memref<32x128xf32, #tpu.memory_space<hbm>>
      %dma_wait3A_969 = arith.constant 0 : i32
      %dma_wait3A_970 = arith.constant 0 : i32
      %dma_wait3A_971 = tpu.memref_slice %arg15[%run_scoped3A_149, %dma_wait3A_969, %dma_wait3A_970] : memref<2x32x128xf32, #tpu.memory_space<vmem>> -> memref<1x32x128xf32, #tpu.memory_space<vmem>>
      %dma_wait3A_972 = tpu.memref_squeeze %dma_wait3A_971 : memref<1x32x128xf32, #tpu.memory_space<vmem>> -> memref<32x128xf32, #tpu.memory_space<vmem>>
      tpu.wait_dma2 semaphore(%run_scoped3A_948 : memref<!tpu.dma_semaphore, #tpu.memory_space<semaphore_mem>>) src(%dma_wait3A_972 : memref<32x128xf32, #tpu.memory_space<vmem>>) dst(%dma_wait3A_968 : memref<32x128xf32, #tpu.memory_space<hbm>>)
      tpu.yield
    }) : () -> ()
    %mul3A_150 = arith.constant 320 : i32
    %mul3A_151 = arith.muli %add3A, %mul3A_150 : i32
    %add3A_152 = arith.constant 192 : i32
    %add3A_153 = arith.addi %mul3A_151, %add3A_152 : i32
    %dma_start3A_154 = arith.constant 0 : i32
    %dma_start3A_155 = arith.constant 0 : i32
    %dma_start3A_156 = arith.constant 0 : i32
    %dma_start3A_157 = tpu.memref_slice %arg15[%dma_start3A_154, %dma_start3A_155, %dma_start3A_156] : memref<2x32x128xf32, #tpu.memory_space<vmem>> -> memref<1x32x128xf32, #tpu.memory_space<vmem>>
    %dma_start3A_158 = tpu.memref_squeeze %dma_start3A_157 : memref<1x32x128xf32, #tpu.memory_space<vmem>> -> memref<32x128xf32, #tpu.memory_space<vmem>>
    %dma_start3A_159 = tpu.memref_slice %arg10[%add3A_153] : memref<10240xi32, #tpu.memory_space<vmem>> -> memref<32xi32, #tpu.memory_space<vmem>>
    %dma_start3A_160 = arith.constant 0 : i32
    %dma_start3A_161 = arith.constant 0 : i32
    %dma_start3A_162 = tpu.memref_slice %arg4[%dma_start3A_160, %dma_start3A_161] : memref<100000x128xf32, #tpu.memory_space<hbm>> -> memref<100000x128xf32, #tpu.memory_space<hbm>>
    tpu.enqueue_indirect_dma source(%dma_start3A_162 : memref<100000x128xf32, #tpu.memory_space<hbm>>) target(%dma_start3A_158 : memref<32x128xf32, #tpu.memory_space<vmem>>) offsets(%dma_start3A_159 : memref<32xi32, #tpu.memory_space<vmem>>) semaphore(%arg18 : memref<!tpu.dma_semaphore, #tpu.memory_space<semaphore_mem>>)
    %dma_wait3A_163 = arith.constant 1 : i32
    %dma_wait3A_164 = arith.constant 0 : i32
    %dma_wait3A_165 = arith.constant 0 : i32
    %dma_wait3A_166 = tpu.memref_slice %arg15[%dma_wait3A_163, %dma_wait3A_164, %dma_wait3A_165] : memref<2x32x128xf32, #tpu.memory_space<vmem>> -> memref<1x32x128xf32, #tpu.memory_space<vmem>>
    %dma_wait3A_167 = tpu.memref_squeeze %dma_wait3A_166 : memref<1x32x128xf32, #tpu.memory_space<vmem>> -> memref<32x128xf32, #tpu.memory_space<vmem>>
    %dma_wait3A_168 = tpu.memref_slice %arg10[%add3A_126] : memref<10240xi32, #tpu.memory_space<vmem>> -> memref<32xi32, #tpu.memory_space<vmem>>
    %dma_wait3A_169 = arith.constant 0 : i32
    %dma_wait3A_170 = arith.constant 0 : i32
    %dma_wait3A_171 = tpu.memref_slice %arg4[%dma_wait3A_169, %dma_wait3A_170] : memref<100000x128xf32, #tpu.memory_space<hbm>> -> memref<100000x128xf32, #tpu.memory_space<hbm>>
    tpu.wait_indirect_dma semaphore(%arg19 : memref<!tpu.dma_semaphore, #tpu.memory_space<semaphore_mem>>) src(%dma_wait3A_171 : memref<100000x128xf32, #tpu.memory_space<hbm>>) dst(%dma_wait3A_167 : memref<32x128xf32, #tpu.memory_space<vmem>>)
    %mul3A_172 = arith.constant 320 : i32
    %mul3A_173 = arith.muli %add3A, %mul3A_172 : i32
    %add3A_174 = arith.constant 160 : i32
    %add3A_175 = arith.addi %mul3A_173, %add3A_174 : i32
    %run_scoped3A_176 = arith.constant 1 : i32
    "tpu.region"() ({
      %run_scoped3A_948 = tpu.sem_alloc : memref<!tpu.dma_semaphore, #tpu.memory_space<semaphore_mem>>
      %dma_start3A_949 = arith.constant 0 : i32
      %dma_start3A_950 = arith.constant 0 : i32
      %dma_start3A_951 = tpu.memref_slice %arg15[%run_scoped3A_176, %dma_start3A_949, %dma_start3A_950] : memref<2x32x128xf32, #tpu.memory_space<vmem>> -> memref<1x32x128xf32, #tpu.memory_space<vmem>>
      %dma_start3A_952 = tpu.memref_squeeze %dma_start3A_951 : memref<1x32x128xf32, #tpu.memory_space<vmem>> -> memref<32x128xf32, #tpu.memory_space<vmem>>
      %dma_start3A_953 = arith.constant 0 : i32
      %dma_start3A_954 = tpu.memref_slice %arg7[%add3A_175, %dma_start3A_953] : memref<10240x128xf32, #tpu.memory_space<hbm>> -> memref<32x128xf32, #tpu.memory_space<hbm>>
      %dma_start3A_955 = arith.constant 0 : i32
      %dma_start3A_956 = tpu.memref_slice %arg7[%add3A_175, %dma_start3A_955] : memref<10240x128xf32, #tpu.memory_space<hbm>> -> memref<32x128xf32, #tpu.memory_space<hbm>>
      %dma_start3A_957 = arith.constant 0 : i32
      %dma_start3A_958 = arith.constant 0 : i32
      %dma_start3A_959 = tpu.memref_slice %arg15[%run_scoped3A_176, %dma_start3A_957, %dma_start3A_958] : memref<2x32x128xf32, #tpu.memory_space<vmem>> -> memref<1x32x128xf32, #tpu.memory_space<vmem>>
      %dma_start3A_960 = tpu.memref_squeeze %dma_start3A_959 : memref<1x32x128xf32, #tpu.memory_space<vmem>> -> memref<32x128xf32, #tpu.memory_space<vmem>>
      tpu.enqueue_dma source(%dma_start3A_960 : memref<32x128xf32, #tpu.memory_space<vmem>>) target(%dma_start3A_956 : memref<32x128xf32, #tpu.memory_space<hbm>>) target_semaphore(%run_scoped3A_948 : memref<!tpu.dma_semaphore, #tpu.memory_space<semaphore_mem>>)
      %dma_wait3A_961 = arith.constant 0 : i32
      %dma_wait3A_962 = arith.constant 0 : i32
      %dma_wait3A_963 = tpu.memref_slice %arg15[%run_scoped3A_176, %dma_wait3A_961, %dma_wait3A_962] : memref<2x32x128xf32, #tpu.memory_space<vmem>> -> memref<1x32x128xf32, #tpu.memory_space<vmem>>
      %dma_wait3A_964 = tpu.memref_squeeze %dma_wait3A_963 : memref<1x32x128xf32, #tpu.memory_space<vmem>> -> memref<32x128xf32, #tpu.memory_space<vmem>>
      %dma_wait3A_965 = arith.constant 0 : i32
      %dma_wait3A_966 = tpu.memref_slice %arg7[%add3A_175, %dma_wait3A_965] : memref<10240x128xf32, #tpu.memory_space<hbm>> -> memref<32x128xf32, #tpu.memory_space<hbm>>
      %dma_wait3A_967 = arith.constant 0 : i32
      %dma_wait3A_968 = tpu.memref_slice %arg7[%add3A_175, %dma_wait3A_967] : memref<10240x128xf32, #tpu.memory_space<hbm>> -> memref<32x128xf32, #tpu.memory_space<hbm>>
      %dma_wait3A_969 = arith.constant 0 : i32
      %dma_wait3A_970 = arith.constant 0 : i32
      %dma_wait3A_971 = tpu.memref_slice %arg15[%run_scoped3A_176, %dma_wait3A_969, %dma_wait3A_970] : memref<2x32x128xf32, #tpu.memory_space<vmem>> -> memref<1x32x128xf32, #tpu.memory_space<vmem>>
      %dma_wait3A_972 = tpu.memref_squeeze %dma_wait3A_971 : memref<1x32x128xf32, #tpu.memory_space<vmem>> -> memref<32x128xf32, #tpu.memory_space<vmem>>
      tpu.wait_dma2 semaphore(%run_scoped3A_948 : memref<!tpu.dma_semaphore, #tpu.memory_space<semaphore_mem>>) src(%dma_wait3A_972 : memref<32x128xf32, #tpu.memory_space<vmem>>) dst(%dma_wait3A_968 : memref<32x128xf32, #tpu.memory_space<hbm>>)
      tpu.yield
    }) : () -> ()
    %mul3A_177 = arith.constant 320 : i32
    %mul3A_178 = arith.muli %add3A, %mul3A_177 : i32
    %add3A_179 = arith.constant 224 : i32
    %add3A_180 = arith.addi %mul3A_178, %add3A_179 : i32
    %dma_start3A_181 = arith.constant 1 : i32
    %dma_start3A_182 = arith.constant 0 : i32
    %dma_start3A_183 = arith.constant 0 : i32
    %dma_start3A_184 = tpu.memref_slice %arg15[%dma_start3A_181, %dma_start3A_182, %dma_start3A_183] : memref<2x32x128xf32, #tpu.memory_space<vmem>> -> memref<1x32x128xf32, #tpu.memory_space<vmem>>
    %dma_start3A_185 = tpu.memref_squeeze %dma_start3A_184 : memref<1x32x128xf32, #tpu.memory_space<vmem>> -> memref<32x128xf32, #tpu.memory_space<vmem>>
    %dma_start3A_186 = tpu.memref_slice %arg10[%add3A_180] : memref<10240xi32, #tpu.memory_space<vmem>> -> memref<32xi32, #tpu.memory_space<vmem>>
    %dma_start3A_187 = arith.constant 0 : i32
    %dma_start3A_188 = arith.constant 0 : i32
    %dma_start3A_189 = tpu.memref_slice %arg4[%dma_start3A_187, %dma_start3A_188] : memref<100000x128xf32, #tpu.memory_space<hbm>> -> memref<100000x128xf32, #tpu.memory_space<hbm>>
    tpu.enqueue_indirect_dma source(%dma_start3A_189 : memref<100000x128xf32, #tpu.memory_space<hbm>>) target(%dma_start3A_185 : memref<32x128xf32, #tpu.memory_space<vmem>>) offsets(%dma_start3A_186 : memref<32xi32, #tpu.memory_space<vmem>>) semaphore(%arg19 : memref<!tpu.dma_semaphore, #tpu.memory_space<semaphore_mem>>)
    %dma_wait3A_190 = arith.constant 0 : i32
    %dma_wait3A_191 = arith.constant 0 : i32
    %dma_wait3A_192 = arith.constant 0 : i32
    %dma_wait3A_193 = tpu.memref_slice %arg15[%dma_wait3A_190, %dma_wait3A_191, %dma_wait3A_192] : memref<2x32x128xf32, #tpu.memory_space<vmem>> -> memref<1x32x128xf32, #tpu.memory_space<vmem>>
    %dma_wait3A_194 = tpu.memref_squeeze %dma_wait3A_193 : memref<1x32x128xf32, #tpu.memory_space<vmem>> -> memref<32x128xf32, #tpu.memory_space<vmem>>
    %dma_wait3A_195 = tpu.memref_slice %arg10[%add3A_153] : memref<10240xi32, #tpu.memory_space<vmem>> -> memref<32xi32, #tpu.memory_space<vmem>>
    %dma_wait3A_196 = arith.constant 0 : i32
    %dma_wait3A_197 = arith.constant 0 : i32
    %dma_wait3A_198 = tpu.memref_slice %arg4[%dma_wait3A_196, %dma_wait3A_197] : memref<100000x128xf32, #tpu.memory_space<hbm>> -> memref<100000x128xf32, #tpu.memory_space<hbm>>
    tpu.wait_indirect_dma semaphore(%arg18 : memref<!tpu.dma_semaphore, #tpu.memory_space<semaphore_mem>>) src(%dma_wait3A_198 : memref<100000x128xf32, #tpu.memory_space<hbm>>) dst(%dma_wait3A_194 : memref<32x128xf32, #tpu.memory_space<vmem>>)
    %mul3A_199 = arith.constant 320 : i32
    %mul3A_200 = arith.muli %add3A, %mul3A_199 : i32
    %add3A_201 = arith.constant 192 : i32
    %add3A_202 = arith.addi %mul3A_200, %add3A_201 : i32
    %run_scoped3A_203 = arith.constant 0 : i32
    "tpu.region"() ({
      %run_scoped3A_948 = tpu.sem_alloc : memref<!tpu.dma_semaphore, #tpu.memory_space<semaphore_mem>>
      %dma_start3A_949 = arith.constant 0 : i32
      %dma_start3A_950 = arith.constant 0 : i32
      %dma_start3A_951 = tpu.memref_slice %arg15[%run_scoped3A_203, %dma_start3A_949, %dma_start3A_950] : memref<2x32x128xf32, #tpu.memory_space<vmem>> -> memref<1x32x128xf32, #tpu.memory_space<vmem>>
      %dma_start3A_952 = tpu.memref_squeeze %dma_start3A_951 : memref<1x32x128xf32, #tpu.memory_space<vmem>> -> memref<32x128xf32, #tpu.memory_space<vmem>>
      %dma_start3A_953 = arith.constant 0 : i32
      %dma_start3A_954 = tpu.memref_slice %arg7[%add3A_202, %dma_start3A_953] : memref<10240x128xf32, #tpu.memory_space<hbm>> -> memref<32x128xf32, #tpu.memory_space<hbm>>
      %dma_start3A_955 = arith.constant 0 : i32
      %dma_start3A_956 = tpu.memref_slice %arg7[%add3A_202, %dma_start3A_955] : memref<10240x128xf32, #tpu.memory_space<hbm>> -> memref<32x128xf32, #tpu.memory_space<hbm>>
      %dma_start3A_957 = arith.constant 0 : i32
      %dma_start3A_958 = arith.constant 0 : i32
      %dma_start3A_959 = tpu.memref_slice %arg15[%run_scoped3A_203, %dma_start3A_957, %dma_start3A_958] : memref<2x32x128xf32, #tpu.memory_space<vmem>> -> memref<1x32x128xf32, #tpu.memory_space<vmem>>
      %dma_start3A_960 = tpu.memref_squeeze %dma_start3A_959 : memref<1x32x128xf32, #tpu.memory_space<vmem>> -> memref<32x128xf32, #tpu.memory_space<vmem>>
      tpu.enqueue_dma source(%dma_start3A_960 : memref<32x128xf32, #tpu.memory_space<vmem>>) target(%dma_start3A_956 : memref<32x128xf32, #tpu.memory_space<hbm>>) target_semaphore(%run_scoped3A_948 : memref<!tpu.dma_semaphore, #tpu.memory_space<semaphore_mem>>)
      %dma_wait3A_961 = arith.constant 0 : i32
      %dma_wait3A_962 = arith.constant 0 : i32
      %dma_wait3A_963 = tpu.memref_slice %arg15[%run_scoped3A_203, %dma_wait3A_961, %dma_wait3A_962] : memref<2x32x128xf32, #tpu.memory_space<vmem>> -> memref<1x32x128xf32, #tpu.memory_space<vmem>>
      %dma_wait3A_964 = tpu.memref_squeeze %dma_wait3A_963 : memref<1x32x128xf32, #tpu.memory_space<vmem>> -> memref<32x128xf32, #tpu.memory_space<vmem>>
      %dma_wait3A_965 = arith.constant 0 : i32
      %dma_wait3A_966 = tpu.memref_slice %arg7[%add3A_202, %dma_wait3A_965] : memref<10240x128xf32, #tpu.memory_space<hbm>> -> memref<32x128xf32, #tpu.memory_space<hbm>>
      %dma_wait3A_967 = arith.constant 0 : i32
      %dma_wait3A_968 = tpu.memref_slice %arg7[%add3A_202, %dma_wait3A_967] : memref<10240x128xf32, #tpu.memory_space<hbm>> -> memref<32x128xf32, #tpu.memory_space<hbm>>
      %dma_wait3A_969 = arith.constant 0 : i32
      %dma_wait3A_970 = arith.constant 0 : i32
      %dma_wait3A_971 = tpu.memref_slice %arg15[%run_scoped3A_203, %dma_wait3A_969, %dma_wait3A_970] : memref<2x32x128xf32, #tpu.memory_space<vmem>> -> memref<1x32x128xf32, #tpu.memory_space<vmem>>
      %dma_wait3A_972 = tpu.memref_squeeze %dma_wait3A_971 : memref<1x32x128xf32, #tpu.memory_space<vmem>> -> memref<32x128xf32, #tpu.memory_space<vmem>>
      tpu.wait_dma2 semaphore(%run_scoped3A_948 : memref<!tpu.dma_semaphore, #tpu.memory_space<semaphore_mem>>) src(%dma_wait3A_972 : memref<32x128xf32, #tpu.memory_space<vmem>>) dst(%dma_wait3A_968 : memref<32x128xf32, #tpu.memory_space<hbm>>)
      tpu.yield
    }) : () -> ()
    %mul3A_204 = arith.constant 320 : i32
    %mul3A_205 = arith.muli %add3A, %mul3A_204 : i32
    %add3A_206 = arith.constant 256 : i32
    %add3A_207 = arith.addi %mul3A_205, %add3A_206 : i32
    %dma_start3A_208 = arith.constant 0 : i32
    %dma_start3A_209 = arith.constant 0 : i32
    %dma_start3A_210 = arith.constant 0 : i32
    %dma_start3A_211 = tpu.memref_slice %arg15[%dma_start3A_208, %dma_start3A_209, %dma_start3A_210] : memref<2x32x128xf32, #tpu.memory_space<vmem>> -> memref<1x32x128xf32, #tpu.memory_space<vmem>>
    %dma_start3A_212 = tpu.memref_squeeze %dma_start3A_211 : memref<1x32x128xf32, #tpu.memory_space<vmem>> -> memref<32x128xf32, #tpu.memory_space<vmem>>
    %dma_start3A_213 = tpu.memref_slice %arg10[%add3A_207] : memref<10240xi32, #tpu.memory_space<vmem>> -> memref<32xi32, #tpu.memory_space<vmem>>
    %dma_start3A_214 = arith.constant 0 : i32
    %dma_start3A_215 = arith.constant 0 : i32
    %dma_start3A_216 = tpu.memref_slice %arg4[%dma_start3A_214, %dma_start3A_215] : memref<100000x128xf32, #tpu.memory_space<hbm>> -> memref<100000x128xf32, #tpu.memory_space<hbm>>
    tpu.enqueue_indirect_dma source(%dma_start3A_216 : memref<100000x128xf32, #tpu.memory_space<hbm>>) target(%dma_start3A_212 : memref<32x128xf32, #tpu.memory_space<vmem>>) offsets(%dma_start3A_213 : memref<32xi32, #tpu.memory_space<vmem>>) semaphore(%arg18 : memref<!tpu.dma_semaphore, #tpu.memory_space<semaphore_mem>>)
    %dma_wait3A_217 = arith.constant 1 : i32
    %dma_wait3A_218 = arith.constant 0 : i32
    %dma_wait3A_219 = arith.constant 0 : i32
    %dma_wait3A_220 = tpu.memref_slice %arg15[%dma_wait3A_217, %dma_wait3A_218, %dma_wait3A_219] : memref<2x32x128xf32, #tpu.memory_space<vmem>> -> memref<1x32x128xf32, #tpu.memory_space<vmem>>
    %dma_wait3A_221 = tpu.memref_squeeze %dma_wait3A_220 : memref<1x32x128xf32, #tpu.memory_space<vmem>> -> memref<32x128xf32, #tpu.memory_space<vmem>>
    %dma_wait3A_222 = tpu.memref_slice %arg10[%add3A_180] : memref<10240xi32, #tpu.memory_space<vmem>> -> memref<32xi32, #tpu.memory_space<vmem>>
    %dma_wait3A_223 = arith.constant 0 : i32
    %dma_wait3A_224 = arith.constant 0 : i32
    %dma_wait3A_225 = tpu.memref_slice %arg4[%dma_wait3A_223, %dma_wait3A_224] : memref<100000x128xf32, #tpu.memory_space<hbm>> -> memref<100000x128xf32, #tpu.memory_space<hbm>>
    tpu.wait_indirect_dma semaphore(%arg19 : memref<!tpu.dma_semaphore, #tpu.memory_space<semaphore_mem>>) src(%dma_wait3A_225 : memref<100000x128xf32, #tpu.memory_space<hbm>>) dst(%dma_wait3A_221 : memref<32x128xf32, #tpu.memory_space<vmem>>)
    %mul3A_226 = arith.constant 320 : i32
    %mul3A_227 = arith.muli %add3A, %mul3A_226 : i32
    %add3A_228 = arith.constant 224 : i32
    %add3A_229 = arith.addi %mul3A_227, %add3A_228 : i32
    %run_scoped3A_230 = arith.constant 1 : i32
    "tpu.region"() ({
      %run_scoped3A_948 = tpu.sem_alloc : memref<!tpu.dma_semaphore, #tpu.memory_space<semaphore_mem>>
      %dma_start3A_949 = arith.constant 0 : i32
      %dma_start3A_950 = arith.constant 0 : i32
      %dma_start3A_951 = tpu.memref_slice %arg15[%run_scoped3A_230, %dma_start3A_949, %dma_start3A_950] : memref<2x32x128xf32, #tpu.memory_space<vmem>> -> memref<1x32x128xf32, #tpu.memory_space<vmem>>
      %dma_start3A_952 = tpu.memref_squeeze %dma_start3A_951 : memref<1x32x128xf32, #tpu.memory_space<vmem>> -> memref<32x128xf32, #tpu.memory_space<vmem>>
      %dma_start3A_953 = arith.constant 0 : i32
      %dma_start3A_954 = tpu.memref_slice %arg7[%add3A_229, %dma_start3A_953] : memref<10240x128xf32, #tpu.memory_space<hbm>> -> memref<32x128xf32, #tpu.memory_space<hbm>>
      %dma_start3A_955 = arith.constant 0 : i32
      %dma_start3A_956 = tpu.memref_slice %arg7[%add3A_229, %dma_start3A_955] : memref<10240x128xf32, #tpu.memory_space<hbm>> -> memref<32x128xf32, #tpu.memory_space<hbm>>
      %dma_start3A_957 = arith.constant 0 : i32
      %dma_start3A_958 = arith.constant 0 : i32
      %dma_start3A_959 = tpu.memref_slice %arg15[%run_scoped3A_230, %dma_start3A_957, %dma_start3A_958] : memref<2x32x128xf32, #tpu.memory_space<vmem>> -> memref<1x32x128xf32, #tpu.memory_space<vmem>>
      %dma_start3A_960 = tpu.memref_squeeze %dma_start3A_959 : memref<1x32x128xf32, #tpu.memory_space<vmem>> -> memref<32x128xf32, #tpu.memory_space<vmem>>
      tpu.enqueue_dma source(%dma_start3A_960 : memref<32x128xf32, #tpu.memory_space<vmem>>) target(%dma_start3A_956 : memref<32x128xf32, #tpu.memory_space<hbm>>) target_semaphore(%run_scoped3A_948 : memref<!tpu.dma_semaphore, #tpu.memory_space<semaphore_mem>>)
      %dma_wait3A_961 = arith.constant 0 : i32
      %dma_wait3A_962 = arith.constant 0 : i32
      %dma_wait3A_963 = tpu.memref_slice %arg15[%run_scoped3A_230, %dma_wait3A_961, %dma_wait3A_962] : memref<2x32x128xf32, #tpu.memory_space<vmem>> -> memref<1x32x128xf32, #tpu.memory_space<vmem>>
      %dma_wait3A_964 = tpu.memref_squeeze %dma_wait3A_963 : memref<1x32x128xf32, #tpu.memory_space<vmem>> -> memref<32x128xf32, #tpu.memory_space<vmem>>
      %dma_wait3A_965 = arith.constant 0 : i32
      %dma_wait3A_966 = tpu.memref_slice %arg7[%add3A_229, %dma_wait3A_965] : memref<10240x128xf32, #tpu.memory_space<hbm>> -> memref<32x128xf32, #tpu.memory_space<hbm>>
      %dma_wait3A_967 = arith.constant 0 : i32
      %dma_wait3A_968 = tpu.memref_slice %arg7[%add3A_229, %dma_wait3A_967] : memref<10240x128xf32, #tpu.memory_space<hbm>> -> memref<32x128xf32, #tpu.memory_space<hbm>>
      %dma_wait3A_969 = arith.constant 0 : i32
      %dma_wait3A_970 = arith.constant 0 : i32
      %dma_wait3A_971 = tpu.memref_slice %arg15[%run_scoped3A_230, %dma_wait3A_969, %dma_wait3A_970] : memref<2x32x128xf32, #tpu.memory_space<vmem>> -> memref<1x32x128xf32, #tpu.memory_space<vmem>>
      %dma_wait3A_972 = tpu.memref_squeeze %dma_wait3A_971 : memref<1x32x128xf32, #tpu.memory_space<vmem>> -> memref<32x128xf32, #tpu.memory_space<vmem>>
      tpu.wait_dma2 semaphore(%run_scoped3A_948 : memref<!tpu.dma_semaphore, #tpu.memory_space<semaphore_mem>>) src(%dma_wait3A_972 : memref<32x128xf32, #tpu.memory_space<vmem>>) dst(%dma_wait3A_968 : memref<32x128xf32, #tpu.memory_space<hbm>>)
      tpu.yield
    }) : () -> ()
    %mul3A_231 = arith.constant 320 : i32
    %mul3A_232 = arith.muli %add3A, %mul3A_231 : i32
    %add3A_233 = arith.constant 288 : i32
    %add3A_234 = arith.addi %mul3A_232, %add3A_233 : i32
    %dma_start3A_235 = arith.constant 1 : i32
    %dma_start3A_236 = arith.constant 0 : i32
    %dma_start3A_237 = arith.constant 0 : i32
    %dma_start3A_238 = tpu.memref_slice %arg15[%dma_start3A_235, %dma_start3A_236, %dma_start3A_237] : memref<2x32x128xf32, #tpu.memory_space<vmem>> -> memref<1x32x128xf32, #tpu.memory_space<vmem>>
    %dma_start3A_239 = tpu.memref_squeeze %dma_start3A_238 : memref<1x32x128xf32, #tpu.memory_space<vmem>> -> memref<32x128xf32, #tpu.memory_space<vmem>>
    %dma_start3A_240 = tpu.memref_slice %arg10[%add3A_234] : memref<10240xi32, #tpu.memory_space<vmem>> -> memref<32xi32, #tpu.memory_space<vmem>>
    %dma_start3A_241 = arith.constant 0 : i32
    %dma_start3A_242 = arith.constant 0 : i32
    %dma_start3A_243 = tpu.memref_slice %arg4[%dma_start3A_241, %dma_start3A_242] : memref<100000x128xf32, #tpu.memory_space<hbm>> -> memref<100000x128xf32, #tpu.memory_space<hbm>>
    tpu.enqueue_indirect_dma source(%dma_start3A_243 : memref<100000x128xf32, #tpu.memory_space<hbm>>) target(%dma_start3A_239 : memref<32x128xf32, #tpu.memory_space<vmem>>) offsets(%dma_start3A_240 : memref<32xi32, #tpu.memory_space<vmem>>) semaphore(%arg19 : memref<!tpu.dma_semaphore, #tpu.memory_space<semaphore_mem>>)
    %dma_wait3A_244 = arith.constant 0 : i32
    %dma_wait3A_245 = arith.constant 0 : i32
    %dma_wait3A_246 = arith.constant 0 : i32
    %dma_wait3A_247 = tpu.memref_slice %arg15[%dma_wait3A_244, %dma_wait3A_245, %dma_wait3A_246] : memref<2x32x128xf32, #tpu.memory_space<vmem>> -> memref<1x32x128xf32, #tpu.memory_space<vmem>>
    %dma_wait3A_248 = tpu.memref_squeeze %dma_wait3A_247 : memref<1x32x128xf32, #tpu.memory_space<vmem>> -> memref<32x128xf32, #tpu.memory_space<vmem>>
    %dma_wait3A_249 = tpu.memref_slice %arg10[%add3A_207] : memref<10240xi32, #tpu.memory_space<vmem>> -> memref<32xi32, #tpu.memory_space<vmem>>
    %dma_wait3A_250 = arith.constant 0 : i32
    %dma_wait3A_251 = arith.constant 0 : i32
    %dma_wait3A_252 = tpu.memref_slice %arg4[%dma_wait3A_250, %dma_wait3A_251] : memref<100000x128xf32, #tpu.memory_space<hbm>> -> memref<100000x128xf32, #tpu.memory_space<hbm>>
    tpu.wait_indirect_dma semaphore(%arg18 : memref<!tpu.dma_semaphore, #tpu.memory_space<semaphore_mem>>) src(%dma_wait3A_252 : memref<100000x128xf32, #tpu.memory_space<hbm>>) dst(%dma_wait3A_248 : memref<32x128xf32, #tpu.memory_space<vmem>>)
    %mul3A_253 = arith.constant 320 : i32
    %mul3A_254 = arith.muli %add3A, %mul3A_253 : i32
    %add3A_255 = arith.constant 256 : i32
    %add3A_256 = arith.addi %mul3A_254, %add3A_255 : i32
    %run_scoped3A_257 = arith.constant 0 : i32
    "tpu.region"() ({
      %run_scoped3A_948 = tpu.sem_alloc : memref<!tpu.dma_semaphore, #tpu.memory_space<semaphore_mem>>
      %dma_start3A_949 = arith.constant 0 : i32
      %dma_start3A_950 = arith.constant 0 : i32
      %dma_start3A_951 = tpu.memref_slice %arg15[%run_scoped3A_257, %dma_start3A_949, %dma_start3A_950] : memref<2x32x128xf32, #tpu.memory_space<vmem>> -> memref<1x32x128xf32, #tpu.memory_space<vmem>>
      %dma_start3A_952 = tpu.memref_squeeze %dma_start3A_951 : memref<1x32x128xf32, #tpu.memory_space<vmem>> -> memref<32x128xf32, #tpu.memory_space<vmem>>
      %dma_start3A_953 = arith.constant 0 : i32
      %dma_start3A_954 = tpu.memref_slice %arg7[%add3A_256, %dma_start3A_953] : memref<10240x128xf32, #tpu.memory_space<hbm>> -> memref<32x128xf32, #tpu.memory_space<hbm>>
      %dma_start3A_955 = arith.constant 0 : i32
      %dma_start3A_956 = tpu.memref_slice %arg7[%add3A_256, %dma_start3A_955] : memref<10240x128xf32, #tpu.memory_space<hbm>> -> memref<32x128xf32, #tpu.memory_space<hbm>>
      %dma_start3A_957 = arith.constant 0 : i32
      %dma_start3A_958 = arith.constant 0 : i32
      %dma_start3A_959 = tpu.memref_slice %arg15[%run_scoped3A_257, %dma_start3A_957, %dma_start3A_958] : memref<2x32x128xf32, #tpu.memory_space<vmem>> -> memref<1x32x128xf32, #tpu.memory_space<vmem>>
      %dma_start3A_960 = tpu.memref_squeeze %dma_start3A_959 : memref<1x32x128xf32, #tpu.memory_space<vmem>> -> memref<32x128xf32, #tpu.memory_space<vmem>>
      tpu.enqueue_dma source(%dma_start3A_960 : memref<32x128xf32, #tpu.memory_space<vmem>>) target(%dma_start3A_956 : memref<32x128xf32, #tpu.memory_space<hbm>>) target_semaphore(%run_scoped3A_948 : memref<!tpu.dma_semaphore, #tpu.memory_space<semaphore_mem>>)
      %dma_wait3A_961 = arith.constant 0 : i32
      %dma_wait3A_962 = arith.constant 0 : i32
      %dma_wait3A_963 = tpu.memref_slice %arg15[%run_scoped3A_257, %dma_wait3A_961, %dma_wait3A_962] : memref<2x32x128xf32, #tpu.memory_space<vmem>> -> memref<1x32x128xf32, #tpu.memory_space<vmem>>
      %dma_wait3A_964 = tpu.memref_squeeze %dma_wait3A_963 : memref<1x32x128xf32, #tpu.memory_space<vmem>> -> memref<32x128xf32, #tpu.memory_space<vmem>>
      %dma_wait3A_965 = arith.constant 0 : i32
      %dma_wait3A_966 = tpu.memref_slice %arg7[%add3A_256, %dma_wait3A_965] : memref<10240x128xf32, #tpu.memory_space<hbm>> -> memref<32x128xf32, #tpu.memory_space<hbm>>
      %dma_wait3A_967 = arith.constant 0 : i32
      %dma_wait3A_968 = tpu.memref_slice %arg7[%add3A_256, %dma_wait3A_967] : memref<10240x128xf32, #tpu.memory_space<hbm>> -> memref<32x128xf32, #tpu.memory_space<hbm>>
      %dma_wait3A_969 = arith.constant 0 : i32
      %dma_wait3A_970 = arith.constant 0 : i32
      %dma_wait3A_971 = tpu.memref_slice %arg15[%run_scoped3A_257, %dma_wait3A_969, %dma_wait3A_970] : memref<2x32x128xf32, #tpu.memory_space<vmem>> -> memref<1x32x128xf32, #tpu.memory_space<vmem>>
      %dma_wait3A_972 = tpu.memref_squeeze %dma_wait3A_971 : memref<1x32x128xf32, #tpu.memory_space<vmem>> -> memref<32x128xf32, #tpu.memory_space<vmem>>
      tpu.wait_dma2 semaphore(%run_scoped3A_948 : memref<!tpu.dma_semaphore, #tpu.memory_space<semaphore_mem>>) src(%dma_wait3A_972 : memref<32x128xf32, #tpu.memory_space<vmem>>) dst(%dma_wait3A_968 : memref<32x128xf32, #tpu.memory_space<hbm>>)
      tpu.yield
    }) : () -> ()
    %dma_wait3A_258 = arith.constant 1 : i32
    %dma_wait3A_259 = arith.constant 0 : i32
    %dma_wait3A_260 = arith.constant 0 : i32
    %dma_wait3A_261 = tpu.memref_slice %arg15[%dma_wait3A_258, %dma_wait3A_259, %dma_wait3A_260] : memref<2x32x128xf32, #tpu.memory_space<vmem>> -> memref<1x32x128xf32, #tpu.memory_space<vmem>>
    %dma_wait3A_262 = tpu.memref_squeeze %dma_wait3A_261 : memref<1x32x128xf32, #tpu.memory_space<vmem>> -> memref<32x128xf32, #tpu.memory_space<vmem>>
    %dma_wait3A_263 = tpu.memref_slice %arg10[%add3A_234] : memref<10240xi32, #tpu.memory_space<vmem>> -> memref<32xi32, #tpu.memory_space<vmem>>
    %dma_wait3A_264 = arith.constant 0 : i32
    %dma_wait3A_265 = arith.constant 0 : i32
    %dma_wait3A_266 = tpu.memref_slice %arg4[%dma_wait3A_264, %dma_wait3A_265] : memref<100000x128xf32, #tpu.memory_space<hbm>> -> memref<100000x128xf32, #tpu.memory_space<hbm>>
    tpu.wait_indirect_dma semaphore(%arg19 : memref<!tpu.dma_semaphore, #tpu.memory_space<semaphore_mem>>) src(%dma_wait3A_266 : memref<100000x128xf32, #tpu.memory_space<hbm>>) dst(%dma_wait3A_262 : memref<32x128xf32, #tpu.memory_space<vmem>>)
    %mul3A_267 = arith.constant 320 : i32
    %mul3A_268 = arith.muli %add3A, %mul3A_267 : i32
    %add3A_269 = arith.constant 288 : i32
    %add3A_270 = arith.addi %mul3A_268, %add3A_269 : i32
    %run_scoped3A_271 = arith.constant 1 : i32
    "tpu.region"() ({
      %run_scoped3A_948 = tpu.sem_alloc : memref<!tpu.dma_semaphore, #tpu.memory_space<semaphore_mem>>
      %dma_start3A_949 = arith.constant 0 : i32
      %dma_start3A_950 = arith.constant 0 : i32
      %dma_start3A_951 = tpu.memref_slice %arg15[%run_scoped3A_271, %dma_start3A_949, %dma_start3A_950] : memref<2x32x128xf32, #tpu.memory_space<vmem>> -> memref<1x32x128xf32, #tpu.memory_space<vmem>>
      %dma_start3A_952 = tpu.memref_squeeze %dma_start3A_951 : memref<1x32x128xf32, #tpu.memory_space<vmem>> -> memref<32x128xf32, #tpu.memory_space<vmem>>
      %dma_start3A_953 = arith.constant 0 : i32
      %dma_start3A_954 = tpu.memref_slice %arg7[%add3A_270, %dma_start3A_953] : memref<10240x128xf32, #tpu.memory_space<hbm>> -> memref<32x128xf32, #tpu.memory_space<hbm>>
      %dma_start3A_955 = arith.constant 0 : i32
      %dma_start3A_956 = tpu.memref_slice %arg7[%add3A_270, %dma_start3A_955] : memref<10240x128xf32, #tpu.memory_space<hbm>> -> memref<32x128xf32, #tpu.memory_space<hbm>>
      %dma_start3A_957 = arith.constant 0 : i32
      %dma_start3A_958 = arith.constant 0 : i32
      %dma_start3A_959 = tpu.memref_slice %arg15[%run_scoped3A_271, %dma_start3A_957, %dma_start3A_958] : memref<2x32x128xf32, #tpu.memory_space<vmem>> -> memref<1x32x128xf32, #tpu.memory_space<vmem>>
      %dma_start3A_960 = tpu.memref_squeeze %dma_start3A_959 : memref<1x32x128xf32, #tpu.memory_space<vmem>> -> memref<32x128xf32, #tpu.memory_space<vmem>>
      tpu.enqueue_dma source(%dma_start3A_960 : memref<32x128xf32, #tpu.memory_space<vmem>>) target(%dma_start3A_956 : memref<32x128xf32, #tpu.memory_space<hbm>>) target_semaphore(%run_scoped3A_948 : memref<!tpu.dma_semaphore, #tpu.memory_space<semaphore_mem>>)
      %dma_wait3A_961 = arith.constant 0 : i32
      %dma_wait3A_962 = arith.constant 0 : i32
      %dma_wait3A_963 = tpu.memref_slice %arg15[%run_scoped3A_271, %dma_wait3A_961, %dma_wait3A_962] : memref<2x32x128xf32, #tpu.memory_space<vmem>> -> memref<1x32x128xf32, #tpu.memory_space<vmem>>
      %dma_wait3A_964 = tpu.memref_squeeze %dma_wait3A_963 : memref<1x32x128xf32, #tpu.memory_space<vmem>> -> memref<32x128xf32, #tpu.memory_space<vmem>>
      %dma_wait3A_965 = arith.constant 0 : i32
      %dma_wait3A_966 = tpu.memref_slice %arg7[%add3A_270, %dma_wait3A_965] : memref<10240x128xf32, #tpu.memory_space<hbm>> -> memref<32x128xf32, #tpu.memory_space<hbm>>
      %dma_wait3A_967 = arith.constant 0 : i32
      %dma_wait3A_968 = tpu.memref_slice %arg7[%add3A_270, %dma_wait3A_967] : memref<10240x128xf32, #tpu.memory_space<hbm>> -> memref<32x128xf32, #tpu.memory_space<hbm>>
      %dma_wait3A_969 = arith.constant 0 : i32
      %dma_wait3A_970 = arith.constant 0 : i32
      %dma_wait3A_971 = tpu.memref_slice %arg15[%run_scoped3A_271, %dma_wait3A_969, %dma_wait3A_970] : memref<2x32x128xf32, #tpu.memory_space<vmem>> -> memref<1x32x128xf32, #tpu.memory_space<vmem>>
      %dma_wait3A_972 = tpu.memref_squeeze %dma_wait3A_971 : memref<1x32x128xf32, #tpu.memory_space<vmem>> -> memref<32x128xf32, #tpu.memory_space<vmem>>
      tpu.wait_dma2 semaphore(%run_scoped3A_948 : memref<!tpu.dma_semaphore, #tpu.memory_space<semaphore_mem>>) src(%dma_wait3A_972 : memref<32x128xf32, #tpu.memory_space<vmem>>) dst(%dma_wait3A_968 : memref<32x128xf32, #tpu.memory_space<hbm>>)
      tpu.yield
    }) : () -> ()
    %mul3A_272 = arith.constant 80 : i32
    %mul3A_273 = arith.muli %add3A, %mul3A_272 : i32
    %add3A_274 = arith.constant 0 : i32
    %add3A_275 = arith.addi %mul3A_273, %add3A_274 : i32
    %dma_start3A_276 = arith.constant 0 : i32
    %dma_start3A_277 = arith.constant 0 : i32
    %dma_start3A_278 = arith.constant 0 : i32
    %dma_start3A_279 = tpu.memref_slice %arg11[%dma_start3A_276, %dma_start3A_277, %dma_start3A_278] : memref<4x2x128xi32, #tpu.memory_space<vmem>> -> memref<1x2x128xi32, #tpu.memory_space<vmem>>
    %dma_start3A_280 = tpu.memref_squeeze %dma_start3A_279 : memref<1x2x128xi32, #tpu.memory_space<vmem>> -> memref<2x128xi32, #tpu.memory_space<vmem>>
    %dma_start3A_281 = arith.constant 0 : i32
    %dma_start3A_282 = arith.constant 0 : i32
    %dma_start3A_283 = tpu.memref_slice %arg3[%add3A_275, %dma_start3A_281, %dma_start3A_282] : memref<2560x2x128xi32, #tpu.memory_space<hbm>> -> memref<1x2x128xi32, #tpu.memory_space<hbm>>
    %dma_start3A_284 = tpu.memref_squeeze %dma_start3A_283 : memref<1x2x128xi32, #tpu.memory_space<hbm>> -> memref<2x128xi32, #tpu.memory_space<hbm>>
    %dma_start3A_285 = arith.constant 0 : i32
    %dma_start3A_286 = arith.constant 0 : i32
    %dma_start3A_287 = tpu.memref_slice %arg11[%dma_start3A_276, %dma_start3A_285, %dma_start3A_286] : memref<4x2x128xi32, #tpu.memory_space<vmem>> -> memref<1x2x128xi32, #tpu.memory_space<vmem>>
    %dma_start3A_288 = tpu.memref_squeeze %dma_start3A_287 : memref<1x2x128xi32, #tpu.memory_space<vmem>> -> memref<2x128xi32, #tpu.memory_space<vmem>>
    %dma_start3A_289 = arith.constant 0 : i32
    %dma_start3A_290 = arith.constant 0 : i32
    %dma_start3A_291 = tpu.memref_slice %arg3[%add3A_275, %dma_start3A_289, %dma_start3A_290] : memref<2560x2x128xi32, #tpu.memory_space<hbm>> -> memref<1x2x128xi32, #tpu.memory_space<hbm>>
    %dma_start3A_292 = tpu.memref_squeeze %dma_start3A_291 : memref<1x2x128xi32, #tpu.memory_space<hbm>> -> memref<2x128xi32, #tpu.memory_space<hbm>>
    tpu.enqueue_dma source(%dma_start3A_292 : memref<2x128xi32, #tpu.memory_space<hbm>>) target(%dma_start3A_288 : memref<2x128xi32, #tpu.memory_space<vmem>>) target_semaphore(%arg20 : memref<!tpu.dma_semaphore, #tpu.memory_space<semaphore_mem>>)
    %mul3A_293 = arith.constant 80 : i32
    %mul3A_294 = arith.muli %add3A, %mul3A_293 : i32
    %add3A_295 = arith.constant 1 : i32
    %add3A_296 = arith.addi %mul3A_294, %add3A_295 : i32
    %dma_start3A_297 = arith.constant 1 : i32
    %dma_start3A_298 = arith.constant 0 : i32
    %dma_start3A_299 = arith.constant 0 : i32
    %dma_start3A_300 = tpu.memref_slice %arg11[%dma_start3A_297, %dma_start3A_298, %dma_start3A_299] : memref<4x2x128xi32, #tpu.memory_space<vmem>> -> memref<1x2x128xi32, #tpu.memory_space<vmem>>
    %dma_start3A_301 = tpu.memref_squeeze %dma_start3A_300 : memref<1x2x128xi32, #tpu.memory_space<vmem>> -> memref<2x128xi32, #tpu.memory_space<vmem>>
    %dma_start3A_302 = arith.constant 0 : i32
    %dma_start3A_303 = arith.constant 0 : i32
    %dma_start3A_304 = tpu.memref_slice %arg3[%add3A_296, %dma_start3A_302, %dma_start3A_303] : memref<2560x2x128xi32, #tpu.memory_space<hbm>> -> memref<1x2x128xi32, #tpu.memory_space<hbm>>
    %dma_start3A_305 = tpu.memref_squeeze %dma_start3A_304 : memref<1x2x128xi32, #tpu.memory_space<hbm>> -> memref<2x128xi32, #tpu.memory_space<hbm>>
    %dma_start3A_306 = arith.constant 0 : i32
    %dma_start3A_307 = arith.constant 0 : i32
    %dma_start3A_308 = tpu.memref_slice %arg11[%dma_start3A_297, %dma_start3A_306, %dma_start3A_307] : memref<4x2x128xi32, #tpu.memory_space<vmem>> -> memref<1x2x128xi32, #tpu.memory_space<vmem>>
    %dma_start3A_309 = tpu.memref_squeeze %dma_start3A_308 : memref<1x2x128xi32, #tpu.memory_space<vmem>> -> memref<2x128xi32, #tpu.memory_space<vmem>>
    %dma_start3A_310 = arith.constant 0 : i32
    %dma_start3A_311 = arith.constant 0 : i32
    %dma_start3A_312 = tpu.memref_slice %arg3[%add3A_296, %dma_start3A_310, %dma_start3A_311] : memref<2560x2x128xi32, #tpu.memory_space<hbm>> -> memref<1x2x128xi32, #tpu.memory_space<hbm>>
    %dma_start3A_313 = tpu.memref_squeeze %dma_start3A_312 : memref<1x2x128xi32, #tpu.memory_space<hbm>> -> memref<2x128xi32, #tpu.memory_space<hbm>>
    tpu.enqueue_dma source(%dma_start3A_313 : memref<2x128xi32, #tpu.memory_space<hbm>>) target(%dma_start3A_309 : memref<2x128xi32, #tpu.memory_space<vmem>>) target_semaphore(%arg21 : memref<!tpu.dma_semaphore, #tpu.memory_space<semaphore_mem>>)
    %mul3A_314 = arith.constant 80 : i32
    %mul3A_315 = arith.muli %add3A, %mul3A_314 : i32
    %add3A_316 = arith.constant 0 : i32
    %add3A_317 = arith.addi %mul3A_315, %add3A_316 : i32
    %dma_wait3A_318 = arith.constant 0 : i32
    %dma_wait3A_319 = arith.constant 0 : i32
    %dma_wait3A_320 = arith.constant 0 : i32
    %dma_wait3A_321 = tpu.memref_slice %arg11[%dma_wait3A_318, %dma_wait3A_319, %dma_wait3A_320] : memref<4x2x128xi32, #tpu.memory_space<vmem>> -> memref<1x2x128xi32, #tpu.memory_space<vmem>>
    %dma_wait3A_322 = tpu.memref_squeeze %dma_wait3A_321 : memref<1x2x128xi32, #tpu.memory_space<vmem>> -> memref<2x128xi32, #tpu.memory_space<vmem>>
    %dma_wait3A_323 = arith.constant 0 : i32
    %dma_wait3A_324 = arith.constant 0 : i32
    %dma_wait3A_325 = tpu.memref_slice %arg3[%add3A_317, %dma_wait3A_323, %dma_wait3A_324] : memref<2560x2x128xi32, #tpu.memory_space<hbm>> -> memref<1x2x128xi32, #tpu.memory_space<hbm>>
    %dma_wait3A_326 = tpu.memref_squeeze %dma_wait3A_325 : memref<1x2x128xi32, #tpu.memory_space<hbm>> -> memref<2x128xi32, #tpu.memory_space<hbm>>
    %dma_wait3A_327 = arith.constant 0 : i32
    %dma_wait3A_328 = arith.constant 0 : i32
    %dma_wait3A_329 = tpu.memref_slice %arg11[%dma_wait3A_318, %dma_wait3A_327, %dma_wait3A_328] : memref<4x2x128xi32, #tpu.memory_space<vmem>> -> memref<1x2x128xi32, #tpu.memory_space<vmem>>
    %dma_wait3A_330 = tpu.memref_squeeze %dma_wait3A_329 : memref<1x2x128xi32, #tpu.memory_space<vmem>> -> memref<2x128xi32, #tpu.memory_space<vmem>>
    %dma_wait3A_331 = arith.constant 0 : i32
    %dma_wait3A_332 = arith.constant 0 : i32
    %dma_wait3A_333 = tpu.memref_slice %arg3[%add3A_317, %dma_wait3A_331, %dma_wait3A_332] : memref<2560x2x128xi32, #tpu.memory_space<hbm>> -> memref<1x2x128xi32, #tpu.memory_space<hbm>>
    %dma_wait3A_334 = tpu.memref_squeeze %dma_wait3A_333 : memref<1x2x128xi32, #tpu.memory_space<hbm>> -> memref<2x128xi32, #tpu.memory_space<hbm>>
    tpu.wait_dma2 semaphore(%arg20 : memref<!tpu.dma_semaphore, #tpu.memory_space<semaphore_mem>>) src(%dma_wait3A_334 : memref<2x128xi32, #tpu.memory_space<hbm>>) dst(%dma_wait3A_330 : memref<2x128xi32, #tpu.memory_space<vmem>>)
    %get3A = arith.constant 0 : i32
    %get3A_335 = arith.constant 0 : i32
    %get3A_336 = arith.index_cast %get3A : i32 to index
    %get3A_337 = arith.index_cast %get3A_335 : i32 to index
    %get3A_338 = arith.constant 0 : index
    %get3A_339 = tpu.vector_load %arg11[%get3A_336, %get3A_337, %get3A_338] {strides = array<i32>} : memref<4x2x128xi32, #tpu.memory_space<vmem>>, vector<16xi32>,
    %gather3A = tpu.vector_load_idx %arg10[%get3A_339] : memref<10240xi32, #tpu.memory_space<vmem>>[vector<16xi32>], vector<16xi32>,
    %swap3A = arith.constant 0 : i32
    %swap3A_340 = arith.index_cast %swap3A : i32 to index
    %swap3A_341 = arith.constant 0 : index
    %swap3A_342 = tpu.vector_load %arg12[%swap3A_340, %swap3A_341] {strides = array<i32>} : memref<2x128xi32, #tpu.memory_space<vmem>>, vector<16xi32>,
    tpu.vector_store %arg12[%swap3A_340, %swap3A_341], %gather3A {strides = array<i32>} : memref<2x128xi32, #tpu.memory_space<vmem>>, vector<16xi32>,
    %get3A_343 = arith.constant 0 : i32
    %get3A_344 = arith.constant 0 : i32
    %get3A_345 = arith.index_cast %get3A_343 : i32 to index
    %get3A_346 = arith.index_cast %get3A_344 : i32 to index
    %get3A_347 = arith.constant 16 : index
    %get3A_348 = tpu.vector_load %arg11[%get3A_345, %get3A_346, %get3A_347] {strides = array<i32>} : memref<4x2x128xi32, #tpu.memory_space<vmem>>, vector<16xi32>,
    %gather3A_349 = tpu.vector_load_idx %arg10[%get3A_348] : memref<10240xi32, #tpu.memory_space<vmem>>[vector<16xi32>], vector<16xi32>,
    %swap3A_350 = arith.constant 0 : i32
    %swap3A_351 = arith.index_cast %swap3A_350 : i32 to index
    %swap3A_352 = arith.constant 16 : index
    %swap3A_353 = tpu.vector_load %arg12[%swap3A_351, %swap3A_352] {strides = array<i32>} : memref<2x128xi32, #tpu.memory_space<vmem>>, vector<16xi32>,
    tpu.vector_store %arg12[%swap3A_351, %swap3A_352], %gather3A_349 {strides = array<i32>} : memref<2x128xi32, #tpu.memory_space<vmem>>, vector<16xi32>,
    %get3A_354 = arith.constant 0 : i32
    %get3A_355 = arith.constant 0 : i32
    %get3A_356 = arith.index_cast %get3A_354 : i32 to index
    %get3A_357 = arith.index_cast %get3A_355 : i32 to index
    %get3A_358 = arith.constant 32 : index
    %get3A_359 = tpu.vector_load %arg11[%get3A_356, %get3A_357, %get3A_358] {strides = array<i32>} : memref<4x2x128xi32, #tpu.memory_space<vmem>>, vector<16xi32>,
    %gather3A_360 = tpu.vector_load_idx %arg10[%get3A_359] : memref<10240xi32, #tpu.memory_space<vmem>>[vector<16xi32>], vector<16xi32>,
    %swap3A_361 = arith.constant 0 : i32
    %swap3A_362 = arith.index_cast %swap3A_361 : i32 to index
    %swap3A_363 = arith.constant 32 : index
    %swap3A_364 = tpu.vector_load %arg12[%swap3A_362, %swap3A_363] {strides = array<i32>} : memref<2x128xi32, #tpu.memory_space<vmem>>, vector<16xi32>,
    tpu.vector_store %arg12[%swap3A_362, %swap3A_363], %gather3A_360 {strides = array<i32>} : memref<2x128xi32, #tpu.memory_space<vmem>>, vector<16xi32>,
    %get3A_365 = arith.constant 0 : i32
    %get3A_366 = arith.constant 0 : i32
    %get3A_367 = arith.index_cast %get3A_365 : i32 to index
    %get3A_368 = arith.index_cast %get3A_366 : i32 to index
    %get3A_369 = arith.constant 48 : index
    %get3A_370 = tpu.vector_load %arg11[%get3A_367, %get3A_368, %get3A_369] {strides = array<i32>} : memref<4x2x128xi32, #tpu.memory_space<vmem>>, vector<16xi32>,
    %gather3A_371 = tpu.vector_load_idx %arg10[%get3A_370] : memref<10240xi32, #tpu.memory_space<vmem>>[vector<16xi32>], vector<16xi32>,
    %swap3A_372 = arith.constant 0 : i32
    %swap3A_373 = arith.index_cast %swap3A_372 : i32 to index
    %swap3A_374 = arith.constant 48 : index
    %swap3A_375 = tpu.vector_load %arg12[%swap3A_373, %swap3A_374] {strides = array<i32>} : memref<2x128xi32, #tpu.memory_space<vmem>>, vector<16xi32>,
    tpu.vector_store %arg12[%swap3A_373, %swap3A_374], %gather3A_371 {strides = array<i32>} : memref<2x128xi32, #tpu.memory_space<vmem>>, vector<16xi32>,
    %get3A_376 = arith.constant 0 : i32
    %get3A_377 = arith.constant 0 : i32
    %get3A_378 = arith.index_cast %get3A_376 : i32 to index
    %get3A_379 = arith.index_cast %get3A_377 : i32 to index
    %get3A_380 = arith.constant 64 : index
    %get3A_381 = tpu.vector_load %arg11[%get3A_378, %get3A_379, %get3A_380] {strides = array<i32>} : memref<4x2x128xi32, #tpu.memory_space<vmem>>, vector<16xi32>,
    %gather3A_382 = tpu.vector_load_idx %arg10[%get3A_381] : memref<10240xi32, #tpu.memory_space<vmem>>[vector<16xi32>], vector<16xi32>,
    %swap3A_383 = arith.constant 0 : i32
    %swap3A_384 = arith.index_cast %swap3A_383 : i32 to index
    %swap3A_385 = arith.constant 64 : index
    %swap3A_386 = tpu.vector_load %arg12[%swap3A_384, %swap3A_385] {strides = array<i32>} : memref<2x128xi32, #tpu.memory_space<vmem>>, vector<16xi32>,
    tpu.vector_store %arg12[%swap3A_384, %swap3A_385], %gather3A_382 {strides = array<i32>} : memref<2x128xi32, #tpu.memory_space<vmem>>, vector<16xi32>,
    %get3A_387 = arith.constant 0 : i32
    %get3A_388 = arith.constant 0 : i32
    %get3A_389 = arith.index_cast %get3A_387 : i32 to index
    %get3A_390 = arith.index_cast %get3A_388 : i32 to index
    %get3A_391 = arith.constant 80 : index
    %get3A_392 = tpu.vector_load %arg11[%get3A_389, %get3A_390, %get3A_391] {strides = array<i32>} : memref<4x2x128xi32, #tpu.memory_space<vmem>>, vector<16xi32>,
    %gather3A_393 = tpu.vector_load_idx %arg10[%get3A_392] : memref<10240xi32, #tpu.memory_space<vmem>>[vector<16xi32>], vector<16xi32>,
    %swap3A_394 = arith.constant 0 : i32
    %swap3A_395 = arith.index_cast %swap3A_394 : i32 to index
    %swap3A_396 = arith.constant 80 : index
    %swap3A_397 = tpu.vector_load %arg12[%swap3A_395, %swap3A_396] {strides = array<i32>} : memref<2x128xi32, #tpu.memory_space<vmem>>, vector<16xi32>,
    tpu.vector_store %arg12[%swap3A_395, %swap3A_396], %gather3A_393 {strides = array<i32>} : memref<2x128xi32, #tpu.memory_space<vmem>>, vector<16xi32>,
    %get3A_398 = arith.constant 0 : i32
    %get3A_399 = arith.constant 0 : i32
    %get3A_400 = arith.index_cast %get3A_398 : i32 to index
    %get3A_401 = arith.index_cast %get3A_399 : i32 to index
    %get3A_402 = arith.constant 96 : index
    %get3A_403 = tpu.vector_load %arg11[%get3A_400, %get3A_401, %get3A_402] {strides = array<i32>} : memref<4x2x128xi32, #tpu.memory_space<vmem>>, vector<16xi32>,
    %gather3A_404 = tpu.vector_load_idx %arg10[%get3A_403] : memref<10240xi32, #tpu.memory_space<vmem>>[vector<16xi32>], vector<16xi32>,
    %swap3A_405 = arith.constant 0 : i32
    %swap3A_406 = arith.index_cast %swap3A_405 : i32 to index
    %swap3A_407 = arith.constant 96 : index
    %swap3A_408 = tpu.vector_load %arg12[%swap3A_406, %swap3A_407] {strides = array<i32>} : memref<2x128xi32, #tpu.memory_space<vmem>>, vector<16xi32>,
    tpu.vector_store %arg12[%swap3A_406, %swap3A_407], %gather3A_404 {strides = array<i32>} : memref<2x128xi32, #tpu.memory_space<vmem>>, vector<16xi32>,
    %get3A_409 = arith.constant 0 : i32
    %get3A_410 = arith.constant 0 : i32
    %get3A_411 = arith.index_cast %get3A_409 : i32 to index
    %get3A_412 = arith.index_cast %get3A_410 : i32 to index
    %get3A_413 = arith.constant 112 : index
    %get3A_414 = tpu.vector_load %arg11[%get3A_411, %get3A_412, %get3A_413] {strides = array<i32>} : memref<4x2x128xi32, #tpu.memory_space<vmem>>, vector<16xi32>,
    %gather3A_415 = tpu.vector_load_idx %arg10[%get3A_414] : memref<10240xi32, #tpu.memory_space<vmem>>[vector<16xi32>], vector<16xi32>,
    %swap3A_416 = arith.constant 0 : i32
    %swap3A_417 = arith.index_cast %swap3A_416 : i32 to index
    %swap3A_418 = arith.constant 112 : index
    %swap3A_419 = tpu.vector_load %arg12[%swap3A_417, %swap3A_418] {strides = array<i32>} : memref<2x128xi32, #tpu.memory_space<vmem>>, vector<16xi32>,
    tpu.vector_store %arg12[%swap3A_417, %swap3A_418], %gather3A_415 {strides = array<i32>} : memref<2x128xi32, #tpu.memory_space<vmem>>, vector<16xi32>,
    %dma_start3A_420 = arith.constant 0 : i32
    %dma_start3A_421 = arith.constant 0 : i32
    %dma_start3A_422 = arith.constant 0 : i32
    %dma_start3A_423 = arith.constant 0 : i32
    %dma_start3A_424 = tpu.memref_slice %arg13[%dma_start3A_421, %dma_start3A_422, %dma_start3A_423] : memref<2x128x64xf32, #tpu.memory_space<vmem>> -> memref<1x128x64xf32, #tpu.memory_space<vmem>>
    %dma_start3A_425 = tpu.memref_squeeze %dma_start3A_424 : memref<1x128x64xf32, #tpu.memory_space<vmem>> -> memref<128x64xf32, #tpu.memory_space<vmem>>
    %dma_start3A_426 = arith.constant 0 : i32
    %dma_start3A_427 = tpu.memref_slice %arg12[%dma_start3A_420, %dma_start3A_426] : memref<2x128xi32, #tpu.memory_space<vmem>> -> memref<1x128xi32, #tpu.memory_space<vmem>>
    %dma_start3A_428 = tpu.memref_squeeze %dma_start3A_427 : memref<1x128xi32, #tpu.memory_space<vmem>> -> memref<128xi32, #tpu.memory_space<vmem>>
    %dma_start3A_429 = arith.constant 0 : i32
    %dma_start3A_430 = arith.constant 0 : i32
    %dma_start3A_431 = tpu.memref_slice %arg5[%dma_start3A_429, %dma_start3A_430] : memref<100000x64xf32, #tpu.memory_space<hbm>> -> memref<100000x64xf32, #tpu.memory_space<hbm>>
    tpu.enqueue_indirect_dma source(%dma_start3A_431 : memref<100000x64xf32, #tpu.memory_space<hbm>>) target(%dma_start3A_425 : memref<128x64xf32, #tpu.memory_space<vmem>>) offsets(%dma_start3A_428 : memref<128xi32, #tpu.memory_space<vmem>>) semaphore(%arg18 : memref<!tpu.dma_semaphore, #tpu.memory_space<semaphore_mem>>)
    %scan3A = arith.constant 0 : i32
    %scan3A_432 = arith.constant -65536 : i32
    %scan3A_433 = arith.constant 0 : i32
    %scan3A_434 = arith.constant 19 : i32
    %scan3A_435 = arith.addi %scan3A_433, %scan3A_434 : i32
    %scan3A_436 = arith.constant 1 : i32
    scf.for %scan3A_948 = %scan3A_433 to %scan3A_435 step %scan3A_436  : i32 {
      %mul3A_949 = arith.constant 4 : i32
      %mul3A_950 = arith.muli %mul3A_949, %scan3A_948 : i32
      %add3A_951 = arith.constant 1 : i32
      %add3A_952 = arith.addi %mul3A_950, %add3A_951 : i32
      %mul3A_953 = arith.constant 80 : i32
      %mul3A_954 = arith.muli %add3A, %mul3A_953 : i32
      %add3A_955 = arith.addi %mul3A_954, %add3A_952 : i32
      %dma_wait3A_956 = arith.constant 1 : i32
      %dma_wait3A_957 = arith.constant 0 : i32
      %dma_wait3A_958 = arith.constant 0 : i32
      %dma_wait3A_959 = tpu.memref_slice %arg11[%dma_wait3A_956, %dma_wait3A_957, %dma_wait3A_958] : memref<4x2x128xi32, #tpu.memory_space<vmem>> -> memref<1x2x128xi32, #tpu.memory_space<vmem>>
      %dma_wait3A_960 = tpu.memref_squeeze %dma_wait3A_959 : memref<1x2x128xi32, #tpu.memory_space<vmem>> -> memref<2x128xi32, #tpu.memory_space<vmem>>
      %dma_wait3A_961 = arith.constant 0 : i32
      %dma_wait3A_962 = arith.constant 0 : i32
      %dma_wait3A_963 = tpu.memref_slice %arg3[%add3A_955, %dma_wait3A_961, %dma_wait3A_962] : memref<2560x2x128xi32, #tpu.memory_space<hbm>> -> memref<1x2x128xi32, #tpu.memory_space<hbm>>
      %dma_wait3A_964 = tpu.memref_squeeze %dma_wait3A_963 : memref<1x2x128xi32, #tpu.memory_space<hbm>> -> memref<2x128xi32, #tpu.memory_space<hbm>>
      %dma_wait3A_965 = arith.constant 0 : i32
      %dma_wait3A_966 = arith.constant 0 : i32
      %dma_wait3A_967 = tpu.memref_slice %arg11[%dma_wait3A_956, %dma_wait3A_965, %dma_wait3A_966] : memref<4x2x128xi32, #tpu.memory_space<vmem>> -> memref<1x2x128xi32, #tpu.memory_space<vmem>>
      %dma_wait3A_968 = tpu.memref_squeeze %dma_wait3A_967 : memref<1x2x128xi32, #tpu.memory_space<vmem>> -> memref<2x128xi32, #tpu.memory_space<vmem>>
      %dma_wait3A_969 = arith.constant 0 : i32
      %dma_wait3A_970 = arith.constant 0 : i32
      %dma_wait3A_971 = tpu.memref_slice %arg3[%add3A_955, %dma_wait3A_969, %dma_wait3A_970] : memref<2560x2x128xi32, #tpu.memory_space<hbm>> -> memref<1x2x128xi32, #tpu.memory_space<hbm>>
      %dma_wait3A_972 = tpu.memref_squeeze %dma_wait3A_971 : memref<1x2x128xi32, #tpu.memory_space<hbm>> -> memref<2x128xi32, #tpu.memory_space<hbm>>
      tpu.wait_dma2 semaphore(%arg21 : memref<!tpu.dma_semaphore, #tpu.memory_space<semaphore_mem>>) src(%dma_wait3A_972 : memref<2x128xi32, #tpu.memory_space<hbm>>) dst(%dma_wait3A_968 : memref<2x128xi32, #tpu.memory_space<vmem>>)
      %get3A_973 = arith.constant 1 : i32
      %get3A_974 = arith.constant 0 : i32
      %get3A_975 = arith.index_cast %get3A_973 : i32 to index
      %get3A_976 = arith.index_cast %get3A_974 : i32 to index
      %get3A_977 = arith.constant 0 : index
      %get3A_978 = tpu.vector_load %arg11[%get3A_975, %get3A_976, %get3A_977] {strides = array<i32>} : memref<4x2x128xi32, #tpu.memory_space<vmem>>, vector<16xi32>,
      %gather3A_979 = tpu.vector_load_idx %arg10[%get3A_978] : memref<10240xi32, #tpu.memory_space<vmem>>[vector<16xi32>], vector<16xi32>,
      %swap3A_980 = arith.constant 1 : i32
      %swap3A_981 = arith.index_cast %swap3A_980 : i32 to index
      %swap3A_982 = arith.constant 0 : index
      %swap3A_983 = tpu.vector_load %arg12[%swap3A_981, %swap3A_982] {strides = array<i32>} : memref<2x128xi32, #tpu.memory_space<vmem>>, vector<16xi32>,
      tpu.vector_store %arg12[%swap3A_981, %swap3A_982], %gather3A_979 {strides = array<i32>} : memref<2x128xi32, #tpu.memory_space<vmem>>, vector<16xi32>,
      %get3A_984 = arith.constant 1 : i32
      %get3A_985 = arith.constant 0 : i32
      %get3A_986 = arith.index_cast %get3A_984 : i32 to index
      %get3A_987 = arith.index_cast %get3A_985 : i32 to index
      %get3A_988 = arith.constant 16 : index
      %get3A_989 = tpu.vector_load %arg11[%get3A_986, %get3A_987, %get3A_988] {strides = array<i32>} : memref<4x2x128xi32, #tpu.memory_space<vmem>>, vector<16xi32>,
      %gather3A_990 = tpu.vector_load_idx %arg10[%get3A_989] : memref<10240xi32, #tpu.memory_space<vmem>>[vector<16xi32>], vector<16xi32>,
      %swap3A_991 = arith.constant 1 : i32
      %swap3A_992 = arith.index_cast %swap3A_991 : i32 to index
      %swap3A_993 = arith.constant 16 : index
      %swap3A_994 = tpu.vector_load %arg12[%swap3A_992, %swap3A_993] {strides = array<i32>} : memref<2x128xi32, #tpu.memory_space<vmem>>, vector<16xi32>,
      tpu.vector_store %arg12[%swap3A_992, %swap3A_993], %gather3A_990 {strides = array<i32>} : memref<2x128xi32, #tpu.memory_space<vmem>>, vector<16xi32>,
      %get3A_995 = arith.constant 1 : i32
      %get3A_996 = arith.constant 0 : i32
      %get3A_997 = arith.index_cast %get3A_995 : i32 to index
      %get3A_998 = arith.index_cast %get3A_996 : i32 to index
      %get3A_999 = arith.constant 32 : index
      %get3A_1000 = tpu.vector_load %arg11[%get3A_997, %get3A_998, %get3A_999] {strides = array<i32>} : memref<4x2x128xi32, #tpu.memory_space<vmem>>, vector<16xi32>,
      %gather3A_1001 = tpu.vector_load_idx %arg10[%get3A_1000] : memref<10240xi32, #tpu.memory_space<vmem>>[vector<16xi32>], vector<16xi32>,
      %swap3A_1002 = arith.constant 1 : i32
      %swap3A_1003 = arith.index_cast %swap3A_1002 : i32 to index
      %swap3A_1004 = arith.constant 32 : index
      %swap3A_1005 = tpu.vector_load %arg12[%swap3A_1003, %swap3A_1004] {strides = array<i32>} : memref<2x128xi32, #tpu.memory_space<vmem>>, vector<16xi32>,
      tpu.vector_store %arg12[%swap3A_1003, %swap3A_1004], %gather3A_1001 {strides = array<i32>} : memref<2x128xi32, #tpu.memory_space<vmem>>, vector<16xi32>,
      %get3A_1006 = arith.constant 1 : i32
      %get3A_1007 = arith.constant 0 : i32
      %get3A_1008 = arith.index_cast %get3A_1006 : i32 to index
      %get3A_1009 = arith.index_cast %get3A_1007 : i32 to index
      %get3A_1010 = arith.constant 48 : index
      %get3A_1011 = tpu.vector_load %arg11[%get3A_1008, %get3A_1009, %get3A_1010] {strides = array<i32>} : memref<4x2x128xi32, #tpu.memory_space<vmem>>, vector<16xi32>,
      %gather3A_1012 = tpu.vector_load_idx %arg10[%get3A_1011] : memref<10240xi32, #tpu.memory_space<vmem>>[vector<16xi32>], vector<16xi32>,
      %swap3A_1013 = arith.constant 1 : i32
      %swap3A_1014 = arith.index_cast %swap3A_1013 : i32 to index
      %swap3A_1015 = arith.constant 48 : index
      %swap3A_1016 = tpu.vector_load %arg12[%swap3A_1014, %swap3A_1015] {strides = array<i32>} : memref<2x128xi32, #tpu.memory_space<vmem>>, vector<16xi32>,
      tpu.vector_store %arg12[%swap3A_1014, %swap3A_1015], %gather3A_1012 {strides = array<i32>} : memref<2x128xi32, #tpu.memory_space<vmem>>, vector<16xi32>,
      %get3A_1017 = arith.constant 1 : i32
      %get3A_1018 = arith.constant 0 : i32
      %get3A_1019 = arith.index_cast %get3A_1017 : i32 to index
      %get3A_1020 = arith.index_cast %get3A_1018 : i32 to index
      %get3A_1021 = arith.constant 64 : index
      %get3A_1022 = tpu.vector_load %arg11[%get3A_1019, %get3A_1020, %get3A_1021] {strides = array<i32>} : memref<4x2x128xi32, #tpu.memory_space<vmem>>, vector<16xi32>,
      %gather3A_1023 = tpu.vector_load_idx %arg10[%get3A_1022] : memref<10240xi32, #tpu.memory_space<vmem>>[vector<16xi32>], vector<16xi32>,
      %swap3A_1024 = arith.constant 1 : i32
      %swap3A_1025 = arith.index_cast %swap3A_1024 : i32 to index
      %swap3A_1026 = arith.constant 64 : index
      %swap3A_1027 = tpu.vector_load %arg12[%swap3A_1025, %swap3A_1026] {strides = array<i32>} : memref<2x128xi32, #tpu.memory_space<vmem>>, vector<16xi32>,
      tpu.vector_store %arg12[%swap3A_1025, %swap3A_1026], %gather3A_1023 {strides = array<i32>} : memref<2x128xi32, #tpu.memory_space<vmem>>, vector<16xi32>,
      %get3A_1028 = arith.constant 1 : i32
      %get3A_1029 = arith.constant 0 : i32
      %get3A_1030 = arith.index_cast %get3A_1028 : i32 to index
      %get3A_1031 = arith.index_cast %get3A_1029 : i32 to index
      %get3A_1032 = arith.constant 80 : index
      %get3A_1033 = tpu.vector_load %arg11[%get3A_1030, %get3A_1031, %get3A_1032] {strides = array<i32>} : memref<4x2x128xi32, #tpu.memory_space<vmem>>, vector<16xi32>,
      %gather3A_1034 = tpu.vector_load_idx %arg10[%get3A_1033] : memref<10240xi32, #tpu.memory_space<vmem>>[vector<16xi32>], vector<16xi32>,
      %swap3A_1035 = arith.constant 1 : i32
      %swap3A_1036 = arith.index_cast %swap3A_1035 : i32 to index
      %swap3A_1037 = arith.constant 80 : index
      %swap3A_1038 = tpu.vector_load %arg12[%swap3A_1036, %swap3A_1037] {strides = array<i32>} : memref<2x128xi32, #tpu.memory_space<vmem>>, vector<16xi32>,
      tpu.vector_store %arg12[%swap3A_1036, %swap3A_1037], %gather3A_1034 {strides = array<i32>} : memref<2x128xi32, #tpu.memory_space<vmem>>, vector<16xi32>,
      %get3A_1039 = arith.constant 1 : i32
      %get3A_1040 = arith.constant 0 : i32
      %get3A_1041 = arith.index_cast %get3A_1039 : i32 to index
      %get3A_1042 = arith.index_cast %get3A_1040 : i32 to index
      %get3A_1043 = arith.constant 96 : index
      %get3A_1044 = tpu.vector_load %arg11[%get3A_1041, %get3A_1042, %get3A_1043] {strides = array<i32>} : memref<4x2x128xi32, #tpu.memory_space<vmem>>, vector<16xi32>,
      %gather3A_1045 = tpu.vector_load_idx %arg10[%get3A_1044] : memref<10240xi32, #tpu.memory_space<vmem>>[vector<16xi32>], vector<16xi32>,
      %swap3A_1046 = arith.constant 1 : i32
      %swap3A_1047 = arith.index_cast %swap3A_1046 : i32 to index
      %swap3A_1048 = arith.constant 96 : index
      %swap3A_1049 = tpu.vector_load %arg12[%swap3A_1047, %swap3A_1048] {strides = array<i32>} : memref<2x128xi32, #tpu.memory_space<vmem>>, vector<16xi32>,
      tpu.vector_store %arg12[%swap3A_1047, %swap3A_1048], %gather3A_1045 {strides = array<i32>} : memref<2x128xi32, #tpu.memory_space<vmem>>, vector<16xi32>,
      %get3A_1050 = arith.constant 1 : i32
      %get3A_1051 = arith.constant 0 : i32
      %get3A_1052 = arith.index_cast %get3A_1050 : i32 to index
      %get3A_1053 = arith.index_cast %get3A_1051 : i32 to index
      %get3A_1054 = arith.constant 112 : index
      %get3A_1055 = tpu.vector_load %arg11[%get3A_1052, %get3A_1053, %get3A_1054] {strides = array<i32>} : memref<4x2x128xi32, #tpu.memory_space<vmem>>, vector<16xi32>,
      %gather3A_1056 = tpu.vector_load_idx %arg10[%get3A_1055] : memref<10240xi32, #tpu.memory_space<vmem>>[vector<16xi32>], vector<16xi32>,
      %swap3A_1057 = arith.constant 1 : i32
      %swap3A_1058 = arith.index_cast %swap3A_1057 : i32 to index
      %swap3A_1059 = arith.constant 112 : index
      %swap3A_1060 = tpu.vector_load %arg12[%swap3A_1058, %swap3A_1059] {strides = array<i32>} : memref<2x128xi32, #tpu.memory_space<vmem>>, vector<16xi32>,
      tpu.vector_store %arg12[%swap3A_1058, %swap3A_1059], %gather3A_1056 {strides = array<i32>} : memref<2x128xi32, #tpu.memory_space<vmem>>, vector<16xi32>,
      %dma_start3A_1061 = arith.constant 1 : i32
      %dma_start3A_1062 = arith.constant 1 : i32
      %dma_start3A_1063 = arith.constant 0 : i32
      %dma_start3A_1064 = arith.constant 0 : i32
      %dma_start3A_1065 = tpu.memref_slice %arg13[%dma_start3A_1062, %dma_start3A_1063, %dma_start3A_1064] : memref<2x128x64xf32, #tpu.memory_space<vmem>> -> memref<1x128x64xf32, #tpu.memory_space<vmem>>
      %dma_start3A_1066 = tpu.memref_squeeze %dma_start3A_1065 : memref<1x128x64xf32, #tpu.memory_space<vmem>> -> memref<128x64xf32, #tpu.memory_space<vmem>>
      %dma_start3A_1067 = arith.constant 0 : i32
      %dma_start3A_1068 = tpu.memref_slice %arg12[%dma_start3A_1061, %dma_start3A_1067] : memref<2x128xi32, #tpu.memory_space<vmem>> -> memref<1x128xi32, #tpu.memory_space<vmem>>
      %dma_start3A_1069 = tpu.memref_squeeze %dma_start3A_1068 : memref<1x128xi32, #tpu.memory_space<vmem>> -> memref<128xi32, #tpu.memory_space<vmem>>
      %dma_start3A_1070 = arith.constant 0 : i32
      %dma_start3A_1071 = arith.constant 0 : i32
      %dma_start3A_1072 = tpu.memref_slice %arg5[%dma_start3A_1070, %dma_start3A_1071] : memref<100000x64xf32, #tpu.memory_space<hbm>> -> memref<100000x64xf32, #tpu.memory_space<hbm>>
      tpu.enqueue_indirect_dma source(%dma_start3A_1072 : memref<100000x64xf32, #tpu.memory_space<hbm>>) target(%dma_start3A_1066 : memref<128x64xf32, #tpu.memory_space<vmem>>) offsets(%dma_start3A_1069 : memref<128xi32, #tpu.memory_space<vmem>>) semaphore(%arg19 : memref<!tpu.dma_semaphore, #tpu.memory_space<semaphore_mem>>)
      %add3A_1073 = arith.constant 2 : i32
      %add3A_1074 = arith.addi %mul3A_950, %add3A_1073 : i32
      %mul3A_1075 = arith.constant 80 : i32
      %mul3A_1076 = arith.muli %add3A, %mul3A_1075 : i32
      %add3A_1077 = arith.addi %mul3A_1076, %add3A_1074 : i32
      %dma_start3A_1078 = arith.constant 2 : i32
      %dma_start3A_1079 = arith.constant 0 : i32
      %dma_start3A_1080 = arith.constant 0 : i32
      %dma_start3A_1081 = tpu.memref_slice %arg11[%dma_start3A_1078, %dma_start3A_1079, %dma_start3A_1080] : memref<4x2x128xi32, #tpu.memory_space<vmem>> -> memref<1x2x128xi32, #tpu.memory_space<vmem>>
      %dma_start3A_1082 = tpu.memref_squeeze %dma_start3A_1081 : memref<1x2x128xi32, #tpu.memory_space<vmem>> -> memref<2x128xi32, #tpu.memory_space<vmem>>
      %dma_start3A_1083 = arith.constant 0 : i32
      %dma_start3A_1084 = arith.constant 0 : i32
      %dma_start3A_1085 = tpu.memref_slice %arg3[%add3A_1077, %dma_start3A_1083, %dma_start3A_1084] : memref<2560x2x128xi32, #tpu.memory_space<hbm>> -> memref<1x2x128xi32, #tpu.memory_space<hbm>>
      %dma_start3A_1086 = tpu.memref_squeeze %dma_start3A_1085 : memref<1x2x128xi32, #tpu.memory_space<hbm>> -> memref<2x128xi32, #tpu.memory_space<hbm>>
      %dma_start3A_1087 = arith.constant 0 : i32
      %dma_start3A_1088 = arith.constant 0 : i32
      %dma_start3A_1089 = tpu.memref_slice %arg11[%dma_start3A_1078, %dma_start3A_1087, %dma_start3A_1088] : memref<4x2x128xi32, #tpu.memory_space<vmem>> -> memref<1x2x128xi32, #tpu.memory_space<vmem>>
      %dma_start3A_1090 = tpu.memref_squeeze %dma_start3A_1089 : memref<1x2x128xi32, #tpu.memory_space<vmem>> -> memref<2x128xi32, #tpu.memory_space<vmem>>
      %dma_start3A_1091 = arith.constant 0 : i32
      %dma_start3A_1092 = arith.constant 0 : i32
      %dma_start3A_1093 = tpu.memref_slice %arg3[%add3A_1077, %dma_start3A_1091, %dma_start3A_1092] : memref<2560x2x128xi32, #tpu.memory_space<hbm>> -> memref<1x2x128xi32, #tpu.memory_space<hbm>>
      %dma_start3A_1094 = tpu.memref_squeeze %dma_start3A_1093 : memref<1x2x128xi32, #tpu.memory_space<hbm>> -> memref<2x128xi32, #tpu.memory_space<hbm>>
      tpu.enqueue_dma source(%dma_start3A_1094 : memref<2x128xi32, #tpu.memory_space<hbm>>) target(%dma_start3A_1090 : memref<2x128xi32, #tpu.memory_space<vmem>>) target_semaphore(%arg22 : memref<!tpu.dma_semaphore, #tpu.memory_space<semaphore_mem>>)
      %dma_wait3A_1095 = arith.constant 0 : i32
      %dma_wait3A_1096 = arith.constant 0 : i32
      %dma_wait3A_1097 = arith.constant 0 : i32
      %dma_wait3A_1098 = arith.constant 0 : i32
      %dma_wait3A_1099 = tpu.memref_slice %arg13[%dma_wait3A_1096, %dma_wait3A_1097, %dma_wait3A_1098] : memref<2x128x64xf32, #tpu.memory_space<vmem>> -> memref<1x128x64xf32, #tpu.memory_space<vmem>>
      %dma_wait3A_1100 = tpu.memref_squeeze %dma_wait3A_1099 : memref<1x128x64xf32, #tpu.memory_space<vmem>> -> memref<128x64xf32, #tpu.memory_space<vmem>>
      %dma_wait3A_1101 = arith.constant 0 : i32
      %dma_wait3A_1102 = tpu.memref_slice %arg12[%dma_wait3A_1095, %dma_wait3A_1101] : memref<2x128xi32, #tpu.memory_space<vmem>> -> memref<1x128xi32, #tpu.memory_space<vmem>>
      %dma_wait3A_1103 = tpu.memref_squeeze %dma_wait3A_1102 : memref<1x128xi32, #tpu.memory_space<vmem>> -> memref<128xi32, #tpu.memory_space<vmem>>
      %dma_wait3A_1104 = arith.constant 0 : i32
      %dma_wait3A_1105 = arith.constant 0 : i32
      %dma_wait3A_1106 = tpu.memref_slice %arg5[%dma_wait3A_1104, %dma_wait3A_1105] : memref<100000x64xf32, #tpu.memory_space<hbm>> -> memref<100000x64xf32, #tpu.memory_space<hbm>>
      tpu.wait_indirect_dma semaphore(%arg18 : memref<!tpu.dma_semaphore, #tpu.memory_space<semaphore_mem>>) src(%dma_wait3A_1106 : memref<100000x64xf32, #tpu.memory_space<hbm>>) dst(%dma_wait3A_1100 : memref<128x64xf32, #tpu.memory_space<vmem>>)
      %scan3A_1107 = arith.constant 0 : i32
      %scan3A_1108 = arith.constant 0 : i32
      %scan3A_1109 = arith.constant 128 : i32
      %scan3A_1110 = arith.addi %scan3A_1108, %scan3A_1109 : i32
      %scan3A_1111 = arith.constant 1 : i32
      scf.for %scan3A_1619 = %scan3A_1108 to %scan3A_1110 step %scan3A_1111  : i32 {
        %get3A_1620 = arith.constant 0 : i32
        %get3A_1621 = arith.index_cast %get3A_1620 : i32 to index
        %get3A_1622 = arith.index_cast %scan3A_1619 : i32 to index
        %get3A_1623 = arith.constant 0 : index
        %get3A_1624 = tpu.vector_load %arg13[%get3A_1621, %get3A_1622, %get3A_1623] {strides = array<i32>} : memref<2x128x64xf32, #tpu.memory_space<vmem>>, vector<16xf32>,
        %bitcast3A = vector.bitcast %get3A_1624 : vector<16xf32> to vector<16xi32>
        %shift_left3A = arith.constant 16 : i32
        %shift_left3A_1625 = vector.broadcast %shift_left3A : i32 to vector<16xi32>
        %shift_left3A_1626 = arith.shli %bitcast3A, %shift_left3A_1625 : vector<16xi32>
        %bitcast3A_1627 = vector.bitcast %shift_left3A_1626 : vector<16xi32> to vector<16xf32>
        %swap3A_1628 = arith.constant 0 : i32
        %swap3A_1629 = arith.index_cast %swap3A_1628 : i32 to index
        %swap3A_1630 = arith.index_cast %scan3A_1619 : i32 to index
        %swap3A_1631 = arith.constant 0 : index
        %swap3A_1632 = tpu.vector_load %arg13[%swap3A_1629, %swap3A_1630, %swap3A_1631] {strides = array<i32>} : memref<2x128x64xf32, #tpu.memory_space<vmem>>, vector<16xf32>,
        tpu.vector_store %arg13[%swap3A_1629, %swap3A_1630, %swap3A_1631], %bitcast3A_1627 {strides = array<i32>} : memref<2x128x64xf32, #tpu.memory_space<vmem>>, vector<16xf32>,
        %and3A = vector.broadcast %scan3A_432 : i32 to vector<16xi32>
        %and3A_1633 = arith.andi %bitcast3A, %and3A : vector<16xi32>
        %bitcast3A_1634 = vector.bitcast %and3A_1633 : vector<16xi32> to vector<16xf32>
        %swap3A_1635 = arith.index_cast %scan3A_1619 : i32 to index
        %swap3A_1636 = arith.constant 0 : index
        %swap3A_1637 = tpu.vector_load %arg14[%swap3A_1635, %swap3A_1636] {strides = array<i32>} : memref<128x64xf32, #tpu.memory_space<vmem>>, vector<16xf32>,
        tpu.vector_store %arg14[%swap3A_1635, %swap3A_1636], %bitcast3A_1634 {strides = array<i32>} : memref<128x64xf32, #tpu.memory_space<vmem>>, vector<16xf32>,
        %get3A_1638 = arith.constant 0 : i32
        %get3A_1639 = arith.index_cast %get3A_1638 : i32 to index
        %get3A_1640 = arith.index_cast %scan3A_1619 : i32 to index
        %get3A_1641 = arith.constant 16 : index
        %get3A_1642 = tpu.vector_load %arg13[%get3A_1639, %get3A_1640, %get3A_1641] {strides = array<i32>} : memref<2x128x64xf32, #tpu.memory_space<vmem>>, vector<16xf32>,
        %bitcast3A_1643 = vector.bitcast %get3A_1642 : vector<16xf32> to vector<16xi32>
        %shift_left3A_1644 = arith.constant 16 : i32
        %shift_left3A_1645 = vector.broadcast %shift_left3A_1644 : i32 to vector<16xi32>
        %shift_left3A_1646 = arith.shli %bitcast3A_1643, %shift_left3A_1645 : vector<16xi32>
        %bitcast3A_1647 = vector.bitcast %shift_left3A_1646 : vector<16xi32> to vector<16xf32>
        %swap3A_1648 = arith.constant 0 : i32
        %swap3A_1649 = arith.index_cast %swap3A_1648 : i32 to index
        %swap3A_1650 = arith.index_cast %scan3A_1619 : i32 to index
        %swap3A_1651 = arith.constant 16 : index
        %swap3A_1652 = tpu.vector_load %arg13[%swap3A_1649, %swap3A_1650, %swap3A_1651] {strides = array<i32>} : memref<2x128x64xf32, #tpu.memory_space<vmem>>, vector<16xf32>,
        tpu.vector_store %arg13[%swap3A_1649, %swap3A_1650, %swap3A_1651], %bitcast3A_1647 {strides = array<i32>} : memref<2x128x64xf32, #tpu.memory_space<vmem>>, vector<16xf32>,
        %and3A_1653 = vector.broadcast %scan3A_432 : i32 to vector<16xi32>
        %and3A_1654 = arith.andi %bitcast3A_1643, %and3A_1653 : vector<16xi32>
        %bitcast3A_1655 = vector.bitcast %and3A_1654 : vector<16xi32> to vector<16xf32>
        %swap3A_1656 = arith.index_cast %scan3A_1619 : i32 to index
        %swap3A_1657 = arith.constant 16 : index
        %swap3A_1658 = tpu.vector_load %arg14[%swap3A_1656, %swap3A_1657] {strides = array<i32>} : memref<128x64xf32, #tpu.memory_space<vmem>>, vector<16xf32>,
        tpu.vector_store %arg14[%swap3A_1656, %swap3A_1657], %bitcast3A_1655 {strides = array<i32>} : memref<128x64xf32, #tpu.memory_space<vmem>>, vector<16xf32>,
        %get3A_1659 = arith.constant 0 : i32
        %get3A_1660 = arith.index_cast %get3A_1659 : i32 to index
        %get3A_1661 = arith.index_cast %scan3A_1619 : i32 to index
        %get3A_1662 = arith.constant 32 : index
        %get3A_1663 = tpu.vector_load %arg13[%get3A_1660, %get3A_1661, %get3A_1662] {strides = array<i32>} : memref<2x128x64xf32, #tpu.memory_space<vmem>>, vector<16xf32>,
        %bitcast3A_1664 = vector.bitcast %get3A_1663 : vector<16xf32> to vector<16xi32>
        %shift_left3A_1665 = arith.constant 16 : i32
        %shift_left3A_1666 = vector.broadcast %shift_left3A_1665 : i32 to vector<16xi32>
        %shift_left3A_1667 = arith.shli %bitcast3A_1664, %shift_left3A_1666 : vector<16xi32>
        %bitcast3A_1668 = vector.bitcast %shift_left3A_1667 : vector<16xi32> to vector<16xf32>
        %swap3A_1669 = arith.constant 0 : i32
        %swap3A_1670 = arith.index_cast %swap3A_1669 : i32 to index
        %swap3A_1671 = arith.index_cast %scan3A_1619 : i32 to index
        %swap3A_1672 = arith.constant 32 : index
        %swap3A_1673 = tpu.vector_load %arg13[%swap3A_1670, %swap3A_1671, %swap3A_1672] {strides = array<i32>} : memref<2x128x64xf32, #tpu.memory_space<vmem>>, vector<16xf32>,
        tpu.vector_store %arg13[%swap3A_1670, %swap3A_1671, %swap3A_1672], %bitcast3A_1668 {strides = array<i32>} : memref<2x128x64xf32, #tpu.memory_space<vmem>>, vector<16xf32>,
        %and3A_1674 = vector.broadcast %scan3A_432 : i32 to vector<16xi32>
        %and3A_1675 = arith.andi %bitcast3A_1664, %and3A_1674 : vector<16xi32>
        %bitcast3A_1676 = vector.bitcast %and3A_1675 : vector<16xi32> to vector<16xf32>
        %swap3A_1677 = arith.index_cast %scan3A_1619 : i32 to index
        %swap3A_1678 = arith.constant 32 : index
        %swap3A_1679 = tpu.vector_load %arg14[%swap3A_1677, %swap3A_1678] {strides = array<i32>} : memref<128x64xf32, #tpu.memory_space<vmem>>, vector<16xf32>,
        tpu.vector_store %arg14[%swap3A_1677, %swap3A_1678], %bitcast3A_1676 {strides = array<i32>} : memref<128x64xf32, #tpu.memory_space<vmem>>, vector<16xf32>,
        %get3A_1680 = arith.constant 0 : i32
        %get3A_1681 = arith.index_cast %get3A_1680 : i32 to index
        %get3A_1682 = arith.index_cast %scan3A_1619 : i32 to index
        %get3A_1683 = arith.constant 48 : index
        %get3A_1684 = tpu.vector_load %arg13[%get3A_1681, %get3A_1682, %get3A_1683] {strides = array<i32>} : memref<2x128x64xf32, #tpu.memory_space<vmem>>, vector<16xf32>,
        %bitcast3A_1685 = vector.bitcast %get3A_1684 : vector<16xf32> to vector<16xi32>
        %shift_left3A_1686 = arith.constant 16 : i32
        %shift_left3A_1687 = vector.broadcast %shift_left3A_1686 : i32 to vector<16xi32>
        %shift_left3A_1688 = arith.shli %bitcast3A_1685, %shift_left3A_1687 : vector<16xi32>
        %bitcast3A_1689 = vector.bitcast %shift_left3A_1688 : vector<16xi32> to vector<16xf32>
        %swap3A_1690 = arith.constant 0 : i32
        %swap3A_1691 = arith.index_cast %swap3A_1690 : i32 to index
        %swap3A_1692 = arith.index_cast %scan3A_1619 : i32 to index
        %swap3A_1693 = arith.constant 48 : index
        %swap3A_1694 = tpu.vector_load %arg13[%swap3A_1691, %swap3A_1692, %swap3A_1693] {strides = array<i32>} : memref<2x128x64xf32, #tpu.memory_space<vmem>>, vector<16xf32>,
        tpu.vector_store %arg13[%swap3A_1691, %swap3A_1692, %swap3A_1693], %bitcast3A_1689 {strides = array<i32>} : memref<2x128x64xf32, #tpu.memory_space<vmem>>, vector<16xf32>,
        %and3A_1695 = vector.broadcast %scan3A_432 : i32 to vector<16xi32>
        %and3A_1696 = arith.andi %bitcast3A_1685, %and3A_1695 : vector<16xi32>
        %bitcast3A_1697 = vector.bitcast %and3A_1696 : vector<16xi32> to vector<16xf32>
        %swap3A_1698 = arith.index_cast %scan3A_1619 : i32 to index
        %swap3A_1699 = arith.constant 48 : index
        %swap3A_1700 = tpu.vector_load %arg14[%swap3A_1698, %swap3A_1699] {strides = array<i32>} : memref<128x64xf32, #tpu.memory_space<vmem>>, vector<16xf32>,
        tpu.vector_store %arg14[%swap3A_1698, %swap3A_1699], %bitcast3A_1697 {strides = array<i32>} : memref<128x64xf32, #tpu.memory_space<vmem>>, vector<16xf32>,
      }
      %scan3A_1112 = arith.constant 128 : i32
      %run_scoped3A_1113 = arith.constant 0 : i32
      %run_scoped3A_1114 = arith.constant 0 : i32
      %run_scoped3A_1115 = arith.constant 1 : i32
      "tpu.region"() ({
        %run_scoped3A_1619 = tpu.sem_alloc : memref<!tpu.dma_semaphore, #tpu.memory_space<semaphore_mem>>
        %dma_start3A_1620 = arith.constant 0 : i32
        %dma_start3A_1621 = arith.constant 0 : i32
        %dma_start3A_1622 = tpu.memref_slice %arg13[%run_scoped3A_1113, %dma_start3A_1620, %dma_start3A_1621] : memref<2x128x64xf32, #tpu.memory_space<vmem>> -> memref<1x128x64xf32, #tpu.memory_space<vmem>>
        %dma_start3A_1623 = tpu.memref_squeeze %dma_start3A_1622 : memref<1x128x64xf32, #tpu.memory_space<vmem>> -> memref<128x64xf32, #tpu.memory_space<vmem>>
        %dma_start3A_1624 = arith.constant 0 : i32
        %dma_start3A_1625 = tpu.memref_slice %arg11[%run_scoped3A_1114, %run_scoped3A_1115, %dma_start3A_1624] : memref<4x2x128xi32, #tpu.memory_space<vmem>> -> memref<1x1x128xi32, #tpu.memory_space<vmem>>
        %dma_start3A_1626 = tpu.memref_squeeze %dma_start3A_1625 : memref<1x1x128xi32, #tpu.memory_space<vmem>> -> memref<128xi32, #tpu.memory_space<vmem>>
        %dma_start3A_1627 = arith.constant 0 : i32
        %dma_start3A_1628 = arith.constant 0 : i32
        %dma_start3A_1629 = tpu.memref_slice %arg16[%dma_start3A_1627, %dma_start3A_1628] : memref<10240x64xf32, #tpu.memory_space<vmem_shared>> -> memref<10240x64xf32, #tpu.memory_space<vmem_shared>>
        tpu.enqueue_indirect_dma source(%dma_start3A_1623 : memref<128x64xf32, #tpu.memory_space<vmem>>) target(%dma_start3A_1629 : memref<10240x64xf32, #tpu.memory_space<vmem_shared>>) offsets(%dma_start3A_1626 : memref<128xi32, #tpu.memory_space<vmem>>) semaphore(%run_scoped3A_1619 : memref<!tpu.dma_semaphore, #tpu.memory_space<semaphore_mem>>) {add = true}
        %dma_wait3A_1630 = arith.constant 0 : i32
        %dma_wait3A_1631 = arith.constant 0 : i32
        %dma_wait3A_1632 = tpu.memref_slice %arg13[%run_scoped3A_1113, %dma_wait3A_1630, %dma_wait3A_1631] : memref<2x128x64xf32, #tpu.memory_space<vmem>> -> memref<1x128x64xf32, #tpu.memory_space<vmem>>
        %dma_wait3A_1633 = tpu.memref_squeeze %dma_wait3A_1632 : memref<1x128x64xf32, #tpu.memory_space<vmem>> -> memref<128x64xf32, #tpu.memory_space<vmem>>
        %dma_wait3A_1634 = arith.constant 0 : i32
        %dma_wait3A_1635 = tpu.memref_slice %arg11[%run_scoped3A_1114, %run_scoped3A_1115, %dma_wait3A_1634] : memref<4x2x128xi32, #tpu.memory_space<vmem>> -> memref<1x1x128xi32, #tpu.memory_space<vmem>>
        %dma_wait3A_1636 = tpu.memref_squeeze %dma_wait3A_1635 : memref<1x1x128xi32, #tpu.memory_space<vmem>> -> memref<128xi32, #tpu.memory_space<vmem>>
        %dma_wait3A_1637 = arith.constant 0 : i32
        %dma_wait3A_1638 = arith.constant 0 : i32
        %dma_wait3A_1639 = tpu.memref_slice %arg16[%dma_wait3A_1637, %dma_wait3A_1638] : memref<10240x64xf32, #tpu.memory_space<vmem_shared>> -> memref<10240x64xf32, #tpu.memory_space<vmem_shared>>
        tpu.wait_indirect_dma semaphore(%run_scoped3A_1619 : memref<!tpu.dma_semaphore, #tpu.memory_space<semaphore_mem>>) src(%dma_wait3A_1633 : memref<128x64xf32, #tpu.memory_space<vmem>>) dst(%dma_wait3A_1639 : memref<10240x64xf32, #tpu.memory_space<vmem_shared>>)
        tpu.yield
      }) : () -> ()
      %run_scoped3A_1116 = arith.constant 0 : i32
      %run_scoped3A_1117 = arith.constant 1 : i32
      "tpu.region"() ({
        %run_scoped3A_1619 = tpu.sem_alloc : memref<!tpu.dma_semaphore, #tpu.memory_space<semaphore_mem>>
        %dma_start3A_1620 = arith.constant 0 : i32
        %dma_start3A_1621 = tpu.memref_slice %arg11[%run_scoped3A_1116, %run_scoped3A_1117, %dma_start3A_1620] : memref<4x2x128xi32, #tpu.memory_space<vmem>> -> memref<1x1x128xi32, #tpu.memory_space<vmem>>
        %dma_start3A_1622 = tpu.memref_squeeze %dma_start3A_1621 : memref<1x1x128xi32, #tpu.memory_space<vmem>> -> memref<128xi32, #tpu.memory_space<vmem>>
        %dma_start3A_1623 = arith.constant 0 : i32
        %dma_start3A_1624 = arith.constant 0 : i32
        %dma_start3A_1625 = tpu.memref_slice %arg17[%dma_start3A_1623, %dma_start3A_1624] : memref<10240x64xf32, #tpu.memory_space<vmem_shared>> -> memref<10240x64xf32, #tpu.memory_space<vmem_shared>>
        tpu.enqueue_indirect_dma source(%arg14 : memref<128x64xf32, #tpu.memory_space<vmem>>) target(%dma_start3A_1625 : memref<10240x64xf32, #tpu.memory_space<vmem_shared>>) offsets(%dma_start3A_1622 : memref<128xi32, #tpu.memory_space<vmem>>) semaphore(%run_scoped3A_1619 : memref<!tpu.dma_semaphore, #tpu.memory_space<semaphore_mem>>) {add = true}
        %dma_wait3A_1626 = arith.constant 0 : i32
        %dma_wait3A_1627 = tpu.memref_slice %arg11[%run_scoped3A_1116, %run_scoped3A_1117, %dma_wait3A_1626] : memref<4x2x128xi32, #tpu.memory_space<vmem>> -> memref<1x1x128xi32, #tpu.memory_space<vmem>>
        %dma_wait3A_1628 = tpu.memref_squeeze %dma_wait3A_1627 : memref<1x1x128xi32, #tpu.memory_space<vmem>> -> memref<128xi32, #tpu.memory_space<vmem>>
        %dma_wait3A_1629 = arith.constant 0 : i32
        %dma_wait3A_1630 = arith.constant 0 : i32
        %dma_wait3A_1631 = tpu.memref_slice %arg17[%dma_wait3A_1629, %dma_wait3A_1630] : memref<10240x64xf32, #tpu.memory_space<vmem_shared>> -> memref<10240x64xf32, #tpu.memory_space<vmem_shared>>
        tpu.wait_indirect_dma semaphore(%run_scoped3A_1619 : memref<!tpu.dma_semaphore, #tpu.memory_space<semaphore_mem>>) src(%arg14 : memref<128x64xf32, #tpu.memory_space<vmem>>) dst(%dma_wait3A_1631 : memref<10240x64xf32, #tpu.memory_space<vmem_shared>>)
        tpu.yield
      }) : () -> ()
      %add3A_1118 = arith.constant 3 : i32
      %add3A_1119 = arith.addi %mul3A_950, %add3A_1118 : i32
      %mul3A_1120 = arith.constant 80 : i32
      %mul3A_1121 = arith.muli %add3A, %mul3A_1120 : i32
      %add3A_1122 = arith.addi %mul3A_1121, %add3A_1119 : i32
      %dma_start3A_1123 = arith.constant 3 : i32
      %dma_start3A_1124 = arith.constant 0 : i32
      %dma_start3A_1125 = arith.constant 0 : i32
      %dma_start3A_1126 = tpu.memref_slice %arg11[%dma_start3A_1123, %dma_start3A_1124, %dma_start3A_1125] : memref<4x2x128xi32, #tpu.memory_space<vmem>> -> memref<1x2x128xi32, #tpu.memory_space<vmem>>
      %dma_start3A_1127 = tpu.memref_squeeze %dma_start3A_1126 : memref<1x2x128xi32, #tpu.memory_space<vmem>> -> memref<2x128xi32, #tpu.memory_space<vmem>>
      %dma_start3A_1128 = arith.constant 0 : i32
      %dma_start3A_1129 = arith.constant 0 : i32
      %dma_start3A_1130 = tpu.memref_slice %arg3[%add3A_1122, %dma_start3A_1128, %dma_start3A_1129] : memref<2560x2x128xi32, #tpu.memory_space<hbm>> -> memref<1x2x128xi32, #tpu.memory_space<hbm>>
      %dma_start3A_1131 = tpu.memref_squeeze %dma_start3A_1130 : memref<1x2x128xi32, #tpu.memory_space<hbm>> -> memref<2x128xi32, #tpu.memory_space<hbm>>
      %dma_start3A_1132 = arith.constant 0 : i32
      %dma_start3A_1133 = arith.constant 0 : i32
      %dma_start3A_1134 = tpu.memref_slice %arg11[%dma_start3A_1123, %dma_start3A_1132, %dma_start3A_1133] : memref<4x2x128xi32, #tpu.memory_space<vmem>> -> memref<1x2x128xi32, #tpu.memory_space<vmem>>
      %dma_start3A_1135 = tpu.memref_squeeze %dma_start3A_1134 : memref<1x2x128xi32, #tpu.memory_space<vmem>> -> memref<2x128xi32, #tpu.memory_space<vmem>>
      %dma_start3A_1136 = arith.constant 0 : i32
      %dma_start3A_1137 = arith.constant 0 : i32
      %dma_start3A_1138 = tpu.memref_slice %arg3[%add3A_1122, %dma_start3A_1136, %dma_start3A_1137] : memref<2560x2x128xi32, #tpu.memory_space<hbm>> -> memref<1x2x128xi32, #tpu.memory_space<hbm>>
      %dma_start3A_1139 = tpu.memref_squeeze %dma_start3A_1138 : memref<1x2x128xi32, #tpu.memory_space<hbm>> -> memref<2x128xi32, #tpu.memory_space<hbm>>
      tpu.enqueue_dma source(%dma_start3A_1139 : memref<2x128xi32, #tpu.memory_space<hbm>>) target(%dma_start3A_1135 : memref<2x128xi32, #tpu.memory_space<vmem>>) target_semaphore(%arg23 : memref<!tpu.dma_semaphore, #tpu.memory_space<semaphore_mem>>)
      %add3A_1140 = arith.constant 2 : i32
      %add3A_1141 = arith.addi %mul3A_950, %add3A_1140 : i32
      %mul3A_1142 = arith.constant 80 : i32
      %mul3A_1143 = arith.muli %add3A, %mul3A_1142 : i32
      %add3A_1144 = arith.addi %mul3A_1143, %add3A_1141 : i32
      %dma_wait3A_1145 = arith.constant 2 : i32
      %dma_wait3A_1146 = arith.constant 0 : i32
      %dma_wait3A_1147 = arith.constant 0 : i32
      %dma_wait3A_1148 = tpu.memref_slice %arg11[%dma_wait3A_1145, %dma_wait3A_1146, %dma_wait3A_1147] : memref<4x2x128xi32, #tpu.memory_space<vmem>> -> memref<1x2x128xi32, #tpu.memory_space<vmem>>
      %dma_wait3A_1149 = tpu.memref_squeeze %dma_wait3A_1148 : memref<1x2x128xi32, #tpu.memory_space<vmem>> -> memref<2x128xi32, #tpu.memory_space<vmem>>
      %dma_wait3A_1150 = arith.constant 0 : i32
      %dma_wait3A_1151 = arith.constant 0 : i32
      %dma_wait3A_1152 = tpu.memref_slice %arg3[%add3A_1144, %dma_wait3A_1150, %dma_wait3A_1151] : memref<2560x2x128xi32, #tpu.memory_space<hbm>> -> memref<1x2x128xi32, #tpu.memory_space<hbm>>
      %dma_wait3A_1153 = tpu.memref_squeeze %dma_wait3A_1152 : memref<1x2x128xi32, #tpu.memory_space<hbm>> -> memref<2x128xi32, #tpu.memory_space<hbm>>
      %dma_wait3A_1154 = arith.constant 0 : i32
      %dma_wait3A_1155 = arith.constant 0 : i32
      %dma_wait3A_1156 = tpu.memref_slice %arg11[%dma_wait3A_1145, %dma_wait3A_1154, %dma_wait3A_1155] : memref<4x2x128xi32, #tpu.memory_space<vmem>> -> memref<1x2x128xi32, #tpu.memory_space<vmem>>
      %dma_wait3A_1157 = tpu.memref_squeeze %dma_wait3A_1156 : memref<1x2x128xi32, #tpu.memory_space<vmem>> -> memref<2x128xi32, #tpu.memory_space<vmem>>
      %dma_wait3A_1158 = arith.constant 0 : i32
      %dma_wait3A_1159 = arith.constant 0 : i32
      %dma_wait3A_1160 = tpu.memref_slice %arg3[%add3A_1144, %dma_wait3A_1158, %dma_wait3A_1159] : memref<2560x2x128xi32, #tpu.memory_space<hbm>> -> memref<1x2x128xi32, #tpu.memory_space<hbm>>
      %dma_wait3A_1161 = tpu.memref_squeeze %dma_wait3A_1160 : memref<1x2x128xi32, #tpu.memory_space<hbm>> -> memref<2x128xi32, #tpu.memory_space<hbm>>
      tpu.wait_dma2 semaphore(%arg22 : memref<!tpu.dma_semaphore, #tpu.memory_space<semaphore_mem>>) src(%dma_wait3A_1161 : memref<2x128xi32, #tpu.memory_space<hbm>>) dst(%dma_wait3A_1157 : memref<2x128xi32, #tpu.memory_space<vmem>>)
      %get3A_1162 = arith.constant 2 : i32
      %get3A_1163 = arith.constant 0 : i32
      %get3A_1164 = arith.index_cast %get3A_1162 : i32 to index
      %get3A_1165 = arith.index_cast %get3A_1163 : i32 to index
      %get3A_1166 = arith.constant 0 : index
      %get3A_1167 = tpu.vector_load %arg11[%get3A_1164, %get3A_1165, %get3A_1166] {strides = array<i32>} : memref<4x2x128xi32, #tpu.memory_space<vmem>>, vector<16xi32>,
      %gather3A_1168 = tpu.vector_load_idx %arg10[%get3A_1167] : memref<10240xi32, #tpu.memory_space<vmem>>[vector<16xi32>], vector<16xi32>,
      %swap3A_1169 = arith.constant 0 : i32
      %swap3A_1170 = arith.index_cast %swap3A_1169 : i32 to index
      %swap3A_1171 = arith.constant 0 : index
      %swap3A_1172 = tpu.vector_load %arg12[%swap3A_1170, %swap3A_1171] {strides = array<i32>} : memref<2x128xi32, #tpu.memory_space<vmem>>, vector<16xi32>,
      tpu.vector_store %arg12[%swap3A_1170, %swap3A_1171], %gather3A_1168 {strides = array<i32>} : memref<2x128xi32, #tpu.memory_space<vmem>>, vector<16xi32>,
      %get3A_1173 = arith.constant 2 : i32
      %get3A_1174 = arith.constant 0 : i32
      %get3A_1175 = arith.index_cast %get3A_1173 : i32 to index
      %get3A_1176 = arith.index_cast %get3A_1174 : i32 to index
      %get3A_1177 = arith.constant 16 : index
      %get3A_1178 = tpu.vector_load %arg11[%get3A_1175, %get3A_1176, %get3A_1177] {strides = array<i32>} : memref<4x2x128xi32, #tpu.memory_space<vmem>>, vector<16xi32>,
      %gather3A_1179 = tpu.vector_load_idx %arg10[%get3A_1178] : memref<10240xi32, #tpu.memory_space<vmem>>[vector<16xi32>], vector<16xi32>,
      %swap3A_1180 = arith.constant 0 : i32
      %swap3A_1181 = arith.index_cast %swap3A_1180 : i32 to index
      %swap3A_1182 = arith.constant 16 : index
      %swap3A_1183 = tpu.vector_load %arg12[%swap3A_1181, %swap3A_1182] {strides = array<i32>} : memref<2x128xi32, #tpu.memory_space<vmem>>, vector<16xi32>,
      tpu.vector_store %arg12[%swap3A_1181, %swap3A_1182], %gather3A_1179 {strides = array<i32>} : memref<2x128xi32, #tpu.memory_space<vmem>>, vector<16xi32>,
      %get3A_1184 = arith.constant 2 : i32
      %get3A_1185 = arith.constant 0 : i32
      %get3A_1186 = arith.index_cast %get3A_1184 : i32 to index
      %get3A_1187 = arith.index_cast %get3A_1185 : i32 to index
      %get3A_1188 = arith.constant 32 : index
      %get3A_1189 = tpu.vector_load %arg11[%get3A_1186, %get3A_1187, %get3A_1188] {strides = array<i32>} : memref<4x2x128xi32, #tpu.memory_space<vmem>>, vector<16xi32>,
      %gather3A_1190 = tpu.vector_load_idx %arg10[%get3A_1189] : memref<10240xi32, #tpu.memory_space<vmem>>[vector<16xi32>], vector<16xi32>,
      %swap3A_1191 = arith.constant 0 : i32
      %swap3A_1192 = arith.index_cast %swap3A_1191 : i32 to index
      %swap3A_1193 = arith.constant 32 : index
      %swap3A_1194 = tpu.vector_load %arg12[%swap3A_1192, %swap3A_1193] {strides = array<i32>} : memref<2x128xi32, #tpu.memory_space<vmem>>, vector<16xi32>,
      tpu.vector_store %arg12[%swap3A_1192, %swap3A_1193], %gather3A_1190 {strides = array<i32>} : memref<2x128xi32, #tpu.memory_space<vmem>>, vector<16xi32>,
      %get3A_1195 = arith.constant 2 : i32
      %get3A_1196 = arith.constant 0 : i32
      %get3A_1197 = arith.index_cast %get3A_1195 : i32 to index
      %get3A_1198 = arith.index_cast %get3A_1196 : i32 to index
      %get3A_1199 = arith.constant 48 : index
      %get3A_1200 = tpu.vector_load %arg11[%get3A_1197, %get3A_1198, %get3A_1199] {strides = array<i32>} : memref<4x2x128xi32, #tpu.memory_space<vmem>>, vector<16xi32>,
      %gather3A_1201 = tpu.vector_load_idx %arg10[%get3A_1200] : memref<10240xi32, #tpu.memory_space<vmem>>[vector<16xi32>], vector<16xi32>,
      %swap3A_1202 = arith.constant 0 : i32
      %swap3A_1203 = arith.index_cast %swap3A_1202 : i32 to index
      %swap3A_1204 = arith.constant 48 : index
      %swap3A_1205 = tpu.vector_load %arg12[%swap3A_1203, %swap3A_1204] {strides = array<i32>} : memref<2x128xi32, #tpu.memory_space<vmem>>, vector<16xi32>,
      tpu.vector_store %arg12[%swap3A_1203, %swap3A_1204], %gather3A_1201 {strides = array<i32>} : memref<2x128xi32, #tpu.memory_space<vmem>>, vector<16xi32>,
      %get3A_1206 = arith.constant 2 : i32
      %get3A_1207 = arith.constant 0 : i32
      %get3A_1208 = arith.index_cast %get3A_1206 : i32 to index
      %get3A_1209 = arith.index_cast %get3A_1207 : i32 to index
      %get3A_1210 = arith.constant 64 : index
      %get3A_1211 = tpu.vector_load %arg11[%get3A_1208, %get3A_1209, %get3A_1210] {strides = array<i32>} : memref<4x2x128xi32, #tpu.memory_space<vmem>>, vector<16xi32>,
      %gather3A_1212 = tpu.vector_load_idx %arg10[%get3A_1211] : memref<10240xi32, #tpu.memory_space<vmem>>[vector<16xi32>], vector<16xi32>,
      %swap3A_1213 = arith.constant 0 : i32
      %swap3A_1214 = arith.index_cast %swap3A_1213 : i32 to index
      %swap3A_1215 = arith.constant 64 : index
      %swap3A_1216 = tpu.vector_load %arg12[%swap3A_1214, %swap3A_1215] {strides = array<i32>} : memref<2x128xi32, #tpu.memory_space<vmem>>, vector<16xi32>,
      tpu.vector_store %arg12[%swap3A_1214, %swap3A_1215], %gather3A_1212 {strides = array<i32>} : memref<2x128xi32, #tpu.memory_space<vmem>>, vector<16xi32>,
      %get3A_1217 = arith.constant 2 : i32
      %get3A_1218 = arith.constant 0 : i32
      %get3A_1219 = arith.index_cast %get3A_1217 : i32 to index
      %get3A_1220 = arith.index_cast %get3A_1218 : i32 to index
      %get3A_1221 = arith.constant 80 : index
      %get3A_1222 = tpu.vector_load %arg11[%get3A_1219, %get3A_1220, %get3A_1221] {strides = array<i32>} : memref<4x2x128xi32, #tpu.memory_space<vmem>>, vector<16xi32>,
      %gather3A_1223 = tpu.vector_load_idx %arg10[%get3A_1222] : memref<10240xi32, #tpu.memory_space<vmem>>[vector<16xi32>], vector<16xi32>,
      %swap3A_1224 = arith.constant 0 : i32
      %swap3A_1225 = arith.index_cast %swap3A_1224 : i32 to index
      %swap3A_1226 = arith.constant 80 : index
      %swap3A_1227 = tpu.vector_load %arg12[%swap3A_1225, %swap3A_1226] {strides = array<i32>} : memref<2x128xi32, #tpu.memory_space<vmem>>, vector<16xi32>,
      tpu.vector_store %arg12[%swap3A_1225, %swap3A_1226], %gather3A_1223 {strides = array<i32>} : memref<2x128xi32, #tpu.memory_space<vmem>>, vector<16xi32>,
      %get3A_1228 = arith.constant 2 : i32
      %get3A_1229 = arith.constant 0 : i32
      %get3A_1230 = arith.index_cast %get3A_1228 : i32 to index
      %get3A_1231 = arith.index_cast %get3A_1229 : i32 to index
      %get3A_1232 = arith.constant 96 : index
      %get3A_1233 = tpu.vector_load %arg11[%get3A_1230, %get3A_1231, %get3A_1232] {strides = array<i32>} : memref<4x2x128xi32, #tpu.memory_space<vmem>>, vector<16xi32>,
      %gather3A_1234 = tpu.vector_load_idx %arg10[%get3A_1233] : memref<10240xi32, #tpu.memory_space<vmem>>[vector<16xi32>], vector<16xi32>,
      %swap3A_1235 = arith.constant 0 : i32
      %swap3A_1236 = arith.index_cast %swap3A_1235 : i32 to index
      %swap3A_1237 = arith.constant 96 : index
      %swap3A_1238 = tpu.vector_load %arg12[%swap3A_1236, %swap3A_1237] {strides = array<i32>} : memref<2x128xi32, #tpu.memory_space<vmem>>, vector<16xi32>,
      tpu.vector_store %arg12[%swap3A_1236, %swap3A_1237], %gather3A_1234 {strides = array<i32>} : memref<2x128xi32, #tpu.memory_space<vmem>>, vector<16xi32>,
      %get3A_1239 = arith.constant 2 : i32
      %get3A_1240 = arith.constant 0 : i32
      %get3A_1241 = arith.index_cast %get3A_1239 : i32 to index
      %get3A_1242 = arith.index_cast %get3A_1240 : i32 to index
      %get3A_1243 = arith.constant 112 : index
      %get3A_1244 = tpu.vector_load %arg11[%get3A_1241, %get3A_1242, %get3A_1243] {strides = array<i32>} : memref<4x2x128xi32, #tpu.memory_space<vmem>>, vector<16xi32>,
      %gather3A_1245 = tpu.vector_load_idx %arg10[%get3A_1244] : memref<10240xi32, #tpu.memory_space<vmem>>[vector<16xi32>], vector<16xi32>,
      %swap3A_1246 = arith.constant 0 : i32
      %swap3A_1247 = arith.index_cast %swap3A_1246 : i32 to index
      %swap3A_1248 = arith.constant 112 : index
      %swap3A_1249 = tpu.vector_load %arg12[%swap3A_1247, %swap3A_1248] {strides = array<i32>} : memref<2x128xi32, #tpu.memory_space<vmem>>, vector<16xi32>,
      tpu.vector_store %arg12[%swap3A_1247, %swap3A_1248], %gather3A_1245 {strides = array<i32>} : memref<2x128xi32, #tpu.memory_space<vmem>>, vector<16xi32>,
      %dma_start3A_1250 = arith.constant 0 : i32
      %dma_start3A_1251 = arith.constant 0 : i32
      %dma_start3A_1252 = arith.constant 0 : i32
      %dma_start3A_1253 = arith.constant 0 : i32
      %dma_start3A_1254 = tpu.memref_slice %arg13[%dma_start3A_1251, %dma_start3A_1252, %dma_start3A_1253] : memref<2x128x64xf32, #tpu.memory_space<vmem>> -> memref<1x128x64xf32, #tpu.memory_space<vmem>>
      %dma_start3A_1255 = tpu.memref_squeeze %dma_start3A_1254 : memref<1x128x64xf32, #tpu.memory_space<vmem>> -> memref<128x64xf32, #tpu.memory_space<vmem>>
      %dma_start3A_1256 = arith.constant 0 : i32
      %dma_start3A_1257 = tpu.memref_slice %arg12[%dma_start3A_1250, %dma_start3A_1256] : memref<2x128xi32, #tpu.memory_space<vmem>> -> memref<1x128xi32, #tpu.memory_space<vmem>>
      %dma_start3A_1258 = tpu.memref_squeeze %dma_start3A_1257 : memref<1x128xi32, #tpu.memory_space<vmem>> -> memref<128xi32, #tpu.memory_space<vmem>>
      %dma_start3A_1259 = arith.constant 0 : i32
      %dma_start3A_1260 = arith.constant 0 : i32
      %dma_start3A_1261 = tpu.memref_slice %arg5[%dma_start3A_1259, %dma_start3A_1260] : memref<100000x64xf32, #tpu.memory_space<hbm>> -> memref<100000x64xf32, #tpu.memory_space<hbm>>
      tpu.enqueue_indirect_dma source(%dma_start3A_1261 : memref<100000x64xf32, #tpu.memory_space<hbm>>) target(%dma_start3A_1255 : memref<128x64xf32, #tpu.memory_space<vmem>>) offsets(%dma_start3A_1258 : memref<128xi32, #tpu.memory_space<vmem>>) semaphore(%arg18 : memref<!tpu.dma_semaphore, #tpu.memory_space<semaphore_mem>>)
      %dma_wait3A_1262 = arith.constant 1 : i32
      %dma_wait3A_1263 = arith.constant 1 : i32
      %dma_wait3A_1264 = arith.constant 0 : i32
      %dma_wait3A_1265 = arith.constant 0 : i32
      %dma_wait3A_1266 = tpu.memref_slice %arg13[%dma_wait3A_1263, %dma_wait3A_1264, %dma_wait3A_1265] : memref<2x128x64xf32, #tpu.memory_space<vmem>> -> memref<1x128x64xf32, #tpu.memory_space<vmem>>
      %dma_wait3A_1267 = tpu.memref_squeeze %dma_wait3A_1266 : memref<1x128x64xf32, #tpu.memory_space<vmem>> -> memref<128x64xf32, #tpu.memory_space<vmem>>
      %dma_wait3A_1268 = arith.constant 0 : i32
      %dma_wait3A_1269 = tpu.memref_slice %arg12[%dma_wait3A_1262, %dma_wait3A_1268] : memref<2x128xi32, #tpu.memory_space<vmem>> -> memref<1x128xi32, #tpu.memory_space<vmem>>
      %dma_wait3A_1270 = tpu.memref_squeeze %dma_wait3A_1269 : memref<1x128xi32, #tpu.memory_space<vmem>> -> memref<128xi32, #tpu.memory_space<vmem>>
      %dma_wait3A_1271 = arith.constant 0 : i32
      %dma_wait3A_1272 = arith.constant 0 : i32
      %dma_wait3A_1273 = tpu.memref_slice %arg5[%dma_wait3A_1271, %dma_wait3A_1272] : memref<100000x64xf32, #tpu.memory_space<hbm>> -> memref<100000x64xf32, #tpu.memory_space<hbm>>
      tpu.wait_indirect_dma semaphore(%arg19 : memref<!tpu.dma_semaphore, #tpu.memory_space<semaphore_mem>>) src(%dma_wait3A_1273 : memref<100000x64xf32, #tpu.memory_space<hbm>>) dst(%dma_wait3A_1267 : memref<128x64xf32, #tpu.memory_space<vmem>>)
      %scan3A_1274 = arith.constant 0 : i32
      %scan3A_1275 = arith.constant 0 : i32
      %scan3A_1276 = arith.constant 128 : i32
      %scan3A_1277 = arith.addi %scan3A_1275, %scan3A_1276 : i32
      %scan3A_1278 = arith.constant 1 : i32
      scf.for %scan3A_1619 = %scan3A_1275 to %scan3A_1277 step %scan3A_1278  : i32 {
        %get3A_1620 = arith.constant 1 : i32
        %get3A_1621 = arith.index_cast %get3A_1620 : i32 to index
        %get3A_1622 = arith.index_cast %scan3A_1619 : i32 to index
        %get3A_1623 = arith.constant 0 : index
        %get3A_1624 = tpu.vector_load %arg13[%get3A_1621, %get3A_1622, %get3A_1623] {strides = array<i32>} : memref<2x128x64xf32, #tpu.memory_space<vmem>>, vector<16xf32>,
        %bitcast3A = vector.bitcast %get3A_1624 : vector<16xf32> to vector<16xi32>
        %shift_left3A = arith.constant 16 : i32
        %shift_left3A_1625 = vector.broadcast %shift_left3A : i32 to vector<16xi32>
        %shift_left3A_1626 = arith.shli %bitcast3A, %shift_left3A_1625 : vector<16xi32>
        %bitcast3A_1627 = vector.bitcast %shift_left3A_1626 : vector<16xi32> to vector<16xf32>
        %swap3A_1628 = arith.constant 1 : i32
        %swap3A_1629 = arith.index_cast %swap3A_1628 : i32 to index
        %swap3A_1630 = arith.index_cast %scan3A_1619 : i32 to index
        %swap3A_1631 = arith.constant 0 : index
        %swap3A_1632 = tpu.vector_load %arg13[%swap3A_1629, %swap3A_1630, %swap3A_1631] {strides = array<i32>} : memref<2x128x64xf32, #tpu.memory_space<vmem>>, vector<16xf32>,
        tpu.vector_store %arg13[%swap3A_1629, %swap3A_1630, %swap3A_1631], %bitcast3A_1627 {strides = array<i32>} : memref<2x128x64xf32, #tpu.memory_space<vmem>>, vector<16xf32>,
        %and3A = vector.broadcast %scan3A_432 : i32 to vector<16xi32>
        %and3A_1633 = arith.andi %bitcast3A, %and3A : vector<16xi32>
        %bitcast3A_1634 = vector.bitcast %and3A_1633 : vector<16xi32> to vector<16xf32>
        %swap3A_1635 = arith.index_cast %scan3A_1619 : i32 to index
        %swap3A_1636 = arith.constant 0 : index
        %swap3A_1637 = tpu.vector_load %arg14[%swap3A_1635, %swap3A_1636] {strides = array<i32>} : memref<128x64xf32, #tpu.memory_space<vmem>>, vector<16xf32>,
        tpu.vector_store %arg14[%swap3A_1635, %swap3A_1636], %bitcast3A_1634 {strides = array<i32>} : memref<128x64xf32, #tpu.memory_space<vmem>>, vector<16xf32>,
        %get3A_1638 = arith.constant 1 : i32
        %get3A_1639 = arith.index_cast %get3A_1638 : i32 to index
        %get3A_1640 = arith.index_cast %scan3A_1619 : i32 to index
        %get3A_1641 = arith.constant 16 : index
        %get3A_1642 = tpu.vector_load %arg13[%get3A_1639, %get3A_1640, %get3A_1641] {strides = array<i32>} : memref<2x128x64xf32, #tpu.memory_space<vmem>>, vector<16xf32>,
        %bitcast3A_1643 = vector.bitcast %get3A_1642 : vector<16xf32> to vector<16xi32>
        %shift_left3A_1644 = arith.constant 16 : i32
        %shift_left3A_1645 = vector.broadcast %shift_left3A_1644 : i32 to vector<16xi32>
        %shift_left3A_1646 = arith.shli %bitcast3A_1643, %shift_left3A_1645 : vector<16xi32>
        %bitcast3A_1647 = vector.bitcast %shift_left3A_1646 : vector<16xi32> to vector<16xf32>
        %swap3A_1648 = arith.constant 1 : i32
        %swap3A_1649 = arith.index_cast %swap3A_1648 : i32 to index
        %swap3A_1650 = arith.index_cast %scan3A_1619 : i32 to index
        %swap3A_1651 = arith.constant 16 : index
        %swap3A_1652 = tpu.vector_load %arg13[%swap3A_1649, %swap3A_1650, %swap3A_1651] {strides = array<i32>} : memref<2x128x64xf32, #tpu.memory_space<vmem>>, vector<16xf32>,
        tpu.vector_store %arg13[%swap3A_1649, %swap3A_1650, %swap3A_1651], %bitcast3A_1647 {strides = array<i32>} : memref<2x128x64xf32, #tpu.memory_space<vmem>>, vector<16xf32>,
        %and3A_1653 = vector.broadcast %scan3A_432 : i32 to vector<16xi32>
        %and3A_1654 = arith.andi %bitcast3A_1643, %and3A_1653 : vector<16xi32>
        %bitcast3A_1655 = vector.bitcast %and3A_1654 : vector<16xi32> to vector<16xf32>
        %swap3A_1656 = arith.index_cast %scan3A_1619 : i32 to index
        %swap3A_1657 = arith.constant 16 : index
        %swap3A_1658 = tpu.vector_load %arg14[%swap3A_1656, %swap3A_1657] {strides = array<i32>} : memref<128x64xf32, #tpu.memory_space<vmem>>, vector<16xf32>,
        tpu.vector_store %arg14[%swap3A_1656, %swap3A_1657], %bitcast3A_1655 {strides = array<i32>} : memref<128x64xf32, #tpu.memory_space<vmem>>, vector<16xf32>,
        %get3A_1659 = arith.constant 1 : i32
        %get3A_1660 = arith.index_cast %get3A_1659 : i32 to index
        %get3A_1661 = arith.index_cast %scan3A_1619 : i32 to index
        %get3A_1662 = arith.constant 32 : index
        %get3A_1663 = tpu.vector_load %arg13[%get3A_1660, %get3A_1661, %get3A_1662] {strides = array<i32>} : memref<2x128x64xf32, #tpu.memory_space<vmem>>, vector<16xf32>,
        %bitcast3A_1664 = vector.bitcast %get3A_1663 : vector<16xf32> to vector<16xi32>
        %shift_left3A_1665 = arith.constant 16 : i32
        %shift_left3A_1666 = vector.broadcast %shift_left3A_1665 : i32 to vector<16xi32>
        %shift_left3A_1667 = arith.shli %bitcast3A_1664, %shift_left3A_1666 : vector<16xi32>
        %bitcast3A_1668 = vector.bitcast %shift_left3A_1667 : vector<16xi32> to vector<16xf32>
        %swap3A_1669 = arith.constant 1 : i32
        %swap3A_1670 = arith.index_cast %swap3A_1669 : i32 to index
        %swap3A_1671 = arith.index_cast %scan3A_1619 : i32 to index
        %swap3A_1672 = arith.constant 32 : index
        %swap3A_1673 = tpu.vector_load %arg13[%swap3A_1670, %swap3A_1671, %swap3A_1672] {strides = array<i32>} : memref<2x128x64xf32, #tpu.memory_space<vmem>>, vector<16xf32>,
        tpu.vector_store %arg13[%swap3A_1670, %swap3A_1671, %swap3A_1672], %bitcast3A_1668 {strides = array<i32>} : memref<2x128x64xf32, #tpu.memory_space<vmem>>, vector<16xf32>,
        %and3A_1674 = vector.broadcast %scan3A_432 : i32 to vector<16xi32>
        %and3A_1675 = arith.andi %bitcast3A_1664, %and3A_1674 : vector<16xi32>
        %bitcast3A_1676 = vector.bitcast %and3A_1675 : vector<16xi32> to vector<16xf32>
        %swap3A_1677 = arith.index_cast %scan3A_1619 : i32 to index
        %swap3A_1678 = arith.constant 32 : index
        %swap3A_1679 = tpu.vector_load %arg14[%swap3A_1677, %swap3A_1678] {strides = array<i32>} : memref<128x64xf32, #tpu.memory_space<vmem>>, vector<16xf32>,
        tpu.vector_store %arg14[%swap3A_1677, %swap3A_1678], %bitcast3A_1676 {strides = array<i32>} : memref<128x64xf32, #tpu.memory_space<vmem>>, vector<16xf32>,
        %get3A_1680 = arith.constant 1 : i32
        %get3A_1681 = arith.index_cast %get3A_1680 : i32 to index
        %get3A_1682 = arith.index_cast %scan3A_1619 : i32 to index
        %get3A_1683 = arith.constant 48 : index
        %get3A_1684 = tpu.vector_load %arg13[%get3A_1681, %get3A_1682, %get3A_1683] {strides = array<i32>} : memref<2x128x64xf32, #tpu.memory_space<vmem>>, vector<16xf32>,
        %bitcast3A_1685 = vector.bitcast %get3A_1684 : vector<16xf32> to vector<16xi32>
        %shift_left3A_1686 = arith.constant 16 : i32
        %shift_left3A_1687 = vector.broadcast %shift_left3A_1686 : i32 to vector<16xi32>
        %shift_left3A_1688 = arith.shli %bitcast3A_1685, %shift_left3A_1687 : vector<16xi32>
        %bitcast3A_1689 = vector.bitcast %shift_left3A_1688 : vector<16xi32> to vector<16xf32>
        %swap3A_1690 = arith.constant 1 : i32
        %swap3A_1691 = arith.index_cast %swap3A_1690 : i32 to index
        %swap3A_1692 = arith.index_cast %scan3A_1619 : i32 to index
        %swap3A_1693 = arith.constant 48 : index
        %swap3A_1694 = tpu.vector_load %arg13[%swap3A_1691, %swap3A_1692, %swap3A_1693] {strides = array<i32>} : memref<2x128x64xf32, #tpu.memory_space<vmem>>, vector<16xf32>,
        tpu.vector_store %arg13[%swap3A_1691, %swap3A_1692, %swap3A_1693], %bitcast3A_1689 {strides = array<i32>} : memref<2x128x64xf32, #tpu.memory_space<vmem>>, vector<16xf32>,
        %and3A_1695 = vector.broadcast %scan3A_432 : i32 to vector<16xi32>
        %and3A_1696 = arith.andi %bitcast3A_1685, %and3A_1695 : vector<16xi32>
        %bitcast3A_1697 = vector.bitcast %and3A_1696 : vector<16xi32> to vector<16xf32>
        %swap3A_1698 = arith.index_cast %scan3A_1619 : i32 to index
        %swap3A_1699 = arith.constant 48 : index
        %swap3A_1700 = tpu.vector_load %arg14[%swap3A_1698, %swap3A_1699] {strides = array<i32>} : memref<128x64xf32, #tpu.memory_space<vmem>>, vector<16xf32>,
        tpu.vector_store %arg14[%swap3A_1698, %swap3A_1699], %bitcast3A_1697 {strides = array<i32>} : memref<128x64xf32, #tpu.memory_space<vmem>>, vector<16xf32>,
      }
      %scan3A_1279 = arith.constant 128 : i32
      %run_scoped3A_1280 = arith.constant 1 : i32
      %run_scoped3A_1281 = arith.constant 1 : i32
      %run_scoped3A_1282 = arith.constant 1 : i32
      "tpu.region"() ({
        %run_scoped3A_1619 = tpu.sem_alloc : memref<!tpu.dma_semaphore, #tpu.memory_space<semaphore_mem>>
        %dma_start3A_1620 = arith.constant 0 : i32
        %dma_start3A_1621 = arith.constant 0 : i32
        %dma_start3A_1622 = tpu.memref_slice %arg13[%run_scoped3A_1280, %dma_start3A_1620, %dma_start3A_1621] : memref<2x128x64xf32, #tpu.memory_space<vmem>> -> memref<1x128x64xf32, #tpu.memory_space<vmem>>
        %dma_start3A_1623 = tpu.memref_squeeze %dma_start3A_1622 : memref<1x128x64xf32, #tpu.memory_space<vmem>> -> memref<128x64xf32, #tpu.memory_space<vmem>>
        %dma_start3A_1624 = arith.constant 0 : i32
        %dma_start3A_1625 = tpu.memref_slice %arg11[%run_scoped3A_1281, %run_scoped3A_1282, %dma_start3A_1624] : memref<4x2x128xi32, #tpu.memory_space<vmem>> -> memref<1x1x128xi32, #tpu.memory_space<vmem>>
        %dma_start3A_1626 = tpu.memref_squeeze %dma_start3A_1625 : memref<1x1x128xi32, #tpu.memory_space<vmem>> -> memref<128xi32, #tpu.memory_space<vmem>>
        %dma_start3A_1627 = arith.constant 0 : i32
        %dma_start3A_1628 = arith.constant 0 : i32
        %dma_start3A_1629 = tpu.memref_slice %arg16[%dma_start3A_1627, %dma_start3A_1628] : memref<10240x64xf32, #tpu.memory_space<vmem_shared>> -> memref<10240x64xf32, #tpu.memory_space<vmem_shared>>
        tpu.enqueue_indirect_dma source(%dma_start3A_1623 : memref<128x64xf32, #tpu.memory_space<vmem>>) target(%dma_start3A_1629 : memref<10240x64xf32, #tpu.memory_space<vmem_shared>>) offsets(%dma_start3A_1626 : memref<128xi32, #tpu.memory_space<vmem>>) semaphore(%run_scoped3A_1619 : memref<!tpu.dma_semaphore, #tpu.memory_space<semaphore_mem>>) {add = true}
        %dma_wait3A_1630 = arith.constant 0 : i32
        %dma_wait3A_1631 = arith.constant 0 : i32
        %dma_wait3A_1632 = tpu.memref_slice %arg13[%run_scoped3A_1280, %dma_wait3A_1630, %dma_wait3A_1631] : memref<2x128x64xf32, #tpu.memory_space<vmem>> -> memref<1x128x64xf32, #tpu.memory_space<vmem>>
        %dma_wait3A_1633 = tpu.memref_squeeze %dma_wait3A_1632 : memref<1x128x64xf32, #tpu.memory_space<vmem>> -> memref<128x64xf32, #tpu.memory_space<vmem>>
        %dma_wait3A_1634 = arith.constant 0 : i32
        %dma_wait3A_1635 = tpu.memref_slice %arg11[%run_scoped3A_1281, %run_scoped3A_1282, %dma_wait3A_1634] : memref<4x2x128xi32, #tpu.memory_space<vmem>> -> memref<1x1x128xi32, #tpu.memory_space<vmem>>
        %dma_wait3A_1636 = tpu.memref_squeeze %dma_wait3A_1635 : memref<1x1x128xi32, #tpu.memory_space<vmem>> -> memref<128xi32, #tpu.memory_space<vmem>>
        %dma_wait3A_1637 = arith.constant 0 : i32
        %dma_wait3A_1638 = arith.constant 0 : i32
        %dma_wait3A_1639 = tpu.memref_slice %arg16[%dma_wait3A_1637, %dma_wait3A_1638] : memref<10240x64xf32, #tpu.memory_space<vmem_shared>> -> memref<10240x64xf32, #tpu.memory_space<vmem_shared>>
        tpu.wait_indirect_dma semaphore(%run_scoped3A_1619 : memref<!tpu.dma_semaphore, #tpu.memory_space<semaphore_mem>>) src(%dma_wait3A_1633 : memref<128x64xf32, #tpu.memory_space<vmem>>) dst(%dma_wait3A_1639 : memref<10240x64xf32, #tpu.memory_space<vmem_shared>>)
        tpu.yield
      }) : () -> ()
      %run_scoped3A_1283 = arith.constant 1 : i32
      %run_scoped3A_1284 = arith.constant 1 : i32
      "tpu.region"() ({
        %run_scoped3A_1619 = tpu.sem_alloc : memref<!tpu.dma_semaphore, #tpu.memory_space<semaphore_mem>>
        %dma_start3A_1620 = arith.constant 0 : i32
        %dma_start3A_1621 = tpu.memref_slice %arg11[%run_scoped3A_1283, %run_scoped3A_1284, %dma_start3A_1620] : memref<4x2x128xi32, #tpu.memory_space<vmem>> -> memref<1x1x128xi32, #tpu.memory_space<vmem>>
        %dma_start3A_1622 = tpu.memref_squeeze %dma_start3A_1621 : memref<1x1x128xi32, #tpu.memory_space<vmem>> -> memref<128xi32, #tpu.memory_space<vmem>>
        %dma_start3A_1623 = arith.constant 0 : i32
        %dma_start3A_1624 = arith.constant 0 : i32
        %dma_start3A_1625 = tpu.memref_slice %arg17[%dma_start3A_1623, %dma_start3A_1624] : memref<10240x64xf32, #tpu.memory_space<vmem_shared>> -> memref<10240x64xf32, #tpu.memory_space<vmem_shared>>
        tpu.enqueue_indirect_dma source(%arg14 : memref<128x64xf32, #tpu.memory_space<vmem>>) target(%dma_start3A_1625 : memref<10240x64xf32, #tpu.memory_space<vmem_shared>>) offsets(%dma_start3A_1622 : memref<128xi32, #tpu.memory_space<vmem>>) semaphore(%run_scoped3A_1619 : memref<!tpu.dma_semaphore, #tpu.memory_space<semaphore_mem>>) {add = true}
        %dma_wait3A_1626 = arith.constant 0 : i32
        %dma_wait3A_1627 = tpu.memref_slice %arg11[%run_scoped3A_1283, %run_scoped3A_1284, %dma_wait3A_1626] : memref<4x2x128xi32, #tpu.memory_space<vmem>> -> memref<1x1x128xi32, #tpu.memory_space<vmem>>
        %dma_wait3A_1628 = tpu.memref_squeeze %dma_wait3A_1627 : memref<1x1x128xi32, #tpu.memory_space<vmem>> -> memref<128xi32, #tpu.memory_space<vmem>>
        %dma_wait3A_1629 = arith.constant 0 : i32
        %dma_wait3A_1630 = arith.constant 0 : i32
        %dma_wait3A_1631 = tpu.memref_slice %arg17[%dma_wait3A_1629, %dma_wait3A_1630] : memref<10240x64xf32, #tpu.memory_space<vmem_shared>> -> memref<10240x64xf32, #tpu.memory_space<vmem_shared>>
        tpu.wait_indirect_dma semaphore(%run_scoped3A_1619 : memref<!tpu.dma_semaphore, #tpu.memory_space<semaphore_mem>>) src(%arg14 : memref<128x64xf32, #tpu.memory_space<vmem>>) dst(%dma_wait3A_1631 : memref<10240x64xf32, #tpu.memory_space<vmem_shared>>)
        tpu.yield
      }) : () -> ()
      %add3A_1285 = arith.constant 4 : i32
      %add3A_1286 = arith.addi %mul3A_950, %add3A_1285 : i32
      %mul3A_1287 = arith.constant 80 : i32
      %mul3A_1288 = arith.muli %add3A, %mul3A_1287 : i32
      %add3A_1289 = arith.addi %mul3A_1288, %add3A_1286 : i32
      %dma_start3A_1290 = arith.constant 0 : i32
      %dma_start3A_1291 = arith.constant 0 : i32
      %dma_start3A_1292 = arith.constant 0 : i32
      %dma_start3A_1293 = tpu.memref_slice %arg11[%dma_start3A_1290, %dma_start3A_1291, %dma_start3A_1292] : memref<4x2x128xi32, #tpu.memory_space<vmem>> -> memref<1x2x128xi32, #tpu.memory_space<vmem>>
      %dma_start3A_1294 = tpu.memref_squeeze %dma_start3A_1293 : memref<1x2x128xi32, #tpu.memory_space<vmem>> -> memref<2x128xi32, #tpu.memory_space<vmem>>
      %dma_start3A_1295 = arith.constant 0 : i32
      %dma_start3A_1296 = arith.constant 0 : i32
      %dma_start3A_1297 = tpu.memref_slice %arg3[%add3A_1289, %dma_start3A_1295, %dma_start3A_1296] : memref<2560x2x128xi32, #tpu.memory_space<hbm>> -> memref<1x2x128xi32, #tpu.memory_space<hbm>>
      %dma_start3A_1298 = tpu.memref_squeeze %dma_start3A_1297 : memref<1x2x128xi32, #tpu.memory_space<hbm>> -> memref<2x128xi32, #tpu.memory_space<hbm>>
      %dma_start3A_1299 = arith.constant 0 : i32
      %dma_start3A_1300 = arith.constant 0 : i32
      %dma_start3A_1301 = tpu.memref_slice %arg11[%dma_start3A_1290, %dma_start3A_1299, %dma_start3A_1300] : memref<4x2x128xi32, #tpu.memory_space<vmem>> -> memref<1x2x128xi32, #tpu.memory_space<vmem>>
      %dma_start3A_1302 = tpu.memref_squeeze %dma_start3A_1301 : memref<1x2x128xi32, #tpu.memory_space<vmem>> -> memref<2x128xi32, #tpu.memory_space<vmem>>
      %dma_start3A_1303 = arith.constant 0 : i32
      %dma_start3A_1304 = arith.constant 0 : i32
      %dma_start3A_1305 = tpu.memref_slice %arg3[%add3A_1289, %dma_start3A_1303, %dma_start3A_1304] : memref<2560x2x128xi32, #tpu.memory_space<hbm>> -> memref<1x2x128xi32, #tpu.memory_space<hbm>>
      %dma_start3A_1306 = tpu.memref_squeeze %dma_start3A_1305 : memref<1x2x128xi32, #tpu.memory_space<hbm>> -> memref<2x128xi32, #tpu.memory_space<hbm>>
      tpu.enqueue_dma source(%dma_start3A_1306 : memref<2x128xi32, #tpu.memory_space<hbm>>) target(%dma_start3A_1302 : memref<2x128xi32, #tpu.memory_space<vmem>>) target_semaphore(%arg20 : memref<!tpu.dma_semaphore, #tpu.memory_space<semaphore_mem>>)
      %add3A_1307 = arith.constant 3 : i32
      %add3A_1308 = arith.addi %mul3A_950, %add3A_1307 : i32
      %mul3A_1309 = arith.constant 80 : i32
      %mul3A_1310 = arith.muli %add3A, %mul3A_1309 : i32
      %add3A_1311 = arith.addi %mul3A_1310, %add3A_1308 : i32
      %dma_wait3A_1312 = arith.constant 3 : i32
      %dma_wait3A_1313 = arith.constant 0 : i32
      %dma_wait3A_1314 = arith.constant 0 : i32
      %dma_wait3A_1315 = tpu.memref_slice %arg11[%dma_wait3A_1312, %dma_wait3A_1313, %dma_wait3A_1314] : memref<4x2x128xi32, #tpu.memory_space<vmem>> -> memref<1x2x128xi32, #tpu.memory_space<vmem>>
      %dma_wait3A_1316 = tpu.memref_squeeze %dma_wait3A_1315 : memref<1x2x128xi32, #tpu.memory_space<vmem>> -> memref<2x128xi32, #tpu.memory_space<vmem>>
      %dma_wait3A_1317 = arith.constant 0 : i32
      %dma_wait3A_1318 = arith.constant 0 : i32
      %dma_wait3A_1319 = tpu.memref_slice %arg3[%add3A_1311, %dma_wait3A_1317, %dma_wait3A_1318] : memref<2560x2x128xi32, #tpu.memory_space<hbm>> -> memref<1x2x128xi32, #tpu.memory_space<hbm>>
      %dma_wait3A_1320 = tpu.memref_squeeze %dma_wait3A_1319 : memref<1x2x128xi32, #tpu.memory_space<hbm>> -> memref<2x128xi32, #tpu.memory_space<hbm>>
      %dma_wait3A_1321 = arith.constant 0 : i32
      %dma_wait3A_1322 = arith.constant 0 : i32
      %dma_wait3A_1323 = tpu.memref_slice %arg11[%dma_wait3A_1312, %dma_wait3A_1321, %dma_wait3A_1322] : memref<4x2x128xi32, #tpu.memory_space<vmem>> -> memref<1x2x128xi32, #tpu.memory_space<vmem>>
      %dma_wait3A_1324 = tpu.memref_squeeze %dma_wait3A_1323 : memref<1x2x128xi32, #tpu.memory_space<vmem>> -> memref<2x128xi32, #tpu.memory_space<vmem>>
      %dma_wait3A_1325 = arith.constant 0 : i32
      %dma_wait3A_1326 = arith.constant 0 : i32
      %dma_wait3A_1327 = tpu.memref_slice %arg3[%add3A_1311, %dma_wait3A_1325, %dma_wait3A_1326] : memref<2560x2x128xi32, #tpu.memory_space<hbm>> -> memref<1x2x128xi32, #tpu.memory_space<hbm>>
      %dma_wait3A_1328 = tpu.memref_squeeze %dma_wait3A_1327 : memref<1x2x128xi32, #tpu.memory_space<hbm>> -> memref<2x128xi32, #tpu.memory_space<hbm>>
      tpu.wait_dma2 semaphore(%arg23 : memref<!tpu.dma_semaphore, #tpu.memory_space<semaphore_mem>>) src(%dma_wait3A_1328 : memref<2x128xi32, #tpu.memory_space<hbm>>) dst(%dma_wait3A_1324 : memref<2x128xi32, #tpu.memory_space<vmem>>)
      %get3A_1329 = arith.constant 3 : i32
      %get3A_1330 = arith.constant 0 : i32
      %get3A_1331 = arith.index_cast %get3A_1329 : i32 to index
      %get3A_1332 = arith.index_cast %get3A_1330 : i32 to index
      %get3A_1333 = arith.constant 0 : index
      %get3A_1334 = tpu.vector_load %arg11[%get3A_1331, %get3A_1332, %get3A_1333] {strides = array<i32>} : memref<4x2x128xi32, #tpu.memory_space<vmem>>, vector<16xi32>,
      %gather3A_1335 = tpu.vector_load_idx %arg10[%get3A_1334] : memref<10240xi32, #tpu.memory_space<vmem>>[vector<16xi32>], vector<16xi32>,
      %swap3A_1336 = arith.constant 1 : i32
      %swap3A_1337 = arith.index_cast %swap3A_1336 : i32 to index
      %swap3A_1338 = arith.constant 0 : index
      %swap3A_1339 = tpu.vector_load %arg12[%swap3A_1337, %swap3A_1338] {strides = array<i32>} : memref<2x128xi32, #tpu.memory_space<vmem>>, vector<16xi32>,
      tpu.vector_store %arg12[%swap3A_1337, %swap3A_1338], %gather3A_1335 {strides = array<i32>} : memref<2x128xi32, #tpu.memory_space<vmem>>, vector<16xi32>,
      %get3A_1340 = arith.constant 3 : i32
      %get3A_1341 = arith.constant 0 : i32
      %get3A_1342 = arith.index_cast %get3A_1340 : i32 to index
      %get3A_1343 = arith.index_cast %get3A_1341 : i32 to index
      %get3A_1344 = arith.constant 16 : index
      %get3A_1345 = tpu.vector_load %arg11[%get3A_1342, %get3A_1343, %get3A_1344] {strides = array<i32>} : memref<4x2x128xi32, #tpu.memory_space<vmem>>, vector<16xi32>,
      %gather3A_1346 = tpu.vector_load_idx %arg10[%get3A_1345] : memref<10240xi32, #tpu.memory_space<vmem>>[vector<16xi32>], vector<16xi32>,
      %swap3A_1347 = arith.constant 1 : i32
      %swap3A_1348 = arith.index_cast %swap3A_1347 : i32 to index
      %swap3A_1349 = arith.constant 16 : index
      %swap3A_1350 = tpu.vector_load %arg12[%swap3A_1348, %swap3A_1349] {strides = array<i32>} : memref<2x128xi32, #tpu.memory_space<vmem>>, vector<16xi32>,
      tpu.vector_store %arg12[%swap3A_1348, %swap3A_1349], %gather3A_1346 {strides = array<i32>} : memref<2x128xi32, #tpu.memory_space<vmem>>, vector<16xi32>,
      %get3A_1351 = arith.constant 3 : i32
      %get3A_1352 = arith.constant 0 : i32
      %get3A_1353 = arith.index_cast %get3A_1351 : i32 to index
      %get3A_1354 = arith.index_cast %get3A_1352 : i32 to index
      %get3A_1355 = arith.constant 32 : index
      %get3A_1356 = tpu.vector_load %arg11[%get3A_1353, %get3A_1354, %get3A_1355] {strides = array<i32>} : memref<4x2x128xi32, #tpu.memory_space<vmem>>, vector<16xi32>,
      %gather3A_1357 = tpu.vector_load_idx %arg10[%get3A_1356] : memref<10240xi32, #tpu.memory_space<vmem>>[vector<16xi32>], vector<16xi32>,
      %swap3A_1358 = arith.constant 1 : i32
      %swap3A_1359 = arith.index_cast %swap3A_1358 : i32 to index
      %swap3A_1360 = arith.constant 32 : index
      %swap3A_1361 = tpu.vector_load %arg12[%swap3A_1359, %swap3A_1360] {strides = array<i32>} : memref<2x128xi32, #tpu.memory_space<vmem>>, vector<16xi32>,
      tpu.vector_store %arg12[%swap3A_1359, %swap3A_1360], %gather3A_1357 {strides = array<i32>} : memref<2x128xi32, #tpu.memory_space<vmem>>, vector<16xi32>,
      %get3A_1362 = arith.constant 3 : i32
      %get3A_1363 = arith.constant 0 : i32
      %get3A_1364 = arith.index_cast %get3A_1362 : i32 to index
      %get3A_1365 = arith.index_cast %get3A_1363 : i32 to index
      %get3A_1366 = arith.constant 48 : index
      %get3A_1367 = tpu.vector_load %arg11[%get3A_1364, %get3A_1365, %get3A_1366] {strides = array<i32>} : memref<4x2x128xi32, #tpu.memory_space<vmem>>, vector<16xi32>,
      %gather3A_1368 = tpu.vector_load_idx %arg10[%get3A_1367] : memref<10240xi32, #tpu.memory_space<vmem>>[vector<16xi32>], vector<16xi32>,
      %swap3A_1369 = arith.constant 1 : i32
      %swap3A_1370 = arith.index_cast %swap3A_1369 : i32 to index
      %swap3A_1371 = arith.constant 48 : index
      %swap3A_1372 = tpu.vector_load %arg12[%swap3A_1370, %swap3A_1371] {strides = array<i32>} : memref<2x128xi32, #tpu.memory_space<vmem>>, vector<16xi32>,
      tpu.vector_store %arg12[%swap3A_1370, %swap3A_1371], %gather3A_1368 {strides = array<i32>} : memref<2x128xi32, #tpu.memory_space<vmem>>, vector<16xi32>,
      %get3A_1373 = arith.constant 3 : i32
      %get3A_1374 = arith.constant 0 : i32
      %get3A_1375 = arith.index_cast %get3A_1373 : i32 to index
      %get3A_1376 = arith.index_cast %get3A_1374 : i32 to index
      %get3A_1377 = arith.constant 64 : index
      %get3A_1378 = tpu.vector_load %arg11[%get3A_1375, %get3A_1376, %get3A_1377] {strides = array<i32>} : memref<4x2x128xi32, #tpu.memory_space<vmem>>, vector<16xi32>,
      %gather3A_1379 = tpu.vector_load_idx %arg10[%get3A_1378] : memref<10240xi32, #tpu.memory_space<vmem>>[vector<16xi32>], vector<16xi32>,
      %swap3A_1380 = arith.constant 1 : i32
      %swap3A_1381 = arith.index_cast %swap3A_1380 : i32 to index
      %swap3A_1382 = arith.constant 64 : index
      %swap3A_1383 = tpu.vector_load %arg12[%swap3A_1381, %swap3A_1382] {strides = array<i32>} : memref<2x128xi32, #tpu.memory_space<vmem>>, vector<16xi32>,
      tpu.vector_store %arg12[%swap3A_1381, %swap3A_1382], %gather3A_1379 {strides = array<i32>} : memref<2x128xi32, #tpu.memory_space<vmem>>, vector<16xi32>,
      %get3A_1384 = arith.constant 3 : i32
      %get3A_1385 = arith.constant 0 : i32
      %get3A_1386 = arith.index_cast %get3A_1384 : i32 to index
      %get3A_1387 = arith.index_cast %get3A_1385 : i32 to index
      %get3A_1388 = arith.constant 80 : index
      %get3A_1389 = tpu.vector_load %arg11[%get3A_1386, %get3A_1387, %get3A_1388] {strides = array<i32>} : memref<4x2x128xi32, #tpu.memory_space<vmem>>, vector<16xi32>,
      %gather3A_1390 = tpu.vector_load_idx %arg10[%get3A_1389] : memref<10240xi32, #tpu.memory_space<vmem>>[vector<16xi32>], vector<16xi32>,
      %swap3A_1391 = arith.constant 1 : i32
      %swap3A_1392 = arith.index_cast %swap3A_1391 : i32 to index
      %swap3A_1393 = arith.constant 80 : index
      %swap3A_1394 = tpu.vector_load %arg12[%swap3A_1392, %swap3A_1393] {strides = array<i32>} : memref<2x128xi32, #tpu.memory_space<vmem>>, vector<16xi32>,
      tpu.vector_store %arg12[%swap3A_1392, %swap3A_1393], %gather3A_1390 {strides = array<i32>} : memref<2x128xi32, #tpu.memory_space<vmem>>, vector<16xi32>,
      %get3A_1395 = arith.constant 3 : i32
      %get3A_1396 = arith.constant 0 : i32
      %get3A_1397 = arith.index_cast %get3A_1395 : i32 to index
      %get3A_1398 = arith.index_cast %get3A_1396 : i32 to index
      %get3A_1399 = arith.constant 96 : index
      %get3A_1400 = tpu.vector_load %arg11[%get3A_1397, %get3A_1398, %get3A_1399] {strides = array<i32>} : memref<4x2x128xi32, #tpu.memory_space<vmem>>, vector<16xi32>,
      %gather3A_1401 = tpu.vector_load_idx %arg10[%get3A_1400] : memref<10240xi32, #tpu.memory_space<vmem>>[vector<16xi32>], vector<16xi32>,
      %swap3A_1402 = arith.constant 1 : i32
      %swap3A_1403 = arith.index_cast %swap3A_1402 : i32 to index
      %swap3A_1404 = arith.constant 96 : index
      %swap3A_1405 = tpu.vector_load %arg12[%swap3A_1403, %swap3A_1404] {strides = array<i32>} : memref<2x128xi32, #tpu.memory_space<vmem>>, vector<16xi32>,
      tpu.vector_store %arg12[%swap3A_1403, %swap3A_1404], %gather3A_1401 {strides = array<i32>} : memref<2x128xi32, #tpu.memory_space<vmem>>, vector<16xi32>,
      %get3A_1406 = arith.constant 3 : i32
      %get3A_1407 = arith.constant 0 : i32
      %get3A_1408 = arith.index_cast %get3A_1406 : i32 to index
      %get3A_1409 = arith.index_cast %get3A_1407 : i32 to index
      %get3A_1410 = arith.constant 112 : index
      %get3A_1411 = tpu.vector_load %arg11[%get3A_1408, %get3A_1409, %get3A_1410] {strides = array<i32>} : memref<4x2x128xi32, #tpu.memory_space<vmem>>, vector<16xi32>,
      %gather3A_1412 = tpu.vector_load_idx %arg10[%get3A_1411] : memref<10240xi32, #tpu.memory_space<vmem>>[vector<16xi32>], vector<16xi32>,
      %swap3A_1413 = arith.constant 1 : i32
      %swap3A_1414 = arith.index_cast %swap3A_1413 : i32 to index
      %swap3A_1415 = arith.constant 112 : index
      %swap3A_1416 = tpu.vector_load %arg12[%swap3A_1414, %swap3A_1415] {strides = array<i32>} : memref<2x128xi32, #tpu.memory_space<vmem>>, vector<16xi32>,
      tpu.vector_store %arg12[%swap3A_1414, %swap3A_1415], %gather3A_1412 {strides = array<i32>} : memref<2x128xi32, #tpu.memory_space<vmem>>, vector<16xi32>,
      %dma_start3A_1417 = arith.constant 1 : i32
      %dma_start3A_1418 = arith.constant 1 : i32
      %dma_start3A_1419 = arith.constant 0 : i32
      %dma_start3A_1420 = arith.constant 0 : i32
      %dma_start3A_1421 = tpu.memref_slice %arg13[%dma_start3A_1418, %dma_start3A_1419, %dma_start3A_1420] : memref<2x128x64xf32, #tpu.memory_space<vmem>> -> memref<1x128x64xf32, #tpu.memory_space<vmem>>
      %dma_start3A_1422 = tpu.memref_squeeze %dma_start3A_1421 : memref<1x128x64xf32, #tpu.memory_space<vmem>> -> memref<128x64xf32, #tpu.memory_space<vmem>>
      %dma_start3A_1423 = arith.constant 0 : i32
      %dma_start3A_1424 = tpu.memref_slice %arg12[%dma_start3A_1417, %dma_start3A_1423] : memref<2x128xi32, #tpu.memory_space<vmem>> -> memref<1x128xi32, #tpu.memory_space<vmem>>
      %dma_start3A_1425 = tpu.memref_squeeze %dma_start3A_1424 : memref<1x128xi32, #tpu.memory_space<vmem>> -> memref<128xi32, #tpu.memory_space<vmem>>
      %dma_start3A_1426 = arith.constant 0 : i32
      %dma_start3A_1427 = arith.constant 0 : i32
      %dma_start3A_1428 = tpu.memref_slice %arg5[%dma_start3A_1426, %dma_start3A_1427] : memref<100000x64xf32, #tpu.memory_space<hbm>> -> memref<100000x64xf32, #tpu.memory_space<hbm>>
      tpu.enqueue_indirect_dma source(%dma_start3A_1428 : memref<100000x64xf32, #tpu.memory_space<hbm>>) target(%dma_start3A_1422 : memref<128x64xf32, #tpu.memory_space<vmem>>) offsets(%dma_start3A_1425 : memref<128xi32, #tpu.memory_space<vmem>>) semaphore(%arg19 : memref<!tpu.dma_semaphore, #tpu.memory_space<semaphore_mem>>)
      %dma_wait3A_1429 = arith.constant 0 : i32
      %dma_wait3A_1430 = arith.constant 0 : i32
      %dma_wait3A_1431 = arith.constant 0 : i32
      %dma_wait3A_1432 = arith.constant 0 : i32
      %dma_wait3A_1433 = tpu.memref_slice %arg13[%dma_wait3A_1430, %dma_wait3A_1431, %dma_wait3A_1432] : memref<2x128x64xf32, #tpu.memory_space<vmem>> -> memref<1x128x64xf32, #tpu.memory_space<vmem>>
      %dma_wait3A_1434 = tpu.memref_squeeze %dma_wait3A_1433 : memref<1x128x64xf32, #tpu.memory_space<vmem>> -> memref<128x64xf32, #tpu.memory_space<vmem>>
      %dma_wait3A_1435 = arith.constant 0 : i32
      %dma_wait3A_1436 = tpu.memref_slice %arg12[%dma_wait3A_1429, %dma_wait3A_1435] : memref<2x128xi32, #tpu.memory_space<vmem>> -> memref<1x128xi32, #tpu.memory_space<vmem>>
      %dma_wait3A_1437 = tpu.memref_squeeze %dma_wait3A_1436 : memref<1x128xi32, #tpu.memory_space<vmem>> -> memref<128xi32, #tpu.memory_space<vmem>>
      %dma_wait3A_1438 = arith.constant 0 : i32
      %dma_wait3A_1439 = arith.constant 0 : i32
      %dma_wait3A_1440 = tpu.memref_slice %arg5[%dma_wait3A_1438, %dma_wait3A_1439] : memref<100000x64xf32, #tpu.memory_space<hbm>> -> memref<100000x64xf32, #tpu.memory_space<hbm>>
      tpu.wait_indirect_dma semaphore(%arg18 : memref<!tpu.dma_semaphore, #tpu.memory_space<semaphore_mem>>) src(%dma_wait3A_1440 : memref<100000x64xf32, #tpu.memory_space<hbm>>) dst(%dma_wait3A_1434 : memref<128x64xf32, #tpu.memory_space<vmem>>)
      %scan3A_1441 = arith.constant 0 : i32
      %scan3A_1442 = arith.constant 0 : i32
      %scan3A_1443 = arith.constant 128 : i32
      %scan3A_1444 = arith.addi %scan3A_1442, %scan3A_1443 : i32
      %scan3A_1445 = arith.constant 1 : i32
      scf.for %scan3A_1619 = %scan3A_1442 to %scan3A_1444 step %scan3A_1445  : i32 {
        %get3A_1620 = arith.constant 0 : i32
        %get3A_1621 = arith.index_cast %get3A_1620 : i32 to index
        %get3A_1622 = arith.index_cast %scan3A_1619 : i32 to index
        %get3A_1623 = arith.constant 0 : index
        %get3A_1624 = tpu.vector_load %arg13[%get3A_1621, %get3A_1622, %get3A_1623] {strides = array<i32>} : memref<2x128x64xf32, #tpu.memory_space<vmem>>, vector<16xf32>,
        %bitcast3A = vector.bitcast %get3A_1624 : vector<16xf32> to vector<16xi32>
        %shift_left3A = arith.constant 16 : i32
        %shift_left3A_1625 = vector.broadcast %shift_left3A : i32 to vector<16xi32>
        %shift_left3A_1626 = arith.shli %bitcast3A, %shift_left3A_1625 : vector<16xi32>
        %bitcast3A_1627 = vector.bitcast %shift_left3A_1626 : vector<16xi32> to vector<16xf32>
        %swap3A_1628 = arith.constant 0 : i32
        %swap3A_1629 = arith.index_cast %swap3A_1628 : i32 to index
        %swap3A_1630 = arith.index_cast %scan3A_1619 : i32 to index
        %swap3A_1631 = arith.constant 0 : index
        %swap3A_1632 = tpu.vector_load %arg13[%swap3A_1629, %swap3A_1630, %swap3A_1631] {strides = array<i32>} : memref<2x128x64xf32, #tpu.memory_space<vmem>>, vector<16xf32>,
        tpu.vector_store %arg13[%swap3A_1629, %swap3A_1630, %swap3A_1631], %bitcast3A_1627 {strides = array<i32>} : memref<2x128x64xf32, #tpu.memory_space<vmem>>, vector<16xf32>,
        %and3A = vector.broadcast %scan3A_432 : i32 to vector<16xi32>
        %and3A_1633 = arith.andi %bitcast3A, %and3A : vector<16xi32>
        %bitcast3A_1634 = vector.bitcast %and3A_1633 : vector<16xi32> to vector<16xf32>
        %swap3A_1635 = arith.index_cast %scan3A_1619 : i32 to index
        %swap3A_1636 = arith.constant 0 : index
        %swap3A_1637 = tpu.vector_load %arg14[%swap3A_1635, %swap3A_1636] {strides = array<i32>} : memref<128x64xf32, #tpu.memory_space<vmem>>, vector<16xf32>,
        tpu.vector_store %arg14[%swap3A_1635, %swap3A_1636], %bitcast3A_1634 {strides = array<i32>} : memref<128x64xf32, #tpu.memory_space<vmem>>, vector<16xf32>,
        %get3A_1638 = arith.constant 0 : i32
        %get3A_1639 = arith.index_cast %get3A_1638 : i32 to index
        %get3A_1640 = arith.index_cast %scan3A_1619 : i32 to index
        %get3A_1641 = arith.constant 16 : index
        %get3A_1642 = tpu.vector_load %arg13[%get3A_1639, %get3A_1640, %get3A_1641] {strides = array<i32>} : memref<2x128x64xf32, #tpu.memory_space<vmem>>, vector<16xf32>,
        %bitcast3A_1643 = vector.bitcast %get3A_1642 : vector<16xf32> to vector<16xi32>
        %shift_left3A_1644 = arith.constant 16 : i32
        %shift_left3A_1645 = vector.broadcast %shift_left3A_1644 : i32 to vector<16xi32>
        %shift_left3A_1646 = arith.shli %bitcast3A_1643, %shift_left3A_1645 : vector<16xi32>
        %bitcast3A_1647 = vector.bitcast %shift_left3A_1646 : vector<16xi32> to vector<16xf32>
        %swap3A_1648 = arith.constant 0 : i32
        %swap3A_1649 = arith.index_cast %swap3A_1648 : i32 to index
        %swap3A_1650 = arith.index_cast %scan3A_1619 : i32 to index
        %swap3A_1651 = arith.constant 16 : index
        %swap3A_1652 = tpu.vector_load %arg13[%swap3A_1649, %swap3A_1650, %swap3A_1651] {strides = array<i32>} : memref<2x128x64xf32, #tpu.memory_space<vmem>>, vector<16xf32>,
        tpu.vector_store %arg13[%swap3A_1649, %swap3A_1650, %swap3A_1651], %bitcast3A_1647 {strides = array<i32>} : memref<2x128x64xf32, #tpu.memory_space<vmem>>, vector<16xf32>,
        %and3A_1653 = vector.broadcast %scan3A_432 : i32 to vector<16xi32>
        %and3A_1654 = arith.andi %bitcast3A_1643, %and3A_1653 : vector<16xi32>
        %bitcast3A_1655 = vector.bitcast %and3A_1654 : vector<16xi32> to vector<16xf32>
        %swap3A_1656 = arith.index_cast %scan3A_1619 : i32 to index
        %swap3A_1657 = arith.constant 16 : index
        %swap3A_1658 = tpu.vector_load %arg14[%swap3A_1656, %swap3A_1657] {strides = array<i32>} : memref<128x64xf32, #tpu.memory_space<vmem>>, vector<16xf32>,
        tpu.vector_store %arg14[%swap3A_1656, %swap3A_1657], %bitcast3A_1655 {strides = array<i32>} : memref<128x64xf32, #tpu.memory_space<vmem>>, vector<16xf32>,
        %get3A_1659 = arith.constant 0 : i32
        %get3A_1660 = arith.index_cast %get3A_1659 : i32 to index
        %get3A_1661 = arith.index_cast %scan3A_1619 : i32 to index
        %get3A_1662 = arith.constant 32 : index
        %get3A_1663 = tpu.vector_load %arg13[%get3A_1660, %get3A_1661, %get3A_1662] {strides = array<i32>} : memref<2x128x64xf32, #tpu.memory_space<vmem>>, vector<16xf32>,
        %bitcast3A_1664 = vector.bitcast %get3A_1663 : vector<16xf32> to vector<16xi32>
        %shift_left3A_1665 = arith.constant 16 : i32
        %shift_left3A_1666 = vector.broadcast %shift_left3A_1665 : i32 to vector<16xi32>
        %shift_left3A_1667 = arith.shli %bitcast3A_1664, %shift_left3A_1666 : vector<16xi32>
        %bitcast3A_1668 = vector.bitcast %shift_left3A_1667 : vector<16xi32> to vector<16xf32>
        %swap3A_1669 = arith.constant 0 : i32
        %swap3A_1670 = arith.index_cast %swap3A_1669 : i32 to index
        %swap3A_1671 = arith.index_cast %scan3A_1619 : i32 to index
        %swap3A_1672 = arith.constant 32 : index
        %swap3A_1673 = tpu.vector_load %arg13[%swap3A_1670, %swap3A_1671, %swap3A_1672] {strides = array<i32>} : memref<2x128x64xf32, #tpu.memory_space<vmem>>, vector<16xf32>,
        tpu.vector_store %arg13[%swap3A_1670, %swap3A_1671, %swap3A_1672], %bitcast3A_1668 {strides = array<i32>} : memref<2x128x64xf32, #tpu.memory_space<vmem>>, vector<16xf32>,
        %and3A_1674 = vector.broadcast %scan3A_432 : i32 to vector<16xi32>
        %and3A_1675 = arith.andi %bitcast3A_1664, %and3A_1674 : vector<16xi32>
        %bitcast3A_1676 = vector.bitcast %and3A_1675 : vector<16xi32> to vector<16xf32>
        %swap3A_1677 = arith.index_cast %scan3A_1619 : i32 to index
        %swap3A_1678 = arith.constant 32 : index
        %swap3A_1679 = tpu.vector_load %arg14[%swap3A_1677, %swap3A_1678] {strides = array<i32>} : memref<128x64xf32, #tpu.memory_space<vmem>>, vector<16xf32>,
        tpu.vector_store %arg14[%swap3A_1677, %swap3A_1678], %bitcast3A_1676 {strides = array<i32>} : memref<128x64xf32, #tpu.memory_space<vmem>>, vector<16xf32>,
        %get3A_1680 = arith.constant 0 : i32
        %get3A_1681 = arith.index_cast %get3A_1680 : i32 to index
        %get3A_1682 = arith.index_cast %scan3A_1619 : i32 to index
        %get3A_1683 = arith.constant 48 : index
        %get3A_1684 = tpu.vector_load %arg13[%get3A_1681, %get3A_1682, %get3A_1683] {strides = array<i32>} : memref<2x128x64xf32, #tpu.memory_space<vmem>>, vector<16xf32>,
        %bitcast3A_1685 = vector.bitcast %get3A_1684 : vector<16xf32> to vector<16xi32>
        %shift_left3A_1686 = arith.constant 16 : i32
        %shift_left3A_1687 = vector.broadcast %shift_left3A_1686 : i32 to vector<16xi32>
        %shift_left3A_1688 = arith.shli %bitcast3A_1685, %shift_left3A_1687 : vector<16xi32>
        %bitcast3A_1689 = vector.bitcast %shift_left3A_1688 : vector<16xi32> to vector<16xf32>
        %swap3A_1690 = arith.constant 0 : i32
        %swap3A_1691 = arith.index_cast %swap3A_1690 : i32 to index
        %swap3A_1692 = arith.index_cast %scan3A_1619 : i32 to index
        %swap3A_1693 = arith.constant 48 : index
        %swap3A_1694 = tpu.vector_load %arg13[%swap3A_1691, %swap3A_1692, %swap3A_1693] {strides = array<i32>} : memref<2x128x64xf32, #tpu.memory_space<vmem>>, vector<16xf32>,
        tpu.vector_store %arg13[%swap3A_1691, %swap3A_1692, %swap3A_1693], %bitcast3A_1689 {strides = array<i32>} : memref<2x128x64xf32, #tpu.memory_space<vmem>>, vector<16xf32>,
        %and3A_1695 = vector.broadcast %scan3A_432 : i32 to vector<16xi32>
        %and3A_1696 = arith.andi %bitcast3A_1685, %and3A_1695 : vector<16xi32>
        %bitcast3A_1697 = vector.bitcast %and3A_1696 : vector<16xi32> to vector<16xf32>
        %swap3A_1698 = arith.index_cast %scan3A_1619 : i32 to index
        %swap3A_1699 = arith.constant 48 : index
        %swap3A_1700 = tpu.vector_load %arg14[%swap3A_1698, %swap3A_1699] {strides = array<i32>} : memref<128x64xf32, #tpu.memory_space<vmem>>, vector<16xf32>,
        tpu.vector_store %arg14[%swap3A_1698, %swap3A_1699], %bitcast3A_1697 {strides = array<i32>} : memref<128x64xf32, #tpu.memory_space<vmem>>, vector<16xf32>,
      }
      %scan3A_1446 = arith.constant 128 : i32
      %run_scoped3A_1447 = arith.constant 0 : i32
      %run_scoped3A_1448 = arith.constant 2 : i32
      %run_scoped3A_1449 = arith.constant 1 : i32
      "tpu.region"() ({
        %run_scoped3A_1619 = tpu.sem_alloc : memref<!tpu.dma_semaphore, #tpu.memory_space<semaphore_mem>>
        %dma_start3A_1620 = arith.constant 0 : i32
        %dma_start3A_1621 = arith.constant 0 : i32
        %dma_start3A_1622 = tpu.memref_slice %arg13[%run_scoped3A_1447, %dma_start3A_1620, %dma_start3A_1621] : memref<2x128x64xf32, #tpu.memory_space<vmem>> -> memref<1x128x64xf32, #tpu.memory_space<vmem>>
        %dma_start3A_1623 = tpu.memref_squeeze %dma_start3A_1622 : memref<1x128x64xf32, #tpu.memory_space<vmem>> -> memref<128x64xf32, #tpu.memory_space<vmem>>
        %dma_start3A_1624 = arith.constant 0 : i32
        %dma_start3A_1625 = tpu.memref_slice %arg11[%run_scoped3A_1448, %run_scoped3A_1449, %dma_start3A_1624] : memref<4x2x128xi32, #tpu.memory_space<vmem>> -> memref<1x1x128xi32, #tpu.memory_space<vmem>>
        %dma_start3A_1626 = tpu.memref_squeeze %dma_start3A_1625 : memref<1x1x128xi32, #tpu.memory_space<vmem>> -> memref<128xi32, #tpu.memory_space<vmem>>
        %dma_start3A_1627 = arith.constant 0 : i32
        %dma_start3A_1628 = arith.constant 0 : i32
        %dma_start3A_1629 = tpu.memref_slice %arg16[%dma_start3A_1627, %dma_start3A_1628] : memref<10240x64xf32, #tpu.memory_space<vmem_shared>> -> memref<10240x64xf32, #tpu.memory_space<vmem_shared>>
        tpu.enqueue_indirect_dma source(%dma_start3A_1623 : memref<128x64xf32, #tpu.memory_space<vmem>>) target(%dma_start3A_1629 : memref<10240x64xf32, #tpu.memory_space<vmem_shared>>) offsets(%dma_start3A_1626 : memref<128xi32, #tpu.memory_space<vmem>>) semaphore(%run_scoped3A_1619 : memref<!tpu.dma_semaphore, #tpu.memory_space<semaphore_mem>>) {add = true}
        %dma_wait3A_1630 = arith.constant 0 : i32
        %dma_wait3A_1631 = arith.constant 0 : i32
        %dma_wait3A_1632 = tpu.memref_slice %arg13[%run_scoped3A_1447, %dma_wait3A_1630, %dma_wait3A_1631] : memref<2x128x64xf32, #tpu.memory_space<vmem>> -> memref<1x128x64xf32, #tpu.memory_space<vmem>>
        %dma_wait3A_1633 = tpu.memref_squeeze %dma_wait3A_1632 : memref<1x128x64xf32, #tpu.memory_space<vmem>> -> memref<128x64xf32, #tpu.memory_space<vmem>>
        %dma_wait3A_1634 = arith.constant 0 : i32
        %dma_wait3A_1635 = tpu.memref_slice %arg11[%run_scoped3A_1448, %run_scoped3A_1449, %dma_wait3A_1634] : memref<4x2x128xi32, #tpu.memory_space<vmem>> -> memref<1x1x128xi32, #tpu.memory_space<vmem>>
        %dma_wait3A_1636 = tpu.memref_squeeze %dma_wait3A_1635 : memref<1x1x128xi32, #tpu.memory_space<vmem>> -> memref<128xi32, #tpu.memory_space<vmem>>
        %dma_wait3A_1637 = arith.constant 0 : i32
        %dma_wait3A_1638 = arith.constant 0 : i32
        %dma_wait3A_1639 = tpu.memref_slice %arg16[%dma_wait3A_1637, %dma_wait3A_1638] : memref<10240x64xf32, #tpu.memory_space<vmem_shared>> -> memref<10240x64xf32, #tpu.memory_space<vmem_shared>>
        tpu.wait_indirect_dma semaphore(%run_scoped3A_1619 : memref<!tpu.dma_semaphore, #tpu.memory_space<semaphore_mem>>) src(%dma_wait3A_1633 : memref<128x64xf32, #tpu.memory_space<vmem>>) dst(%dma_wait3A_1639 : memref<10240x64xf32, #tpu.memory_space<vmem_shared>>)
        tpu.yield
      }) : () -> ()
      %run_scoped3A_1450 = arith.constant 2 : i32
      %run_scoped3A_1451 = arith.constant 1 : i32
      "tpu.region"() ({
        %run_scoped3A_1619 = tpu.sem_alloc : memref<!tpu.dma_semaphore, #tpu.memory_space<semaphore_mem>>
        %dma_start3A_1620 = arith.constant 0 : i32
        %dma_start3A_1621 = tpu.memref_slice %arg11[%run_scoped3A_1450, %run_scoped3A_1451, %dma_start3A_1620] : memref<4x2x128xi32, #tpu.memory_space<vmem>> -> memref<1x1x128xi32, #tpu.memory_space<vmem>>
        %dma_start3A_1622 = tpu.memref_squeeze %dma_start3A_1621 : memref<1x1x128xi32, #tpu.memory_space<vmem>> -> memref<128xi32, #tpu.memory_space<vmem>>
        %dma_start3A_1623 = arith.constant 0 : i32
        %dma_start3A_1624 = arith.constant 0 : i32
        %dma_start3A_1625 = tpu.memref_slice %arg17[%dma_start3A_1623, %dma_start3A_1624] : memref<10240x64xf32, #tpu.memory_space<vmem_shared>> -> memref<10240x64xf32, #tpu.memory_space<vmem_shared>>
        tpu.enqueue_indirect_dma source(%arg14 : memref<128x64xf32, #tpu.memory_space<vmem>>) target(%dma_start3A_1625 : memref<10240x64xf32, #tpu.memory_space<vmem_shared>>) offsets(%dma_start3A_1622 : memref<128xi32, #tpu.memory_space<vmem>>) semaphore(%run_scoped3A_1619 : memref<!tpu.dma_semaphore, #tpu.memory_space<semaphore_mem>>) {add = true}
        %dma_wait3A_1626 = arith.constant 0 : i32
        %dma_wait3A_1627 = tpu.memref_slice %arg11[%run_scoped3A_1450, %run_scoped3A_1451, %dma_wait3A_1626] : memref<4x2x128xi32, #tpu.memory_space<vmem>> -> memref<1x1x128xi32, #tpu.memory_space<vmem>>
        %dma_wait3A_1628 = tpu.memref_squeeze %dma_wait3A_1627 : memref<1x1x128xi32, #tpu.memory_space<vmem>> -> memref<128xi32, #tpu.memory_space<vmem>>
        %dma_wait3A_1629 = arith.constant 0 : i32
        %dma_wait3A_1630 = arith.constant 0 : i32
        %dma_wait3A_1631 = tpu.memref_slice %arg17[%dma_wait3A_1629, %dma_wait3A_1630] : memref<10240x64xf32, #tpu.memory_space<vmem_shared>> -> memref<10240x64xf32, #tpu.memory_space<vmem_shared>>
        tpu.wait_indirect_dma semaphore(%run_scoped3A_1619 : memref<!tpu.dma_semaphore, #tpu.memory_space<semaphore_mem>>) src(%arg14 : memref<128x64xf32, #tpu.memory_space<vmem>>) dst(%dma_wait3A_1631 : memref<10240x64xf32, #tpu.memory_space<vmem_shared>>)
        tpu.yield
      }) : () -> ()
      %add3A_1452 = arith.constant 5 : i32
      %add3A_1453 = arith.addi %mul3A_950, %add3A_1452 : i32
      %mul3A_1454 = arith.constant 80 : i32
      %mul3A_1455 = arith.muli %add3A, %mul3A_1454 : i32
      %add3A_1456 = arith.addi %mul3A_1455, %add3A_1453 : i32
      %dma_start3A_1457 = arith.constant 1 : i32
      %dma_start3A_1458 = arith.constant 0 : i32
      %dma_start3A_1459 = arith.constant 0 : i32
      %dma_start3A_1460 = tpu.memref_slice %arg11[%dma_start3A_1457, %dma_start3A_1458, %dma_start3A_1459] : memref<4x2x128xi32, #tpu.memory_space<vmem>> -> memref<1x2x128xi32, #tpu.memory_space<vmem>>
      %dma_start3A_1461 = tpu.memref_squeeze %dma_start3A_1460 : memref<1x2x128xi32, #tpu.memory_space<vmem>> -> memref<2x128xi32, #tpu.memory_space<vmem>>
      %dma_start3A_1462 = arith.constant 0 : i32
      %dma_start3A_1463 = arith.constant 0 : i32
      %dma_start3A_1464 = tpu.memref_slice %arg3[%add3A_1456, %dma_start3A_1462, %dma_start3A_1463] : memref<2560x2x128xi32, #tpu.memory_space<hbm>> -> memref<1x2x128xi32, #tpu.memory_space<hbm>>
      %dma_start3A_1465 = tpu.memref_squeeze %dma_start3A_1464 : memref<1x2x128xi32, #tpu.memory_space<hbm>> -> memref<2x128xi32, #tpu.memory_space<hbm>>
      %dma_start3A_1466 = arith.constant 0 : i32
      %dma_start3A_1467 = arith.constant 0 : i32
      %dma_start3A_1468 = tpu.memref_slice %arg11[%dma_start3A_1457, %dma_start3A_1466, %dma_start3A_1467] : memref<4x2x128xi32, #tpu.memory_space<vmem>> -> memref<1x2x128xi32, #tpu.memory_space<vmem>>
      %dma_start3A_1469 = tpu.memref_squeeze %dma_start3A_1468 : memref<1x2x128xi32, #tpu.memory_space<vmem>> -> memref<2x128xi32, #tpu.memory_space<vmem>>
      %dma_start3A_1470 = arith.constant 0 : i32
      %dma_start3A_1471 = arith.constant 0 : i32
      %dma_start3A_1472 = tpu.memref_slice %arg3[%add3A_1456, %dma_start3A_1470, %dma_start3A_1471] : memref<2560x2x128xi32, #tpu.memory_space<hbm>> -> memref<1x2x128xi32, #tpu.memory_space<hbm>>
      %dma_start3A_1473 = tpu.memref_squeeze %dma_start3A_1472 : memref<1x2x128xi32, #tpu.memory_space<hbm>> -> memref<2x128xi32, #tpu.memory_space<hbm>>
      tpu.enqueue_dma source(%dma_start3A_1473 : memref<2x128xi32, #tpu.memory_space<hbm>>) target(%dma_start3A_1469 : memref<2x128xi32, #tpu.memory_space<vmem>>) target_semaphore(%arg21 : memref<!tpu.dma_semaphore, #tpu.memory_space<semaphore_mem>>)
      %dma_wait3A_1474 = arith.constant 1 : i32
      %dma_wait3A_1475 = arith.constant 1 : i32
      %dma_wait3A_1476 = arith.constant 0 : i32
      %dma_wait3A_1477 = arith.constant 0 : i32
      %dma_wait3A_1478 = tpu.memref_slice %arg13[%dma_wait3A_1475, %dma_wait3A_1476, %dma_wait3A_1477] : memref<2x128x64xf32, #tpu.memory_space<vmem>> -> memref<1x128x64xf32, #tpu.memory_space<vmem>>
      %dma_wait3A_1479 = tpu.memref_squeeze %dma_wait3A_1478 : memref<1x128x64xf32, #tpu.memory_space<vmem>> -> memref<128x64xf32, #tpu.memory_space<vmem>>
      %dma_wait3A_1480 = arith.constant 0 : i32
      %dma_wait3A_1481 = tpu.memref_slice %arg12[%dma_wait3A_1474, %dma_wait3A_1480] : memref<2x128xi32, #tpu.memory_space<vmem>> -> memref<1x128xi32, #tpu.memory_space<vmem>>
      %dma_wait3A_1482 = tpu.memref_squeeze %dma_wait3A_1481 : memref<1x128xi32, #tpu.memory_space<vmem>> -> memref<128xi32, #tpu.memory_space<vmem>>
      %dma_wait3A_1483 = arith.constant 0 : i32
      %dma_wait3A_1484 = arith.constant 0 : i32
      %dma_wait3A_1485 = tpu.memref_slice %arg5[%dma_wait3A_1483, %dma_wait3A_1484] : memref<100000x64xf32, #tpu.memory_space<hbm>> -> memref<100000x64xf32, #tpu.memory_space<hbm>>
      tpu.wait_indirect_dma semaphore(%arg19 : memref<!tpu.dma_semaphore, #tpu.memory_space<semaphore_mem>>) src(%dma_wait3A_1485 : memref<100000x64xf32, #tpu.memory_space<hbm>>) dst(%dma_wait3A_1479 : memref<128x64xf32, #tpu.memory_space<vmem>>)
      %scan3A_1486 = arith.constant 0 : i32
      %scan3A_1487 = arith.constant 0 : i32
      %scan3A_1488 = arith.constant 128 : i32
      %scan3A_1489 = arith.addi %scan3A_1487, %scan3A_1488 : i32
      %scan3A_1490 = arith.constant 1 : i32
      scf.for %scan3A_1619 = %scan3A_1487 to %scan3A_1489 step %scan3A_1490  : i32 {
        %get3A_1620 = arith.constant 1 : i32
        %get3A_1621 = arith.index_cast %get3A_1620 : i32 to index
        %get3A_1622 = arith.index_cast %scan3A_1619 : i32 to index
        %get3A_1623 = arith.constant 0 : index
        %get3A_1624 = tpu.vector_load %arg13[%get3A_1621, %get3A_1622, %get3A_1623] {strides = array<i32>} : memref<2x128x64xf32, #tpu.memory_space<vmem>>, vector<16xf32>,
        %bitcast3A = vector.bitcast %get3A_1624 : vector<16xf32> to vector<16xi32>
        %shift_left3A = arith.constant 16 : i32
        %shift_left3A_1625 = vector.broadcast %shift_left3A : i32 to vector<16xi32>
        %shift_left3A_1626 = arith.shli %bitcast3A, %shift_left3A_1625 : vector<16xi32>
        %bitcast3A_1627 = vector.bitcast %shift_left3A_1626 : vector<16xi32> to vector<16xf32>
        %swap3A_1628 = arith.constant 1 : i32
        %swap3A_1629 = arith.index_cast %swap3A_1628 : i32 to index
        %swap3A_1630 = arith.index_cast %scan3A_1619 : i32 to index
        %swap3A_1631 = arith.constant 0 : index
        %swap3A_1632 = tpu.vector_load %arg13[%swap3A_1629, %swap3A_1630, %swap3A_1631] {strides = array<i32>} : memref<2x128x64xf32, #tpu.memory_space<vmem>>, vector<16xf32>,
        tpu.vector_store %arg13[%swap3A_1629, %swap3A_1630, %swap3A_1631], %bitcast3A_1627 {strides = array<i32>} : memref<2x128x64xf32, #tpu.memory_space<vmem>>, vector<16xf32>,
        %and3A = vector.broadcast %scan3A_432 : i32 to vector<16xi32>
        %and3A_1633 = arith.andi %bitcast3A, %and3A : vector<16xi32>
        %bitcast3A_1634 = vector.bitcast %and3A_1633 : vector<16xi32> to vector<16xf32>
        %swap3A_1635 = arith.index_cast %scan3A_1619 : i32 to index
        %swap3A_1636 = arith.constant 0 : index
        %swap3A_1637 = tpu.vector_load %arg14[%swap3A_1635, %swap3A_1636] {strides = array<i32>} : memref<128x64xf32, #tpu.memory_space<vmem>>, vector<16xf32>,
        tpu.vector_store %arg14[%swap3A_1635, %swap3A_1636], %bitcast3A_1634 {strides = array<i32>} : memref<128x64xf32, #tpu.memory_space<vmem>>, vector<16xf32>,
        %get3A_1638 = arith.constant 1 : i32
        %get3A_1639 = arith.index_cast %get3A_1638 : i32 to index
        %get3A_1640 = arith.index_cast %scan3A_1619 : i32 to index
        %get3A_1641 = arith.constant 16 : index
        %get3A_1642 = tpu.vector_load %arg13[%get3A_1639, %get3A_1640, %get3A_1641] {strides = array<i32>} : memref<2x128x64xf32, #tpu.memory_space<vmem>>, vector<16xf32>,
        %bitcast3A_1643 = vector.bitcast %get3A_1642 : vector<16xf32> to vector<16xi32>
        %shift_left3A_1644 = arith.constant 16 : i32
        %shift_left3A_1645 = vector.broadcast %shift_left3A_1644 : i32 to vector<16xi32>
        %shift_left3A_1646 = arith.shli %bitcast3A_1643, %shift_left3A_1645 : vector<16xi32>
        %bitcast3A_1647 = vector.bitcast %shift_left3A_1646 : vector<16xi32> to vector<16xf32>
        %swap3A_1648 = arith.constant 1 : i32
        %swap3A_1649 = arith.index_cast %swap3A_1648 : i32 to index
        %swap3A_1650 = arith.index_cast %scan3A_1619 : i32 to index
        %swap3A_1651 = arith.constant 16 : index
        %swap3A_1652 = tpu.vector_load %arg13[%swap3A_1649, %swap3A_1650, %swap3A_1651] {strides = array<i32>} : memref<2x128x64xf32, #tpu.memory_space<vmem>>, vector<16xf32>,
        tpu.vector_store %arg13[%swap3A_1649, %swap3A_1650, %swap3A_1651], %bitcast3A_1647 {strides = array<i32>} : memref<2x128x64xf32, #tpu.memory_space<vmem>>, vector<16xf32>,
        %and3A_1653 = vector.broadcast %scan3A_432 : i32 to vector<16xi32>
        %and3A_1654 = arith.andi %bitcast3A_1643, %and3A_1653 : vector<16xi32>
        %bitcast3A_1655 = vector.bitcast %and3A_1654 : vector<16xi32> to vector<16xf32>
        %swap3A_1656 = arith.index_cast %scan3A_1619 : i32 to index
        %swap3A_1657 = arith.constant 16 : index
        %swap3A_1658 = tpu.vector_load %arg14[%swap3A_1656, %swap3A_1657] {strides = array<i32>} : memref<128x64xf32, #tpu.memory_space<vmem>>, vector<16xf32>,
        tpu.vector_store %arg14[%swap3A_1656, %swap3A_1657], %bitcast3A_1655 {strides = array<i32>} : memref<128x64xf32, #tpu.memory_space<vmem>>, vector<16xf32>,
        %get3A_1659 = arith.constant 1 : i32
        %get3A_1660 = arith.index_cast %get3A_1659 : i32 to index
        %get3A_1661 = arith.index_cast %scan3A_1619 : i32 to index
        %get3A_1662 = arith.constant 32 : index
        %get3A_1663 = tpu.vector_load %arg13[%get3A_1660, %get3A_1661, %get3A_1662] {strides = array<i32>} : memref<2x128x64xf32, #tpu.memory_space<vmem>>, vector<16xf32>,
        %bitcast3A_1664 = vector.bitcast %get3A_1663 : vector<16xf32> to vector<16xi32>
        %shift_left3A_1665 = arith.constant 16 : i32
        %shift_left3A_1666 = vector.broadcast %shift_left3A_1665 : i32 to vector<16xi32>
        %shift_left3A_1667 = arith.shli %bitcast3A_1664, %shift_left3A_1666 : vector<16xi32>
        %bitcast3A_1668 = vector.bitcast %shift_left3A_1667 : vector<16xi32> to vector<16xf32>
        %swap3A_1669 = arith.constant 1 : i32
        %swap3A_1670 = arith.index_cast %swap3A_1669 : i32 to index
        %swap3A_1671 = arith.index_cast %scan3A_1619 : i32 to index
        %swap3A_1672 = arith.constant 32 : index
        %swap3A_1673 = tpu.vector_load %arg13[%swap3A_1670, %swap3A_1671, %swap3A_1672] {strides = array<i32>} : memref<2x128x64xf32, #tpu.memory_space<vmem>>, vector<16xf32>,
        tpu.vector_store %arg13[%swap3A_1670, %swap3A_1671, %swap3A_1672], %bitcast3A_1668 {strides = array<i32>} : memref<2x128x64xf32, #tpu.memory_space<vmem>>, vector<16xf32>,
        %and3A_1674 = vector.broadcast %scan3A_432 : i32 to vector<16xi32>
        %and3A_1675 = arith.andi %bitcast3A_1664, %and3A_1674 : vector<16xi32>
        %bitcast3A_1676 = vector.bitcast %and3A_1675 : vector<16xi32> to vector<16xf32>
        %swap3A_1677 = arith.index_cast %scan3A_1619 : i32 to index
        %swap3A_1678 = arith.constant 32 : index
        %swap3A_1679 = tpu.vector_load %arg14[%swap3A_1677, %swap3A_1678] {strides = array<i32>} : memref<128x64xf32, #tpu.memory_space<vmem>>, vector<16xf32>,
        tpu.vector_store %arg14[%swap3A_1677, %swap3A_1678], %bitcast3A_1676 {strides = array<i32>} : memref<128x64xf32, #tpu.memory_space<vmem>>, vector<16xf32>,
        %get3A_1680 = arith.constant 1 : i32
        %get3A_1681 = arith.index_cast %get3A_1680 : i32 to index
        %get3A_1682 = arith.index_cast %scan3A_1619 : i32 to index
        %get3A_1683 = arith.constant 48 : index
        %get3A_1684 = tpu.vector_load %arg13[%get3A_1681, %get3A_1682, %get3A_1683] {strides = array<i32>} : memref<2x128x64xf32, #tpu.memory_space<vmem>>, vector<16xf32>,
        %bitcast3A_1685 = vector.bitcast %get3A_1684 : vector<16xf32> to vector<16xi32>
        %shift_left3A_1686 = arith.constant 16 : i32
        %shift_left3A_1687 = vector.broadcast %shift_left3A_1686 : i32 to vector<16xi32>
        %shift_left3A_1688 = arith.shli %bitcast3A_1685, %shift_left3A_1687 : vector<16xi32>
        %bitcast3A_1689 = vector.bitcast %shift_left3A_1688 : vector<16xi32> to vector<16xf32>
        %swap3A_1690 = arith.constant 1 : i32
        %swap3A_1691 = arith.index_cast %swap3A_1690 : i32 to index
        %swap3A_1692 = arith.index_cast %scan3A_1619 : i32 to index
        %swap3A_1693 = arith.constant 48 : index
        %swap3A_1694 = tpu.vector_load %arg13[%swap3A_1691, %swap3A_1692, %swap3A_1693] {strides = array<i32>} : memref<2x128x64xf32, #tpu.memory_space<vmem>>, vector<16xf32>,
        tpu.vector_store %arg13[%swap3A_1691, %swap3A_1692, %swap3A_1693], %bitcast3A_1689 {strides = array<i32>} : memref<2x128x64xf32, #tpu.memory_space<vmem>>, vector<16xf32>,
        %and3A_1695 = vector.broadcast %scan3A_432 : i32 to vector<16xi32>
        %and3A_1696 = arith.andi %bitcast3A_1685, %and3A_1695 : vector<16xi32>
        %bitcast3A_1697 = vector.bitcast %and3A_1696 : vector<16xi32> to vector<16xf32>
        %swap3A_1698 = arith.index_cast %scan3A_1619 : i32 to index
        %swap3A_1699 = arith.constant 48 : index
        %swap3A_1700 = tpu.vector_load %arg14[%swap3A_1698, %swap3A_1699] {strides = array<i32>} : memref<128x64xf32, #tpu.memory_space<vmem>>, vector<16xf32>,
        tpu.vector_store %arg14[%swap3A_1698, %swap3A_1699], %bitcast3A_1697 {strides = array<i32>} : memref<128x64xf32, #tpu.memory_space<vmem>>, vector<16xf32>,
      }
      %scan3A_1491 = arith.constant 128 : i32
      %run_scoped3A_1492 = arith.constant 1 : i32
      %run_scoped3A_1493 = arith.constant 3 : i32
      %run_scoped3A_1494 = arith.constant 1 : i32
      "tpu.region"() ({
        %run_scoped3A_1619 = tpu.sem_alloc : memref<!tpu.dma_semaphore, #tpu.memory_space<semaphore_mem>>
        %dma_start3A_1620 = arith.constant 0 : i32
        %dma_start3A_1621 = arith.constant 0 : i32
        %dma_start3A_1622 = tpu.memref_slice %arg13[%run_scoped3A_1492, %dma_start3A_1620, %dma_start3A_1621] : memref<2x128x64xf32, #tpu.memory_space<vmem>> -> memref<1x128x64xf32, #tpu.memory_space<vmem>>
        %dma_start3A_1623 = tpu.memref_squeeze %dma_start3A_1622 : memref<1x128x64xf32, #tpu.memory_space<vmem>> -> memref<128x64xf32, #tpu.memory_space<vmem>>
        %dma_start3A_1624 = arith.constant 0 : i32
        %dma_start3A_1625 = tpu.memref_slice %arg11[%run_scoped3A_1493, %run_scoped3A_1494, %dma_start3A_1624] : memref<4x2x128xi32, #tpu.memory_space<vmem>> -> memref<1x1x128xi32, #tpu.memory_space<vmem>>
        %dma_start3A_1626 = tpu.memref_squeeze %dma_start3A_1625 : memref<1x1x128xi32, #tpu.memory_space<vmem>> -> memref<128xi32, #tpu.memory_space<vmem>>
        %dma_start3A_1627 = arith.constant 0 : i32
        %dma_start3A_1628 = arith.constant 0 : i32
        %dma_start3A_1629 = tpu.memref_slice %arg16[%dma_start3A_1627, %dma_start3A_1628] : memref<10240x64xf32, #tpu.memory_space<vmem_shared>> -> memref<10240x64xf32, #tpu.memory_space<vmem_shared>>
        tpu.enqueue_indirect_dma source(%dma_start3A_1623 : memref<128x64xf32, #tpu.memory_space<vmem>>) target(%dma_start3A_1629 : memref<10240x64xf32, #tpu.memory_space<vmem_shared>>) offsets(%dma_start3A_1626 : memref<128xi32, #tpu.memory_space<vmem>>) semaphore(%run_scoped3A_1619 : memref<!tpu.dma_semaphore, #tpu.memory_space<semaphore_mem>>) {add = true}
        %dma_wait3A_1630 = arith.constant 0 : i32
        %dma_wait3A_1631 = arith.constant 0 : i32
        %dma_wait3A_1632 = tpu.memref_slice %arg13[%run_scoped3A_1492, %dma_wait3A_1630, %dma_wait3A_1631] : memref<2x128x64xf32, #tpu.memory_space<vmem>> -> memref<1x128x64xf32, #tpu.memory_space<vmem>>
        %dma_wait3A_1633 = tpu.memref_squeeze %dma_wait3A_1632 : memref<1x128x64xf32, #tpu.memory_space<vmem>> -> memref<128x64xf32, #tpu.memory_space<vmem>>
        %dma_wait3A_1634 = arith.constant 0 : i32
        %dma_wait3A_1635 = tpu.memref_slice %arg11[%run_scoped3A_1493, %run_scoped3A_1494, %dma_wait3A_1634] : memref<4x2x128xi32, #tpu.memory_space<vmem>> -> memref<1x1x128xi32, #tpu.memory_space<vmem>>
        %dma_wait3A_1636 = tpu.memref_squeeze %dma_wait3A_1635 : memref<1x1x128xi32, #tpu.memory_space<vmem>> -> memref<128xi32, #tpu.memory_space<vmem>>
        %dma_wait3A_1637 = arith.constant 0 : i32
        %dma_wait3A_1638 = arith.constant 0 : i32
        %dma_wait3A_1639 = tpu.memref_slice %arg16[%dma_wait3A_1637, %dma_wait3A_1638] : memref<10240x64xf32, #tpu.memory_space<vmem_shared>> -> memref<10240x64xf32, #tpu.memory_space<vmem_shared>>
        tpu.wait_indirect_dma semaphore(%run_scoped3A_1619 : memref<!tpu.dma_semaphore, #tpu.memory_space<semaphore_mem>>) src(%dma_wait3A_1633 : memref<128x64xf32, #tpu.memory_space<vmem>>) dst(%dma_wait3A_1639 : memref<10240x64xf32, #tpu.memory_space<vmem_shared>>)
        tpu.yield
      }) : () -> ()
      %run_scoped3A_1495 = arith.constant 3 : i32
      %run_scoped3A_1496 = arith.constant 1 : i32
      "tpu.region"() ({
        %run_scoped3A_1619 = tpu.sem_alloc : memref<!tpu.dma_semaphore, #tpu.memory_space<semaphore_mem>>
        %dma_start3A_1620 = arith.constant 0 : i32
        %dma_start3A_1621 = tpu.memref_slice %arg11[%run_scoped3A_1495, %run_scoped3A_1496, %dma_start3A_1620] : memref<4x2x128xi32, #tpu.memory_space<vmem>> -> memref<1x1x128xi32, #tpu.memory_space<vmem>>
        %dma_start3A_1622 = tpu.memref_squeeze %dma_start3A_1621 : memref<1x1x128xi32, #tpu.memory_space<vmem>> -> memref<128xi32, #tpu.memory_space<vmem>>
        %dma_start3A_1623 = arith.constant 0 : i32
        %dma_start3A_1624 = arith.constant 0 : i32
        %dma_start3A_1625 = tpu.memref_slice %arg17[%dma_start3A_1623, %dma_start3A_1624] : memref<10240x64xf32, #tpu.memory_space<vmem_shared>> -> memref<10240x64xf32, #tpu.memory_space<vmem_shared>>
        tpu.enqueue_indirect_dma source(%arg14 : memref<128x64xf32, #tpu.memory_space<vmem>>) target(%dma_start3A_1625 : memref<10240x64xf32, #tpu.memory_space<vmem_shared>>) offsets(%dma_start3A_1622 : memref<128xi32, #tpu.memory_space<vmem>>) semaphore(%run_scoped3A_1619 : memref<!tpu.dma_semaphore, #tpu.memory_space<semaphore_mem>>) {add = true}
        %dma_wait3A_1626 = arith.constant 0 : i32
        %dma_wait3A_1627 = tpu.memref_slice %arg11[%run_scoped3A_1495, %run_scoped3A_1496, %dma_wait3A_1626] : memref<4x2x128xi32, #tpu.memory_space<vmem>> -> memref<1x1x128xi32, #tpu.memory_space<vmem>>
        %dma_wait3A_1628 = tpu.memref_squeeze %dma_wait3A_1627 : memref<1x1x128xi32, #tpu.memory_space<vmem>> -> memref<128xi32, #tpu.memory_space<vmem>>
        %dma_wait3A_1629 = arith.constant 0 : i32
        %dma_wait3A_1630 = arith.constant 0 : i32
        %dma_wait3A_1631 = tpu.memref_slice %arg17[%dma_wait3A_1629, %dma_wait3A_1630] : memref<10240x64xf32, #tpu.memory_space<vmem_shared>> -> memref<10240x64xf32, #tpu.memory_space<vmem_shared>>
        tpu.wait_indirect_dma semaphore(%run_scoped3A_1619 : memref<!tpu.dma_semaphore, #tpu.memory_space<semaphore_mem>>) src(%arg14 : memref<128x64xf32, #tpu.memory_space<vmem>>) dst(%dma_wait3A_1631 : memref<10240x64xf32, #tpu.memory_space<vmem_shared>>)
        tpu.yield
      }) : () -> ()
      %add3A_1497 = arith.constant 4 : i32
      %add3A_1498 = arith.addi %mul3A_950, %add3A_1497 : i32
      %mul3A_1499 = arith.constant 80 : i32
      %mul3A_1500 = arith.muli %add3A, %mul3A_1499 : i32
      %add3A_1501 = arith.addi %mul3A_1500, %add3A_1498 : i32
      %dma_wait3A_1502 = arith.constant 0 : i32
      %dma_wait3A_1503 = arith.constant 0 : i32
      %dma_wait3A_1504 = arith.constant 0 : i32
      %dma_wait3A_1505 = tpu.memref_slice %arg11[%dma_wait3A_1502, %dma_wait3A_1503, %dma_wait3A_1504] : memref<4x2x128xi32, #tpu.memory_space<vmem>> -> memref<1x2x128xi32, #tpu.memory_space<vmem>>
      %dma_wait3A_1506 = tpu.memref_squeeze %dma_wait3A_1505 : memref<1x2x128xi32, #tpu.memory_space<vmem>> -> memref<2x128xi32, #tpu.memory_space<vmem>>
      %dma_wait3A_1507 = arith.constant 0 : i32
      %dma_wait3A_1508 = arith.constant 0 : i32
      %dma_wait3A_1509 = tpu.memref_slice %arg3[%add3A_1501, %dma_wait3A_1507, %dma_wait3A_1508] : memref<2560x2x128xi32, #tpu.memory_space<hbm>> -> memref<1x2x128xi32, #tpu.memory_space<hbm>>
      %dma_wait3A_1510 = tpu.memref_squeeze %dma_wait3A_1509 : memref<1x2x128xi32, #tpu.memory_space<hbm>> -> memref<2x128xi32, #tpu.memory_space<hbm>>
      %dma_wait3A_1511 = arith.constant 0 : i32
      %dma_wait3A_1512 = arith.constant 0 : i32
      %dma_wait3A_1513 = tpu.memref_slice %arg11[%dma_wait3A_1502, %dma_wait3A_1511, %dma_wait3A_1512] : memref<4x2x128xi32, #tpu.memory_space<vmem>> -> memref<1x2x128xi32, #tpu.memory_space<vmem>>
      %dma_wait3A_1514 = tpu.memref_squeeze %dma_wait3A_1513 : memref<1x2x128xi32, #tpu.memory_space<vmem>> -> memref<2x128xi32, #tpu.memory_space<vmem>>
      %dma_wait3A_1515 = arith.constant 0 : i32
      %dma_wait3A_1516 = arith.constant 0 : i32
      %dma_wait3A_1517 = tpu.memref_slice %arg3[%add3A_1501, %dma_wait3A_1515, %dma_wait3A_1516] : memref<2560x2x128xi32, #tpu.memory_space<hbm>> -> memref<1x2x128xi32, #tpu.memory_space<hbm>>
      %dma_wait3A_1518 = tpu.memref_squeeze %dma_wait3A_1517 : memref<1x2x128xi32, #tpu.memory_space<hbm>> -> memref<2x128xi32, #tpu.memory_space<hbm>>
      tpu.wait_dma2 semaphore(%arg20 : memref<!tpu.dma_semaphore, #tpu.memory_space<semaphore_mem>>) src(%dma_wait3A_1518 : memref<2x128xi32, #tpu.memory_space<hbm>>) dst(%dma_wait3A_1514 : memref<2x128xi32, #tpu.memory_space<vmem>>)
      %get3A_1519 = arith.constant 0 : i32
      %get3A_1520 = arith.constant 0 : i32
      %get3A_1521 = arith.index_cast %get3A_1519 : i32 to index
      %get3A_1522 = arith.index_cast %get3A_1520 : i32 to index
      %get3A_1523 = arith.constant 0 : index
      %get3A_1524 = tpu.vector_load %arg11[%get3A_1521, %get3A_1522, %get3A_1523] {strides = array<i32>} : memref<4x2x128xi32, #tpu.memory_space<vmem>>, vector<16xi32>,
      %gather3A_1525 = tpu.vector_load_idx %arg10[%get3A_1524] : memref<10240xi32, #tpu.memory_space<vmem>>[vector<16xi32>], vector<16xi32>,
      %swap3A_1526 = arith.constant 0 : i32
      %swap3A_1527 = arith.index_cast %swap3A_1526 : i32 to index
      %swap3A_1528 = arith.constant 0 : index
      %swap3A_1529 = tpu.vector_load %arg12[%swap3A_1527, %swap3A_1528] {strides = array<i32>} : memref<2x128xi32, #tpu.memory_space<vmem>>, vector<16xi32>,
      tpu.vector_store %arg12[%swap3A_1527, %swap3A_1528], %gather3A_1525 {strides = array<i32>} : memref<2x128xi32, #tpu.memory_space<vmem>>, vector<16xi32>,
      %get3A_1530 = arith.constant 0 : i32
      %get3A_1531 = arith.constant 0 : i32
      %get3A_1532 = arith.index_cast %get3A_1530 : i32 to index
      %get3A_1533 = arith.index_cast %get3A_1531 : i32 to index
      %get3A_1534 = arith.constant 16 : index
      %get3A_1535 = tpu.vector_load %arg11[%get3A_1532, %get3A_1533, %get3A_1534] {strides = array<i32>} : memref<4x2x128xi32, #tpu.memory_space<vmem>>, vector<16xi32>,
      %gather3A_1536 = tpu.vector_load_idx %arg10[%get3A_1535] : memref<10240xi32, #tpu.memory_space<vmem>>[vector<16xi32>], vector<16xi32>,
      %swap3A_1537 = arith.constant 0 : i32
      %swap3A_1538 = arith.index_cast %swap3A_1537 : i32 to index
      %swap3A_1539 = arith.constant 16 : index
      %swap3A_1540 = tpu.vector_load %arg12[%swap3A_1538, %swap3A_1539] {strides = array<i32>} : memref<2x128xi32, #tpu.memory_space<vmem>>, vector<16xi32>,
      tpu.vector_store %arg12[%swap3A_1538, %swap3A_1539], %gather3A_1536 {strides = array<i32>} : memref<2x128xi32, #tpu.memory_space<vmem>>, vector<16xi32>,
      %get3A_1541 = arith.constant 0 : i32
      %get3A_1542 = arith.constant 0 : i32
      %get3A_1543 = arith.index_cast %get3A_1541 : i32 to index
      %get3A_1544 = arith.index_cast %get3A_1542 : i32 to index
      %get3A_1545 = arith.constant 32 : index
      %get3A_1546 = tpu.vector_load %arg11[%get3A_1543, %get3A_1544, %get3A_1545] {strides = array<i32>} : memref<4x2x128xi32, #tpu.memory_space<vmem>>, vector<16xi32>,
      %gather3A_1547 = tpu.vector_load_idx %arg10[%get3A_1546] : memref<10240xi32, #tpu.memory_space<vmem>>[vector<16xi32>], vector<16xi32>,
      %swap3A_1548 = arith.constant 0 : i32
      %swap3A_1549 = arith.index_cast %swap3A_1548 : i32 to index
      %swap3A_1550 = arith.constant 32 : index
      %swap3A_1551 = tpu.vector_load %arg12[%swap3A_1549, %swap3A_1550] {strides = array<i32>} : memref<2x128xi32, #tpu.memory_space<vmem>>, vector<16xi32>,
      tpu.vector_store %arg12[%swap3A_1549, %swap3A_1550], %gather3A_1547 {strides = array<i32>} : memref<2x128xi32, #tpu.memory_space<vmem>>, vector<16xi32>,
      %get3A_1552 = arith.constant 0 : i32
      %get3A_1553 = arith.constant 0 : i32
      %get3A_1554 = arith.index_cast %get3A_1552 : i32 to index
      %get3A_1555 = arith.index_cast %get3A_1553 : i32 to index
      %get3A_1556 = arith.constant 48 : index
      %get3A_1557 = tpu.vector_load %arg11[%get3A_1554, %get3A_1555, %get3A_1556] {strides = array<i32>} : memref<4x2x128xi32, #tpu.memory_space<vmem>>, vector<16xi32>,
      %gather3A_1558 = tpu.vector_load_idx %arg10[%get3A_1557] : memref<10240xi32, #tpu.memory_space<vmem>>[vector<16xi32>], vector<16xi32>,
      %swap3A_1559 = arith.constant 0 : i32
      %swap3A_1560 = arith.index_cast %swap3A_1559 : i32 to index
      %swap3A_1561 = arith.constant 48 : index
      %swap3A_1562 = tpu.vector_load %arg12[%swap3A_1560, %swap3A_1561] {strides = array<i32>} : memref<2x128xi32, #tpu.memory_space<vmem>>, vector<16xi32>,
      tpu.vector_store %arg12[%swap3A_1560, %swap3A_1561], %gather3A_1558 {strides = array<i32>} : memref<2x128xi32, #tpu.memory_space<vmem>>, vector<16xi32>,
      %get3A_1563 = arith.constant 0 : i32
      %get3A_1564 = arith.constant 0 : i32
      %get3A_1565 = arith.index_cast %get3A_1563 : i32 to index
      %get3A_1566 = arith.index_cast %get3A_1564 : i32 to index
      %get3A_1567 = arith.constant 64 : index
      %get3A_1568 = tpu.vector_load %arg11[%get3A_1565, %get3A_1566, %get3A_1567] {strides = array<i32>} : memref<4x2x128xi32, #tpu.memory_space<vmem>>, vector<16xi32>,
      %gather3A_1569 = tpu.vector_load_idx %arg10[%get3A_1568] : memref<10240xi32, #tpu.memory_space<vmem>>[vector<16xi32>], vector<16xi32>,
      %swap3A_1570 = arith.constant 0 : i32
      %swap3A_1571 = arith.index_cast %swap3A_1570 : i32 to index
      %swap3A_1572 = arith.constant 64 : index
      %swap3A_1573 = tpu.vector_load %arg12[%swap3A_1571, %swap3A_1572] {strides = array<i32>} : memref<2x128xi32, #tpu.memory_space<vmem>>, vector<16xi32>,
      tpu.vector_store %arg12[%swap3A_1571, %swap3A_1572], %gather3A_1569 {strides = array<i32>} : memref<2x128xi32, #tpu.memory_space<vmem>>, vector<16xi32>,
      %get3A_1574 = arith.constant 0 : i32
      %get3A_1575 = arith.constant 0 : i32
      %get3A_1576 = arith.index_cast %get3A_1574 : i32 to index
      %get3A_1577 = arith.index_cast %get3A_1575 : i32 to index
      %get3A_1578 = arith.constant 80 : index
      %get3A_1579 = tpu.vector_load %arg11[%get3A_1576, %get3A_1577, %get3A_1578] {strides = array<i32>} : memref<4x2x128xi32, #tpu.memory_space<vmem>>, vector<16xi32>,
      %gather3A_1580 = tpu.vector_load_idx %arg10[%get3A_1579] : memref<10240xi32, #tpu.memory_space<vmem>>[vector<16xi32>], vector<16xi32>,
      %swap3A_1581 = arith.constant 0 : i32
      %swap3A_1582 = arith.index_cast %swap3A_1581 : i32 to index
      %swap3A_1583 = arith.constant 80 : index
      %swap3A_1584 = tpu.vector_load %arg12[%swap3A_1582, %swap3A_1583] {strides = array<i32>} : memref<2x128xi32, #tpu.memory_space<vmem>>, vector<16xi32>,
      tpu.vector_store %arg12[%swap3A_1582, %swap3A_1583], %gather3A_1580 {strides = array<i32>} : memref<2x128xi32, #tpu.memory_space<vmem>>, vector<16xi32>,
      %get3A_1585 = arith.constant 0 : i32
      %get3A_1586 = arith.constant 0 : i32
      %get3A_1587 = arith.index_cast %get3A_1585 : i32 to index
      %get3A_1588 = arith.index_cast %get3A_1586 : i32 to index
      %get3A_1589 = arith.constant 96 : index
      %get3A_1590 = tpu.vector_load %arg11[%get3A_1587, %get3A_1588, %get3A_1589] {strides = array<i32>} : memref<4x2x128xi32, #tpu.memory_space<vmem>>, vector<16xi32>,
      %gather3A_1591 = tpu.vector_load_idx %arg10[%get3A_1590] : memref<10240xi32, #tpu.memory_space<vmem>>[vector<16xi32>], vector<16xi32>,
      %swap3A_1592 = arith.constant 0 : i32
      %swap3A_1593 = arith.index_cast %swap3A_1592 : i32 to index
      %swap3A_1594 = arith.constant 96 : index
      %swap3A_1595 = tpu.vector_load %arg12[%swap3A_1593, %swap3A_1594] {strides = array<i32>} : memref<2x128xi32, #tpu.memory_space<vmem>>, vector<16xi32>,
      tpu.vector_store %arg12[%swap3A_1593, %swap3A_1594], %gather3A_1591 {strides = array<i32>} : memref<2x128xi32, #tpu.memory_space<vmem>>, vector<16xi32>,
      %get3A_1596 = arith.constant 0 : i32
      %get3A_1597 = arith.constant 0 : i32
      %get3A_1598 = arith.index_cast %get3A_1596 : i32 to index
      %get3A_1599 = arith.index_cast %get3A_1597 : i32 to index
      %get3A_1600 = arith.constant 112 : index
      %get3A_1601 = tpu.vector_load %arg11[%get3A_1598, %get3A_1599, %get3A_1600] {strides = array<i32>} : memref<4x2x128xi32, #tpu.memory_space<vmem>>, vector<16xi32>,
      %gather3A_1602 = tpu.vector_load_idx %arg10[%get3A_1601] : memref<10240xi32, #tpu.memory_space<vmem>>[vector<16xi32>], vector<16xi32>,
      %swap3A_1603 = arith.constant 0 : i32
      %swap3A_1604 = arith.index_cast %swap3A_1603 : i32 to index
      %swap3A_1605 = arith.constant 112 : index
      %swap3A_1606 = tpu.vector_load %arg12[%swap3A_1604, %swap3A_1605] {strides = array<i32>} : memref<2x128xi32, #tpu.memory_space<vmem>>, vector<16xi32>,
      tpu.vector_store %arg12[%swap3A_1604, %swap3A_1605], %gather3A_1602 {strides = array<i32>} : memref<2x128xi32, #tpu.memory_space<vmem>>, vector<16xi32>,
      %dma_start3A_1607 = arith.constant 0 : i32
      %dma_start3A_1608 = arith.constant 0 : i32
      %dma_start3A_1609 = arith.constant 0 : i32
      %dma_start3A_1610 = arith.constant 0 : i32
      %dma_start3A_1611 = tpu.memref_slice %arg13[%dma_start3A_1608, %dma_start3A_1609, %dma_start3A_1610] : memref<2x128x64xf32, #tpu.memory_space<vmem>> -> memref<1x128x64xf32, #tpu.memory_space<vmem>>
      %dma_start3A_1612 = tpu.memref_squeeze %dma_start3A_1611 : memref<1x128x64xf32, #tpu.memory_space<vmem>> -> memref<128x64xf32, #tpu.memory_space<vmem>>
      %dma_start3A_1613 = arith.constant 0 : i32
      %dma_start3A_1614 = tpu.memref_slice %arg12[%dma_start3A_1607, %dma_start3A_1613] : memref<2x128xi32, #tpu.memory_space<vmem>> -> memref<1x128xi32, #tpu.memory_space<vmem>>
      %dma_start3A_1615 = tpu.memref_squeeze %dma_start3A_1614 : memref<1x128xi32, #tpu.memory_space<vmem>> -> memref<128xi32, #tpu.memory_space<vmem>>
      %dma_start3A_1616 = arith.constant 0 : i32
      %dma_start3A_1617 = arith.constant 0 : i32
      %dma_start3A_1618 = tpu.memref_slice %arg5[%dma_start3A_1616, %dma_start3A_1617] : memref<100000x64xf32, #tpu.memory_space<hbm>> -> memref<100000x64xf32, #tpu.memory_space<hbm>>
      tpu.enqueue_indirect_dma source(%dma_start3A_1618 : memref<100000x64xf32, #tpu.memory_space<hbm>>) target(%dma_start3A_1612 : memref<128x64xf32, #tpu.memory_space<vmem>>) offsets(%dma_start3A_1615 : memref<128xi32, #tpu.memory_space<vmem>>) semaphore(%arg18 : memref<!tpu.dma_semaphore, #tpu.memory_space<semaphore_mem>>)
    }
    %scan3A_437 = arith.constant 19 : i32
    %mul3A_438 = arith.constant 80 : i32
    %mul3A_439 = arith.muli %add3A, %mul3A_438 : i32
    %add3A_440 = arith.constant 77 : i32
    %add3A_441 = arith.addi %mul3A_439, %add3A_440 : i32
    %dma_wait3A_442 = arith.constant 1 : i32
    %dma_wait3A_443 = arith.constant 0 : i32
    %dma_wait3A_444 = arith.constant 0 : i32
    %dma_wait3A_445 = tpu.memref_slice %arg11[%dma_wait3A_442, %dma_wait3A_443, %dma_wait3A_444] : memref<4x2x128xi32, #tpu.memory_space<vmem>> -> memref<1x2x128xi32, #tpu.memory_space<vmem>>
    %dma_wait3A_446 = tpu.memref_squeeze %dma_wait3A_445 : memref<1x2x128xi32, #tpu.memory_space<vmem>> -> memref<2x128xi32, #tpu.memory_space<vmem>>
    %dma_wait3A_447 = arith.constant 0 : i32
    %dma_wait3A_448 = arith.constant 0 : i32
    %dma_wait3A_449 = tpu.memref_slice %arg3[%add3A_441, %dma_wait3A_447, %dma_wait3A_448] : memref<2560x2x128xi32, #tpu.memory_space<hbm>> -> memref<1x2x128xi32, #tpu.memory_space<hbm>>
    %dma_wait3A_450 = tpu.memref_squeeze %dma_wait3A_449 : memref<1x2x128xi32, #tpu.memory_space<hbm>> -> memref<2x128xi32, #tpu.memory_space<hbm>>
    %dma_wait3A_451 = arith.constant 0 : i32
    %dma_wait3A_452 = arith.constant 0 : i32
    %dma_wait3A_453 = tpu.memref_slice %arg11[%dma_wait3A_442, %dma_wait3A_451, %dma_wait3A_452] : memref<4x2x128xi32, #tpu.memory_space<vmem>> -> memref<1x2x128xi32, #tpu.memory_space<vmem>>
    %dma_wait3A_454 = tpu.memref_squeeze %dma_wait3A_453 : memref<1x2x128xi32, #tpu.memory_space<vmem>> -> memref<2x128xi32, #tpu.memory_space<vmem>>
    %dma_wait3A_455 = arith.constant 0 : i32
    %dma_wait3A_456 = arith.constant 0 : i32
    %dma_wait3A_457 = tpu.memref_slice %arg3[%add3A_441, %dma_wait3A_455, %dma_wait3A_456] : memref<2560x2x128xi32, #tpu.memory_space<hbm>> -> memref<1x2x128xi32, #tpu.memory_space<hbm>>
    %dma_wait3A_458 = tpu.memref_squeeze %dma_wait3A_457 : memref<1x2x128xi32, #tpu.memory_space<hbm>> -> memref<2x128xi32, #tpu.memory_space<hbm>>
    tpu.wait_dma2 semaphore(%arg21 : memref<!tpu.dma_semaphore, #tpu.memory_space<semaphore_mem>>) src(%dma_wait3A_458 : memref<2x128xi32, #tpu.memory_space<hbm>>) dst(%dma_wait3A_454 : memref<2x128xi32, #tpu.memory_space<vmem>>)
    %get3A_459 = arith.constant 1 : i32
    %get3A_460 = arith.constant 0 : i32
    %get3A_461 = arith.index_cast %get3A_459 : i32 to index
    %get3A_462 = arith.index_cast %get3A_460 : i32 to index
    %get3A_463 = arith.constant 0 : index
    %get3A_464 = tpu.vector_load %arg11[%get3A_461, %get3A_462, %get3A_463] {strides = array<i32>} : memref<4x2x128xi32, #tpu.memory_space<vmem>>, vector<16xi32>,
    %gather3A_465 = tpu.vector_load_idx %arg10[%get3A_464] : memref<10240xi32, #tpu.memory_space<vmem>>[vector<16xi32>], vector<16xi32>,
    %swap3A_466 = arith.constant 1 : i32
    %swap3A_467 = arith.index_cast %swap3A_466 : i32 to index
    %swap3A_468 = arith.constant 0 : index
    %swap3A_469 = tpu.vector_load %arg12[%swap3A_467, %swap3A_468] {strides = array<i32>} : memref<2x128xi32, #tpu.memory_space<vmem>>, vector<16xi32>,
    tpu.vector_store %arg12[%swap3A_467, %swap3A_468], %gather3A_465 {strides = array<i32>} : memref<2x128xi32, #tpu.memory_space<vmem>>, vector<16xi32>,
    %get3A_470 = arith.constant 1 : i32
    %get3A_471 = arith.constant 0 : i32
    %get3A_472 = arith.index_cast %get3A_470 : i32 to index
    %get3A_473 = arith.index_cast %get3A_471 : i32 to index
    %get3A_474 = arith.constant 16 : index
    %get3A_475 = tpu.vector_load %arg11[%get3A_472, %get3A_473, %get3A_474] {strides = array<i32>} : memref<4x2x128xi32, #tpu.memory_space<vmem>>, vector<16xi32>,
    %gather3A_476 = tpu.vector_load_idx %arg10[%get3A_475] : memref<10240xi32, #tpu.memory_space<vmem>>[vector<16xi32>], vector<16xi32>,
    %swap3A_477 = arith.constant 1 : i32
    %swap3A_478 = arith.index_cast %swap3A_477 : i32 to index
    %swap3A_479 = arith.constant 16 : index
    %swap3A_480 = tpu.vector_load %arg12[%swap3A_478, %swap3A_479] {strides = array<i32>} : memref<2x128xi32, #tpu.memory_space<vmem>>, vector<16xi32>,
    tpu.vector_store %arg12[%swap3A_478, %swap3A_479], %gather3A_476 {strides = array<i32>} : memref<2x128xi32, #tpu.memory_space<vmem>>, vector<16xi32>,
    %get3A_481 = arith.constant 1 : i32
    %get3A_482 = arith.constant 0 : i32
    %get3A_483 = arith.index_cast %get3A_481 : i32 to index
    %get3A_484 = arith.index_cast %get3A_482 : i32 to index
    %get3A_485 = arith.constant 32 : index
    %get3A_486 = tpu.vector_load %arg11[%get3A_483, %get3A_484, %get3A_485] {strides = array<i32>} : memref<4x2x128xi32, #tpu.memory_space<vmem>>, vector<16xi32>,
    %gather3A_487 = tpu.vector_load_idx %arg10[%get3A_486] : memref<10240xi32, #tpu.memory_space<vmem>>[vector<16xi32>], vector<16xi32>,
    %swap3A_488 = arith.constant 1 : i32
    %swap3A_489 = arith.index_cast %swap3A_488 : i32 to index
    %swap3A_490 = arith.constant 32 : index
    %swap3A_491 = tpu.vector_load %arg12[%swap3A_489, %swap3A_490] {strides = array<i32>} : memref<2x128xi32, #tpu.memory_space<vmem>>, vector<16xi32>,
    tpu.vector_store %arg12[%swap3A_489, %swap3A_490], %gather3A_487 {strides = array<i32>} : memref<2x128xi32, #tpu.memory_space<vmem>>, vector<16xi32>,
    %get3A_492 = arith.constant 1 : i32
    %get3A_493 = arith.constant 0 : i32
    %get3A_494 = arith.index_cast %get3A_492 : i32 to index
    %get3A_495 = arith.index_cast %get3A_493 : i32 to index
    %get3A_496 = arith.constant 48 : index
    %get3A_497 = tpu.vector_load %arg11[%get3A_494, %get3A_495, %get3A_496] {strides = array<i32>} : memref<4x2x128xi32, #tpu.memory_space<vmem>>, vector<16xi32>,
    %gather3A_498 = tpu.vector_load_idx %arg10[%get3A_497] : memref<10240xi32, #tpu.memory_space<vmem>>[vector<16xi32>], vector<16xi32>,
    %swap3A_499 = arith.constant 1 : i32
    %swap3A_500 = arith.index_cast %swap3A_499 : i32 to index
    %swap3A_501 = arith.constant 48 : index
    %swap3A_502 = tpu.vector_load %arg12[%swap3A_500, %swap3A_501] {strides = array<i32>} : memref<2x128xi32, #tpu.memory_space<vmem>>, vector<16xi32>,
    tpu.vector_store %arg12[%swap3A_500, %swap3A_501], %gather3A_498 {strides = array<i32>} : memref<2x128xi32, #tpu.memory_space<vmem>>, vector<16xi32>,
    %get3A_503 = arith.constant 1 : i32
    %get3A_504 = arith.constant 0 : i32
    %get3A_505 = arith.index_cast %get3A_503 : i32 to index
    %get3A_506 = arith.index_cast %get3A_504 : i32 to index
    %get3A_507 = arith.constant 64 : index
    %get3A_508 = tpu.vector_load %arg11[%get3A_505, %get3A_506, %get3A_507] {strides = array<i32>} : memref<4x2x128xi32, #tpu.memory_space<vmem>>, vector<16xi32>,
    %gather3A_509 = tpu.vector_load_idx %arg10[%get3A_508] : memref<10240xi32, #tpu.memory_space<vmem>>[vector<16xi32>], vector<16xi32>,
    %swap3A_510 = arith.constant 1 : i32
    %swap3A_511 = arith.index_cast %swap3A_510 : i32 to index
    %swap3A_512 = arith.constant 64 : index
    %swap3A_513 = tpu.vector_load %arg12[%swap3A_511, %swap3A_512] {strides = array<i32>} : memref<2x128xi32, #tpu.memory_space<vmem>>, vector<16xi32>,
    tpu.vector_store %arg12[%swap3A_511, %swap3A_512], %gather3A_509 {strides = array<i32>} : memref<2x128xi32, #tpu.memory_space<vmem>>, vector<16xi32>,
    %get3A_514 = arith.constant 1 : i32
    %get3A_515 = arith.constant 0 : i32
    %get3A_516 = arith.index_cast %get3A_514 : i32 to index
    %get3A_517 = arith.index_cast %get3A_515 : i32 to index
    %get3A_518 = arith.constant 80 : index
    %get3A_519 = tpu.vector_load %arg11[%get3A_516, %get3A_517, %get3A_518] {strides = array<i32>} : memref<4x2x128xi32, #tpu.memory_space<vmem>>, vector<16xi32>,
    %gather3A_520 = tpu.vector_load_idx %arg10[%get3A_519] : memref<10240xi32, #tpu.memory_space<vmem>>[vector<16xi32>], vector<16xi32>,
    %swap3A_521 = arith.constant 1 : i32
    %swap3A_522 = arith.index_cast %swap3A_521 : i32 to index
    %swap3A_523 = arith.constant 80 : index
    %swap3A_524 = tpu.vector_load %arg12[%swap3A_522, %swap3A_523] {strides = array<i32>} : memref<2x128xi32, #tpu.memory_space<vmem>>, vector<16xi32>,
    tpu.vector_store %arg12[%swap3A_522, %swap3A_523], %gather3A_520 {strides = array<i32>} : memref<2x128xi32, #tpu.memory_space<vmem>>, vector<16xi32>,
    %get3A_525 = arith.constant 1 : i32
    %get3A_526 = arith.constant 0 : i32
    %get3A_527 = arith.index_cast %get3A_525 : i32 to index
    %get3A_528 = arith.index_cast %get3A_526 : i32 to index
    %get3A_529 = arith.constant 96 : index
    %get3A_530 = tpu.vector_load %arg11[%get3A_527, %get3A_528, %get3A_529] {strides = array<i32>} : memref<4x2x128xi32, #tpu.memory_space<vmem>>, vector<16xi32>,
    %gather3A_531 = tpu.vector_load_idx %arg10[%get3A_530] : memref<10240xi32, #tpu.memory_space<vmem>>[vector<16xi32>], vector<16xi32>,
    %swap3A_532 = arith.constant 1 : i32
    %swap3A_533 = arith.index_cast %swap3A_532 : i32 to index
    %swap3A_534 = arith.constant 96 : index
    %swap3A_535 = tpu.vector_load %arg12[%swap3A_533, %swap3A_534] {strides = array<i32>} : memref<2x128xi32, #tpu.memory_space<vmem>>, vector<16xi32>,
    tpu.vector_store %arg12[%swap3A_533, %swap3A_534], %gather3A_531 {strides = array<i32>} : memref<2x128xi32, #tpu.memory_space<vmem>>, vector<16xi32>,
    %get3A_536 = arith.constant 1 : i32
    %get3A_537 = arith.constant 0 : i32
    %get3A_538 = arith.index_cast %get3A_536 : i32 to index
    %get3A_539 = arith.index_cast %get3A_537 : i32 to index
    %get3A_540 = arith.constant 112 : index
    %get3A_541 = tpu.vector_load %arg11[%get3A_538, %get3A_539, %get3A_540] {strides = array<i32>} : memref<4x2x128xi32, #tpu.memory_space<vmem>>, vector<16xi32>,
    %gather3A_542 = tpu.vector_load_idx %arg10[%get3A_541] : memref<10240xi32, #tpu.memory_space<vmem>>[vector<16xi32>], vector<16xi32>,
    %swap3A_543 = arith.constant 1 : i32
    %swap3A_544 = arith.index_cast %swap3A_543 : i32 to index
    %swap3A_545 = arith.constant 112 : index
    %swap3A_546 = tpu.vector_load %arg12[%swap3A_544, %swap3A_545] {strides = array<i32>} : memref<2x128xi32, #tpu.memory_space<vmem>>, vector<16xi32>,
    tpu.vector_store %arg12[%swap3A_544, %swap3A_545], %gather3A_542 {strides = array<i32>} : memref<2x128xi32, #tpu.memory_space<vmem>>, vector<16xi32>,
    %dma_start3A_547 = arith.constant 1 : i32
    %dma_start3A_548 = arith.constant 1 : i32
    %dma_start3A_549 = arith.constant 0 : i32
    %dma_start3A_550 = arith.constant 0 : i32
    %dma_start3A_551 = tpu.memref_slice %arg13[%dma_start3A_548, %dma_start3A_549, %dma_start3A_550] : memref<2x128x64xf32, #tpu.memory_space<vmem>> -> memref<1x128x64xf32, #tpu.memory_space<vmem>>
    %dma_start3A_552 = tpu.memref_squeeze %dma_start3A_551 : memref<1x128x64xf32, #tpu.memory_space<vmem>> -> memref<128x64xf32, #tpu.memory_space<vmem>>
    %dma_start3A_553 = arith.constant 0 : i32
    %dma_start3A_554 = tpu.memref_slice %arg12[%dma_start3A_547, %dma_start3A_553] : memref<2x128xi32, #tpu.memory_space<vmem>> -> memref<1x128xi32, #tpu.memory_space<vmem>>
    %dma_start3A_555 = tpu.memref_squeeze %dma_start3A_554 : memref<1x128xi32, #tpu.memory_space<vmem>> -> memref<128xi32, #tpu.memory_space<vmem>>
    %dma_start3A_556 = arith.constant 0 : i32
    %dma_start3A_557 = arith.constant 0 : i32
    %dma_start3A_558 = tpu.memref_slice %arg5[%dma_start3A_556, %dma_start3A_557] : memref<100000x64xf32, #tpu.memory_space<hbm>> -> memref<100000x64xf32, #tpu.memory_space<hbm>>
    tpu.enqueue_indirect_dma source(%dma_start3A_558 : memref<100000x64xf32, #tpu.memory_space<hbm>>) target(%dma_start3A_552 : memref<128x64xf32, #tpu.memory_space<vmem>>) offsets(%dma_start3A_555 : memref<128xi32, #tpu.memory_space<vmem>>) semaphore(%arg19 : memref<!tpu.dma_semaphore, #tpu.memory_space<semaphore_mem>>)
    %mul3A_559 = arith.constant 80 : i32
    %mul3A_560 = arith.muli %add3A, %mul3A_559 : i32
    %add3A_561 = arith.constant 78 : i32
    %add3A_562 = arith.addi %mul3A_560, %add3A_561 : i32
    %dma_start3A_563 = arith.constant 2 : i32
    %dma_start3A_564 = arith.constant 0 : i32
    %dma_start3A_565 = arith.constant 0 : i32
    %dma_start3A_566 = tpu.memref_slice %arg11[%dma_start3A_563, %dma_start3A_564, %dma_start3A_565] : memref<4x2x128xi32, #tpu.memory_space<vmem>> -> memref<1x2x128xi32, #tpu.memory_space<vmem>>
    %dma_start3A_567 = tpu.memref_squeeze %dma_start3A_566 : memref<1x2x128xi32, #tpu.memory_space<vmem>> -> memref<2x128xi32, #tpu.memory_space<vmem>>
    %dma_start3A_568 = arith.constant 0 : i32
    %dma_start3A_569 = arith.constant 0 : i32
    %dma_start3A_570 = tpu.memref_slice %arg3[%add3A_562, %dma_start3A_568, %dma_start3A_569] : memref<2560x2x128xi32, #tpu.memory_space<hbm>> -> memref<1x2x128xi32, #tpu.memory_space<hbm>>
    %dma_start3A_571 = tpu.memref_squeeze %dma_start3A_570 : memref<1x2x128xi32, #tpu.memory_space<hbm>> -> memref<2x128xi32, #tpu.memory_space<hbm>>
    %dma_start3A_572 = arith.constant 0 : i32
    %dma_start3A_573 = arith.constant 0 : i32
    %dma_start3A_574 = tpu.memref_slice %arg11[%dma_start3A_563, %dma_start3A_572, %dma_start3A_573] : memref<4x2x128xi32, #tpu.memory_space<vmem>> -> memref<1x2x128xi32, #tpu.memory_space<vmem>>
    %dma_start3A_575 = tpu.memref_squeeze %dma_start3A_574 : memref<1x2x128xi32, #tpu.memory_space<vmem>> -> memref<2x128xi32, #tpu.memory_space<vmem>>
    %dma_start3A_576 = arith.constant 0 : i32
    %dma_start3A_577 = arith.constant 0 : i32
    %dma_start3A_578 = tpu.memref_slice %arg3[%add3A_562, %dma_start3A_576, %dma_start3A_577] : memref<2560x2x128xi32, #tpu.memory_space<hbm>> -> memref<1x2x128xi32, #tpu.memory_space<hbm>>
    %dma_start3A_579 = tpu.memref_squeeze %dma_start3A_578 : memref<1x2x128xi32, #tpu.memory_space<hbm>> -> memref<2x128xi32, #tpu.memory_space<hbm>>
    tpu.enqueue_dma source(%dma_start3A_579 : memref<2x128xi32, #tpu.memory_space<hbm>>) target(%dma_start3A_575 : memref<2x128xi32, #tpu.memory_space<vmem>>) target_semaphore(%arg22 : memref<!tpu.dma_semaphore, #tpu.memory_space<semaphore_mem>>)
    %dma_wait3A_580 = arith.constant 0 : i32
    %dma_wait3A_581 = arith.constant 0 : i32
    %dma_wait3A_582 = arith.constant 0 : i32
    %dma_wait3A_583 = arith.constant 0 : i32
    %dma_wait3A_584 = tpu.memref_slice %arg13[%dma_wait3A_581, %dma_wait3A_582, %dma_wait3A_583] : memref<2x128x64xf32, #tpu.memory_space<vmem>> -> memref<1x128x64xf32, #tpu.memory_space<vmem>>
    %dma_wait3A_585 = tpu.memref_squeeze %dma_wait3A_584 : memref<1x128x64xf32, #tpu.memory_space<vmem>> -> memref<128x64xf32, #tpu.memory_space<vmem>>
    %dma_wait3A_586 = arith.constant 0 : i32
    %dma_wait3A_587 = tpu.memref_slice %arg12[%dma_wait3A_580, %dma_wait3A_586] : memref<2x128xi32, #tpu.memory_space<vmem>> -> memref<1x128xi32, #tpu.memory_space<vmem>>
    %dma_wait3A_588 = tpu.memref_squeeze %dma_wait3A_587 : memref<1x128xi32, #tpu.memory_space<vmem>> -> memref<128xi32, #tpu.memory_space<vmem>>
    %dma_wait3A_589 = arith.constant 0 : i32
    %dma_wait3A_590 = arith.constant 0 : i32
    %dma_wait3A_591 = tpu.memref_slice %arg5[%dma_wait3A_589, %dma_wait3A_590] : memref<100000x64xf32, #tpu.memory_space<hbm>> -> memref<100000x64xf32, #tpu.memory_space<hbm>>
    tpu.wait_indirect_dma semaphore(%arg18 : memref<!tpu.dma_semaphore, #tpu.memory_space<semaphore_mem>>) src(%dma_wait3A_591 : memref<100000x64xf32, #tpu.memory_space<hbm>>) dst(%dma_wait3A_585 : memref<128x64xf32, #tpu.memory_space<vmem>>)
    %scan3A_592 = arith.constant 0 : i32
    %scan3A_593 = arith.constant -65536 : i32
    %scan3A_594 = arith.constant 0 : i32
    %scan3A_595 = arith.constant 128 : i32
    %scan3A_596 = arith.addi %scan3A_594, %scan3A_595 : i32
    %scan3A_597 = arith.constant 1 : i32
    scf.for %scan3A_948 = %scan3A_594 to %scan3A_596 step %scan3A_597  : i32 {
      %get3A_949 = arith.constant 0 : i32
      %get3A_950 = arith.index_cast %get3A_949 : i32 to index
      %get3A_951 = arith.index_cast %scan3A_948 : i32 to index
      %get3A_952 = arith.constant 0 : index
      %get3A_953 = tpu.vector_load %arg13[%get3A_950, %get3A_951, %get3A_952] {strides = array<i32>} : memref<2x128x64xf32, #tpu.memory_space<vmem>>, vector<16xf32>,
      %bitcast3A = vector.bitcast %get3A_953 : vector<16xf32> to vector<16xi32>
      %shift_left3A = arith.constant 16 : i32
      %shift_left3A_954 = vector.broadcast %shift_left3A : i32 to vector<16xi32>
      %shift_left3A_955 = arith.shli %bitcast3A, %shift_left3A_954 : vector<16xi32>
      %bitcast3A_956 = vector.bitcast %shift_left3A_955 : vector<16xi32> to vector<16xf32>
      %swap3A_957 = arith.constant 0 : i32
      %swap3A_958 = arith.index_cast %swap3A_957 : i32 to index
      %swap3A_959 = arith.index_cast %scan3A_948 : i32 to index
      %swap3A_960 = arith.constant 0 : index
      %swap3A_961 = tpu.vector_load %arg13[%swap3A_958, %swap3A_959, %swap3A_960] {strides = array<i32>} : memref<2x128x64xf32, #tpu.memory_space<vmem>>, vector<16xf32>,
      tpu.vector_store %arg13[%swap3A_958, %swap3A_959, %swap3A_960], %bitcast3A_956 {strides = array<i32>} : memref<2x128x64xf32, #tpu.memory_space<vmem>>, vector<16xf32>,
      %and3A = vector.broadcast %scan3A_593 : i32 to vector<16xi32>
      %and3A_962 = arith.andi %bitcast3A, %and3A : vector<16xi32>
      %bitcast3A_963 = vector.bitcast %and3A_962 : vector<16xi32> to vector<16xf32>
      %swap3A_964 = arith.index_cast %scan3A_948 : i32 to index
      %swap3A_965 = arith.constant 0 : index
      %swap3A_966 = tpu.vector_load %arg14[%swap3A_964, %swap3A_965] {strides = array<i32>} : memref<128x64xf32, #tpu.memory_space<vmem>>, vector<16xf32>,
      tpu.vector_store %arg14[%swap3A_964, %swap3A_965], %bitcast3A_963 {strides = array<i32>} : memref<128x64xf32, #tpu.memory_space<vmem>>, vector<16xf32>,
      %get3A_967 = arith.constant 0 : i32
      %get3A_968 = arith.index_cast %get3A_967 : i32 to index
      %get3A_969 = arith.index_cast %scan3A_948 : i32 to index
      %get3A_970 = arith.constant 16 : index
      %get3A_971 = tpu.vector_load %arg13[%get3A_968, %get3A_969, %get3A_970] {strides = array<i32>} : memref<2x128x64xf32, #tpu.memory_space<vmem>>, vector<16xf32>,
      %bitcast3A_972 = vector.bitcast %get3A_971 : vector<16xf32> to vector<16xi32>
      %shift_left3A_973 = arith.constant 16 : i32
      %shift_left3A_974 = vector.broadcast %shift_left3A_973 : i32 to vector<16xi32>
      %shift_left3A_975 = arith.shli %bitcast3A_972, %shift_left3A_974 : vector<16xi32>
      %bitcast3A_976 = vector.bitcast %shift_left3A_975 : vector<16xi32> to vector<16xf32>
      %swap3A_977 = arith.constant 0 : i32
      %swap3A_978 = arith.index_cast %swap3A_977 : i32 to index
      %swap3A_979 = arith.index_cast %scan3A_948 : i32 to index
      %swap3A_980 = arith.constant 16 : index
      %swap3A_981 = tpu.vector_load %arg13[%swap3A_978, %swap3A_979, %swap3A_980] {strides = array<i32>} : memref<2x128x64xf32, #tpu.memory_space<vmem>>, vector<16xf32>,
      tpu.vector_store %arg13[%swap3A_978, %swap3A_979, %swap3A_980], %bitcast3A_976 {strides = array<i32>} : memref<2x128x64xf32, #tpu.memory_space<vmem>>, vector<16xf32>,
      %and3A_982 = vector.broadcast %scan3A_593 : i32 to vector<16xi32>
      %and3A_983 = arith.andi %bitcast3A_972, %and3A_982 : vector<16xi32>
      %bitcast3A_984 = vector.bitcast %and3A_983 : vector<16xi32> to vector<16xf32>
      %swap3A_985 = arith.index_cast %scan3A_948 : i32 to index
      %swap3A_986 = arith.constant 16 : index
      %swap3A_987 = tpu.vector_load %arg14[%swap3A_985, %swap3A_986] {strides = array<i32>} : memref<128x64xf32, #tpu.memory_space<vmem>>, vector<16xf32>,
      tpu.vector_store %arg14[%swap3A_985, %swap3A_986], %bitcast3A_984 {strides = array<i32>} : memref<128x64xf32, #tpu.memory_space<vmem>>, vector<16xf32>,
      %get3A_988 = arith.constant 0 : i32
      %get3A_989 = arith.index_cast %get3A_988 : i32 to index
      %get3A_990 = arith.index_cast %scan3A_948 : i32 to index
      %get3A_991 = arith.constant 32 : index
      %get3A_992 = tpu.vector_load %arg13[%get3A_989, %get3A_990, %get3A_991] {strides = array<i32>} : memref<2x128x64xf32, #tpu.memory_space<vmem>>, vector<16xf32>,
      %bitcast3A_993 = vector.bitcast %get3A_992 : vector<16xf32> to vector<16xi32>
      %shift_left3A_994 = arith.constant 16 : i32
      %shift_left3A_995 = vector.broadcast %shift_left3A_994 : i32 to vector<16xi32>
      %shift_left3A_996 = arith.shli %bitcast3A_993, %shift_left3A_995 : vector<16xi32>
      %bitcast3A_997 = vector.bitcast %shift_left3A_996 : vector<16xi32> to vector<16xf32>
      %swap3A_998 = arith.constant 0 : i32
      %swap3A_999 = arith.index_cast %swap3A_998 : i32 to index
      %swap3A_1000 = arith.index_cast %scan3A_948 : i32 to index
      %swap3A_1001 = arith.constant 32 : index
      %swap3A_1002 = tpu.vector_load %arg13[%swap3A_999, %swap3A_1000, %swap3A_1001] {strides = array<i32>} : memref<2x128x64xf32, #tpu.memory_space<vmem>>, vector<16xf32>,
      tpu.vector_store %arg13[%swap3A_999, %swap3A_1000, %swap3A_1001], %bitcast3A_997 {strides = array<i32>} : memref<2x128x64xf32, #tpu.memory_space<vmem>>, vector<16xf32>,
      %and3A_1003 = vector.broadcast %scan3A_593 : i32 to vector<16xi32>
      %and3A_1004 = arith.andi %bitcast3A_993, %and3A_1003 : vector<16xi32>
      %bitcast3A_1005 = vector.bitcast %and3A_1004 : vector<16xi32> to vector<16xf32>
      %swap3A_1006 = arith.index_cast %scan3A_948 : i32 to index
      %swap3A_1007 = arith.constant 32 : index
      %swap3A_1008 = tpu.vector_load %arg14[%swap3A_1006, %swap3A_1007] {strides = array<i32>} : memref<128x64xf32, #tpu.memory_space<vmem>>, vector<16xf32>,
      tpu.vector_store %arg14[%swap3A_1006, %swap3A_1007], %bitcast3A_1005 {strides = array<i32>} : memref<128x64xf32, #tpu.memory_space<vmem>>, vector<16xf32>,
      %get3A_1009 = arith.constant 0 : i32
      %get3A_1010 = arith.index_cast %get3A_1009 : i32 to index
      %get3A_1011 = arith.index_cast %scan3A_948 : i32 to index
      %get3A_1012 = arith.constant 48 : index
      %get3A_1013 = tpu.vector_load %arg13[%get3A_1010, %get3A_1011, %get3A_1012] {strides = array<i32>} : memref<2x128x64xf32, #tpu.memory_space<vmem>>, vector<16xf32>,
      %bitcast3A_1014 = vector.bitcast %get3A_1013 : vector<16xf32> to vector<16xi32>
      %shift_left3A_1015 = arith.constant 16 : i32
      %shift_left3A_1016 = vector.broadcast %shift_left3A_1015 : i32 to vector<16xi32>
      %shift_left3A_1017 = arith.shli %bitcast3A_1014, %shift_left3A_1016 : vector<16xi32>
      %bitcast3A_1018 = vector.bitcast %shift_left3A_1017 : vector<16xi32> to vector<16xf32>
      %swap3A_1019 = arith.constant 0 : i32
      %swap3A_1020 = arith.index_cast %swap3A_1019 : i32 to index
      %swap3A_1021 = arith.index_cast %scan3A_948 : i32 to index
      %swap3A_1022 = arith.constant 48 : index
      %swap3A_1023 = tpu.vector_load %arg13[%swap3A_1020, %swap3A_1021, %swap3A_1022] {strides = array<i32>} : memref<2x128x64xf32, #tpu.memory_space<vmem>>, vector<16xf32>,
      tpu.vector_store %arg13[%swap3A_1020, %swap3A_1021, %swap3A_1022], %bitcast3A_1018 {strides = array<i32>} : memref<2x128x64xf32, #tpu.memory_space<vmem>>, vector<16xf32>,
      %and3A_1024 = vector.broadcast %scan3A_593 : i32 to vector<16xi32>
      %and3A_1025 = arith.andi %bitcast3A_1014, %and3A_1024 : vector<16xi32>
      %bitcast3A_1026 = vector.bitcast %and3A_1025 : vector<16xi32> to vector<16xf32>
      %swap3A_1027 = arith.index_cast %scan3A_948 : i32 to index
      %swap3A_1028 = arith.constant 48 : index
      %swap3A_1029 = tpu.vector_load %arg14[%swap3A_1027, %swap3A_1028] {strides = array<i32>} : memref<128x64xf32, #tpu.memory_space<vmem>>, vector<16xf32>,
      tpu.vector_store %arg14[%swap3A_1027, %swap3A_1028], %bitcast3A_1026 {strides = array<i32>} : memref<128x64xf32, #tpu.memory_space<vmem>>, vector<16xf32>,
    }
    %scan3A_598 = arith.constant 128 : i32
    %run_scoped3A_599 = arith.constant 0 : i32
    %run_scoped3A_600 = arith.constant 0 : i32
    %run_scoped3A_601 = arith.constant 1 : i32
    "tpu.region"() ({
      %run_scoped3A_948 = tpu.sem_alloc : memref<!tpu.dma_semaphore, #tpu.memory_space<semaphore_mem>>
      %dma_start3A_949 = arith.constant 0 : i32
      %dma_start3A_950 = arith.constant 0 : i32
      %dma_start3A_951 = tpu.memref_slice %arg13[%run_scoped3A_599, %dma_start3A_949, %dma_start3A_950] : memref<2x128x64xf32, #tpu.memory_space<vmem>> -> memref<1x128x64xf32, #tpu.memory_space<vmem>>
      %dma_start3A_952 = tpu.memref_squeeze %dma_start3A_951 : memref<1x128x64xf32, #tpu.memory_space<vmem>> -> memref<128x64xf32, #tpu.memory_space<vmem>>
      %dma_start3A_953 = arith.constant 0 : i32
      %dma_start3A_954 = tpu.memref_slice %arg11[%run_scoped3A_600, %run_scoped3A_601, %dma_start3A_953] : memref<4x2x128xi32, #tpu.memory_space<vmem>> -> memref<1x1x128xi32, #tpu.memory_space<vmem>>
      %dma_start3A_955 = tpu.memref_squeeze %dma_start3A_954 : memref<1x1x128xi32, #tpu.memory_space<vmem>> -> memref<128xi32, #tpu.memory_space<vmem>>
      %dma_start3A_956 = arith.constant 0 : i32
      %dma_start3A_957 = arith.constant 0 : i32
      %dma_start3A_958 = tpu.memref_slice %arg16[%dma_start3A_956, %dma_start3A_957] : memref<10240x64xf32, #tpu.memory_space<vmem_shared>> -> memref<10240x64xf32, #tpu.memory_space<vmem_shared>>
      tpu.enqueue_indirect_dma source(%dma_start3A_952 : memref<128x64xf32, #tpu.memory_space<vmem>>) target(%dma_start3A_958 : memref<10240x64xf32, #tpu.memory_space<vmem_shared>>) offsets(%dma_start3A_955 : memref<128xi32, #tpu.memory_space<vmem>>) semaphore(%run_scoped3A_948 : memref<!tpu.dma_semaphore, #tpu.memory_space<semaphore_mem>>) {add = true}
      %dma_wait3A_959 = arith.constant 0 : i32
      %dma_wait3A_960 = arith.constant 0 : i32
      %dma_wait3A_961 = tpu.memref_slice %arg13[%run_scoped3A_599, %dma_wait3A_959, %dma_wait3A_960] : memref<2x128x64xf32, #tpu.memory_space<vmem>> -> memref<1x128x64xf32, #tpu.memory_space<vmem>>
      %dma_wait3A_962 = tpu.memref_squeeze %dma_wait3A_961 : memref<1x128x64xf32, #tpu.memory_space<vmem>> -> memref<128x64xf32, #tpu.memory_space<vmem>>
      %dma_wait3A_963 = arith.constant 0 : i32
      %dma_wait3A_964 = tpu.memref_slice %arg11[%run_scoped3A_600, %run_scoped3A_601, %dma_wait3A_963] : memref<4x2x128xi32, #tpu.memory_space<vmem>> -> memref<1x1x128xi32, #tpu.memory_space<vmem>>
      %dma_wait3A_965 = tpu.memref_squeeze %dma_wait3A_964 : memref<1x1x128xi32, #tpu.memory_space<vmem>> -> memref<128xi32, #tpu.memory_space<vmem>>
      %dma_wait3A_966 = arith.constant 0 : i32
      %dma_wait3A_967 = arith.constant 0 : i32
      %dma_wait3A_968 = tpu.memref_slice %arg16[%dma_wait3A_966, %dma_wait3A_967] : memref<10240x64xf32, #tpu.memory_space<vmem_shared>> -> memref<10240x64xf32, #tpu.memory_space<vmem_shared>>
      tpu.wait_indirect_dma semaphore(%run_scoped3A_948 : memref<!tpu.dma_semaphore, #tpu.memory_space<semaphore_mem>>) src(%dma_wait3A_962 : memref<128x64xf32, #tpu.memory_space<vmem>>) dst(%dma_wait3A_968 : memref<10240x64xf32, #tpu.memory_space<vmem_shared>>)
      tpu.yield
    }) : () -> ()
    %run_scoped3A_602 = arith.constant 0 : i32
    %run_scoped3A_603 = arith.constant 1 : i32
    "tpu.region"() ({
      %run_scoped3A_948 = tpu.sem_alloc : memref<!tpu.dma_semaphore, #tpu.memory_space<semaphore_mem>>
      %dma_start3A_949 = arith.constant 0 : i32
      %dma_start3A_950 = tpu.memref_slice %arg11[%run_scoped3A_602, %run_scoped3A_603, %dma_start3A_949] : memref<4x2x128xi32, #tpu.memory_space<vmem>> -> memref<1x1x128xi32, #tpu.memory_space<vmem>>
      %dma_start3A_951 = tpu.memref_squeeze %dma_start3A_950 : memref<1x1x128xi32, #tpu.memory_space<vmem>> -> memref<128xi32, #tpu.memory_space<vmem>>
      %dma_start3A_952 = arith.constant 0 : i32
      %dma_start3A_953 = arith.constant 0 : i32
      %dma_start3A_954 = tpu.memref_slice %arg17[%dma_start3A_952, %dma_start3A_953] : memref<10240x64xf32, #tpu.memory_space<vmem_shared>> -> memref<10240x64xf32, #tpu.memory_space<vmem_shared>>
      tpu.enqueue_indirect_dma source(%arg14 : memref<128x64xf32, #tpu.memory_space<vmem>>) target(%dma_start3A_954 : memref<10240x64xf32, #tpu.memory_space<vmem_shared>>) offsets(%dma_start3A_951 : memref<128xi32, #tpu.memory_space<vmem>>) semaphore(%run_scoped3A_948 : memref<!tpu.dma_semaphore, #tpu.memory_space<semaphore_mem>>) {add = true}
      %dma_wait3A_955 = arith.constant 0 : i32
      %dma_wait3A_956 = tpu.memref_slice %arg11[%run_scoped3A_602, %run_scoped3A_603, %dma_wait3A_955] : memref<4x2x128xi32, #tpu.memory_space<vmem>> -> memref<1x1x128xi32, #tpu.memory_space<vmem>>
      %dma_wait3A_957 = tpu.memref_squeeze %dma_wait3A_956 : memref<1x1x128xi32, #tpu.memory_space<vmem>> -> memref<128xi32, #tpu.memory_space<vmem>>
      %dma_wait3A_958 = arith.constant 0 : i32
      %dma_wait3A_959 = arith.constant 0 : i32
      %dma_wait3A_960 = tpu.memref_slice %arg17[%dma_wait3A_958, %dma_wait3A_959] : memref<10240x64xf32, #tpu.memory_space<vmem_shared>> -> memref<10240x64xf32, #tpu.memory_space<vmem_shared>>
      tpu.wait_indirect_dma semaphore(%run_scoped3A_948 : memref<!tpu.dma_semaphore, #tpu.memory_space<semaphore_mem>>) src(%arg14 : memref<128x64xf32, #tpu.memory_space<vmem>>) dst(%dma_wait3A_960 : memref<10240x64xf32, #tpu.memory_space<vmem_shared>>)
      tpu.yield
    }) : () -> ()
    %mul3A_604 = arith.constant 80 : i32
    %mul3A_605 = arith.muli %add3A, %mul3A_604 : i32
    %add3A_606 = arith.constant 79 : i32
    %add3A_607 = arith.addi %mul3A_605, %add3A_606 : i32
    %dma_start3A_608 = arith.constant 3 : i32
    %dma_start3A_609 = arith.constant 0 : i32
    %dma_start3A_610 = arith.constant 0 : i32
    %dma_start3A_611 = tpu.memref_slice %arg11[%dma_start3A_608, %dma_start3A_609, %dma_start3A_610] : memref<4x2x128xi32, #tpu.memory_space<vmem>> -> memref<1x2x128xi32, #tpu.memory_space<vmem>>
    %dma_start3A_612 = tpu.memref_squeeze %dma_start3A_611 : memref<1x2x128xi32, #tpu.memory_space<vmem>> -> memref<2x128xi32, #tpu.memory_space<vmem>>
    %dma_start3A_613 = arith.constant 0 : i32
    %dma_start3A_614 = arith.constant 0 : i32
    %dma_start3A_615 = tpu.memref_slice %arg3[%add3A_607, %dma_start3A_613, %dma_start3A_614] : memref<2560x2x128xi32, #tpu.memory_space<hbm>> -> memref<1x2x128xi32, #tpu.memory_space<hbm>>
    %dma_start3A_616 = tpu.memref_squeeze %dma_start3A_615 : memref<1x2x128xi32, #tpu.memory_space<hbm>> -> memref<2x128xi32, #tpu.memory_space<hbm>>
    %dma_start3A_617 = arith.constant 0 : i32
    %dma_start3A_618 = arith.constant 0 : i32
    %dma_start3A_619 = tpu.memref_slice %arg11[%dma_start3A_608, %dma_start3A_617, %dma_start3A_618] : memref<4x2x128xi32, #tpu.memory_space<vmem>> -> memref<1x2x128xi32, #tpu.memory_space<vmem>>
    %dma_start3A_620 = tpu.memref_squeeze %dma_start3A_619 : memref<1x2x128xi32, #tpu.memory_space<vmem>> -> memref<2x128xi32, #tpu.memory_space<vmem>>
    %dma_start3A_621 = arith.constant 0 : i32
    %dma_start3A_622 = arith.constant 0 : i32
    %dma_start3A_623 = tpu.memref_slice %arg3[%add3A_607, %dma_start3A_621, %dma_start3A_622] : memref<2560x2x128xi32, #tpu.memory_space<hbm>> -> memref<1x2x128xi32, #tpu.memory_space<hbm>>
    %dma_start3A_624 = tpu.memref_squeeze %dma_start3A_623 : memref<1x2x128xi32, #tpu.memory_space<hbm>> -> memref<2x128xi32, #tpu.memory_space<hbm>>
    tpu.enqueue_dma source(%dma_start3A_624 : memref<2x128xi32, #tpu.memory_space<hbm>>) target(%dma_start3A_620 : memref<2x128xi32, #tpu.memory_space<vmem>>) target_semaphore(%arg23 : memref<!tpu.dma_semaphore, #tpu.memory_space<semaphore_mem>>)
    %mul3A_625 = arith.constant 80 : i32
    %mul3A_626 = arith.muli %add3A, %mul3A_625 : i32
    %add3A_627 = arith.constant 78 : i32
    %add3A_628 = arith.addi %mul3A_626, %add3A_627 : i32
    %dma_wait3A_629 = arith.constant 2 : i32
    %dma_wait3A_630 = arith.constant 0 : i32
    %dma_wait3A_631 = arith.constant 0 : i32
    %dma_wait3A_632 = tpu.memref_slice %arg11[%dma_wait3A_629, %dma_wait3A_630, %dma_wait3A_631] : memref<4x2x128xi32, #tpu.memory_space<vmem>> -> memref<1x2x128xi32, #tpu.memory_space<vmem>>
    %dma_wait3A_633 = tpu.memref_squeeze %dma_wait3A_632 : memref<1x2x128xi32, #tpu.memory_space<vmem>> -> memref<2x128xi32, #tpu.memory_space<vmem>>
    %dma_wait3A_634 = arith.constant 0 : i32
    %dma_wait3A_635 = arith.constant 0 : i32
    %dma_wait3A_636 = tpu.memref_slice %arg3[%add3A_628, %dma_wait3A_634, %dma_wait3A_635] : memref<2560x2x128xi32, #tpu.memory_space<hbm>> -> memref<1x2x128xi32, #tpu.memory_space<hbm>>
    %dma_wait3A_637 = tpu.memref_squeeze %dma_wait3A_636 : memref<1x2x128xi32, #tpu.memory_space<hbm>> -> memref<2x128xi32, #tpu.memory_space<hbm>>
    %dma_wait3A_638 = arith.constant 0 : i32
    %dma_wait3A_639 = arith.constant 0 : i32
    %dma_wait3A_640 = tpu.memref_slice %arg11[%dma_wait3A_629, %dma_wait3A_638, %dma_wait3A_639] : memref<4x2x128xi32, #tpu.memory_space<vmem>> -> memref<1x2x128xi32, #tpu.memory_space<vmem>>
    %dma_wait3A_641 = tpu.memref_squeeze %dma_wait3A_640 : memref<1x2x128xi32, #tpu.memory_space<vmem>> -> memref<2x128xi32, #tpu.memory_space<vmem>>
    %dma_wait3A_642 = arith.constant 0 : i32
    %dma_wait3A_643 = arith.constant 0 : i32
    %dma_wait3A_644 = tpu.memref_slice %arg3[%add3A_628, %dma_wait3A_642, %dma_wait3A_643] : memref<2560x2x128xi32, #tpu.memory_space<hbm>> -> memref<1x2x128xi32, #tpu.memory_space<hbm>>
    %dma_wait3A_645 = tpu.memref_squeeze %dma_wait3A_644 : memref<1x2x128xi32, #tpu.memory_space<hbm>> -> memref<2x128xi32, #tpu.memory_space<hbm>>
    tpu.wait_dma2 semaphore(%arg22 : memref<!tpu.dma_semaphore, #tpu.memory_space<semaphore_mem>>) src(%dma_wait3A_645 : memref<2x128xi32, #tpu.memory_space<hbm>>) dst(%dma_wait3A_641 : memref<2x128xi32, #tpu.memory_space<vmem>>)
    %get3A_646 = arith.constant 2 : i32
    %get3A_647 = arith.constant 0 : i32
    %get3A_648 = arith.index_cast %get3A_646 : i32 to index
    %get3A_649 = arith.index_cast %get3A_647 : i32 to index
    %get3A_650 = arith.constant 0 : index
    %get3A_651 = tpu.vector_load %arg11[%get3A_648, %get3A_649, %get3A_650] {strides = array<i32>} : memref<4x2x128xi32, #tpu.memory_space<vmem>>, vector<16xi32>,
    %gather3A_652 = tpu.vector_load_idx %arg10[%get3A_651] : memref<10240xi32, #tpu.memory_space<vmem>>[vector<16xi32>], vector<16xi32>,
    %swap3A_653 = arith.constant 0 : i32
    %swap3A_654 = arith.index_cast %swap3A_653 : i32 to index
    %swap3A_655 = arith.constant 0 : index
    %swap3A_656 = tpu.vector_load %arg12[%swap3A_654, %swap3A_655] {strides = array<i32>} : memref<2x128xi32, #tpu.memory_space<vmem>>, vector<16xi32>,
    tpu.vector_store %arg12[%swap3A_654, %swap3A_655], %gather3A_652 {strides = array<i32>} : memref<2x128xi32, #tpu.memory_space<vmem>>, vector<16xi32>,
    %get3A_657 = arith.constant 2 : i32
    %get3A_658 = arith.constant 0 : i32
    %get3A_659 = arith.index_cast %get3A_657 : i32 to index
    %get3A_660 = arith.index_cast %get3A_658 : i32 to index
    %get3A_661 = arith.constant 16 : index
    %get3A_662 = tpu.vector_load %arg11[%get3A_659, %get3A_660, %get3A_661] {strides = array<i32>} : memref<4x2x128xi32, #tpu.memory_space<vmem>>, vector<16xi32>,
    %gather3A_663 = tpu.vector_load_idx %arg10[%get3A_662] : memref<10240xi32, #tpu.memory_space<vmem>>[vector<16xi32>], vector<16xi32>,
    %swap3A_664 = arith.constant 0 : i32
    %swap3A_665 = arith.index_cast %swap3A_664 : i32 to index
    %swap3A_666 = arith.constant 16 : index
    %swap3A_667 = tpu.vector_load %arg12[%swap3A_665, %swap3A_666] {strides = array<i32>} : memref<2x128xi32, #tpu.memory_space<vmem>>, vector<16xi32>,
    tpu.vector_store %arg12[%swap3A_665, %swap3A_666], %gather3A_663 {strides = array<i32>} : memref<2x128xi32, #tpu.memory_space<vmem>>, vector<16xi32>,
    %get3A_668 = arith.constant 2 : i32
    %get3A_669 = arith.constant 0 : i32
    %get3A_670 = arith.index_cast %get3A_668 : i32 to index
    %get3A_671 = arith.index_cast %get3A_669 : i32 to index
    %get3A_672 = arith.constant 32 : index
    %get3A_673 = tpu.vector_load %arg11[%get3A_670, %get3A_671, %get3A_672] {strides = array<i32>} : memref<4x2x128xi32, #tpu.memory_space<vmem>>, vector<16xi32>,
    %gather3A_674 = tpu.vector_load_idx %arg10[%get3A_673] : memref<10240xi32, #tpu.memory_space<vmem>>[vector<16xi32>], vector<16xi32>,
    %swap3A_675 = arith.constant 0 : i32
    %swap3A_676 = arith.index_cast %swap3A_675 : i32 to index
    %swap3A_677 = arith.constant 32 : index
    %swap3A_678 = tpu.vector_load %arg12[%swap3A_676, %swap3A_677] {strides = array<i32>} : memref<2x128xi32, #tpu.memory_space<vmem>>, vector<16xi32>,
    tpu.vector_store %arg12[%swap3A_676, %swap3A_677], %gather3A_674 {strides = array<i32>} : memref<2x128xi32, #tpu.memory_space<vmem>>, vector<16xi32>,
    %get3A_679 = arith.constant 2 : i32
    %get3A_680 = arith.constant 0 : i32
    %get3A_681 = arith.index_cast %get3A_679 : i32 to index
    %get3A_682 = arith.index_cast %get3A_680 : i32 to index
    %get3A_683 = arith.constant 48 : index
    %get3A_684 = tpu.vector_load %arg11[%get3A_681, %get3A_682, %get3A_683] {strides = array<i32>} : memref<4x2x128xi32, #tpu.memory_space<vmem>>, vector<16xi32>,
    %gather3A_685 = tpu.vector_load_idx %arg10[%get3A_684] : memref<10240xi32, #tpu.memory_space<vmem>>[vector<16xi32>], vector<16xi32>,
    %swap3A_686 = arith.constant 0 : i32
    %swap3A_687 = arith.index_cast %swap3A_686 : i32 to index
    %swap3A_688 = arith.constant 48 : index
    %swap3A_689 = tpu.vector_load %arg12[%swap3A_687, %swap3A_688] {strides = array<i32>} : memref<2x128xi32, #tpu.memory_space<vmem>>, vector<16xi32>,
    tpu.vector_store %arg12[%swap3A_687, %swap3A_688], %gather3A_685 {strides = array<i32>} : memref<2x128xi32, #tpu.memory_space<vmem>>, vector<16xi32>,
    %get3A_690 = arith.constant 2 : i32
    %get3A_691 = arith.constant 0 : i32
    %get3A_692 = arith.index_cast %get3A_690 : i32 to index
    %get3A_693 = arith.index_cast %get3A_691 : i32 to index
    %get3A_694 = arith.constant 64 : index
    %get3A_695 = tpu.vector_load %arg11[%get3A_692, %get3A_693, %get3A_694] {strides = array<i32>} : memref<4x2x128xi32, #tpu.memory_space<vmem>>, vector<16xi32>,
    %gather3A_696 = tpu.vector_load_idx %arg10[%get3A_695] : memref<10240xi32, #tpu.memory_space<vmem>>[vector<16xi32>], vector<16xi32>,
    %swap3A_697 = arith.constant 0 : i32
    %swap3A_698 = arith.index_cast %swap3A_697 : i32 to index
    %swap3A_699 = arith.constant 64 : index
    %swap3A_700 = tpu.vector_load %arg12[%swap3A_698, %swap3A_699] {strides = array<i32>} : memref<2x128xi32, #tpu.memory_space<vmem>>, vector<16xi32>,
    tpu.vector_store %arg12[%swap3A_698, %swap3A_699], %gather3A_696 {strides = array<i32>} : memref<2x128xi32, #tpu.memory_space<vmem>>, vector<16xi32>,
    %get3A_701 = arith.constant 2 : i32
    %get3A_702 = arith.constant 0 : i32
    %get3A_703 = arith.index_cast %get3A_701 : i32 to index
    %get3A_704 = arith.index_cast %get3A_702 : i32 to index
    %get3A_705 = arith.constant 80 : index
    %get3A_706 = tpu.vector_load %arg11[%get3A_703, %get3A_704, %get3A_705] {strides = array<i32>} : memref<4x2x128xi32, #tpu.memory_space<vmem>>, vector<16xi32>,
    %gather3A_707 = tpu.vector_load_idx %arg10[%get3A_706] : memref<10240xi32, #tpu.memory_space<vmem>>[vector<16xi32>], vector<16xi32>,
    %swap3A_708 = arith.constant 0 : i32
    %swap3A_709 = arith.index_cast %swap3A_708 : i32 to index
    %swap3A_710 = arith.constant 80 : index
    %swap3A_711 = tpu.vector_load %arg12[%swap3A_709, %swap3A_710] {strides = array<i32>} : memref<2x128xi32, #tpu.memory_space<vmem>>, vector<16xi32>,
    tpu.vector_store %arg12[%swap3A_709, %swap3A_710], %gather3A_707 {strides = array<i32>} : memref<2x128xi32, #tpu.memory_space<vmem>>, vector<16xi32>,
    %get3A_712 = arith.constant 2 : i32
    %get3A_713 = arith.constant 0 : i32
    %get3A_714 = arith.index_cast %get3A_712 : i32 to index
    %get3A_715 = arith.index_cast %get3A_713 : i32 to index
    %get3A_716 = arith.constant 96 : index
    %get3A_717 = tpu.vector_load %arg11[%get3A_714, %get3A_715, %get3A_716] {strides = array<i32>} : memref<4x2x128xi32, #tpu.memory_space<vmem>>, vector<16xi32>,
    %gather3A_718 = tpu.vector_load_idx %arg10[%get3A_717] : memref<10240xi32, #tpu.memory_space<vmem>>[vector<16xi32>], vector<16xi32>,
    %swap3A_719 = arith.constant 0 : i32
    %swap3A_720 = arith.index_cast %swap3A_719 : i32 to index
    %swap3A_721 = arith.constant 96 : index
    %swap3A_722 = tpu.vector_load %arg12[%swap3A_720, %swap3A_721] {strides = array<i32>} : memref<2x128xi32, #tpu.memory_space<vmem>>, vector<16xi32>,
    tpu.vector_store %arg12[%swap3A_720, %swap3A_721], %gather3A_718 {strides = array<i32>} : memref<2x128xi32, #tpu.memory_space<vmem>>, vector<16xi32>,
    %get3A_723 = arith.constant 2 : i32
    %get3A_724 = arith.constant 0 : i32
    %get3A_725 = arith.index_cast %get3A_723 : i32 to index
    %get3A_726 = arith.index_cast %get3A_724 : i32 to index
    %get3A_727 = arith.constant 112 : index
    %get3A_728 = tpu.vector_load %arg11[%get3A_725, %get3A_726, %get3A_727] {strides = array<i32>} : memref<4x2x128xi32, #tpu.memory_space<vmem>>, vector<16xi32>,
    %gather3A_729 = tpu.vector_load_idx %arg10[%get3A_728] : memref<10240xi32, #tpu.memory_space<vmem>>[vector<16xi32>], vector<16xi32>,
    %swap3A_730 = arith.constant 0 : i32
    %swap3A_731 = arith.index_cast %swap3A_730 : i32 to index
    %swap3A_732 = arith.constant 112 : index
    %swap3A_733 = tpu.vector_load %arg12[%swap3A_731, %swap3A_732] {strides = array<i32>} : memref<2x128xi32, #tpu.memory_space<vmem>>, vector<16xi32>,
    tpu.vector_store %arg12[%swap3A_731, %swap3A_732], %gather3A_729 {strides = array<i32>} : memref<2x128xi32, #tpu.memory_space<vmem>>, vector<16xi32>,
    %dma_start3A_734 = arith.constant 0 : i32
    %dma_start3A_735 = arith.constant 0 : i32
    %dma_start3A_736 = arith.constant 0 : i32
    %dma_start3A_737 = arith.constant 0 : i32
    %dma_start3A_738 = tpu.memref_slice %arg13[%dma_start3A_735, %dma_start3A_736, %dma_start3A_737] : memref<2x128x64xf32, #tpu.memory_space<vmem>> -> memref<1x128x64xf32, #tpu.memory_space<vmem>>
    %dma_start3A_739 = tpu.memref_squeeze %dma_start3A_738 : memref<1x128x64xf32, #tpu.memory_space<vmem>> -> memref<128x64xf32, #tpu.memory_space<vmem>>
    %dma_start3A_740 = arith.constant 0 : i32
    %dma_start3A_741 = tpu.memref_slice %arg12[%dma_start3A_734, %dma_start3A_740] : memref<2x128xi32, #tpu.memory_space<vmem>> -> memref<1x128xi32, #tpu.memory_space<vmem>>
    %dma_start3A_742 = tpu.memref_squeeze %dma_start3A_741 : memref<1x128xi32, #tpu.memory_space<vmem>> -> memref<128xi32, #tpu.memory_space<vmem>>
    %dma_start3A_743 = arith.constant 0 : i32
    %dma_start3A_744 = arith.constant 0 : i32
    %dma_start3A_745 = tpu.memref_slice %arg5[%dma_start3A_743, %dma_start3A_744] : memref<100000x64xf32, #tpu.memory_space<hbm>> -> memref<100000x64xf32, #tpu.memory_space<hbm>>
    tpu.enqueue_indirect_dma source(%dma_start3A_745 : memref<100000x64xf32, #tpu.memory_space<hbm>>) target(%dma_start3A_739 : memref<128x64xf32, #tpu.memory_space<vmem>>) offsets(%dma_start3A_742 : memref<128xi32, #tpu.memory_space<vmem>>) semaphore(%arg18 : memref<!tpu.dma_semaphore, #tpu.memory_space<semaphore_mem>>)
    %dma_wait3A_746 = arith.constant 1 : i32
    %dma_wait3A_747 = arith.constant 1 : i32
    %dma_wait3A_748 = arith.constant 0 : i32
    %dma_wait3A_749 = arith.constant 0 : i32
    %dma_wait3A_750 = tpu.memref_slice %arg13[%dma_wait3A_747, %dma_wait3A_748, %dma_wait3A_749] : memref<2x128x64xf32, #tpu.memory_space<vmem>> -> memref<1x128x64xf32, #tpu.memory_space<vmem>>
    %dma_wait3A_751 = tpu.memref_squeeze %dma_wait3A_750 : memref<1x128x64xf32, #tpu.memory_space<vmem>> -> memref<128x64xf32, #tpu.memory_space<vmem>>
    %dma_wait3A_752 = arith.constant 0 : i32
    %dma_wait3A_753 = tpu.memref_slice %arg12[%dma_wait3A_746, %dma_wait3A_752] : memref<2x128xi32, #tpu.memory_space<vmem>> -> memref<1x128xi32, #tpu.memory_space<vmem>>
    %dma_wait3A_754 = tpu.memref_squeeze %dma_wait3A_753 : memref<1x128xi32, #tpu.memory_space<vmem>> -> memref<128xi32, #tpu.memory_space<vmem>>
    %dma_wait3A_755 = arith.constant 0 : i32
    %dma_wait3A_756 = arith.constant 0 : i32
    %dma_wait3A_757 = tpu.memref_slice %arg5[%dma_wait3A_755, %dma_wait3A_756] : memref<100000x64xf32, #tpu.memory_space<hbm>> -> memref<100000x64xf32, #tpu.memory_space<hbm>>
    tpu.wait_indirect_dma semaphore(%arg19 : memref<!tpu.dma_semaphore, #tpu.memory_space<semaphore_mem>>) src(%dma_wait3A_757 : memref<100000x64xf32, #tpu.memory_space<hbm>>) dst(%dma_wait3A_751 : memref<128x64xf32, #tpu.memory_space<vmem>>)
    %scan3A_758 = arith.constant 0 : i32
    %scan3A_759 = arith.constant -65536 : i32
    %scan3A_760 = arith.constant 0 : i32
    %scan3A_761 = arith.constant 128 : i32
    %scan3A_762 = arith.addi %scan3A_760, %scan3A_761 : i32
    %scan3A_763 = arith.constant 1 : i32
    scf.for %scan3A_948 = %scan3A_760 to %scan3A_762 step %scan3A_763  : i32 {
      %get3A_949 = arith.constant 1 : i32
      %get3A_950 = arith.index_cast %get3A_949 : i32 to index
      %get3A_951 = arith.index_cast %scan3A_948 : i32 to index
      %get3A_952 = arith.constant 0 : index
      %get3A_953 = tpu.vector_load %arg13[%get3A_950, %get3A_951, %get3A_952] {strides = array<i32>} : memref<2x128x64xf32, #tpu.memory_space<vmem>>, vector<16xf32>,
      %bitcast3A = vector.bitcast %get3A_953 : vector<16xf32> to vector<16xi32>
      %shift_left3A = arith.constant 16 : i32
      %shift_left3A_954 = vector.broadcast %shift_left3A : i32 to vector<16xi32>
      %shift_left3A_955 = arith.shli %bitcast3A, %shift_left3A_954 : vector<16xi32>
      %bitcast3A_956 = vector.bitcast %shift_left3A_955 : vector<16xi32> to vector<16xf32>
      %swap3A_957 = arith.constant 1 : i32
      %swap3A_958 = arith.index_cast %swap3A_957 : i32 to index
      %swap3A_959 = arith.index_cast %scan3A_948 : i32 to index
      %swap3A_960 = arith.constant 0 : index
      %swap3A_961 = tpu.vector_load %arg13[%swap3A_958, %swap3A_959, %swap3A_960] {strides = array<i32>} : memref<2x128x64xf32, #tpu.memory_space<vmem>>, vector<16xf32>,
      tpu.vector_store %arg13[%swap3A_958, %swap3A_959, %swap3A_960], %bitcast3A_956 {strides = array<i32>} : memref<2x128x64xf32, #tpu.memory_space<vmem>>, vector<16xf32>,
      %and3A = vector.broadcast %scan3A_759 : i32 to vector<16xi32>
      %and3A_962 = arith.andi %bitcast3A, %and3A : vector<16xi32>
      %bitcast3A_963 = vector.bitcast %and3A_962 : vector<16xi32> to vector<16xf32>
      %swap3A_964 = arith.index_cast %scan3A_948 : i32 to index
      %swap3A_965 = arith.constant 0 : index
      %swap3A_966 = tpu.vector_load %arg14[%swap3A_964, %swap3A_965] {strides = array<i32>} : memref<128x64xf32, #tpu.memory_space<vmem>>, vector<16xf32>,
      tpu.vector_store %arg14[%swap3A_964, %swap3A_965], %bitcast3A_963 {strides = array<i32>} : memref<128x64xf32, #tpu.memory_space<vmem>>, vector<16xf32>,
      %get3A_967 = arith.constant 1 : i32
      %get3A_968 = arith.index_cast %get3A_967 : i32 to index
      %get3A_969 = arith.index_cast %scan3A_948 : i32 to index
      %get3A_970 = arith.constant 16 : index
      %get3A_971 = tpu.vector_load %arg13[%get3A_968, %get3A_969, %get3A_970] {strides = array<i32>} : memref<2x128x64xf32, #tpu.memory_space<vmem>>, vector<16xf32>,
      %bitcast3A_972 = vector.bitcast %get3A_971 : vector<16xf32> to vector<16xi32>
      %shift_left3A_973 = arith.constant 16 : i32
      %shift_left3A_974 = vector.broadcast %shift_left3A_973 : i32 to vector<16xi32>
      %shift_left3A_975 = arith.shli %bitcast3A_972, %shift_left3A_974 : vector<16xi32>
      %bitcast3A_976 = vector.bitcast %shift_left3A_975 : vector<16xi32> to vector<16xf32>
      %swap3A_977 = arith.constant 1 : i32
      %swap3A_978 = arith.index_cast %swap3A_977 : i32 to index
      %swap3A_979 = arith.index_cast %scan3A_948 : i32 to index
      %swap3A_980 = arith.constant 16 : index
      %swap3A_981 = tpu.vector_load %arg13[%swap3A_978, %swap3A_979, %swap3A_980] {strides = array<i32>} : memref<2x128x64xf32, #tpu.memory_space<vmem>>, vector<16xf32>,
      tpu.vector_store %arg13[%swap3A_978, %swap3A_979, %swap3A_980], %bitcast3A_976 {strides = array<i32>} : memref<2x128x64xf32, #tpu.memory_space<vmem>>, vector<16xf32>,
      %and3A_982 = vector.broadcast %scan3A_759 : i32 to vector<16xi32>
      %and3A_983 = arith.andi %bitcast3A_972, %and3A_982 : vector<16xi32>
      %bitcast3A_984 = vector.bitcast %and3A_983 : vector<16xi32> to vector<16xf32>
      %swap3A_985 = arith.index_cast %scan3A_948 : i32 to index
      %swap3A_986 = arith.constant 16 : index
      %swap3A_987 = tpu.vector_load %arg14[%swap3A_985, %swap3A_986] {strides = array<i32>} : memref<128x64xf32, #tpu.memory_space<vmem>>, vector<16xf32>,
      tpu.vector_store %arg14[%swap3A_985, %swap3A_986], %bitcast3A_984 {strides = array<i32>} : memref<128x64xf32, #tpu.memory_space<vmem>>, vector<16xf32>,
      %get3A_988 = arith.constant 1 : i32
      %get3A_989 = arith.index_cast %get3A_988 : i32 to index
      %get3A_990 = arith.index_cast %scan3A_948 : i32 to index
      %get3A_991 = arith.constant 32 : index
      %get3A_992 = tpu.vector_load %arg13[%get3A_989, %get3A_990, %get3A_991] {strides = array<i32>} : memref<2x128x64xf32, #tpu.memory_space<vmem>>, vector<16xf32>,
      %bitcast3A_993 = vector.bitcast %get3A_992 : vector<16xf32> to vector<16xi32>
      %shift_left3A_994 = arith.constant 16 : i32
      %shift_left3A_995 = vector.broadcast %shift_left3A_994 : i32 to vector<16xi32>
      %shift_left3A_996 = arith.shli %bitcast3A_993, %shift_left3A_995 : vector<16xi32>
      %bitcast3A_997 = vector.bitcast %shift_left3A_996 : vector<16xi32> to vector<16xf32>
      %swap3A_998 = arith.constant 1 : i32
      %swap3A_999 = arith.index_cast %swap3A_998 : i32 to index
      %swap3A_1000 = arith.index_cast %scan3A_948 : i32 to index
      %swap3A_1001 = arith.constant 32 : index
      %swap3A_1002 = tpu.vector_load %arg13[%swap3A_999, %swap3A_1000, %swap3A_1001] {strides = array<i32>} : memref<2x128x64xf32, #tpu.memory_space<vmem>>, vector<16xf32>,
      tpu.vector_store %arg13[%swap3A_999, %swap3A_1000, %swap3A_1001], %bitcast3A_997 {strides = array<i32>} : memref<2x128x64xf32, #tpu.memory_space<vmem>>, vector<16xf32>,
      %and3A_1003 = vector.broadcast %scan3A_759 : i32 to vector<16xi32>
      %and3A_1004 = arith.andi %bitcast3A_993, %and3A_1003 : vector<16xi32>
      %bitcast3A_1005 = vector.bitcast %and3A_1004 : vector<16xi32> to vector<16xf32>
      %swap3A_1006 = arith.index_cast %scan3A_948 : i32 to index
      %swap3A_1007 = arith.constant 32 : index
      %swap3A_1008 = tpu.vector_load %arg14[%swap3A_1006, %swap3A_1007] {strides = array<i32>} : memref<128x64xf32, #tpu.memory_space<vmem>>, vector<16xf32>,
      tpu.vector_store %arg14[%swap3A_1006, %swap3A_1007], %bitcast3A_1005 {strides = array<i32>} : memref<128x64xf32, #tpu.memory_space<vmem>>, vector<16xf32>,
      %get3A_1009 = arith.constant 1 : i32
      %get3A_1010 = arith.index_cast %get3A_1009 : i32 to index
      %get3A_1011 = arith.index_cast %scan3A_948 : i32 to index
      %get3A_1012 = arith.constant 48 : index
      %get3A_1013 = tpu.vector_load %arg13[%get3A_1010, %get3A_1011, %get3A_1012] {strides = array<i32>} : memref<2x128x64xf32, #tpu.memory_space<vmem>>, vector<16xf32>,
      %bitcast3A_1014 = vector.bitcast %get3A_1013 : vector<16xf32> to vector<16xi32>
      %shift_left3A_1015 = arith.constant 16 : i32
      %shift_left3A_1016 = vector.broadcast %shift_left3A_1015 : i32 to vector<16xi32>
      %shift_left3A_1017 = arith.shli %bitcast3A_1014, %shift_left3A_1016 : vector<16xi32>
      %bitcast3A_1018 = vector.bitcast %shift_left3A_1017 : vector<16xi32> to vector<16xf32>
      %swap3A_1019 = arith.constant 1 : i32
      %swap3A_1020 = arith.index_cast %swap3A_1019 : i32 to index
      %swap3A_1021 = arith.index_cast %scan3A_948 : i32 to index
      %swap3A_1022 = arith.constant 48 : index
      %swap3A_1023 = tpu.vector_load %arg13[%swap3A_1020, %swap3A_1021, %swap3A_1022] {strides = array<i32>} : memref<2x128x64xf32, #tpu.memory_space<vmem>>, vector<16xf32>,
      tpu.vector_store %arg13[%swap3A_1020, %swap3A_1021, %swap3A_1022], %bitcast3A_1018 {strides = array<i32>} : memref<2x128x64xf32, #tpu.memory_space<vmem>>, vector<16xf32>,
      %and3A_1024 = vector.broadcast %scan3A_759 : i32 to vector<16xi32>
      %and3A_1025 = arith.andi %bitcast3A_1014, %and3A_1024 : vector<16xi32>
      %bitcast3A_1026 = vector.bitcast %and3A_1025 : vector<16xi32> to vector<16xf32>
      %swap3A_1027 = arith.index_cast %scan3A_948 : i32 to index
      %swap3A_1028 = arith.constant 48 : index
      %swap3A_1029 = tpu.vector_load %arg14[%swap3A_1027, %swap3A_1028] {strides = array<i32>} : memref<128x64xf32, #tpu.memory_space<vmem>>, vector<16xf32>,
      tpu.vector_store %arg14[%swap3A_1027, %swap3A_1028], %bitcast3A_1026 {strides = array<i32>} : memref<128x64xf32, #tpu.memory_space<vmem>>, vector<16xf32>,
    }
    %scan3A_764 = arith.constant 128 : i32
    %run_scoped3A_765 = arith.constant 1 : i32
    %run_scoped3A_766 = arith.constant 1 : i32
    %run_scoped3A_767 = arith.constant 1 : i32
    "tpu.region"() ({
      %run_scoped3A_948 = tpu.sem_alloc : memref<!tpu.dma_semaphore, #tpu.memory_space<semaphore_mem>>
      %dma_start3A_949 = arith.constant 0 : i32
      %dma_start3A_950 = arith.constant 0 : i32
      %dma_start3A_951 = tpu.memref_slice %arg13[%run_scoped3A_765, %dma_start3A_949, %dma_start3A_950] : memref<2x128x64xf32, #tpu.memory_space<vmem>> -> memref<1x128x64xf32, #tpu.memory_space<vmem>>
      %dma_start3A_952 = tpu.memref_squeeze %dma_start3A_951 : memref<1x128x64xf32, #tpu.memory_space<vmem>> -> memref<128x64xf32, #tpu.memory_space<vmem>>
      %dma_start3A_953 = arith.constant 0 : i32
      %dma_start3A_954 = tpu.memref_slice %arg11[%run_scoped3A_766, %run_scoped3A_767, %dma_start3A_953] : memref<4x2x128xi32, #tpu.memory_space<vmem>> -> memref<1x1x128xi32, #tpu.memory_space<vmem>>
      %dma_start3A_955 = tpu.memref_squeeze %dma_start3A_954 : memref<1x1x128xi32, #tpu.memory_space<vmem>> -> memref<128xi32, #tpu.memory_space<vmem>>
      %dma_start3A_956 = arith.constant 0 : i32
      %dma_start3A_957 = arith.constant 0 : i32
      %dma_start3A_958 = tpu.memref_slice %arg16[%dma_start3A_956, %dma_start3A_957] : memref<10240x64xf32, #tpu.memory_space<vmem_shared>> -> memref<10240x64xf32, #tpu.memory_space<vmem_shared>>
      tpu.enqueue_indirect_dma source(%dma_start3A_952 : memref<128x64xf32, #tpu.memory_space<vmem>>) target(%dma_start3A_958 : memref<10240x64xf32, #tpu.memory_space<vmem_shared>>) offsets(%dma_start3A_955 : memref<128xi32, #tpu.memory_space<vmem>>) semaphore(%run_scoped3A_948 : memref<!tpu.dma_semaphore, #tpu.memory_space<semaphore_mem>>) {add = true}
      %dma_wait3A_959 = arith.constant 0 : i32
      %dma_wait3A_960 = arith.constant 0 : i32
      %dma_wait3A_961 = tpu.memref_slice %arg13[%run_scoped3A_765, %dma_wait3A_959, %dma_wait3A_960] : memref<2x128x64xf32, #tpu.memory_space<vmem>> -> memref<1x128x64xf32, #tpu.memory_space<vmem>>
      %dma_wait3A_962 = tpu.memref_squeeze %dma_wait3A_961 : memref<1x128x64xf32, #tpu.memory_space<vmem>> -> memref<128x64xf32, #tpu.memory_space<vmem>>
      %dma_wait3A_963 = arith.constant 0 : i32
      %dma_wait3A_964 = tpu.memref_slice %arg11[%run_scoped3A_766, %run_scoped3A_767, %dma_wait3A_963] : memref<4x2x128xi32, #tpu.memory_space<vmem>> -> memref<1x1x128xi32, #tpu.memory_space<vmem>>
      %dma_wait3A_965 = tpu.memref_squeeze %dma_wait3A_964 : memref<1x1x128xi32, #tpu.memory_space<vmem>> -> memref<128xi32, #tpu.memory_space<vmem>>
      %dma_wait3A_966 = arith.constant 0 : i32
      %dma_wait3A_967 = arith.constant 0 : i32
      %dma_wait3A_968 = tpu.memref_slice %arg16[%dma_wait3A_966, %dma_wait3A_967] : memref<10240x64xf32, #tpu.memory_space<vmem_shared>> -> memref<10240x64xf32, #tpu.memory_space<vmem_shared>>
      tpu.wait_indirect_dma semaphore(%run_scoped3A_948 : memref<!tpu.dma_semaphore, #tpu.memory_space<semaphore_mem>>) src(%dma_wait3A_962 : memref<128x64xf32, #tpu.memory_space<vmem>>) dst(%dma_wait3A_968 : memref<10240x64xf32, #tpu.memory_space<vmem_shared>>)
      tpu.yield
    }) : () -> ()
    %run_scoped3A_768 = arith.constant 1 : i32
    %run_scoped3A_769 = arith.constant 1 : i32
    "tpu.region"() ({
      %run_scoped3A_948 = tpu.sem_alloc : memref<!tpu.dma_semaphore, #tpu.memory_space<semaphore_mem>>
      %dma_start3A_949 = arith.constant 0 : i32
      %dma_start3A_950 = tpu.memref_slice %arg11[%run_scoped3A_768, %run_scoped3A_769, %dma_start3A_949] : memref<4x2x128xi32, #tpu.memory_space<vmem>> -> memref<1x1x128xi32, #tpu.memory_space<vmem>>
      %dma_start3A_951 = tpu.memref_squeeze %dma_start3A_950 : memref<1x1x128xi32, #tpu.memory_space<vmem>> -> memref<128xi32, #tpu.memory_space<vmem>>
      %dma_start3A_952 = arith.constant 0 : i32
      %dma_start3A_953 = arith.constant 0 : i32
      %dma_start3A_954 = tpu.memref_slice %arg17[%dma_start3A_952, %dma_start3A_953] : memref<10240x64xf32, #tpu.memory_space<vmem_shared>> -> memref<10240x64xf32, #tpu.memory_space<vmem_shared>>
      tpu.enqueue_indirect_dma source(%arg14 : memref<128x64xf32, #tpu.memory_space<vmem>>) target(%dma_start3A_954 : memref<10240x64xf32, #tpu.memory_space<vmem_shared>>) offsets(%dma_start3A_951 : memref<128xi32, #tpu.memory_space<vmem>>) semaphore(%run_scoped3A_948 : memref<!tpu.dma_semaphore, #tpu.memory_space<semaphore_mem>>) {add = true}
      %dma_wait3A_955 = arith.constant 0 : i32
      %dma_wait3A_956 = tpu.memref_slice %arg11[%run_scoped3A_768, %run_scoped3A_769, %dma_wait3A_955] : memref<4x2x128xi32, #tpu.memory_space<vmem>> -> memref<1x1x128xi32, #tpu.memory_space<vmem>>
      %dma_wait3A_957 = tpu.memref_squeeze %dma_wait3A_956 : memref<1x1x128xi32, #tpu.memory_space<vmem>> -> memref<128xi32, #tpu.memory_space<vmem>>
      %dma_wait3A_958 = arith.constant 0 : i32
      %dma_wait3A_959 = arith.constant 0 : i32
      %dma_wait3A_960 = tpu.memref_slice %arg17[%dma_wait3A_958, %dma_wait3A_959] : memref<10240x64xf32, #tpu.memory_space<vmem_shared>> -> memref<10240x64xf32, #tpu.memory_space<vmem_shared>>
      tpu.wait_indirect_dma semaphore(%run_scoped3A_948 : memref<!tpu.dma_semaphore, #tpu.memory_space<semaphore_mem>>) src(%arg14 : memref<128x64xf32, #tpu.memory_space<vmem>>) dst(%dma_wait3A_960 : memref<10240x64xf32, #tpu.memory_space<vmem_shared>>)
      tpu.yield
    }) : () -> ()
    %mul3A_770 = arith.constant 80 : i32
    %mul3A_771 = arith.muli %add3A, %mul3A_770 : i32
    %add3A_772 = arith.constant 79 : i32
    %add3A_773 = arith.addi %mul3A_771, %add3A_772 : i32
    %dma_wait3A_774 = arith.constant 3 : i32
    %dma_wait3A_775 = arith.constant 0 : i32
    %dma_wait3A_776 = arith.constant 0 : i32
    %dma_wait3A_777 = tpu.memref_slice %arg11[%dma_wait3A_774, %dma_wait3A_775, %dma_wait3A_776] : memref<4x2x128xi32, #tpu.memory_space<vmem>> -> memref<1x2x128xi32, #tpu.memory_space<vmem>>
    %dma_wait3A_778 = tpu.memref_squeeze %dma_wait3A_777 : memref<1x2x128xi32, #tpu.memory_space<vmem>> -> memref<2x128xi32, #tpu.memory_space<vmem>>
    %dma_wait3A_779 = arith.constant 0 : i32
    %dma_wait3A_780 = arith.constant 0 : i32
    %dma_wait3A_781 = tpu.memref_slice %arg3[%add3A_773, %dma_wait3A_779, %dma_wait3A_780] : memref<2560x2x128xi32, #tpu.memory_space<hbm>> -> memref<1x2x128xi32, #tpu.memory_space<hbm>>
    %dma_wait3A_782 = tpu.memref_squeeze %dma_wait3A_781 : memref<1x2x128xi32, #tpu.memory_space<hbm>> -> memref<2x128xi32, #tpu.memory_space<hbm>>
    %dma_wait3A_783 = arith.constant 0 : i32
    %dma_wait3A_784 = arith.constant 0 : i32
    %dma_wait3A_785 = tpu.memref_slice %arg11[%dma_wait3A_774, %dma_wait3A_783, %dma_wait3A_784] : memref<4x2x128xi32, #tpu.memory_space<vmem>> -> memref<1x2x128xi32, #tpu.memory_space<vmem>>
    %dma_wait3A_786 = tpu.memref_squeeze %dma_wait3A_785 : memref<1x2x128xi32, #tpu.memory_space<vmem>> -> memref<2x128xi32, #tpu.memory_space<vmem>>
    %dma_wait3A_787 = arith.constant 0 : i32
    %dma_wait3A_788 = arith.constant 0 : i32
    %dma_wait3A_789 = tpu.memref_slice %arg3[%add3A_773, %dma_wait3A_787, %dma_wait3A_788] : memref<2560x2x128xi32, #tpu.memory_space<hbm>> -> memref<1x2x128xi32, #tpu.memory_space<hbm>>
    %dma_wait3A_790 = tpu.memref_squeeze %dma_wait3A_789 : memref<1x2x128xi32, #tpu.memory_space<hbm>> -> memref<2x128xi32, #tpu.memory_space<hbm>>
    tpu.wait_dma2 semaphore(%arg23 : memref<!tpu.dma_semaphore, #tpu.memory_space<semaphore_mem>>) src(%dma_wait3A_790 : memref<2x128xi32, #tpu.memory_space<hbm>>) dst(%dma_wait3A_786 : memref<2x128xi32, #tpu.memory_space<vmem>>)
    %get3A_791 = arith.constant 3 : i32
    %get3A_792 = arith.constant 0 : i32
    %get3A_793 = arith.index_cast %get3A_791 : i32 to index
    %get3A_794 = arith.index_cast %get3A_792 : i32 to index
    %get3A_795 = arith.constant 0 : index
    %get3A_796 = tpu.vector_load %arg11[%get3A_793, %get3A_794, %get3A_795] {strides = array<i32>} : memref<4x2x128xi32, #tpu.memory_space<vmem>>, vector<16xi32>,
    %gather3A_797 = tpu.vector_load_idx %arg10[%get3A_796] : memref<10240xi32, #tpu.memory_space<vmem>>[vector<16xi32>], vector<16xi32>,
    %swap3A_798 = arith.constant 1 : i32
    %swap3A_799 = arith.index_cast %swap3A_798 : i32 to index
    %swap3A_800 = arith.constant 0 : index
    %swap3A_801 = tpu.vector_load %arg12[%swap3A_799, %swap3A_800] {strides = array<i32>} : memref<2x128xi32, #tpu.memory_space<vmem>>, vector<16xi32>,
    tpu.vector_store %arg12[%swap3A_799, %swap3A_800], %gather3A_797 {strides = array<i32>} : memref<2x128xi32, #tpu.memory_space<vmem>>, vector<16xi32>,
    %get3A_802 = arith.constant 3 : i32
    %get3A_803 = arith.constant 0 : i32
    %get3A_804 = arith.index_cast %get3A_802 : i32 to index
    %get3A_805 = arith.index_cast %get3A_803 : i32 to index
    %get3A_806 = arith.constant 16 : index
    %get3A_807 = tpu.vector_load %arg11[%get3A_804, %get3A_805, %get3A_806] {strides = array<i32>} : memref<4x2x128xi32, #tpu.memory_space<vmem>>, vector<16xi32>,
    %gather3A_808 = tpu.vector_load_idx %arg10[%get3A_807] : memref<10240xi32, #tpu.memory_space<vmem>>[vector<16xi32>], vector<16xi32>,
    %swap3A_809 = arith.constant 1 : i32
    %swap3A_810 = arith.index_cast %swap3A_809 : i32 to index
    %swap3A_811 = arith.constant 16 : index
    %swap3A_812 = tpu.vector_load %arg12[%swap3A_810, %swap3A_811] {strides = array<i32>} : memref<2x128xi32, #tpu.memory_space<vmem>>, vector<16xi32>,
    tpu.vector_store %arg12[%swap3A_810, %swap3A_811], %gather3A_808 {strides = array<i32>} : memref<2x128xi32, #tpu.memory_space<vmem>>, vector<16xi32>,
    %get3A_813 = arith.constant 3 : i32
    %get3A_814 = arith.constant 0 : i32
    %get3A_815 = arith.index_cast %get3A_813 : i32 to index
    %get3A_816 = arith.index_cast %get3A_814 : i32 to index
    %get3A_817 = arith.constant 32 : index
    %get3A_818 = tpu.vector_load %arg11[%get3A_815, %get3A_816, %get3A_817] {strides = array<i32>} : memref<4x2x128xi32, #tpu.memory_space<vmem>>, vector<16xi32>,
    %gather3A_819 = tpu.vector_load_idx %arg10[%get3A_818] : memref<10240xi32, #tpu.memory_space<vmem>>[vector<16xi32>], vector<16xi32>,
    %swap3A_820 = arith.constant 1 : i32
    %swap3A_821 = arith.index_cast %swap3A_820 : i32 to index
    %swap3A_822 = arith.constant 32 : index
    %swap3A_823 = tpu.vector_load %arg12[%swap3A_821, %swap3A_822] {strides = array<i32>} : memref<2x128xi32, #tpu.memory_space<vmem>>, vector<16xi32>,
    tpu.vector_store %arg12[%swap3A_821, %swap3A_822], %gather3A_819 {strides = array<i32>} : memref<2x128xi32, #tpu.memory_space<vmem>>, vector<16xi32>,
    %get3A_824 = arith.constant 3 : i32
    %get3A_825 = arith.constant 0 : i32
    %get3A_826 = arith.index_cast %get3A_824 : i32 to index
    %get3A_827 = arith.index_cast %get3A_825 : i32 to index
    %get3A_828 = arith.constant 48 : index
    %get3A_829 = tpu.vector_load %arg11[%get3A_826, %get3A_827, %get3A_828] {strides = array<i32>} : memref<4x2x128xi32, #tpu.memory_space<vmem>>, vector<16xi32>,
    %gather3A_830 = tpu.vector_load_idx %arg10[%get3A_829] : memref<10240xi32, #tpu.memory_space<vmem>>[vector<16xi32>], vector<16xi32>,
    %swap3A_831 = arith.constant 1 : i32
    %swap3A_832 = arith.index_cast %swap3A_831 : i32 to index
    %swap3A_833 = arith.constant 48 : index
    %swap3A_834 = tpu.vector_load %arg12[%swap3A_832, %swap3A_833] {strides = array<i32>} : memref<2x128xi32, #tpu.memory_space<vmem>>, vector<16xi32>,
    tpu.vector_store %arg12[%swap3A_832, %swap3A_833], %gather3A_830 {strides = array<i32>} : memref<2x128xi32, #tpu.memory_space<vmem>>, vector<16xi32>,
    %get3A_835 = arith.constant 3 : i32
    %get3A_836 = arith.constant 0 : i32
    %get3A_837 = arith.index_cast %get3A_835 : i32 to index
    %get3A_838 = arith.index_cast %get3A_836 : i32 to index
    %get3A_839 = arith.constant 64 : index
    %get3A_840 = tpu.vector_load %arg11[%get3A_837, %get3A_838, %get3A_839] {strides = array<i32>} : memref<4x2x128xi32, #tpu.memory_space<vmem>>, vector<16xi32>,
    %gather3A_841 = tpu.vector_load_idx %arg10[%get3A_840] : memref<10240xi32, #tpu.memory_space<vmem>>[vector<16xi32>], vector<16xi32>,
    %swap3A_842 = arith.constant 1 : i32
    %swap3A_843 = arith.index_cast %swap3A_842 : i32 to index
    %swap3A_844 = arith.constant 64 : index
    %swap3A_845 = tpu.vector_load %arg12[%swap3A_843, %swap3A_844] {strides = array<i32>} : memref<2x128xi32, #tpu.memory_space<vmem>>, vector<16xi32>,
    tpu.vector_store %arg12[%swap3A_843, %swap3A_844], %gather3A_841 {strides = array<i32>} : memref<2x128xi32, #tpu.memory_space<vmem>>, vector<16xi32>,
    %get3A_846 = arith.constant 3 : i32
    %get3A_847 = arith.constant 0 : i32
    %get3A_848 = arith.index_cast %get3A_846 : i32 to index
    %get3A_849 = arith.index_cast %get3A_847 : i32 to index
    %get3A_850 = arith.constant 80 : index
    %get3A_851 = tpu.vector_load %arg11[%get3A_848, %get3A_849, %get3A_850] {strides = array<i32>} : memref<4x2x128xi32, #tpu.memory_space<vmem>>, vector<16xi32>,
    %gather3A_852 = tpu.vector_load_idx %arg10[%get3A_851] : memref<10240xi32, #tpu.memory_space<vmem>>[vector<16xi32>], vector<16xi32>,
    %swap3A_853 = arith.constant 1 : i32
    %swap3A_854 = arith.index_cast %swap3A_853 : i32 to index
    %swap3A_855 = arith.constant 80 : index
    %swap3A_856 = tpu.vector_load %arg12[%swap3A_854, %swap3A_855] {strides = array<i32>} : memref<2x128xi32, #tpu.memory_space<vmem>>, vector<16xi32>,
    tpu.vector_store %arg12[%swap3A_854, %swap3A_855], %gather3A_852 {strides = array<i32>} : memref<2x128xi32, #tpu.memory_space<vmem>>, vector<16xi32>,
    %get3A_857 = arith.constant 3 : i32
    %get3A_858 = arith.constant 0 : i32
    %get3A_859 = arith.index_cast %get3A_857 : i32 to index
    %get3A_860 = arith.index_cast %get3A_858 : i32 to index
    %get3A_861 = arith.constant 96 : index
    %get3A_862 = tpu.vector_load %arg11[%get3A_859, %get3A_860, %get3A_861] {strides = array<i32>} : memref<4x2x128xi32, #tpu.memory_space<vmem>>, vector<16xi32>,
    %gather3A_863 = tpu.vector_load_idx %arg10[%get3A_862] : memref<10240xi32, #tpu.memory_space<vmem>>[vector<16xi32>], vector<16xi32>,
    %swap3A_864 = arith.constant 1 : i32
    %swap3A_865 = arith.index_cast %swap3A_864 : i32 to index
    %swap3A_866 = arith.constant 96 : index
    %swap3A_867 = tpu.vector_load %arg12[%swap3A_865, %swap3A_866] {strides = array<i32>} : memref<2x128xi32, #tpu.memory_space<vmem>>, vector<16xi32>,
    tpu.vector_store %arg12[%swap3A_865, %swap3A_866], %gather3A_863 {strides = array<i32>} : memref<2x128xi32, #tpu.memory_space<vmem>>, vector<16xi32>,
    %get3A_868 = arith.constant 3 : i32
    %get3A_869 = arith.constant 0 : i32
    %get3A_870 = arith.index_cast %get3A_868 : i32 to index
    %get3A_871 = arith.index_cast %get3A_869 : i32 to index
    %get3A_872 = arith.constant 112 : index
    %get3A_873 = tpu.vector_load %arg11[%get3A_870, %get3A_871, %get3A_872] {strides = array<i32>} : memref<4x2x128xi32, #tpu.memory_space<vmem>>, vector<16xi32>,
    %gather3A_874 = tpu.vector_load_idx %arg10[%get3A_873] : memref<10240xi32, #tpu.memory_space<vmem>>[vector<16xi32>], vector<16xi32>,
    %swap3A_875 = arith.constant 1 : i32
    %swap3A_876 = arith.index_cast %swap3A_875 : i32 to index
    %swap3A_877 = arith.constant 112 : index
    %swap3A_878 = tpu.vector_load %arg12[%swap3A_876, %swap3A_877] {strides = array<i32>} : memref<2x128xi32, #tpu.memory_space<vmem>>, vector<16xi32>,
    tpu.vector_store %arg12[%swap3A_876, %swap3A_877], %gather3A_874 {strides = array<i32>} : memref<2x128xi32, #tpu.memory_space<vmem>>, vector<16xi32>,
    %dma_start3A_879 = arith.constant 1 : i32
    %dma_start3A_880 = arith.constant 1 : i32
    %dma_start3A_881 = arith.constant 0 : i32
    %dma_start3A_882 = arith.constant 0 : i32
    %dma_start3A_883 = tpu.memref_slice %arg13[%dma_start3A_880, %dma_start3A_881, %dma_start3A_882] : memref<2x128x64xf32, #tpu.memory_space<vmem>> -> memref<1x128x64xf32, #tpu.memory_space<vmem>>
    %dma_start3A_884 = tpu.memref_squeeze %dma_start3A_883 : memref<1x128x64xf32, #tpu.memory_space<vmem>> -> memref<128x64xf32, #tpu.memory_space<vmem>>
    %dma_start3A_885 = arith.constant 0 : i32
    %dma_start3A_886 = tpu.memref_slice %arg12[%dma_start3A_879, %dma_start3A_885] : memref<2x128xi32, #tpu.memory_space<vmem>> -> memref<1x128xi32, #tpu.memory_space<vmem>>
    %dma_start3A_887 = tpu.memref_squeeze %dma_start3A_886 : memref<1x128xi32, #tpu.memory_space<vmem>> -> memref<128xi32, #tpu.memory_space<vmem>>
    %dma_start3A_888 = arith.constant 0 : i32
    %dma_start3A_889 = arith.constant 0 : i32
    %dma_start3A_890 = tpu.memref_slice %arg5[%dma_start3A_888, %dma_start3A_889] : memref<100000x64xf32, #tpu.memory_space<hbm>> -> memref<100000x64xf32, #tpu.memory_space<hbm>>
    tpu.enqueue_indirect_dma source(%dma_start3A_890 : memref<100000x64xf32, #tpu.memory_space<hbm>>) target(%dma_start3A_884 : memref<128x64xf32, #tpu.memory_space<vmem>>) offsets(%dma_start3A_887 : memref<128xi32, #tpu.memory_space<vmem>>) semaphore(%arg19 : memref<!tpu.dma_semaphore, #tpu.memory_space<semaphore_mem>>)
    %dma_wait3A_891 = arith.constant 0 : i32
    %dma_wait3A_892 = arith.constant 0 : i32
    %dma_wait3A_893 = arith.constant 0 : i32
    %dma_wait3A_894 = arith.constant 0 : i32
    %dma_wait3A_895 = tpu.memref_slice %arg13[%dma_wait3A_892, %dma_wait3A_893, %dma_wait3A_894] : memref<2x128x64xf32, #tpu.memory_space<vmem>> -> memref<1x128x64xf32, #tpu.memory_space<vmem>>
    %dma_wait3A_896 = tpu.memref_squeeze %dma_wait3A_895 : memref<1x128x64xf32, #tpu.memory_space<vmem>> -> memref<128x64xf32, #tpu.memory_space<vmem>>
    %dma_wait3A_897 = arith.constant 0 : i32
    %dma_wait3A_898 = tpu.memref_slice %arg12[%dma_wait3A_891, %dma_wait3A_897] : memref<2x128xi32, #tpu.memory_space<vmem>> -> memref<1x128xi32, #tpu.memory_space<vmem>>
    %dma_wait3A_899 = tpu.memref_squeeze %dma_wait3A_898 : memref<1x128xi32, #tpu.memory_space<vmem>> -> memref<128xi32, #tpu.memory_space<vmem>>
    %dma_wait3A_900 = arith.constant 0 : i32
    %dma_wait3A_901 = arith.constant 0 : i32
    %dma_wait3A_902 = tpu.memref_slice %arg5[%dma_wait3A_900, %dma_wait3A_901] : memref<100000x64xf32, #tpu.memory_space<hbm>> -> memref<100000x64xf32, #tpu.memory_space<hbm>>
    tpu.wait_indirect_dma semaphore(%arg18 : memref<!tpu.dma_semaphore, #tpu.memory_space<semaphore_mem>>) src(%dma_wait3A_902 : memref<100000x64xf32, #tpu.memory_space<hbm>>) dst(%dma_wait3A_896 : memref<128x64xf32, #tpu.memory_space<vmem>>)
    %scan3A_903 = arith.constant 0 : i32
    %scan3A_904 = arith.constant -65536 : i32
    %scan3A_905 = arith.constant 0 : i32
    %scan3A_906 = arith.constant 128 : i32
    %scan3A_907 = arith.addi %scan3A_905, %scan3A_906 : i32
    %scan3A_908 = arith.constant 1 : i32
    scf.for %scan3A_948 = %scan3A_905 to %scan3A_907 step %scan3A_908  : i32 {
      %get3A_949 = arith.constant 0 : i32
      %get3A_950 = arith.index_cast %get3A_949 : i32 to index
      %get3A_951 = arith.index_cast %scan3A_948 : i32 to index
      %get3A_952 = arith.constant 0 : index
      %get3A_953 = tpu.vector_load %arg13[%get3A_950, %get3A_951, %get3A_952] {strides = array<i32>} : memref<2x128x64xf32, #tpu.memory_space<vmem>>, vector<16xf32>,
      %bitcast3A = vector.bitcast %get3A_953 : vector<16xf32> to vector<16xi32>
      %shift_left3A = arith.constant 16 : i32
      %shift_left3A_954 = vector.broadcast %shift_left3A : i32 to vector<16xi32>
      %shift_left3A_955 = arith.shli %bitcast3A, %shift_left3A_954 : vector<16xi32>
      %bitcast3A_956 = vector.bitcast %shift_left3A_955 : vector<16xi32> to vector<16xf32>
      %swap3A_957 = arith.constant 0 : i32
      %swap3A_958 = arith.index_cast %swap3A_957 : i32 to index
      %swap3A_959 = arith.index_cast %scan3A_948 : i32 to index
      %swap3A_960 = arith.constant 0 : index
      %swap3A_961 = tpu.vector_load %arg13[%swap3A_958, %swap3A_959, %swap3A_960] {strides = array<i32>} : memref<2x128x64xf32, #tpu.memory_space<vmem>>, vector<16xf32>,
      tpu.vector_store %arg13[%swap3A_958, %swap3A_959, %swap3A_960], %bitcast3A_956 {strides = array<i32>} : memref<2x128x64xf32, #tpu.memory_space<vmem>>, vector<16xf32>,
      %and3A = vector.broadcast %scan3A_904 : i32 to vector<16xi32>
      %and3A_962 = arith.andi %bitcast3A, %and3A : vector<16xi32>
      %bitcast3A_963 = vector.bitcast %and3A_962 : vector<16xi32> to vector<16xf32>
      %swap3A_964 = arith.index_cast %scan3A_948 : i32 to index
      %swap3A_965 = arith.constant 0 : index
      %swap3A_966 = tpu.vector_load %arg14[%swap3A_964, %swap3A_965] {strides = array<i32>} : memref<128x64xf32, #tpu.memory_space<vmem>>, vector<16xf32>,
      tpu.vector_store %arg14[%swap3A_964, %swap3A_965], %bitcast3A_963 {strides = array<i32>} : memref<128x64xf32, #tpu.memory_space<vmem>>, vector<16xf32>,
      %get3A_967 = arith.constant 0 : i32
      %get3A_968 = arith.index_cast %get3A_967 : i32 to index
      %get3A_969 = arith.index_cast %scan3A_948 : i32 to index
      %get3A_970 = arith.constant 16 : index
      %get3A_971 = tpu.vector_load %arg13[%get3A_968, %get3A_969, %get3A_970] {strides = array<i32>} : memref<2x128x64xf32, #tpu.memory_space<vmem>>, vector<16xf32>,
      %bitcast3A_972 = vector.bitcast %get3A_971 : vector<16xf32> to vector<16xi32>
      %shift_left3A_973 = arith.constant 16 : i32
      %shift_left3A_974 = vector.broadcast %shift_left3A_973 : i32 to vector<16xi32>
      %shift_left3A_975 = arith.shli %bitcast3A_972, %shift_left3A_974 : vector<16xi32>
      %bitcast3A_976 = vector.bitcast %shift_left3A_975 : vector<16xi32> to vector<16xf32>
      %swap3A_977 = arith.constant 0 : i32
      %swap3A_978 = arith.index_cast %swap3A_977 : i32 to index
      %swap3A_979 = arith.index_cast %scan3A_948 : i32 to index
      %swap3A_980 = arith.constant 16 : index
      %swap3A_981 = tpu.vector_load %arg13[%swap3A_978, %swap3A_979, %swap3A_980] {strides = array<i32>} : memref<2x128x64xf32, #tpu.memory_space<vmem>>, vector<16xf32>,
      tpu.vector_store %arg13[%swap3A_978, %swap3A_979, %swap3A_980], %bitcast3A_976 {strides = array<i32>} : memref<2x128x64xf32, #tpu.memory_space<vmem>>, vector<16xf32>,
      %and3A_982 = vector.broadcast %scan3A_904 : i32 to vector<16xi32>
      %and3A_983 = arith.andi %bitcast3A_972, %and3A_982 : vector<16xi32>
      %bitcast3A_984 = vector.bitcast %and3A_983 : vector<16xi32> to vector<16xf32>
      %swap3A_985 = arith.index_cast %scan3A_948 : i32 to index
      %swap3A_986 = arith.constant 16 : index
      %swap3A_987 = tpu.vector_load %arg14[%swap3A_985, %swap3A_986] {strides = array<i32>} : memref<128x64xf32, #tpu.memory_space<vmem>>, vector<16xf32>,
      tpu.vector_store %arg14[%swap3A_985, %swap3A_986], %bitcast3A_984 {strides = array<i32>} : memref<128x64xf32, #tpu.memory_space<vmem>>, vector<16xf32>,
      %get3A_988 = arith.constant 0 : i32
      %get3A_989 = arith.index_cast %get3A_988 : i32 to index
      %get3A_990 = arith.index_cast %scan3A_948 : i32 to index
      %get3A_991 = arith.constant 32 : index
      %get3A_992 = tpu.vector_load %arg13[%get3A_989, %get3A_990, %get3A_991] {strides = array<i32>} : memref<2x128x64xf32, #tpu.memory_space<vmem>>, vector<16xf32>,
      %bitcast3A_993 = vector.bitcast %get3A_992 : vector<16xf32> to vector<16xi32>
      %shift_left3A_994 = arith.constant 16 : i32
      %shift_left3A_995 = vector.broadcast %shift_left3A_994 : i32 to vector<16xi32>
      %shift_left3A_996 = arith.shli %bitcast3A_993, %shift_left3A_995 : vector<16xi32>
      %bitcast3A_997 = vector.bitcast %shift_left3A_996 : vector<16xi32> to vector<16xf32>
      %swap3A_998 = arith.constant 0 : i32
      %swap3A_999 = arith.index_cast %swap3A_998 : i32 to index
      %swap3A_1000 = arith.index_cast %scan3A_948 : i32 to index
      %swap3A_1001 = arith.constant 32 : index
      %swap3A_1002 = tpu.vector_load %arg13[%swap3A_999, %swap3A_1000, %swap3A_1001] {strides = array<i32>} : memref<2x128x64xf32, #tpu.memory_space<vmem>>, vector<16xf32>,
      tpu.vector_store %arg13[%swap3A_999, %swap3A_1000, %swap3A_1001], %bitcast3A_997 {strides = array<i32>} : memref<2x128x64xf32, #tpu.memory_space<vmem>>, vector<16xf32>,
      %and3A_1003 = vector.broadcast %scan3A_904 : i32 to vector<16xi32>
      %and3A_1004 = arith.andi %bitcast3A_993, %and3A_1003 : vector<16xi32>
      %bitcast3A_1005 = vector.bitcast %and3A_1004 : vector<16xi32> to vector<16xf32>
      %swap3A_1006 = arith.index_cast %scan3A_948 : i32 to index
      %swap3A_1007 = arith.constant 32 : index
      %swap3A_1008 = tpu.vector_load %arg14[%swap3A_1006, %swap3A_1007] {strides = array<i32>} : memref<128x64xf32, #tpu.memory_space<vmem>>, vector<16xf32>,
      tpu.vector_store %arg14[%swap3A_1006, %swap3A_1007], %bitcast3A_1005 {strides = array<i32>} : memref<128x64xf32, #tpu.memory_space<vmem>>, vector<16xf32>,
      %get3A_1009 = arith.constant 0 : i32
      %get3A_1010 = arith.index_cast %get3A_1009 : i32 to index
      %get3A_1011 = arith.index_cast %scan3A_948 : i32 to index
      %get3A_1012 = arith.constant 48 : index
      %get3A_1013 = tpu.vector_load %arg13[%get3A_1010, %get3A_1011, %get3A_1012] {strides = array<i32>} : memref<2x128x64xf32, #tpu.memory_space<vmem>>, vector<16xf32>,
      %bitcast3A_1014 = vector.bitcast %get3A_1013 : vector<16xf32> to vector<16xi32>
      %shift_left3A_1015 = arith.constant 16 : i32
      %shift_left3A_1016 = vector.broadcast %shift_left3A_1015 : i32 to vector<16xi32>
      %shift_left3A_1017 = arith.shli %bitcast3A_1014, %shift_left3A_1016 : vector<16xi32>
      %bitcast3A_1018 = vector.bitcast %shift_left3A_1017 : vector<16xi32> to vector<16xf32>
      %swap3A_1019 = arith.constant 0 : i32
      %swap3A_1020 = arith.index_cast %swap3A_1019 : i32 to index
      %swap3A_1021 = arith.index_cast %scan3A_948 : i32 to index
      %swap3A_1022 = arith.constant 48 : index
      %swap3A_1023 = tpu.vector_load %arg13[%swap3A_1020, %swap3A_1021, %swap3A_1022] {strides = array<i32>} : memref<2x128x64xf32, #tpu.memory_space<vmem>>, vector<16xf32>,
      tpu.vector_store %arg13[%swap3A_1020, %swap3A_1021, %swap3A_1022], %bitcast3A_1018 {strides = array<i32>} : memref<2x128x64xf32, #tpu.memory_space<vmem>>, vector<16xf32>,
      %and3A_1024 = vector.broadcast %scan3A_904 : i32 to vector<16xi32>
      %and3A_1025 = arith.andi %bitcast3A_1014, %and3A_1024 : vector<16xi32>
      %bitcast3A_1026 = vector.bitcast %and3A_1025 : vector<16xi32> to vector<16xf32>
      %swap3A_1027 = arith.index_cast %scan3A_948 : i32 to index
      %swap3A_1028 = arith.constant 48 : index
      %swap3A_1029 = tpu.vector_load %arg14[%swap3A_1027, %swap3A_1028] {strides = array<i32>} : memref<128x64xf32, #tpu.memory_space<vmem>>, vector<16xf32>,
      tpu.vector_store %arg14[%swap3A_1027, %swap3A_1028], %bitcast3A_1026 {strides = array<i32>} : memref<128x64xf32, #tpu.memory_space<vmem>>, vector<16xf32>,
    }
    %scan3A_909 = arith.constant 128 : i32
    %run_scoped3A_910 = arith.constant 0 : i32
    %run_scoped3A_911 = arith.constant 2 : i32
    %run_scoped3A_912 = arith.constant 1 : i32
    "tpu.region"() ({
      %run_scoped3A_948 = tpu.sem_alloc : memref<!tpu.dma_semaphore, #tpu.memory_space<semaphore_mem>>
      %dma_start3A_949 = arith.constant 0 : i32
      %dma_start3A_950 = arith.constant 0 : i32
      %dma_start3A_951 = tpu.memref_slice %arg13[%run_scoped3A_910, %dma_start3A_949, %dma_start3A_950] : memref<2x128x64xf32, #tpu.memory_space<vmem>> -> memref<1x128x64xf32, #tpu.memory_space<vmem>>
      %dma_start3A_952 = tpu.memref_squeeze %dma_start3A_951 : memref<1x128x64xf32, #tpu.memory_space<vmem>> -> memref<128x64xf32, #tpu.memory_space<vmem>>
      %dma_start3A_953 = arith.constant 0 : i32
      %dma_start3A_954 = tpu.memref_slice %arg11[%run_scoped3A_911, %run_scoped3A_912, %dma_start3A_953] : memref<4x2x128xi32, #tpu.memory_space<vmem>> -> memref<1x1x128xi32, #tpu.memory_space<vmem>>
      %dma_start3A_955 = tpu.memref_squeeze %dma_start3A_954 : memref<1x1x128xi32, #tpu.memory_space<vmem>> -> memref<128xi32, #tpu.memory_space<vmem>>
      %dma_start3A_956 = arith.constant 0 : i32
      %dma_start3A_957 = arith.constant 0 : i32
      %dma_start3A_958 = tpu.memref_slice %arg16[%dma_start3A_956, %dma_start3A_957] : memref<10240x64xf32, #tpu.memory_space<vmem_shared>> -> memref<10240x64xf32, #tpu.memory_space<vmem_shared>>
      tpu.enqueue_indirect_dma source(%dma_start3A_952 : memref<128x64xf32, #tpu.memory_space<vmem>>) target(%dma_start3A_958 : memref<10240x64xf32, #tpu.memory_space<vmem_shared>>) offsets(%dma_start3A_955 : memref<128xi32, #tpu.memory_space<vmem>>) semaphore(%run_scoped3A_948 : memref<!tpu.dma_semaphore, #tpu.memory_space<semaphore_mem>>) {add = true}
      %dma_wait3A_959 = arith.constant 0 : i32
      %dma_wait3A_960 = arith.constant 0 : i32
      %dma_wait3A_961 = tpu.memref_slice %arg13[%run_scoped3A_910, %dma_wait3A_959, %dma_wait3A_960] : memref<2x128x64xf32, #tpu.memory_space<vmem>> -> memref<1x128x64xf32, #tpu.memory_space<vmem>>
      %dma_wait3A_962 = tpu.memref_squeeze %dma_wait3A_961 : memref<1x128x64xf32, #tpu.memory_space<vmem>> -> memref<128x64xf32, #tpu.memory_space<vmem>>
      %dma_wait3A_963 = arith.constant 0 : i32
      %dma_wait3A_964 = tpu.memref_slice %arg11[%run_scoped3A_911, %run_scoped3A_912, %dma_wait3A_963] : memref<4x2x128xi32, #tpu.memory_space<vmem>> -> memref<1x1x128xi32, #tpu.memory_space<vmem>>
      %dma_wait3A_965 = tpu.memref_squeeze %dma_wait3A_964 : memref<1x1x128xi32, #tpu.memory_space<vmem>> -> memref<128xi32, #tpu.memory_space<vmem>>
      %dma_wait3A_966 = arith.constant 0 : i32
      %dma_wait3A_967 = arith.constant 0 : i32
      %dma_wait3A_968 = tpu.memref_slice %arg16[%dma_wait3A_966, %dma_wait3A_967] : memref<10240x64xf32, #tpu.memory_space<vmem_shared>> -> memref<10240x64xf32, #tpu.memory_space<vmem_shared>>
      tpu.wait_indirect_dma semaphore(%run_scoped3A_948 : memref<!tpu.dma_semaphore, #tpu.memory_space<semaphore_mem>>) src(%dma_wait3A_962 : memref<128x64xf32, #tpu.memory_space<vmem>>) dst(%dma_wait3A_968 : memref<10240x64xf32, #tpu.memory_space<vmem_shared>>)
      tpu.yield
    }) : () -> ()
    %run_scoped3A_913 = arith.constant 2 : i32
    %run_scoped3A_914 = arith.constant 1 : i32
    "tpu.region"() ({
      %run_scoped3A_948 = tpu.sem_alloc : memref<!tpu.dma_semaphore, #tpu.memory_space<semaphore_mem>>
      %dma_start3A_949 = arith.constant 0 : i32
      %dma_start3A_950 = tpu.memref_slice %arg11[%run_scoped3A_913, %run_scoped3A_914, %dma_start3A_949] : memref<4x2x128xi32, #tpu.memory_space<vmem>> -> memref<1x1x128xi32, #tpu.memory_space<vmem>>
      %dma_start3A_951 = tpu.memref_squeeze %dma_start3A_950 : memref<1x1x128xi32, #tpu.memory_space<vmem>> -> memref<128xi32, #tpu.memory_space<vmem>>
      %dma_start3A_952 = arith.constant 0 : i32
      %dma_start3A_953 = arith.constant 0 : i32
      %dma_start3A_954 = tpu.memref_slice %arg17[%dma_start3A_952, %dma_start3A_953] : memref<10240x64xf32, #tpu.memory_space<vmem_shared>> -> memref<10240x64xf32, #tpu.memory_space<vmem_shared>>
      tpu.enqueue_indirect_dma source(%arg14 : memref<128x64xf32, #tpu.memory_space<vmem>>) target(%dma_start3A_954 : memref<10240x64xf32, #tpu.memory_space<vmem_shared>>) offsets(%dma_start3A_951 : memref<128xi32, #tpu.memory_space<vmem>>) semaphore(%run_scoped3A_948 : memref<!tpu.dma_semaphore, #tpu.memory_space<semaphore_mem>>) {add = true}
      %dma_wait3A_955 = arith.constant 0 : i32
      %dma_wait3A_956 = tpu.memref_slice %arg11[%run_scoped3A_913, %run_scoped3A_914, %dma_wait3A_955] : memref<4x2x128xi32, #tpu.memory_space<vmem>> -> memref<1x1x128xi32, #tpu.memory_space<vmem>>
      %dma_wait3A_957 = tpu.memref_squeeze %dma_wait3A_956 : memref<1x1x128xi32, #tpu.memory_space<vmem>> -> memref<128xi32, #tpu.memory_space<vmem>>
      %dma_wait3A_958 = arith.constant 0 : i32
      %dma_wait3A_959 = arith.constant 0 : i32
      %dma_wait3A_960 = tpu.memref_slice %arg17[%dma_wait3A_958, %dma_wait3A_959] : memref<10240x64xf32, #tpu.memory_space<vmem_shared>> -> memref<10240x64xf32, #tpu.memory_space<vmem_shared>>
      tpu.wait_indirect_dma semaphore(%run_scoped3A_948 : memref<!tpu.dma_semaphore, #tpu.memory_space<semaphore_mem>>) src(%arg14 : memref<128x64xf32, #tpu.memory_space<vmem>>) dst(%dma_wait3A_960 : memref<10240x64xf32, #tpu.memory_space<vmem_shared>>)
      tpu.yield
    }) : () -> ()
    %dma_wait3A_915 = arith.constant 1 : i32
    %dma_wait3A_916 = arith.constant 1 : i32
    %dma_wait3A_917 = arith.constant 0 : i32
    %dma_wait3A_918 = arith.constant 0 : i32
    %dma_wait3A_919 = tpu.memref_slice %arg13[%dma_wait3A_916, %dma_wait3A_917, %dma_wait3A_918] : memref<2x128x64xf32, #tpu.memory_space<vmem>> -> memref<1x128x64xf32, #tpu.memory_space<vmem>>
    %dma_wait3A_920 = tpu.memref_squeeze %dma_wait3A_919 : memref<1x128x64xf32, #tpu.memory_space<vmem>> -> memref<128x64xf32, #tpu.memory_space<vmem>>
    %dma_wait3A_921 = arith.constant 0 : i32
    %dma_wait3A_922 = tpu.memref_slice %arg12[%dma_wait3A_915, %dma_wait3A_921] : memref<2x128xi32, #tpu.memory_space<vmem>> -> memref<1x128xi32, #tpu.memory_space<vmem>>
    %dma_wait3A_923 = tpu.memref_squeeze %dma_wait3A_922 : memref<1x128xi32, #tpu.memory_space<vmem>> -> memref<128xi32, #tpu.memory_space<vmem>>
    %dma_wait3A_924 = arith.constant 0 : i32
    %dma_wait3A_925 = arith.constant 0 : i32
    %dma_wait3A_926 = tpu.memref_slice %arg5[%dma_wait3A_924, %dma_wait3A_925] : memref<100000x64xf32, #tpu.memory_space<hbm>> -> memref<100000x64xf32, #tpu.memory_space<hbm>>
    tpu.wait_indirect_dma semaphore(%arg19 : memref<!tpu.dma_semaphore, #tpu.memory_space<semaphore_mem>>) src(%dma_wait3A_926 : memref<100000x64xf32, #tpu.memory_space<hbm>>) dst(%dma_wait3A_920 : memref<128x64xf32, #tpu.memory_space<vmem>>)
    %scan3A_927 = arith.constant 0 : i32
    %scan3A_928 = arith.constant -65536 : i32
    %scan3A_929 = arith.constant 0 : i32
    %scan3A_930 = arith.constant 128 : i32
    %scan3A_931 = arith.addi %scan3A_929, %scan3A_930 : i32
    %scan3A_932 = arith.constant 1 : i32
    scf.for %scan3A_948 = %scan3A_929 to %scan3A_931 step %scan3A_932  : i32 {
      %get3A_949 = arith.constant 1 : i32
      %get3A_950 = arith.index_cast %get3A_949 : i32 to index
      %get3A_951 = arith.index_cast %scan3A_948 : i32 to index
      %get3A_952 = arith.constant 0 : index
      %get3A_953 = tpu.vector_load %arg13[%get3A_950, %get3A_951, %get3A_952] {strides = array<i32>} : memref<2x128x64xf32, #tpu.memory_space<vmem>>, vector<16xf32>,
      %bitcast3A = vector.bitcast %get3A_953 : vector<16xf32> to vector<16xi32>
      %shift_left3A = arith.constant 16 : i32
      %shift_left3A_954 = vector.broadcast %shift_left3A : i32 to vector<16xi32>
      %shift_left3A_955 = arith.shli %bitcast3A, %shift_left3A_954 : vector<16xi32>
      %bitcast3A_956 = vector.bitcast %shift_left3A_955 : vector<16xi32> to vector<16xf32>
      %swap3A_957 = arith.constant 1 : i32
      %swap3A_958 = arith.index_cast %swap3A_957 : i32 to index
      %swap3A_959 = arith.index_cast %scan3A_948 : i32 to index
      %swap3A_960 = arith.constant 0 : index
      %swap3A_961 = tpu.vector_load %arg13[%swap3A_958, %swap3A_959, %swap3A_960] {strides = array<i32>} : memref<2x128x64xf32, #tpu.memory_space<vmem>>, vector<16xf32>,
      tpu.vector_store %arg13[%swap3A_958, %swap3A_959, %swap3A_960], %bitcast3A_956 {strides = array<i32>} : memref<2x128x64xf32, #tpu.memory_space<vmem>>, vector<16xf32>,
      %and3A = vector.broadcast %scan3A_928 : i32 to vector<16xi32>
      %and3A_962 = arith.andi %bitcast3A, %and3A : vector<16xi32>
      %bitcast3A_963 = vector.bitcast %and3A_962 : vector<16xi32> to vector<16xf32>
      %swap3A_964 = arith.index_cast %scan3A_948 : i32 to index
      %swap3A_965 = arith.constant 0 : index
      %swap3A_966 = tpu.vector_load %arg14[%swap3A_964, %swap3A_965] {strides = array<i32>} : memref<128x64xf32, #tpu.memory_space<vmem>>, vector<16xf32>,
      tpu.vector_store %arg14[%swap3A_964, %swap3A_965], %bitcast3A_963 {strides = array<i32>} : memref<128x64xf32, #tpu.memory_space<vmem>>, vector<16xf32>,
      %get3A_967 = arith.constant 1 : i32
      %get3A_968 = arith.index_cast %get3A_967 : i32 to index
      %get3A_969 = arith.index_cast %scan3A_948 : i32 to index
      %get3A_970 = arith.constant 16 : index
      %get3A_971 = tpu.vector_load %arg13[%get3A_968, %get3A_969, %get3A_970] {strides = array<i32>} : memref<2x128x64xf32, #tpu.memory_space<vmem>>, vector<16xf32>,
      %bitcast3A_972 = vector.bitcast %get3A_971 : vector<16xf32> to vector<16xi32>
      %shift_left3A_973 = arith.constant 16 : i32
      %shift_left3A_974 = vector.broadcast %shift_left3A_973 : i32 to vector<16xi32>
      %shift_left3A_975 = arith.shli %bitcast3A_972, %shift_left3A_974 : vector<16xi32>
      %bitcast3A_976 = vector.bitcast %shift_left3A_975 : vector<16xi32> to vector<16xf32>
      %swap3A_977 = arith.constant 1 : i32
      %swap3A_978 = arith.index_cast %swap3A_977 : i32 to index
      %swap3A_979 = arith.index_cast %scan3A_948 : i32 to index
      %swap3A_980 = arith.constant 16 : index
      %swap3A_981 = tpu.vector_load %arg13[%swap3A_978, %swap3A_979, %swap3A_980] {strides = array<i32>} : memref<2x128x64xf32, #tpu.memory_space<vmem>>, vector<16xf32>,
      tpu.vector_store %arg13[%swap3A_978, %swap3A_979, %swap3A_980], %bitcast3A_976 {strides = array<i32>} : memref<2x128x64xf32, #tpu.memory_space<vmem>>, vector<16xf32>,
      %and3A_982 = vector.broadcast %scan3A_928 : i32 to vector<16xi32>
      %and3A_983 = arith.andi %bitcast3A_972, %and3A_982 : vector<16xi32>
      %bitcast3A_984 = vector.bitcast %and3A_983 : vector<16xi32> to vector<16xf32>
      %swap3A_985 = arith.index_cast %scan3A_948 : i32 to index
      %swap3A_986 = arith.constant 16 : index
      %swap3A_987 = tpu.vector_load %arg14[%swap3A_985, %swap3A_986] {strides = array<i32>} : memref<128x64xf32, #tpu.memory_space<vmem>>, vector<16xf32>,
      tpu.vector_store %arg14[%swap3A_985, %swap3A_986], %bitcast3A_984 {strides = array<i32>} : memref<128x64xf32, #tpu.memory_space<vmem>>, vector<16xf32>,
      %get3A_988 = arith.constant 1 : i32
      %get3A_989 = arith.index_cast %get3A_988 : i32 to index
      %get3A_990 = arith.index_cast %scan3A_948 : i32 to index
      %get3A_991 = arith.constant 32 : index
      %get3A_992 = tpu.vector_load %arg13[%get3A_989, %get3A_990, %get3A_991] {strides = array<i32>} : memref<2x128x64xf32, #tpu.memory_space<vmem>>, vector<16xf32>,
      %bitcast3A_993 = vector.bitcast %get3A_992 : vector<16xf32> to vector<16xi32>
      %shift_left3A_994 = arith.constant 16 : i32
      %shift_left3A_995 = vector.broadcast %shift_left3A_994 : i32 to vector<16xi32>
      %shift_left3A_996 = arith.shli %bitcast3A_993, %shift_left3A_995 : vector<16xi32>
      %bitcast3A_997 = vector.bitcast %shift_left3A_996 : vector<16xi32> to vector<16xf32>
      %swap3A_998 = arith.constant 1 : i32
      %swap3A_999 = arith.index_cast %swap3A_998 : i32 to index
      %swap3A_1000 = arith.index_cast %scan3A_948 : i32 to index
      %swap3A_1001 = arith.constant 32 : index
      %swap3A_1002 = tpu.vector_load %arg13[%swap3A_999, %swap3A_1000, %swap3A_1001] {strides = array<i32>} : memref<2x128x64xf32, #tpu.memory_space<vmem>>, vector<16xf32>,
      tpu.vector_store %arg13[%swap3A_999, %swap3A_1000, %swap3A_1001], %bitcast3A_997 {strides = array<i32>} : memref<2x128x64xf32, #tpu.memory_space<vmem>>, vector<16xf32>,
      %and3A_1003 = vector.broadcast %scan3A_928 : i32 to vector<16xi32>
      %and3A_1004 = arith.andi %bitcast3A_993, %and3A_1003 : vector<16xi32>
      %bitcast3A_1005 = vector.bitcast %and3A_1004 : vector<16xi32> to vector<16xf32>
      %swap3A_1006 = arith.index_cast %scan3A_948 : i32 to index
      %swap3A_1007 = arith.constant 32 : index
      %swap3A_1008 = tpu.vector_load %arg14[%swap3A_1006, %swap3A_1007] {strides = array<i32>} : memref<128x64xf32, #tpu.memory_space<vmem>>, vector<16xf32>,
      tpu.vector_store %arg14[%swap3A_1006, %swap3A_1007], %bitcast3A_1005 {strides = array<i32>} : memref<128x64xf32, #tpu.memory_space<vmem>>, vector<16xf32>,
      %get3A_1009 = arith.constant 1 : i32
      %get3A_1010 = arith.index_cast %get3A_1009 : i32 to index
      %get3A_1011 = arith.index_cast %scan3A_948 : i32 to index
      %get3A_1012 = arith.constant 48 : index
      %get3A_1013 = tpu.vector_load %arg13[%get3A_1010, %get3A_1011, %get3A_1012] {strides = array<i32>} : memref<2x128x64xf32, #tpu.memory_space<vmem>>, vector<16xf32>,
      %bitcast3A_1014 = vector.bitcast %get3A_1013 : vector<16xf32> to vector<16xi32>
      %shift_left3A_1015 = arith.constant 16 : i32
      %shift_left3A_1016 = vector.broadcast %shift_left3A_1015 : i32 to vector<16xi32>
      %shift_left3A_1017 = arith.shli %bitcast3A_1014, %shift_left3A_1016 : vector<16xi32>
      %bitcast3A_1018 = vector.bitcast %shift_left3A_1017 : vector<16xi32> to vector<16xf32>
      %swap3A_1019 = arith.constant 1 : i32
      %swap3A_1020 = arith.index_cast %swap3A_1019 : i32 to index
      %swap3A_1021 = arith.index_cast %scan3A_948 : i32 to index
      %swap3A_1022 = arith.constant 48 : index
      %swap3A_1023 = tpu.vector_load %arg13[%swap3A_1020, %swap3A_1021, %swap3A_1022] {strides = array<i32>} : memref<2x128x64xf32, #tpu.memory_space<vmem>>, vector<16xf32>,
      tpu.vector_store %arg13[%swap3A_1020, %swap3A_1021, %swap3A_1022], %bitcast3A_1018 {strides = array<i32>} : memref<2x128x64xf32, #tpu.memory_space<vmem>>, vector<16xf32>,
      %and3A_1024 = vector.broadcast %scan3A_928 : i32 to vector<16xi32>
      %and3A_1025 = arith.andi %bitcast3A_1014, %and3A_1024 : vector<16xi32>
      %bitcast3A_1026 = vector.bitcast %and3A_1025 : vector<16xi32> to vector<16xf32>
      %swap3A_1027 = arith.index_cast %scan3A_948 : i32 to index
      %swap3A_1028 = arith.constant 48 : index
      %swap3A_1029 = tpu.vector_load %arg14[%swap3A_1027, %swap3A_1028] {strides = array<i32>} : memref<128x64xf32, #tpu.memory_space<vmem>>, vector<16xf32>,
      tpu.vector_store %arg14[%swap3A_1027, %swap3A_1028], %bitcast3A_1026 {strides = array<i32>} : memref<128x64xf32, #tpu.memory_space<vmem>>, vector<16xf32>,
    }
    %scan3A_933 = arith.constant 128 : i32
    %run_scoped3A_934 = arith.constant 1 : i32
    %run_scoped3A_935 = arith.constant 3 : i32
    %run_scoped3A_936 = arith.constant 1 : i32
    "tpu.region"() ({
      %run_scoped3A_948 = tpu.sem_alloc : memref<!tpu.dma_semaphore, #tpu.memory_space<semaphore_mem>>
      %dma_start3A_949 = arith.constant 0 : i32
      %dma_start3A_950 = arith.constant 0 : i32
      %dma_start3A_951 = tpu.memref_slice %arg13[%run_scoped3A_934, %dma_start3A_949, %dma_start3A_950] : memref<2x128x64xf32, #tpu.memory_space<vmem>> -> memref<1x128x64xf32, #tpu.memory_space<vmem>>
      %dma_start3A_952 = tpu.memref_squeeze %dma_start3A_951 : memref<1x128x64xf32, #tpu.memory_space<vmem>> -> memref<128x64xf32, #tpu.memory_space<vmem>>
      %dma_start3A_953 = arith.constant 0 : i32
      %dma_start3A_954 = tpu.memref_slice %arg11[%run_scoped3A_935, %run_scoped3A_936, %dma_start3A_953] : memref<4x2x128xi32, #tpu.memory_space<vmem>> -> memref<1x1x128xi32, #tpu.memory_space<vmem>>
      %dma_start3A_955 = tpu.memref_squeeze %dma_start3A_954 : memref<1x1x128xi32, #tpu.memory_space<vmem>> -> memref<128xi32, #tpu.memory_space<vmem>>
      %dma_start3A_956 = arith.constant 0 : i32
      %dma_start3A_957 = arith.constant 0 : i32
      %dma_start3A_958 = tpu.memref_slice %arg16[%dma_start3A_956, %dma_start3A_957] : memref<10240x64xf32, #tpu.memory_space<vmem_shared>> -> memref<10240x64xf32, #tpu.memory_space<vmem_shared>>
      tpu.enqueue_indirect_dma source(%dma_start3A_952 : memref<128x64xf32, #tpu.memory_space<vmem>>) target(%dma_start3A_958 : memref<10240x64xf32, #tpu.memory_space<vmem_shared>>) offsets(%dma_start3A_955 : memref<128xi32, #tpu.memory_space<vmem>>) semaphore(%run_scoped3A_948 : memref<!tpu.dma_semaphore, #tpu.memory_space<semaphore_mem>>) {add = true}
      %dma_wait3A_959 = arith.constant 0 : i32
      %dma_wait3A_960 = arith.constant 0 : i32
      %dma_wait3A_961 = tpu.memref_slice %arg13[%run_scoped3A_934, %dma_wait3A_959, %dma_wait3A_960] : memref<2x128x64xf32, #tpu.memory_space<vmem>> -> memref<1x128x64xf32, #tpu.memory_space<vmem>>
      %dma_wait3A_962 = tpu.memref_squeeze %dma_wait3A_961 : memref<1x128x64xf32, #tpu.memory_space<vmem>> -> memref<128x64xf32, #tpu.memory_space<vmem>>
      %dma_wait3A_963 = arith.constant 0 : i32
      %dma_wait3A_964 = tpu.memref_slice %arg11[%run_scoped3A_935, %run_scoped3A_936, %dma_wait3A_963] : memref<4x2x128xi32, #tpu.memory_space<vmem>> -> memref<1x1x128xi32, #tpu.memory_space<vmem>>
      %dma_wait3A_965 = tpu.memref_squeeze %dma_wait3A_964 : memref<1x1x128xi32, #tpu.memory_space<vmem>> -> memref<128xi32, #tpu.memory_space<vmem>>
      %dma_wait3A_966 = arith.constant 0 : i32
      %dma_wait3A_967 = arith.constant 0 : i32
      %dma_wait3A_968 = tpu.memref_slice %arg16[%dma_wait3A_966, %dma_wait3A_967] : memref<10240x64xf32, #tpu.memory_space<vmem_shared>> -> memref<10240x64xf32, #tpu.memory_space<vmem_shared>>
      tpu.wait_indirect_dma semaphore(%run_scoped3A_948 : memref<!tpu.dma_semaphore, #tpu.memory_space<semaphore_mem>>) src(%dma_wait3A_962 : memref<128x64xf32, #tpu.memory_space<vmem>>) dst(%dma_wait3A_968 : memref<10240x64xf32, #tpu.memory_space<vmem_shared>>)
      tpu.yield
    }) : () -> ()
    %run_scoped3A_937 = arith.constant 3 : i32
    %run_scoped3A_938 = arith.constant 1 : i32
    "tpu.region"() ({
      %run_scoped3A_948 = tpu.sem_alloc : memref<!tpu.dma_semaphore, #tpu.memory_space<semaphore_mem>>
      %dma_start3A_949 = arith.constant 0 : i32
      %dma_start3A_950 = tpu.memref_slice %arg11[%run_scoped3A_937, %run_scoped3A_938, %dma_start3A_949] : memref<4x2x128xi32, #tpu.memory_space<vmem>> -> memref<1x1x128xi32, #tpu.memory_space<vmem>>
      %dma_start3A_951 = tpu.memref_squeeze %dma_start3A_950 : memref<1x1x128xi32, #tpu.memory_space<vmem>> -> memref<128xi32, #tpu.memory_space<vmem>>
      %dma_start3A_952 = arith.constant 0 : i32
      %dma_start3A_953 = arith.constant 0 : i32
      %dma_start3A_954 = tpu.memref_slice %arg17[%dma_start3A_952, %dma_start3A_953] : memref<10240x64xf32, #tpu.memory_space<vmem_shared>> -> memref<10240x64xf32, #tpu.memory_space<vmem_shared>>
      tpu.enqueue_indirect_dma source(%arg14 : memref<128x64xf32, #tpu.memory_space<vmem>>) target(%dma_start3A_954 : memref<10240x64xf32, #tpu.memory_space<vmem_shared>>) offsets(%dma_start3A_951 : memref<128xi32, #tpu.memory_space<vmem>>) semaphore(%run_scoped3A_948 : memref<!tpu.dma_semaphore, #tpu.memory_space<semaphore_mem>>) {add = true}
      %dma_wait3A_955 = arith.constant 0 : i32
      %dma_wait3A_956 = tpu.memref_slice %arg11[%run_scoped3A_937, %run_scoped3A_938, %dma_wait3A_955] : memref<4x2x128xi32, #tpu.memory_space<vmem>> -> memref<1x1x128xi32, #tpu.memory_space<vmem>>
      %dma_wait3A_957 = tpu.memref_squeeze %dma_wait3A_956 : memref<1x1x128xi32, #tpu.memory_space<vmem>> -> memref<128xi32, #tpu.memory_space<vmem>>
      %dma_wait3A_958 = arith.constant 0 : i32
      %dma_wait3A_959 = arith.constant 0 : i32
      %dma_wait3A_960 = tpu.memref_slice %arg17[%dma_wait3A_958, %dma_wait3A_959] : memref<10240x64xf32, #tpu.memory_space<vmem_shared>> -> memref<10240x64xf32, #tpu.memory_space<vmem_shared>>
      tpu.wait_indirect_dma semaphore(%run_scoped3A_948 : memref<!tpu.dma_semaphore, #tpu.memory_space<semaphore_mem>>) src(%arg14 : memref<128x64xf32, #tpu.memory_space<vmem>>) dst(%dma_wait3A_960 : memref<10240x64xf32, #tpu.memory_space<vmem_shared>>)
      tpu.yield
    }) : () -> ()
    %barrier3A_939 = arith.constant 0 : index
    tpu.barrier barrier_id(%barrier3A_939)
    %mul3A_940 = arith.constant 640 : i32
    %mul3A_941 = arith.muli %arg1, %mul3A_940 : i32
    %mul3A_942 = arith.constant 640 : i32
    %mul3A_943 = arith.muli %arg1, %mul3A_942 : i32
    "tpu.region"() ({
      %run_scoped3A_948 = tpu.sem_alloc : memref<!tpu.dma_semaphore, #tpu.memory_space<semaphore_mem>>
      %dma_start3A_949 = arith.constant 0 : i32
      %dma_start3A_950 = tpu.memref_slice %arg8[%arg0, %mul3A_943, %dma_start3A_949] : memref<2x10240x64xf32, #tpu.memory_space<hbm>> -> memref<1x640x64xf32, #tpu.memory_space<hbm>>
      %dma_start3A_951 = tpu.memref_squeeze %dma_start3A_950 : memref<1x640x64xf32, #tpu.memory_space<hbm>> -> memref<640x64xf32, #tpu.memory_space<hbm>>
      %dma_start3A_952 = arith.constant 0 : i32
      %dma_start3A_953 = tpu.memref_slice %arg16[%mul3A_941, %dma_start3A_952] : memref<10240x64xf32, #tpu.memory_space<vmem_shared>> -> memref<640x64xf32, #tpu.memory_space<vmem_shared>>
      tpu.enqueue_dma source(%dma_start3A_953 : memref<640x64xf32, #tpu.memory_space<vmem_shared>>) target(%dma_start3A_951 : memref<640x64xf32, #tpu.memory_space<hbm>>) target_semaphore(%run_scoped3A_948 : memref<!tpu.dma_semaphore, #tpu.memory_space<semaphore_mem>>)
      %dma_wait3A_954 = arith.constant 0 : i32
      %dma_wait3A_955 = tpu.memref_slice %arg8[%arg0, %mul3A_943, %dma_wait3A_954] : memref<2x10240x64xf32, #tpu.memory_space<hbm>> -> memref<1x640x64xf32, #tpu.memory_space<hbm>>
      %dma_wait3A_956 = tpu.memref_squeeze %dma_wait3A_955 : memref<1x640x64xf32, #tpu.memory_space<hbm>> -> memref<640x64xf32, #tpu.memory_space<hbm>>
      %dma_wait3A_957 = arith.constant 0 : i32
      %dma_wait3A_958 = tpu.memref_slice %arg16[%mul3A_941, %dma_wait3A_957] : memref<10240x64xf32, #tpu.memory_space<vmem_shared>> -> memref<640x64xf32, #tpu.memory_space<vmem_shared>>
      tpu.wait_dma2 semaphore(%run_scoped3A_948 : memref<!tpu.dma_semaphore, #tpu.memory_space<semaphore_mem>>) src(%dma_wait3A_958 : memref<640x64xf32, #tpu.memory_space<vmem_shared>>) dst(%dma_wait3A_956 : memref<640x64xf32, #tpu.memory_space<hbm>>)
      tpu.yield
    }) : () -> ()
    %mul3A_944 = arith.constant 640 : i32
    %mul3A_945 = arith.muli %arg1, %mul3A_944 : i32
    %mul3A_946 = arith.constant 640 : i32
    %mul3A_947 = arith.muli %arg1, %mul3A_946 : i32
    "tpu.region"() ({
      %run_scoped3A_948 = tpu.sem_alloc : memref<!tpu.dma_semaphore, #tpu.memory_space<semaphore_mem>>
      %dma_start3A_949 = arith.constant 0 : i32
      %dma_start3A_950 = tpu.memref_slice %arg9[%arg0, %mul3A_947, %dma_start3A_949] : memref<2x10240x64xf32, #tpu.memory_space<hbm>> -> memref<1x640x64xf32, #tpu.memory_space<hbm>>
      %dma_start3A_951 = tpu.memref_squeeze %dma_start3A_950 : memref<1x640x64xf32, #tpu.memory_space<hbm>> -> memref<640x64xf32, #tpu.memory_space<hbm>>
      %dma_start3A_952 = arith.constant 0 : i32
      %dma_start3A_953 = tpu.memref_slice %arg17[%mul3A_945, %dma_start3A_952] : memref<10240x64xf32, #tpu.memory_space<vmem_shared>> -> memref<640x64xf32, #tpu.memory_space<vmem_shared>>
      tpu.enqueue_dma source(%dma_start3A_953 : memref<640x64xf32, #tpu.memory_space<vmem_shared>>) target(%dma_start3A_951 : memref<640x64xf32, #tpu.memory_space<hbm>>) target_semaphore(%run_scoped3A_948 : memref<!tpu.dma_semaphore, #tpu.memory_space<semaphore_mem>>)
      %dma_wait3A_954 = arith.constant 0 : i32
      %dma_wait3A_955 = tpu.memref_slice %arg9[%arg0, %mul3A_947, %dma_wait3A_954] : memref<2x10240x64xf32, #tpu.memory_space<hbm>> -> memref<1x640x64xf32, #tpu.memory_space<hbm>>
      %dma_wait3A_956 = tpu.memref_squeeze %dma_wait3A_955 : memref<1x640x64xf32, #tpu.memory_space<hbm>> -> memref<640x64xf32, #tpu.memory_space<hbm>>
      %dma_wait3A_957 = arith.constant 0 : i32
      %dma_wait3A_958 = tpu.memref_slice %arg17[%mul3A_945, %dma_wait3A_957] : memref<10240x64xf32, #tpu.memory_space<vmem_shared>> -> memref<640x64xf32, #tpu.memory_space<vmem_shared>>
      tpu.wait_dma2 semaphore(%run_scoped3A_948 : memref<!tpu.dma_semaphore, #tpu.memory_space<semaphore_mem>>) src(%dma_wait3A_958 : memref<640x64xf32, #tpu.memory_space<vmem_shared>>) dst(%dma_wait3A_956 : memref<640x64xf32, #tpu.memory_space<hbm>>)
      tpu.yield
    }) : () -> ()
    return
  }
}

module attributes {stable_mosaic.version = 14 : i64} {
  func.func @_gru_body(%arg0: i32, %arg1: memref<1280x128xf32, #tpu.memory_space<vmem>>, %arg2: memref<1280x64xf32, #tpu.memory_space<vmem>>, %arg3: memref<1280x64xf32, #tpu.memory_space<vmem>>, %arg4: memref<1280x64xf32, #tpu.memory_space<vmem>>, %arg5: memref<1280x64xf32, #tpu.memory_space<vmem>>, %arg6: memref<384x64xf32, #tpu.memory_space<vmem>>, %arg7: memref<384x64xf32, #tpu.memory_space<vmem>>, %arg8: memref<384x128xf32, #tpu.memory_space<vmem>>, %arg9: memref<1280x128xf32, #tpu.memory_space<vmem>>) attributes {dimension_semantics = [#tpu.dimension_semantics<arbitrary>], iteration_bounds = array<i64: 8>, scalar_prefetch = 0 : i64, scratch_operands = 0 : i64, tpu.core_type = #tpu.core_type<tc>, window_params = [{transform_indices = @transform_0, window_bounds = array<i64: 1280, 128>}, {transform_indices = @transform_1, window_bounds = array<i64: 1280, 64>}, {transform_indices = @transform_2, window_bounds = array<i64: 1280, 64>}, {transform_indices = @transform_3, window_bounds = array<i64: 1280, 64>}, {transform_indices = @transform_4, window_bounds = array<i64: 1280, 64>}, {pipeline_mode = #tpu.pipeline_mode<synchronous>, transform_indices = @transform_5, window_bounds = array<i64: 384, 64>}, {pipeline_mode = #tpu.pipeline_mode<synchronous>, transform_indices = @transform_6, window_bounds = array<i64: 384, 64>}, {pipeline_mode = #tpu.pipeline_mode<synchronous>, transform_indices = @transform_7, window_bounds = array<i64: 384, 128>}, {transform_indices = @transform_8, window_bounds = array<i64: 1280, 128>}]} {
    %get3A = arith.constant 0 : index
    %get3A_0 = arith.constant 0 : index
    %get3A_1 = vector.load %arg1[%get3A, %get3A_0] : memref<1280x128xf32, #tpu.memory_space<vmem>>, vector<1280x128xf32>
    %get3A_2 = arith.constant 0 : index
    %get3A_3 = arith.constant 0 : index
    %get3A_4 = vector.load %arg2[%get3A_2, %get3A_3] : memref<1280x64xf32, #tpu.memory_space<vmem>>, vector<1280x64xf32>
    %get3A_5 = arith.constant 0 : index
    %get3A_6 = arith.constant 0 : index
    %get3A_7 = vector.load %arg3[%get3A_5, %get3A_6] : memref<1280x64xf32, #tpu.memory_space<vmem>>, vector<1280x64xf32>
    %add3A = arith.addf %get3A_4, %get3A_7 : vector<1280x64xf32>
    %get3A_8 = arith.constant 0 : index
    %get3A_9 = arith.constant 0 : index
    %get3A_10 = vector.load %arg4[%get3A_8, %get3A_9] : memref<1280x64xf32, #tpu.memory_space<vmem>>, vector<1280x64xf32>
    %get3A_11 = arith.constant 0 : index
    %get3A_12 = arith.constant 0 : index
    %get3A_13 = vector.load %arg5[%get3A_11, %get3A_12] : memref<1280x64xf32, #tpu.memory_space<vmem>>, vector<1280x64xf32>
    %add3A_14 = arith.addf %get3A_10, %get3A_13 : vector<1280x64xf32>
    %convert_element_type3A = arith.truncf %add3A : vector<1280x64xf32> to vector<1280x64xbf16>
    %get3A_15 = arith.constant 0 : index
    %get3A_16 = arith.constant 0 : index
    %get3A_17 = vector.load %arg6[%get3A_15, %get3A_16] : memref<384x64xf32, #tpu.memory_space<vmem>>, vector<384x64xf32>
    %convert_element_type3A_18 = arith.truncf %get3A_17 : vector<384x64xf32> to vector<384x64xbf16>
    %dot_general3A = arith.constant dense<0.000000e+00> : vector<1280x384xf32>
    %dot_general3A_19 = tpu.matmul %convert_element_type3A, %convert_element_type3A_18, %dot_general3A {dimension_numbers = #tpu.dot_dimension_numbers<[1], [1], [0], [0], [0, 0, 1, 0], [], []>, transpose_lhs_hint = false} : vector<1280x64xbf16>, vector<384x64xbf16>, vector<1280x384xf32> -> vector<1280x384xf32>
    %convert_element_type3A_20 = arith.truncf %add3A_14 : vector<1280x64xf32> to vector<1280x64xbf16>
    %get3A_21 = arith.constant 0 : index
    %get3A_22 = arith.constant 0 : index
    %get3A_23 = vector.load %arg7[%get3A_21, %get3A_22] : memref<384x64xf32, #tpu.memory_space<vmem>>, vector<384x64xf32>
    %convert_element_type3A_24 = arith.truncf %get3A_23 : vector<384x64xf32> to vector<384x64xbf16>
    %dot_general3A_25 = arith.constant dense<0.000000e+00> : vector<1280x384xf32>
    %dot_general3A_26 = tpu.matmul %convert_element_type3A_20, %convert_element_type3A_24, %dot_general3A_25 {dimension_numbers = #tpu.dot_dimension_numbers<[1], [1], [0], [0], [0, 0, 1, 0], [], []>, transpose_lhs_hint = false} : vector<1280x64xbf16>, vector<384x64xbf16>, vector<1280x384xf32> -> vector<1280x384xf32>
    %add3A_27 = arith.addf %dot_general3A_19, %dot_general3A_26 : vector<1280x384xf32>
    %convert_element_type3A_28 = arith.truncf %get3A_1 : vector<1280x128xf32> to vector<1280x128xbf16>
    %get3A_29 = arith.constant 0 : index
    %get3A_30 = arith.constant 0 : index
    %get3A_31 = vector.load %arg8[%get3A_29, %get3A_30] : memref<384x128xf32, #tpu.memory_space<vmem>>, vector<384x128xf32>
    %convert_element_type3A_32 = arith.truncf %get3A_31 : vector<384x128xf32> to vector<384x128xbf16>
    %dot_general3A_33 = arith.constant dense<0.000000e+00> : vector<1280x384xf32>
    %dot_general3A_34 = tpu.matmul %convert_element_type3A_28, %convert_element_type3A_32, %dot_general3A_33 {dimension_numbers = #tpu.dot_dimension_numbers<[1], [1], [0], [0], [0, 0, 1, 0], [], []>, transpose_lhs_hint = false} : vector<1280x128xbf16>, vector<384x128xbf16>, vector<1280x384xf32> -> vector<1280x384xf32>
    %slice3A = vector.extract_strided_slice %add3A_27 {offsets = [0, 0], sizes = [1280, 128], strides = [1, 1]} : vector<1280x384xf32> to vector<1280x128xf32>
    %slice3A_35 = vector.extract_strided_slice %dot_general3A_34 {offsets = [0, 0], sizes = [1280, 128], strides = [1, 1]} : vector<1280x384xf32> to vector<1280x128xf32>
    %add3A_36 = arith.addf %slice3A, %slice3A_35 : vector<1280x128xf32>
    %logistic3A = arith.negf %add3A_36 : vector<1280x128xf32>
    %logistic3A_37 = math.exp %logistic3A : vector<1280x128xf32>
    %logistic3A_38 = arith.constant 1.000000e+00 : f32
    %logistic3A_39 = vector.broadcast %logistic3A_38 : f32 to vector<1280x128xf32>
    %logistic3A_40 = arith.addf %logistic3A_39, %logistic3A_37 : vector<1280x128xf32>
    %logistic3A_41 = arith.divf %logistic3A_39, %logistic3A_40 : vector<1280x128xf32>
    %slice3A_42 = vector.extract_strided_slice %add3A_27 {offsets = [0, 128], sizes = [1280, 128], strides = [1, 1]} : vector<1280x384xf32> to vector<1280x128xf32>
    %slice3A_43 = vector.extract_strided_slice %dot_general3A_34 {offsets = [0, 128], sizes = [1280, 128], strides = [1, 1]} : vector<1280x384xf32> to vector<1280x128xf32>
    %add3A_44 = arith.addf %slice3A_42, %slice3A_43 : vector<1280x128xf32>
    %logistic3A_45 = arith.negf %add3A_44 : vector<1280x128xf32>
    %logistic3A_46 = math.exp %logistic3A_45 : vector<1280x128xf32>
    %logistic3A_47 = arith.constant 1.000000e+00 : f32
    %logistic3A_48 = vector.broadcast %logistic3A_47 : f32 to vector<1280x128xf32>
    %logistic3A_49 = arith.addf %logistic3A_48, %logistic3A_46 : vector<1280x128xf32>
    %logistic3A_50 = arith.divf %logistic3A_48, %logistic3A_49 : vector<1280x128xf32>
    %slice3A_51 = vector.extract_strided_slice %add3A_27 {offsets = [0, 256], sizes = [1280, 128], strides = [1, 1]} : vector<1280x384xf32> to vector<1280x128xf32>
    %slice3A_52 = vector.extract_strided_slice %dot_general3A_34 {offsets = [0, 256], sizes = [1280, 128], strides = [1, 1]} : vector<1280x384xf32> to vector<1280x128xf32>
    %mul3A = arith.mulf %logistic3A_41, %slice3A_52 : vector<1280x128xf32>
    %add3A_53 = arith.addf %slice3A_51, %mul3A : vector<1280x128xf32>
    %tanh3A = math.tanh %add3A_53 : vector<1280x128xf32>
    %sub3A = arith.constant 1.000000e+00 : f32
    %sub3A_54 = vector.broadcast %sub3A : f32 to vector<1280x128xf32>
    %sub3A_55 = arith.subf %sub3A_54, %logistic3A_50 : vector<1280x128xf32>
    %mul3A_56 = arith.mulf %sub3A_55, %tanh3A : vector<1280x128xf32>
    %mul3A_57 = arith.mulf %logistic3A_50, %get3A_1 : vector<1280x128xf32>
    %add3A_58 = arith.addf %mul3A_56, %mul3A_57 : vector<1280x128xf32>
    %swap3A = arith.constant 0 : index
    %swap3A_59 = arith.constant 0 : index
    %swap3A_60 = vector.load %arg9[%swap3A, %swap3A_59] : memref<1280x128xf32, #tpu.memory_space<vmem>>, vector<1280x128xf32>
    tpu.vector_store %arg9[%swap3A, %swap3A_59], %add3A_58 {strides = array<i32>} : memref<1280x128xf32, #tpu.memory_space<vmem>>, vector<1280x128xf32>,
    return
  }
  func.func @transform_0(%arg0: i32) -> (i32, i32) {
    %c0_i32 = arith.constant 0 : i32
    %c0_i32_0 = arith.constant 0 : i32
    return %arg0, %c0_i32 : i32, i32
  }
  func.func @transform_1(%arg0: i32) -> (i32, i32) {
    %c0_i32 = arith.constant 0 : i32
    %c0_i32_0 = arith.constant 0 : i32
    return %arg0, %c0_i32 : i32, i32
  }
  func.func @transform_2(%arg0: i32) -> (i32, i32) {
    %c0_i32 = arith.constant 0 : i32
    %c0_i32_0 = arith.constant 0 : i32
    return %arg0, %c0_i32 : i32, i32
  }
  func.func @transform_3(%arg0: i32) -> (i32, i32) {
    %c0_i32 = arith.constant 0 : i32
    %c0_i32_0 = arith.constant 0 : i32
    return %arg0, %c0_i32 : i32, i32
  }
  func.func @transform_4(%arg0: i32) -> (i32, i32) {
    %c0_i32 = arith.constant 0 : i32
    %c0_i32_0 = arith.constant 0 : i32
    return %arg0, %c0_i32 : i32, i32
  }
  func.func @transform_5(%arg0: i32) -> (i32, i32) {
    %c0_i32 = arith.constant 0 : i32
    %c0_i32_0 = arith.constant 0 : i32
    %c0_i32_1 = arith.constant 0 : i32
    return %c0_i32, %c0_i32_0 : i32, i32
  }
  func.func @transform_6(%arg0: i32) -> (i32, i32) {
    %c0_i32 = arith.constant 0 : i32
    %c0_i32_0 = arith.constant 0 : i32
    %c0_i32_1 = arith.constant 0 : i32
    return %c0_i32, %c0_i32_0 : i32, i32
  }
  func.func @transform_7(%arg0: i32) -> (i32, i32) {
    %c0_i32 = arith.constant 0 : i32
    %c0_i32_0 = arith.constant 0 : i32
    %c0_i32_1 = arith.constant 0 : i32
    return %c0_i32, %c0_i32_0 : i32, i32
  }
  func.func @transform_8(%arg0: i32) -> (i32, i32) {
    %c0_i32 = arith.constant 0 : i32
    %c0_i32_0 = arith.constant 0 : i32
    return %arg0, %c0_i32 : i32, i32
  }
}

module attributes {stable_mosaic.version = 14 : i64} {
  func.func @_vn_body(%arg0: i32, %arg1: memref<1280x128xf32, #tpu.memory_space<vmem>>, %arg2: memref<1x1x1280xi32, #tpu.memory_space<vmem>>, %arg3: memref<1x1x1280xi32, #tpu.memory_space<vmem>>, %arg4: memref<64x128xf32, #tpu.memory_space<vmem>>, %arg5: memref<64x1xf32, #tpu.memory_space<vmem>>) attributes {dimension_semantics = [#tpu.dimension_semantics<arbitrary>], iteration_bounds = array<i64: 8>, scalar_prefetch = 0 : i64, scratch_operands = 0 : i64, tpu.core_type = #tpu.core_type<tc>, window_params = [{transform_indices = @transform_0, window_bounds = array<i64: 1280, 128>}, {transform_indices = @transform_1, window_bounds = array<i64: 1, 1, 1280>}, {transform_indices = @transform_2, window_bounds = array<i64: 1, 1, 1280>}, {pipeline_mode = #tpu.pipeline_mode<synchronous>, transform_indices = @transform_3, window_bounds = array<i64: 64, 128>}, {pipeline_mode = #tpu.pipeline_mode<synchronous>, transform_indices = @transform_4, window_bounds = array<i64: 64, 1>}]} {
    %eq3A = arith.constant 0 : i32
    %eq3A_0 = arith.cmpi eq, %arg0, %eq3A : i32
    %convert_element_type3A = arith.extui %eq3A_0 : i1 to i32
    %cond3A = arith.constant 0 : i32
    %cond3A_1 = arith.cmpi ne, %convert_element_type3A, %cond3A : i32
    scf.if %cond3A_1 {
      %broadcast_in_dim3A_35 = arith.constant 0.000000e+00 : f32
      %broadcast_in_dim3A_36 = vector.broadcast %broadcast_in_dim3A_35 : f32 to vector<64x128xf32>
      %swap3A_37 = arith.constant 0 : index
      %swap3A_38 = arith.constant 0 : index
      %swap3A_39 = vector.load %arg4[%swap3A_37, %swap3A_38] : memref<64x128xf32, #tpu.memory_space<vmem>>, vector<64x128xf32>
      tpu.vector_store %arg4[%swap3A_37, %swap3A_38], %broadcast_in_dim3A_36 {strides = array<i32>} : memref<64x128xf32, #tpu.memory_space<vmem>>, vector<64x128xf32>,
      %broadcast_in_dim3A_40 = arith.constant 0.000000e+00 : f32
      %broadcast_in_dim3A_41 = vector.broadcast %broadcast_in_dim3A_40 : f32 to vector<64x1xf32>
      %swap3A_42 = arith.constant 0 : index
      %swap3A_43 = arith.constant 0 : index
      %swap3A_44 = vector.load %arg5[%swap3A_42, %swap3A_43] : memref<64x1xf32, #tpu.memory_space<vmem>>, vector<64x1xf32>
      tpu.vector_store %arg5[%swap3A_42, %swap3A_43], %broadcast_in_dim3A_41 {strides = array<i32>} : memref<64x1xf32, #tpu.memory_space<vmem>>, vector<64x1xf32>,
    } else {
    }
    %get3A = arith.constant 0 : index
    %get3A_2 = arith.constant 0 : index
    %get3A_3 = arith.constant 0 : index
    %get3A_4 = vector.load %arg2[%get3A, %get3A_2, %get3A_3] : memref<1x1x1280xi32, #tpu.memory_space<vmem>>, vector<1x1x1280xi32>
    %get3A_5 = vector.shape_cast %get3A_4 : vector<1x1x1280xi32> to vector<1x1280xi32>
    %get3A_6 = arith.constant 0 : index
    %get3A_7 = arith.constant 0 : index
    %get3A_8 = arith.constant 0 : index
    %get3A_9 = vector.load %arg3[%get3A_6, %get3A_7, %get3A_8] : memref<1x1x1280xi32, #tpu.memory_space<vmem>>, vector<1x1x1280xi32>
    %get3A_10 = vector.shape_cast %get3A_9 : vector<1x1x1280xi32> to vector<1x1280xi32>
    %iota3A = tpu.iota {dimensions = array<i32: 0>} : vector<64x1280xi32>
    %eq3A_11 = vector.broadcast %get3A_5 : vector<1x1280xi32> to vector<64x1280xi32>
    %eq3A_12 = arith.cmpi eq, %iota3A, %eq3A_11 : vector<64x1280xi32>
    %convert_element_type3A_13 = arith.extui %eq3A_12 : vector<64x1280xi1> to vector<64x1280xi32>
    %convert_element_type3A_14 = arith.sitofp %convert_element_type3A_13 : vector<64x1280xi32> to vector<64x1280xf32>
    %ne3A = arith.cmpi ne, %get3A_5, %get3A_10 : vector<1x1280xi32>
    %convert_element_type3A_15 = arith.extui %ne3A : vector<1x1280xi1> to vector<1x1280xi32>
    %convert_element_type3A_16 = arith.sitofp %convert_element_type3A_15 : vector<1x1280xi32> to vector<1x1280xf32>
    %get3A_17 = arith.constant 0 : index
    %get3A_18 = arith.constant 0 : index
    %get3A_19 = vector.load %arg4[%get3A_17, %get3A_18] : memref<64x128xf32, #tpu.memory_space<vmem>>, vector<64x128xf32>
    %mul3A = vector.broadcast %convert_element_type3A_16 : vector<1x1280xf32> to vector<64x1280xf32>
    %mul3A_20 = arith.mulf %convert_element_type3A_14, %mul3A : vector<64x1280xf32>
    %get3A_21 = arith.constant 0 : index
    %get3A_22 = arith.constant 0 : index
    %get3A_23 = vector.load %arg1[%get3A_21, %get3A_22] : memref<1280x128xf32, #tpu.memory_space<vmem>>, vector<1280x128xf32>
    %dot_general3A = arith.constant dense<0.000000e+00> : vector<64x128xf32>
    %dot_general3A_24 = tpu.matmul %mul3A_20, %get3A_23, %dot_general3A {dimension_numbers = #tpu.dot_dimension_numbers<[1], [0], [0], [1], [0, 0, 1, 1], [], []>, precision = #tpu.contract_precision<fp32>, transpose_lhs_hint = false} : vector<64x1280xf32>, vector<1280x128xf32>, vector<64x128xf32> -> vector<64x128xf32>
    %add3A = arith.addf %get3A_19, %dot_general3A_24 : vector<64x128xf32>
    %swap3A = arith.constant 0 : index
    %swap3A_25 = arith.constant 0 : index
    %swap3A_26 = vector.load %arg4[%swap3A, %swap3A_25] : memref<64x128xf32, #tpu.memory_space<vmem>>, vector<64x128xf32>
    tpu.vector_store %arg4[%swap3A, %swap3A_25], %add3A {strides = array<i32>} : memref<64x128xf32, #tpu.memory_space<vmem>>, vector<64x128xf32>,
    %get3A_27 = arith.constant 0 : index
    %get3A_28 = arith.constant 0 : index
    %get3A_29 = vector.load %arg5[%get3A_27, %get3A_28] : memref<64x1xf32, #tpu.memory_space<vmem>>, vector<64x1xf32>
    %reduce_sum3A = arith.constant dense<0.000000e+00> : vector<64xf32>
    %reduce_sum3A_30 = vector.multi_reduction <add>, %convert_element_type3A_14, %reduce_sum3A [1] : vector<64x1280xf32> to vector<64xf32>
    %broadcast_in_dim3A = vector.shape_cast %reduce_sum3A_30 : vector<64xf32> to vector<64x1xf32>
    %add3A_31 = arith.addf %get3A_29, %broadcast_in_dim3A : vector<64x1xf32>
    %swap3A_32 = arith.constant 0 : index
    %swap3A_33 = arith.constant 0 : index
    %swap3A_34 = vector.load %arg5[%swap3A_32, %swap3A_33] : memref<64x1xf32, #tpu.memory_space<vmem>>, vector<64x1xf32>
    tpu.vector_store %arg5[%swap3A_32, %swap3A_33], %add3A_31 {strides = array<i32>} : memref<64x1xf32, #tpu.memory_space<vmem>>, vector<64x1xf32>,
    return
  }
  func.func @transform_0(%arg0: i32) -> (i32, i32) {
    %c0_i32 = arith.constant 0 : i32
    %c0_i32_0 = arith.constant 0 : i32
    return %arg0, %c0_i32 : i32, i32
  }
  func.func @transform_1(%arg0: i32) -> (i32, i32, i32) {
    %c0_i32 = arith.constant 0 : i32
    %c0_i32_0 = arith.constant 0 : i32
    %c0_i32_1 = arith.constant 0 : i32
    return %arg0, %c0_i32, %c0_i32_0 : i32, i32, i32
  }
  func.func @transform_2(%arg0: i32) -> (i32, i32, i32) {
    %c0_i32 = arith.constant 0 : i32
    %c0_i32_0 = arith.constant 0 : i32
    %c0_i32_1 = arith.constant 0 : i32
    return %arg0, %c0_i32, %c0_i32_0 : i32, i32, i32
  }
  func.func @transform_3(%arg0: i32) -> (i32, i32) {
    %c0_i32 = arith.constant 0 : i32
    %c0_i32_0 = arith.constant 0 : i32
    %c0_i32_1 = arith.constant 0 : i32
    return %c0_i32, %c0_i32_0 : i32, i32
  }
  func.func @transform_4(%arg0: i32) -> (i32, i32) {
    %c0_i32 = arith.constant 0 : i32
    %c0_i32_0 = arith.constant 0 : i32
    %c0_i32_1 = arith.constant 0 : i32
    return %c0_i32, %c0_i32_0 : i32, i32
  }
}

module attributes {stable_mosaic.version = 14 : i64} {
  func.func @_att_body(%arg0: i32, %arg1: memref<1280x128xf32, #tpu.memory_space<vmem>>, %arg2: memref<1x1x1280xi32, #tpu.memory_space<vmem>>, %arg3: memref<64x128xf32, #tpu.memory_space<vmem>>, %arg4: memref<64x1xf32, #tpu.memory_space<vmem>>, %arg5: memref<128x128xf32, #tpu.memory_space<vmem>>, %arg6: memref<128x128xf32, #tpu.memory_space<vmem>>, %arg7: memref<1x128xf32, #tpu.memory_space<vmem>>, %arg8: memref<128x256xf32, #tpu.memory_space<vmem>>, %arg9: memref<1x128xf32, #tpu.memory_space<vmem>>, %arg10: memref<1x1xf32, #tpu.memory_space<vmem>>, %arg11: memref<64x128xf32, #tpu.memory_space<vmem>>, %arg12: memref<64x128xf32, #tpu.memory_space<vmem>>, %arg13: memref<64x128xf32, #tpu.memory_space<vmem>>) attributes {dimension_semantics = [#tpu.dimension_semantics<arbitrary>], iteration_bounds = array<i64: 8>, scalar_prefetch = 0 : i64, scratch_operands = 2 : i64, tpu.core_type = #tpu.core_type<tc>, window_params = [{transform_indices = @transform_0, window_bounds = array<i64: 1280, 128>}, {transform_indices = @transform_1, window_bounds = array<i64: 1, 1, 1280>}, {pipeline_mode = #tpu.pipeline_mode<synchronous>, transform_indices = @transform_2, window_bounds = array<i64: 64, 128>}, {pipeline_mode = #tpu.pipeline_mode<synchronous>, transform_indices = @transform_3, window_bounds = array<i64: 64, 1>}, {pipeline_mode = #tpu.pipeline_mode<synchronous>, transform_indices = @transform_4, window_bounds = array<i64: 128, 128>}, {pipeline_mode = #tpu.pipeline_mode<synchronous>, transform_indices = @transform_5, window_bounds = array<i64: 128, 128>}, {pipeline_mode = #tpu.pipeline_mode<synchronous>, transform_indices = @transform_6, window_bounds = array<i64: 1, 128>}, {pipeline_mode = #tpu.pipeline_mode<synchronous>, transform_indices = @transform_7, window_bounds = array<i64: 128, 256>}, {pipeline_mode = #tpu.pipeline_mode<synchronous>, transform_indices = @transform_8, window_bounds = array<i64: 1, 128>}, {pipeline_mode = #tpu.pipeline_mode<synchronous>, transform_indices = @transform_9, window_bounds = array<i64: 1, 1>}, {pipeline_mode = #tpu.pipeline_mode<synchronous>, transform_indices = @transform_10, window_bounds = array<i64: 64, 128>}]} {
    %eq3A = arith.constant 0 : i32
    %eq3A_0 = arith.cmpi eq, %arg0, %eq3A : i32
    %convert_element_type3A = arith.extui %eq3A_0 : i1 to i32
    %cond3A = arith.constant 0 : i32
    %cond3A_1 = arith.cmpi ne, %convert_element_type3A, %cond3A : i32
    scf.if %cond3A_1 {
      %get3A_70 = arith.constant 0 : index
      %get3A_71 = arith.constant 0 : index
      %get3A_72 = vector.load %arg1[%get3A_70, %get3A_71] : memref<1280x128xf32, #tpu.memory_space<vmem>>, vector<1x128xf32>
      %get3A_73 = arith.constant 0 : index
      %get3A_74 = arith.constant 0 : index
      %get3A_75 = vector.load %arg4[%get3A_73, %get3A_74] : memref<64x1xf32, #tpu.memory_space<vmem>>, vector<64x1xf32>
      %gt3A = arith.constant 0.000000e+00 : f32
      %gt3A_76 = vector.broadcast %gt3A : f32 to vector<64x1xf32>
      %gt3A_77 = arith.cmpf ogt, %get3A_75, %gt3A_76 : vector<64x1xf32>
      %get3A_78 = arith.constant 0 : index
      %get3A_79 = arith.constant 0 : index
      %get3A_80 = vector.load %arg3[%get3A_78, %get3A_79] : memref<64x128xf32, #tpu.memory_space<vmem>>, vector<64x128xf32>
      %broadcast_in_dim3A_81 = vector.shape_cast %gt3A_77 : vector<64x1xi1> to vector<64x1xi1>
      %broadcast_in_dim3A_82 = vector.broadcast %broadcast_in_dim3A_81 : vector<64x1xi1> to vector<64x128xi1>
      %broadcast_in_dim3A_83 = vector.shape_cast %get3A_72 : vector<1x128xf32> to vector<1x128xf32>
      %broadcast_in_dim3A_84 = vector.broadcast %broadcast_in_dim3A_83 : vector<1x128xf32> to vector<64x128xf32>
      %select_n3A = arith.select %broadcast_in_dim3A_82, %get3A_80, %broadcast_in_dim3A_84 : vector<64x128xi1>, vector<64x128xf32>
      %swap3A_85 = arith.constant 0 : index
      %swap3A_86 = arith.constant 0 : index
      %swap3A_87 = vector.load %arg12[%swap3A_85, %swap3A_86] : memref<64x128xf32, #tpu.memory_space<vmem>>, vector<64x128xf32>
      tpu.vector_store %arg12[%swap3A_85, %swap3A_86], %select_n3A {strides = array<i32>} : memref<64x128xf32, #tpu.memory_space<vmem>>, vector<64x128xf32>,
      %broadcast_in_dim3A_88 = arith.constant 0.000000e+00 : f32
      %broadcast_in_dim3A_89 = vector.broadcast %broadcast_in_dim3A_88 : f32 to vector<64x128xf32>
      %swap3A_90 = arith.constant 0 : index
      %swap3A_91 = arith.constant 0 : index
      %swap3A_92 = vector.load %arg13[%swap3A_90, %swap3A_91] : memref<64x128xf32, #tpu.memory_space<vmem>>, vector<64x128xf32>
      tpu.vector_store %arg13[%swap3A_90, %swap3A_91], %broadcast_in_dim3A_89 {strides = array<i32>} : memref<64x128xf32, #tpu.memory_space<vmem>>, vector<64x128xf32>,
    } else {
    }
    %get3A = arith.constant 0 : index
    %get3A_2 = arith.constant 0 : index
    %get3A_3 = arith.constant 0 : index
    %get3A_4 = vector.load %arg2[%get3A, %get3A_2, %get3A_3] : memref<1x1x1280xi32, #tpu.memory_space<vmem>>, vector<1x1x1280xi32>
    %get3A_5 = vector.shape_cast %get3A_4 : vector<1x1x1280xi32> to vector<1x1280xi32>
    %iota3A = tpu.iota {dimensions = array<i32: 0>} : vector<64x1280xi32>
    %eq3A_6 = vector.broadcast %get3A_5 : vector<1x1280xi32> to vector<64x1280xi32>
    %eq3A_7 = arith.cmpi eq, %iota3A, %eq3A_6 : vector<64x1280xi32>
    %convert_element_type3A_8 = arith.extui %eq3A_7 : vector<64x1280xi1> to vector<64x1280xi32>
    %convert_element_type3A_9 = arith.sitofp %convert_element_type3A_8 : vector<64x1280xi32> to vector<64x1280xf32>
    %get3A_10 = arith.constant 0 : index
    %get3A_11 = arith.constant 0 : index
    %get3A_12 = vector.load %arg1[%get3A_10, %get3A_11] : memref<1280x128xf32, #tpu.memory_space<vmem>>, vector<1280x128xf32>
    %get3A_13 = arith.constant 0 : index
    %get3A_14 = arith.constant 0 : index
    %get3A_15 = vector.load %arg12[%get3A_13, %get3A_14] : memref<64x128xf32, #tpu.memory_space<vmem>>, vector<64x128xf32>
    %dot_general3A = arith.constant dense<0.000000e+00> : vector<1280x128xf32>
    %dot_general3A_16 = tpu.matmul %convert_element_type3A_9, %get3A_15, %dot_general3A {dimension_numbers = #tpu.dot_dimension_numbers<[0], [0], [1], [1], [0, 1, 1, 1], [], []>, precision = #tpu.contract_precision<fp32>, transpose_lhs_hint = false} : vector<64x1280xf32>, vector<64x128xf32>, vector<1280x128xf32> -> vector<1280x128xf32>
    %convert_element_type3A_17 = arith.truncf %dot_general3A_16 : vector<1280x128xf32> to vector<1280x128xbf16>
    %get3A_18 = arith.constant 0 : index
    %get3A_19 = arith.constant 0 : index
    %get3A_20 = vector.load %arg5[%get3A_18, %get3A_19] : memref<128x128xf32, #tpu.memory_space<vmem>>, vector<128x128xf32>
    %convert_element_type3A_21 = arith.truncf %get3A_20 : vector<128x128xf32> to vector<128x128xbf16>
    %dot_general3A_22 = arith.constant dense<0.000000e+00> : vector<1280x128xf32>
    %dot_general3A_23 = tpu.matmul %convert_element_type3A_17, %convert_element_type3A_21, %dot_general3A_22 {dimension_numbers = #tpu.dot_dimension_numbers<[1], [1], [0], [0], [0, 0, 1, 0], [], []>, transpose_lhs_hint = false} : vector<1280x128xbf16>, vector<128x128xbf16>, vector<1280x128xf32> -> vector<1280x128xf32>
    %convert_element_type3A_24 = arith.truncf %get3A_12 : vector<1280x128xf32> to vector<1280x128xbf16>
    %get3A_25 = arith.constant 0 : index
    %get3A_26 = arith.constant 0 : index
    %get3A_27 = vector.load %arg6[%get3A_25, %get3A_26] : memref<128x128xf32, #tpu.memory_space<vmem>>, vector<128x128xf32>
    %convert_element_type3A_28 = arith.truncf %get3A_27 : vector<128x128xf32> to vector<128x128xbf16>
    %dot_general3A_29 = arith.constant dense<0.000000e+00> : vector<1280x128xf32>
    %dot_general3A_30 = tpu.matmul %convert_element_type3A_24, %convert_element_type3A_28, %dot_general3A_29 {dimension_numbers = #tpu.dot_dimension_numbers<[1], [1], [0], [0], [0, 0, 1, 0], [], []>, transpose_lhs_hint = false} : vector<1280x128xbf16>, vector<128x128xbf16>, vector<1280x128xf32> -> vector<1280x128xf32>
    %get3A_31 = arith.constant 0 : index
    %get3A_32 = arith.constant 0 : index
    %get3A_33 = vector.load %arg7[%get3A_31, %get3A_32] : memref<1x128xf32, #tpu.memory_space<vmem>>, vector<1x128xf32>
    %add3A = vector.broadcast %get3A_33 : vector<1x128xf32> to vector<1280x128xf32>
    %add3A_34 = arith.addf %dot_general3A_30, %add3A : vector<1280x128xf32>
    %add3A_35 = arith.addf %dot_general3A_23, %add3A_34 : vector<1280x128xf32>
    %logistic3A = arith.negf %add3A_35 : vector<1280x128xf32>
    %logistic3A_36 = math.exp %logistic3A : vector<1280x128xf32>
    %logistic3A_37 = arith.constant 1.000000e+00 : f32
    %logistic3A_38 = vector.broadcast %logistic3A_37 : f32 to vector<1280x128xf32>
    %logistic3A_39 = arith.addf %logistic3A_38, %logistic3A_36 : vector<1280x128xf32>
    %logistic3A_40 = arith.divf %logistic3A_38, %logistic3A_39 : vector<1280x128xf32>
    %convert_element_type3A_41 = arith.truncf %logistic3A_40 : vector<1280x128xf32> to vector<1280x128xbf16>
    %convert_element_type3A_42 = arith.extf %convert_element_type3A_41 : vector<1280x128xbf16> to vector<1280x128xf32>
    %get3A_43 = arith.constant 0 : index
    %get3A_44 = arith.constant 0 : index
    %get3A_45 = vector.load %arg9[%get3A_43, %get3A_44] : memref<1x128xf32, #tpu.memory_space<vmem>>, vector<1x128xf32>
    %convert_element_type3A_46 = arith.truncf %get3A_45 : vector<1x128xf32> to vector<1x128xbf16>
    %convert_element_type3A_47 = arith.extf %convert_element_type3A_46 : vector<1x128xbf16> to vector<1x128xf32>
    %mul3A = vector.broadcast %convert_element_type3A_47 : vector<1x128xf32> to vector<1280x128xf32>
    %mul3A_48 = arith.mulf %convert_element_type3A_42, %mul3A : vector<1280x128xf32>
    %reduce_sum3A = arith.constant dense<0.000000e+00> : vector<1280xf32>
    %reduce_sum3A_49 = vector.multi_reduction <add>, %mul3A_48, %reduce_sum3A [1] : vector<1280x128xf32> to vector<1280xf32>
    %broadcast_in_dim3A = vector.shape_cast %reduce_sum3A_49 : vector<1280xf32> to vector<1280x1xf32>
    %get3A_50 = arith.constant 0 : index
    %get3A_51 = arith.constant 0 : index
    %get3A_52 = vector.load %arg10[%get3A_50, %get3A_51] : memref<1x1xf32, #tpu.memory_space<vmem>>, vector<1x1xf32>
    %add3A_53 = vector.broadcast %get3A_52 : vector<1x1xf32> to vector<1280x1xf32>
    %add3A_54 = arith.addf %broadcast_in_dim3A, %add3A_53 : vector<1280x1xf32>
    %get3A_55 = arith.constant 0 : index
    %get3A_56 = arith.constant 0 : index
    %get3A_57 = vector.load %arg13[%get3A_55, %get3A_56] : memref<64x128xf32, #tpu.memory_space<vmem>>, vector<64x128xf32>
    %mul3A_58 = vector.broadcast %add3A_54 : vector<1280x1xf32> to vector<1280x128xf32>
    %mul3A_59 = arith.mulf %mul3A_58, %get3A_12 : vector<1280x128xf32>
    %dot_general3A_60 = arith.constant dense<0.000000e+00> : vector<64x128xf32>
    %dot_general3A_61 = tpu.matmul %convert_element_type3A_9, %mul3A_59, %dot_general3A_60 {dimension_numbers = #tpu.dot_dimension_numbers<[1], [0], [0], [1], [0, 0, 1, 1], [], []>, precision = #tpu.contract_precision<fp32>, transpose_lhs_hint = false} : vector<64x1280xf32>, vector<1280x128xf32>, vector<64x128xf32> -> vector<64x128xf32>
    %add3A_62 = arith.addf %get3A_57, %dot_general3A_61 : vector<64x128xf32>
    %swap3A = arith.constant 0 : index
    %swap3A_63 = arith.constant 0 : index
    %swap3A_64 = vector.load %arg13[%swap3A, %swap3A_63] : memref<64x128xf32, #tpu.memory_space<vmem>>, vector<64x128xf32>
    tpu.vector_store %arg13[%swap3A, %swap3A_63], %add3A_62 {strides = array<i32>} : memref<64x128xf32, #tpu.memory_space<vmem>>, vector<64x128xf32>,
    %eq3A_65 = arith.constant 7 : i32
    %eq3A_66 = arith.cmpi eq, %arg0, %eq3A_65 : i32
    %convert_element_type3A_67 = arith.extui %eq3A_66 : i1 to i32
    %cond3A_68 = arith.constant 0 : i32
    %cond3A_69 = arith.cmpi ne, %convert_element_type3A_67, %cond3A_68 : i32
    scf.if %cond3A_69 {
      %get3A_70 = arith.constant 0 : index
      %get3A_71 = arith.constant 0 : index
      %get3A_72 = vector.load %arg8[%get3A_70, %get3A_71] : memref<128x256xf32, #tpu.memory_space<vmem>>, vector<128x256xf32>
      %convert_element_type3A_73 = arith.truncf %get3A_72 : vector<128x256xf32> to vector<128x256xbf16>
      %get3A_74 = arith.constant 0 : index
      %get3A_75 = arith.constant 0 : index
      %get3A_76 = vector.load %arg12[%get3A_74, %get3A_75] : memref<64x128xf32, #tpu.memory_space<vmem>>, vector<64x128xf32>
      %convert_element_type3A_77 = arith.truncf %get3A_76 : vector<64x128xf32> to vector<64x128xbf16>
      %slice3A = vector.extract_strided_slice %convert_element_type3A_73 {offsets = [0, 0], sizes = [128, 128], strides = [1, 1]} : vector<128x256xbf16> to vector<128x128xbf16>
      %dot_general3A_78 = arith.constant dense<0.000000e+00> : vector<64x128xf32>
      %dot_general3A_79 = tpu.matmul %convert_element_type3A_77, %slice3A, %dot_general3A_78 {dimension_numbers = #tpu.dot_dimension_numbers<[1], [1], [0], [0], [0, 0, 1, 0], [], []>, transpose_lhs_hint = false} : vector<64x128xbf16>, vector<128x128xbf16>, vector<64x128xf32> -> vector<64x128xf32>
      %get3A_80 = arith.constant 0 : index
      %get3A_81 = arith.constant 0 : index
      %get3A_82 = vector.load %arg13[%get3A_80, %get3A_81] : memref<64x128xf32, #tpu.memory_space<vmem>>, vector<64x128xf32>
      %convert_element_type3A_83 = arith.truncf %get3A_82 : vector<64x128xf32> to vector<64x128xbf16>
      %slice3A_84 = vector.extract_strided_slice %convert_element_type3A_73 {offsets = [0, 128], sizes = [128, 128], strides = [1, 1]} : vector<128x256xbf16> to vector<128x128xbf16>
      %dot_general3A_85 = arith.constant dense<0.000000e+00> : vector<64x128xf32>
      %dot_general3A_86 = tpu.matmul %convert_element_type3A_83, %slice3A_84, %dot_general3A_85 {dimension_numbers = #tpu.dot_dimension_numbers<[1], [1], [0], [0], [0, 0, 1, 0], [], []>, transpose_lhs_hint = false} : vector<64x128xbf16>, vector<128x128xbf16>, vector<64x128xf32> -> vector<64x128xf32>
      %add3A_87 = arith.addf %dot_general3A_79, %dot_general3A_86 : vector<64x128xf32>
      %swap3A_88 = arith.constant 0 : index
      %swap3A_89 = arith.constant 0 : index
      %swap3A_90 = vector.load %arg11[%swap3A_88, %swap3A_89] : memref<64x128xf32, #tpu.memory_space<vmem>>, vector<64x128xf32>
      tpu.vector_store %arg11[%swap3A_88, %swap3A_89], %add3A_87 {strides = array<i32>} : memref<64x128xf32, #tpu.memory_space<vmem>>, vector<64x128xf32>,
    } else {
    }
    return
  }
  func.func @transform_0(%arg0: i32) -> (i32, i32) {
    %c0_i32 = arith.constant 0 : i32
    %c0_i32_0 = arith.constant 0 : i32
    return %arg0, %c0_i32 : i32, i32
  }
  func.func @transform_1(%arg0: i32) -> (i32, i32, i32) {
    %c0_i32 = arith.constant 0 : i32
    %c0_i32_0 = arith.constant 0 : i32
    %c0_i32_1 = arith.constant 0 : i32
    return %arg0, %c0_i32, %c0_i32_0 : i32, i32, i32
  }
  func.func @transform_2(%arg0: i32) -> (i32, i32) {
    %c0_i32 = arith.constant 0 : i32
    %c0_i32_0 = arith.constant 0 : i32
    %c0_i32_1 = arith.constant 0 : i32
    return %c0_i32, %c0_i32_0 : i32, i32
  }
  func.func @transform_3(%arg0: i32) -> (i32, i32) {
    %c0_i32 = arith.constant 0 : i32
    %c0_i32_0 = arith.constant 0 : i32
    %c0_i32_1 = arith.constant 0 : i32
    return %c0_i32, %c0_i32_0 : i32, i32
  }
  func.func @transform_4(%arg0: i32) -> (i32, i32) {
    %c0_i32 = arith.constant 0 : i32
    %c0_i32_0 = arith.constant 0 : i32
    %c0_i32_1 = arith.constant 0 : i32
    return %c0_i32, %c0_i32_0 : i32, i32
  }
  func.func @transform_5(%arg0: i32) -> (i32, i32) {
    %c0_i32 = arith.constant 0 : i32
    %c0_i32_0 = arith.constant 0 : i32
    %c0_i32_1 = arith.constant 0 : i32
    return %c0_i32, %c0_i32_0 : i32, i32
  }
  func.func @transform_6(%arg0: i32) -> (i32, i32) {
    %c0_i32 = arith.constant 0 : i32
    %c0_i32_0 = arith.constant 0 : i32
    %c0_i32_1 = arith.constant 0 : i32
    return %c0_i32, %c0_i32_0 : i32, i32
  }
  func.func @transform_7(%arg0: i32) -> (i32, i32) {
    %c0_i32 = arith.constant 0 : i32
    %c0_i32_0 = arith.constant 0 : i32
    %c0_i32_1 = arith.constant 0 : i32
    return %c0_i32, %c0_i32_0 : i32, i32
  }
  func.func @transform_8(%arg0: i32) -> (i32, i32) {
    %c0_i32 = arith.constant 0 : i32
    %c0_i32_0 = arith.constant 0 : i32
    %c0_i32_1 = arith.constant 0 : i32
    return %c0_i32, %c0_i32_0 : i32, i32
  }
  func.func @transform_9(%arg0: i32) -> (i32, i32) {
    %c0_i32 = arith.constant 0 : i32
    %c0_i32_0 = arith.constant 0 : i32
    %c0_i32_1 = arith.constant 0 : i32
    return %c0_i32, %c0_i32_0 : i32, i32
  }
  func.func @transform_10(%arg0: i32) -> (i32, i32) {
    %c0_i32 = arith.constant 0 : i32
    %c0_i32_0 = arith.constant 0 : i32
    %c0_i32_1 = arith.constant 0 : i32
    return %c0_i32, %c0_i32_0 : i32, i32
  }
}

module attributes {stable_mosaic.version = 14 : i64} {
  func.func @_readout_body(%arg0: i32, %arg1: memref<50x128xf32, #tpu.memory_space<vmem>>, %arg2: memref<2048x128xf32, #tpu.memory_space<vmem>>, %arg3: memref<50x2048xf32, #tpu.memory_space<vmem>>) attributes {dimension_semantics = [#tpu.dimension_semantics<arbitrary>], iteration_bounds = array<i64: 49>, scalar_prefetch = 0 : i64, scratch_operands = 0 : i64, tpu.core_type = #tpu.core_type<tc>, window_params = [{pipeline_mode = #tpu.pipeline_mode<synchronous>, transform_indices = @transform_0, window_bounds = array<i64: 50, 128>}, {transform_indices = @transform_1, window_bounds = array<i64: 2048, 128>}, {transform_indices = @transform_2, window_bounds = array<i64: 50, 2048>}]} {
    %get3A = arith.constant 0 : index
    %get3A_0 = arith.constant 0 : index
    %get3A_1 = vector.load %arg1[%get3A, %get3A_0] : memref<50x128xf32, #tpu.memory_space<vmem>>, vector<50x128xf32>
    %convert_element_type3A = arith.truncf %get3A_1 : vector<50x128xf32> to vector<50x128xbf16>
    %get3A_2 = arith.constant 0 : index
    %get3A_3 = arith.constant 0 : index
    %get3A_4 = vector.load %arg2[%get3A_2, %get3A_3] : memref<2048x128xf32, #tpu.memory_space<vmem>>, vector<2048x128xf32>
    %convert_element_type3A_5 = arith.truncf %get3A_4 : vector<2048x128xf32> to vector<2048x128xbf16>
    %dot_general3A = arith.constant dense<0.000000e+00> : vector<50x2048xf32>
    %dot_general3A_6 = tpu.matmul %convert_element_type3A, %convert_element_type3A_5, %dot_general3A {dimension_numbers = #tpu.dot_dimension_numbers<[1], [1], [0], [0], [0, 0, 1, 0], [], []>, transpose_lhs_hint = false} : vector<50x128xbf16>, vector<2048x128xbf16>, vector<50x2048xf32> -> vector<50x2048xf32>
    %swap3A = arith.constant 0 : index
    %swap3A_7 = arith.constant 0 : index
    %swap3A_8 = vector.load %arg3[%swap3A, %swap3A_7] : memref<50x2048xf32, #tpu.memory_space<vmem>>, vector<50x2048xf32>
    tpu.vector_store %arg3[%swap3A, %swap3A_7], %dot_general3A_6 {strides = array<i32>} : memref<50x2048xf32, #tpu.memory_space<vmem>>, vector<50x2048xf32>,
    return
  }
  func.func @transform_0(%arg0: i32) -> (i32, i32) {
    %c0_i32 = arith.constant 0 : i32
    %c0_i32_0 = arith.constant 0 : i32
    %c0_i32_1 = arith.constant 0 : i32
    return %c0_i32, %c0_i32_0 : i32, i32
  }
  func.func @transform_1(%arg0: i32) -> (i32, i32) {
    %c0_i32 = arith.constant 0 : i32
    %c0_i32_0 = arith.constant 0 : i32
    return %arg0, %c0_i32 : i32, i32
  }
  func.func @transform_2(%arg0: i32) -> (i32, i32) {
    %c0_i32 = arith.constant 0 : i32
    %c0_i32_0 = arith.constant 0 : i32
    return %c0_i32, %arg0 : i32, i32
  }
}

</mosaic_0001>

<sc_bundles>
// kernel: kernel.7.cloned.1.call-start
scs
__scs_entry_jumppad:
0x0: {  	(pc) =	sbr.rel $0x88, $3  }
0x1: {  	(tag) =	ssettag $0x0;
	lr =	simm.s32 $0x1  }
0x2: {  	[smem:$0x3F95] =	sst lr;
	_ =	strace $0xD0000000  }
0x3: {  	_ = 	snop  }
0x4: {  	_ = 	snop  }
0x5: {  	_ = 	snop  }
0x6: {  	_ = 	snop  }
0x7: {  	_ = 	snop  }
__scs_overlays_trampoline_lowered:
0x8: {  	[smem:$0x3FA4] =	sst s0  }
0x9: {  	[smem:$0x3FA5] =	sst s1  }
0xa: {  	[smem:$0x3FA6] =	sst s2  }
0xb: {  	[smem:$0x3FA7] =	sst s3  }
0xc: {  	[smem:$0x3FA8] =	sst s4  }
0xd: {  	[smem:$0x3FA9] =	sst s5  }
0xe: {  	[smem:$0x3FAA] =	sst s6  }
0xf: {  	[smem:$0x3FAB] =	sst s7  }
0x10: {  	[smem:$0x3FAC] =	sst s8  }
0x11: {  	[smem:$0x3FAD] =	sst s9;
	s0 =	simm.s32 @!p0 $0x0  }
0x12: {  	s1 =	sld [smem:$0x3F93];
	s0 =	simm.s32 @p0 $0x1  }
0x13: {  	[smem:$0x3FAE] =	sst s0;
	s0 =	simm.s32 @!p1 $0x0  }
0x14: {  	s2 =	sld [smem:$0x3F92];
	s0 =	simm.s32 @p1 $0x1  }
0x15: {  	[smem:$0x3FAF] =	sst s0;
	s0 =	simm.s32 @!p2 $0x0  }
0x16: {  	s3 =	sld [smem:$0x3FDB];
	s0 =	simm.s32 @p2 $0x1  }
0x17: {  	s4 =	simm.s32 $0x1BF5;
	[smem:$0x3FB1] =	sst s0  }
0x18: {  	s0 =	sld [smem:$0x3F94];
	_ =	swait.ge [sflag:s4], $0x0  }
0x19: {  	s7 =	sld [smem:$0x3F95]  }
0x1a: {  	s8 =	sadd.s32 $0xFFFFE003, lr  }
0x1b: {  	s9 =	sadd.s32 $0xFFFFFEF7, lr;
	s5 =	simm.s32 $0xFFFFFFFF;
	p2 =	slt.u32 s8, $0xFFFFF086  }
0x1c: {  	p1 =	slt.u32 s9, $0xF7A;
	s5 =	simm.s32 @!p2 $0x0  }
0x1d: {  	s5 =	simm.s32 @p1 $0x1;
	p0 =	seq.s32 s7, s2  }
0x1e: {  	s7 =	smul.u32 @!p0 $0xF7A, s2;
	p2 =	seq.s32 @!p0 s5, $0x0  }
0x1f: {  	s9 =	smul.u32 $0xF7A, s1;
	s8 =	simm.s32 @!p0 $0x1BF5;
	p2 =	por !p2, p0  }
0x20: {  	[sflag:s8] =	ssyncset.s32 @!p0 $0xFFFFF086;
	s6 =	sadd.s32 @!p0 s3, s7;
	s7 =	simm.s32 @!p0 $0x108  }
0x21: {  	s3 =	sadd.s32 s3, s9;
	s6 =	sadd.s32 @!p0 $0x88, s6;
	s7 =	simm.s32 @p2 $0x1082  }
0x22: {  	[simem:s7], [sflag:s8] =	dma.local @!p0 [hbm:s6], $0xF7A  }
0x23: {  	s9 =	sor.u32 $0xD0000000, s2;
	s6 =	simm.s32 $0x108;
	_ =	swait.ge @!p0 [sflag:s8], $0x0  }
0x24: {  	s3 =	sadd.s32 $0x88, s3;
	s6 =	simm.s32 @!p1 $0x1082;
	[sflag:s4] =	ssyncset.s32 $0xFFFFF086  }
0x25: {  	[simem:s6], [sflag:s4] =	dma.local [hbm:s3], $0xF7A  }
0x26: {  	[smem:$0x3F95] =	sst s1;
	(tag) =	ssettag s2;
	_ =	strace s9  }
0x27: {  	s1 =	sld [smem:$0x3FA5]  }
0x28: {  	s2 =	sld [smem:$0x3FA6]  }
0x29: {  	s4 =	sld [smem:$0x3FA8]  }
0x2a: {  	p0 =	seq.s32 s5, $0x0;
	s5 =	sld [smem:$0x3FA9]  }
0x2b: {  	s6 =	sld [smem:$0x3FAA]  }
0x2c: {  	s7 =	sld [smem:$0x3FAB]  }
0x2d: {  	s3 =	simm.s32 $0x108;
	s8 =	sld [smem:$0x3FAC]  }
0x2e: {  	s3 =	simm.s32 @!p0 $0x1082;
	s9 =	sld [smem:$0x3FAD]  }
0x2f: {  	lr =	sadd.s32 s0, s3;
	s0 =	sld [smem:$0x3FA4]  }
0x30: {  	s3 =	sld [smem:$0x3FA7]  }
0x31: {  	[smem:$0x3FB0] =	sst s10  }
0x32: {  	s10 =	sld [smem:$0x3FAE];
	_ =	sdelay $0x3  }
0x33: {  	p0 =	seq.s32 s10, $0x1;
	s10 =	sld [smem:$0x3FB0];
	_ =	sdelay $0x3  }
0x34: {  	[smem:$0x3FB0] =	sst s10  }
0x35: {  	s10 =	sld [smem:$0x3FAF];
	_ =	sdelay $0x3  }
0x36: {  	p1 =	seq.s32 s10, $0x1;
	s10 =	sld [smem:$0x3FB0];
	_ =	sdelay $0x3  }
0x37: {  	[smem:$0x3FB0] =	sst s10  }
0x38: {  	s10 =	sld [smem:$0x3FB1]  }
0x39: {  	_ = 	snop;
	(pc) =	sbr.ind lr, $3  }
0x3a: {  	_ = 	snop  }
0x3b: {  	_ = 	snop  }
0x3c: {  	p2 =	seq.s32 s10, $0x1;
	s10 =	sld [smem:$0x3FB0]  }
0x3d: {  	_ =	shalt  }
0x3e: {  	_ =	shalt  }
0x3f: {  	_ =	shalt  }
0x40: {  	_ =	shalt  }
0x41: {  	_ =	shalt  }
0x42: {  	_ =	shalt  }
0x43: {  	_ =	shalt  }
0x44: {  	_ =	shalt  }
0x45: {  	_ =	shalt  }
0x46: {  	_ =	shalt  }
0x47: {  	_ =	shalt  }
0x48: {  	_ =	shalt  }
0x49: {  	_ =	shalt  }
0x4a: {  	_ =	shalt  }
0x4b: {  	_ =	shalt  }
0x4c: {  	_ =	shalt  }
0x4d: {  	_ =	shalt  }
0x4e: {  	_ =	shalt  }
0x4f: {  	_ =	shalt  }
0x50: {  	_ =	shalt  }
0x51: {  	_ =	shalt  }
0x52: {  	_ =	shalt  }
0x53: {  	_ =	shalt  }
0x54: {  	_ =	shalt  }
0x55: {  	_ =	shalt  }
0x56: {  	_ =	shalt  }
0x57: {  	_ =	shalt  }
0x58: {  	_ =	shalt  }
0x59: {  	_ =	shalt  }
0x5a: {  	_ =	shalt  }
0x5b: {  	_ =	shalt  }
0x5c: {  	_ =	shalt  }
0x5d: {  	_ =	shalt  }
0x5e: {  	_ =	shalt  }
0x5f: {  	_ =	shalt  }
0x60: {  	_ =	shalt  }
0x61: {  	_ =	shalt  }
0x62: {  	_ =	shalt  }
0x63: {  	_ =	shalt  }
0x64: {  	_ =	shalt  }
0x65: {  	_ =	shalt  }
0x66: {  	_ =	shalt  }
0x67: {  	_ =	shalt  }
0x68: {  	_ =	shalt  }
0x69: {  	_ =	shalt  }
0x6a: {  	_ =	shalt  }
0x6b: {  	_ =	shalt  }
0x6c: {  	_ =	shalt  }
0x6d: {  	_ =	shalt  }
0x6e: {  	_ =	shalt  }
0x6f: {  	_ =	shalt  }
0x70: {  	_ =	shalt  }
0x71: {  	_ =	shalt  }
0x72: {  	_ =	shalt  }
0x73: {  	_ =	shalt  }
0x74: {  	_ =	shalt  }
0x75: {  	_ =	shalt  }
0x76: {  	_ =	shalt  }
0x77: {  	_ =	shalt  }
0x78: {  	_ =	shalt  }
0x79: {  	_ =	shalt  }
0x7a: {  	_ =	shalt  }
0x7b: {  	_ =	shalt  }
0x7c: {  	_ =	shalt  }
0x7d: {  	_ =	shalt  }
0x7e: {  	_ =	shalt  }
0x7f: {  	_ =	shalt  }
0x80: {  	_ =	shalt  }
0x81: {  	_ =	shalt  }
0x82: {  	_ =	shalt  }
0x83: {  	_ =	shalt  }
0x84: {  	_ =	shalt  }
0x85: {  	_ =	shalt  }
0x86: {  	_ =	shalt  }
0x87: {  	_ =	shalt  }
.Lfunc_end0:
.L_simem_size_0:
called_computation.1_lowered:
.L_overlay_start_0:
0x88: {  	s2 =	sld [smem:$0x3FD9]  }
0x89: {  	s3 =	sld [smem:$0x3FFE];
	_ =	sdelay $0x1  }
0x8a: {  	s1 =	srdreg.scid  }
0x8b: {  	s0 =	sand.u32 $0x1, s1  }
0x8c: {  	s17 =	sshll.u32 s0, $0xA;
	s2 =	sadd.s32 s3, s2  }
0x8d: {  	s2 =	sadd.s32 s2, s17  }
0x8e: {  	[smem:$0x3FBC] =	sst s2  }
0x8f: {  	_ = 	snop  }
0x90: {  	s2 =	sld [smem:$0x3FC6]  }
0x91: {  	s18 =	sld [smem:$0x3FD0];
	(tm) =	ssettm $0x1  }
0x92: {  	s4 =	sld [smem:$0x3FFB];
	_ =	sdelay $0x3  }
0x93: {  	_ =	strace s4  }
0x94: {  	s4 =	sld [smem:$0x3FFC];
	_ =	sdelay $0x3  }
0x95: {  	_ =	strace s4  }
0x96: {  	s4 =	sld [smem:$0x3FFD];
	_ =	sdelay $0x3  }
0x97: {  	_ =	strace s4  }
0x98: {  	_ =	strace $0x8FFFFFFF  }
0x99: {  	s19 =	sld [smem:$0x3FDB];
	_ =	sdelay $0x1  }
0x9a: {  	s5 =	simm.s32 $_scs_section_size  }
0x9b: {  	s6 =	simm.s32 $_size__tile_overlayer_lowered;
	s7 =	simm.s32 $_tile_overlayer_lowered  }
0x9c: {  	s22 =	simm.s32 $0x1BFF;
	s21 =	sshll.u32 s7, $0x1;
	s4 =	sadd.s32 s5, s19  }
0x9d: {  	s8 =	simm.s32 $0x0;
	s20 =	sshll.u32 s6, $0x1;
	s6 =	sadd.s32 s21, s4  }
0x9e: {  	[timem:s8], [sflag:s22] =	dma.local [hbm:s6], s20  }
0x9f: {  	_ =	swait.ge [sflag:s22], s20  }
0xa0: {  	s5 =	ssub.s32 $0x0, s20;
	[sflag:s22] =	ssyncset.done $0x0  }
0xa1: {  	[sflag:s22] =	ssyncadd.s32 s5;
	_ =	sdelay $0x1  }
0xa2: {  	s23 =	simm.s32 $0x1B8B  }
0xa3: {  	_ =	swait.ge [sflag:s23], $0x1  }
0xa4: {  	[sflag:s23] =	ssyncset.done $0x0  }
0xa5: {  	s25 =	simm.s32 $0x1B8E;
	s24 =	sld [smem:$0x3FFE];
	[sflag:s23] =	ssyncadd.s32 $0xFFFFFFFF  }
0xa6: {  	s26 =	simm.s32 $execute0_lowered;
	[smem:$0x3FD2] =	sst s25  }
0xa7: {  	s6 =	sshll.u32 s26, $0x1;
	_ =	strace $0x80000049;
	[dreg:$0x1] =	wrdreg $0xFFFFFFFF  }
0xa8: {  	s28 =	simm.s32 $_size_execute0_lowered;
	s4 =	sadd.s32 s4, s6;
	[dreg:$0x0] =	wrdreg $0x0  }
0xa9: {  	s6 =	sshll.u32 s28, $0x1;
	[dreg:$0x2] =	wrdreg s4  }
0xaa: {  	[dreg:$0x3] =	wrdreg s6  }
0xab: {  	[dreg:$0x4] =	wrdreg $0xC0  }
0xac: {  	_ =	task [dreg:s8], $0x5FFFF  }
0xad: {  	[dreg:$0x1] =	wrdreg $0xFFFFFFFF  }
0xae: {  	[dreg:$0x0] =	wrdreg $0x60  }
0xaf: {  	[dreg:$0x2] =	wrdreg s24  }
0xb0: {  	[dreg:$0x3] =	wrdreg s2  }
0xb1: {  	[dreg:$0x4] =	wrdreg s18  }
0xb2: {  	[dreg:$0x5] =	wrdreg $0xAD000  }
0xb3: {  	[dreg:$0x6] =	wrdreg $0x14D000  }
0xb4: {  	[dreg:$0x7] =	wrdreg $0x9  }
0xb5: {  	_ =	task.clear_ibuf [dreg:s8], $0x8FFFF;
	_ =	strace $0x90000049  }
0xb6: {  	s29 =	simm.s32 $0x9;
	_ =	strace $0x8000004B  }
0xb7: {  	_ =	swait.ge [sflag:s29], $0x1  }
0xb8: {  	[sflag:s29] =	ssyncadd.s32 $0xFFFFFFFF  }
0xb9: {  	_ =	strace $0x9000004B  }
0xba: {  	_ =	sfence  }
0xbb: {  	s30 =	sld [smem:$0x0];
	_ =	sdelay $0x2  }
0xbc: {  	s31 =	sshll.u32 s1, $0xD;
	s1 =	sshrl.u32 s1, $0x2  }
0xbd: {  	s3 =	sand.u32 $0x4000, s31;
	s1 =	sadd.s32 s1, s30  }
0xbe: {  	s0 =	sor.u32 s3, s0;
	s1 =	sshll.u32 s1, $0x11  }
0xbf: {  	s0 =	sor.u32 s1, s0  }
0xc0: {  	s0 =	sadd.s32 $0x8F2B, s0  }
0xc1: {  	[sflag:s0] =	ssyncadd.remote.s32 $0x1  }
0xc2: {  	_ =	sfence.sel $0xFFFF  }
0xc3: {  	[dreg:$0x0] =	wrdreg $0xFFFFFFFF;
	(pc) =	sbr.abs _section_cstart, $3  }
0xc4: {  	[dreg:$0x1] =	wrdreg $0xFFFFFFFF  }
0xc5: {  	_ =	task.clear_ibuf [dreg:s8], $0x2FFFF;
	_ =	strace $0x9FFFFFFF  }
0xc6: {  	(tm) =	ssettm $0x7FFFFFFF  }
0xc7: {  	_ =	shalt  }
tec
execute0_lowered:
.L_overlay_start_1:
0x0: {  	(tag) =	ssettag $0x1  }
0x1: {  	s0 =	rddreg [dreg:$0x0]  }
0x2: {  	s2 =	srdreg.scid;
	s5 =	stileid.u32  }
0x3: {  	s3 =	sand.u32 $0x1, s2;
	s4 =	smul.u32 $0xA000, s5;
	s5 =	sshll.u32 s5, $0x1  }
0x4: {  	s1 =	rddreg [dreg:$0x2];
	s5 =	sor.u32 s3, s5  }
0x5: {  	s31 =	simm.s32 $0x2980;
	s28 =	simm.s32 $0x2A80;
	s10 =	smul.u32 $0x140, s5  }
0x6: {  	s2 =	simm.s32 $0x0;
	s7 =	sadd.s32 $0xEE400, s0;
	s8 =	smul.u32 $0x1400, s5  }
0x7: {  	s29 =	sadd.s32 $0x30FA00, s0;
	s30 =	sadd.s32 $0x1A00, s0;
	[smem:$0x7FF] =	sst s2  }
0x8: {  	s6 =	smul.u32 $0xA0000, s3;
	s8 =	sadd.s32 s7, s8;
	[dreg:$0x6] =	wrdreg s10  }
0x9: {  	s3 =	ssub.s32 $0x2, s3;
	s11 =	sor.u32 $0x20, s10;
	[dreg:$0x8] =	wrdreg s8  }
0xa: {  	s9 =	sshrl.u32 s3, $0x1;
	s16 =	sadd.s32 $0x40, s10;
	[dreg:$0x7] =	wrdreg s11  }
0xb: {  	s6 =	sadd.s32 s4, s6;
	s17 =	sadd.s32 $0x60, s10;
	[dreg:$0x9] =	wrdreg s16  }
0xc: {  	s3 =	ssub.s32 s3, s9;
	s12 =	sadd.s32 $0x80, s10;
	[dreg:$0xb] =	wrdreg s17  }
0xd: {  	s22 =	sadd.s32 $0xA0, s10;
	s23 =	sadd.s32 $0xC0, s10;
	[dreg:$0xc] =	wrdreg s12  }
0xe: {  	s25 =	sadd.s32 $0xE0, s10;
	s13 =	sadd.s32 $0x120, s10;
	[dreg:$0xf] =	wrdreg s22  }
0xf: {  	s6 =	sshrl.u32 s6, $0x3;
	s15 =	sshll.u32 s11, $0x4;
	[dreg:$0x11] =	wrdreg s23  }
0x10: {  	s18 =	sshll.u32 s16, $0x4;
	s19 =	sshll.u32 s17, $0x4;
	[dreg:$0x12] =	wrdreg s25  }
0x11: {  	s21 =	sshll.u32 s12, $0x4;
	s24 =	sshll.u32 s22, $0x4;
	s22 =	rddreg [dreg:$0x4]  }
0x12: {  	s26 =	sshll.u32 s23, $0x4;
	s12 =	sadd.s32 $0x100, s10;
	[dreg:$0x17] =	wrdreg s13  }
0x13: {  	s11 =	sshll.u32 s25, $0x4;
	s8 =	sadd.s32 s7, s15;
	[dreg:$0x16] =	wrdreg s12  }
0x14: {  	s14 =	sshll.u32 s13, $0x4;
	s20 =	sadd.s32 s7, s19;
	[dreg:$0xa] =	wrdreg s8  }
0x15: {  	s1 =	sadd.s32 s1, s6;
	s9 =	sadd.s32 s7, s26;
	[dreg:$0xe] =	wrdreg s20  }
0x16: {  	s16 =	smul.u32 $0x50, s5;
	s8 =	sadd.s32 s7, s18;
	[dreg:$0x14] =	wrdreg s9  }
0x17: {  	s6 =	sadd.s32 s6, s0;
	[dreg:$0xd] =	wrdreg s8;
	s8 =	sadd.s32 s7, s21  }
0x18: {  	s17 =	smul.u32 $0xA00, s5;
	[dreg:$0x10] =	wrdreg s8;
	s8 =	sadd.s32 s7, s24  }
0x19: {  	s25 =	smax.u32 s3, $0x1;
	[dreg:$0x13] =	wrdreg s8;
	s8 =	sadd.s32 s7, s11  }
0x1a: {  	s3 =	simm.s32 $0x5;
	[dreg:$0x15] =	wrdreg s8;
	s8 =	sshll.u32 s12, $0x4  }
0x1b: {  	s15 =	sadd.s32 $0x30F400, s0;
	s20 =	rddreg [dreg:$0x3];
	s8 =	sadd.s32 s7, s8  }
0x1c: {  	s0 =	sadd.s32 $0xC5000, s0;
	s7 =	sadd.s32 s7, s14;
	[dreg:$0x18] =	wrdreg s8  }
0x1d: {  	s18 =	smul.u32 $0x5000, s5;
	s10 =	sor.u32 $0x3, s16;
	[dreg:$0x19] =	wrdreg s7  }
0x1e: {  	s13 =	sor.u32 $0x5, s16;
	_ =	strace $0x8000004A;
	[dreg:$0x1a] =	wrdreg s1  }
0x1f: {  	s5 =	simm.s32 $0x0;
	s19 =	sadd.s32 s4, s20;
	[dreg:$0x1b] =	wrdreg s15  }
0x20: {  	s4 =	sadd.s32 s4, s22;
	s21 =	sadd.s32 s29, s17;
	[dreg:$0x1c] =	wrdreg s0  }
0x21: {  	s17 =	simm.s32 $0x4;
	s24 =	sadd.s32 $0xC6400, s6;
	[dreg:$0x1d] =	wrdreg s19  }
0x22: {  	s26 =	sadd.s32 $0x20, s21;
	s11 =	sor.u32 $0x4, s16;
	[dreg:$0x1e] =	wrdreg s4  }
0x23: {  	s12 =	simm.s32 $0x3;
	s14 =	simm.s32 $0x80;
	[smem:$0x7FB] =	sst s24  }
0x24: {  	s7 =	sor.u32 $0x2, s16;
	s8 =	simm.s32 $0x1;
	[smem:$0x7FC] =	sst s25  }
0x25: {  	s16 =	simm.s32 $0x2D00;
	s0 =	sshrl.u32 s18, $0x3;
	[dreg:$0x1f] =	wrdreg s21  }
0x26: {  	[smem:$0x7FD] =	sst s26;
	s26 =	simm.s32 $0x7;
	s19 =	simm.s32 $0x2  }
0x27: {  	s15 =	simm.s32 $0x2C00;
	s18 =	simm.s32 $0x2C80;
	s0 =	sadd.s32 s29, s0  }
0x28: {  	s24 =	simm.s32 $0x4D00;
	s21 =	simm.s32 $0x2880;
	s23 =	sadd.s32 $0x9C0, s0  }
0x29: {  	s1 =	simm.s32 $0x6;
	s0 =	sadd.s32 $0x9E0, s0;
	[smem:$0x7F9] =	sst s23  }
0x2a: {  	s4 =	simm.s32 $0x2B80;
	[smem:$0x7FA] =	sst s0;
	s23 =	simm.s32 $0x6D00  }
.LBB2_1:
0x2b: {  	[smem:$0x7F5] =	sst s5  }
0x2c: {  	s0 =	rddreg [dreg:$0x1b]  }
0x2d: {  	[tilespmem:s2], [sflag:$0x7] =	stream.linear.gather [hbm4b:s0+s2], $0x2800, $0x38;
	[tilespmem:$0x1ED00] =	vst v63  }
0x2e: {  	s25 =	stileid.u32;
	_ =	swait.ge [sflag:s26], $0x2800  }
0x2f: {  	s0 =	sshll.u32 s25, $0x6;
	s5 =	rddreg [dreg:$0x1d]  }
0x30: {  	[sflag:s26] =	ssyncset.done $0x0;
	s25 =	rddreg [dreg:$0x1c];
	s9 =	sshrl.u32 s5, $0x3  }
0x31: {  	s6 =	sor.u32 $0x1C07, s0;
	[sflag:s26] =	ssyncadd.s32 $0xFFFFD800;
	[smem:$0x7F6] =	sst s9  }
0x32: {  	[spmem:s9], [sflag:s6] =	dma.local [hbm:s25], $0x1400  }
0x33: {  	_ =	swait.ge [sflag:s26], $0x1400  }
0x34: {  	s9 =	rddreg [dreg:$0x1e]  }
0x35: {  	[sflag:s26] =	ssyncset.done $0x0;
	[smem:$0x7F7] =	sst s6;
	s5 =	sshrl.u32 s9, $0x3  }
0x36: {  	[sflag:s26] =	ssyncadd.s32 $0xFFFFEC00;
	[smem:$0x7F8] =	sst s5  }
0x37: {  	[spmem:s5], [sflag:s6] =	dma.local [hbm:s25], $0x1400  }
0x38: {  	_ =	swait.ge [sflag:s26], $0x1400  }
0x39: {  	[sflag:s26] =	ssyncset.done $0x0  }
0x3a: {  	[sflag:s26] =	ssyncadd.s32 $0xFFFFEC00  }
0x3b: {  	[bflag:$0x0] =	sbarrier.arrive $0xFFFF  }
0x3c: {  	s0 =	rddreg [dreg:$0x1]  }
0x3d: {  	s9 =	simm.s32 $0x8D00;
	s6 =	simm.s32 $0x20;
	s25 =	rddreg [dreg:$0x6]  }
0x3e: {  	[tilespmem:s9], [sflag:$0x1] =	stream.indirect.gather [hbm4b:s0+s6], $0x80, s25, s6, $0xb8;
	[tilespmem:$0x1ED00] =	vst v63  }
0x3f: {  	s5 =	rddreg [dreg:$0x7];
	s25 =	simm.s32 $0x9D00  }
0x40: {  	[tilespmem:s25], [sflag:$0x2] =	stream.indirect.gather [hbm4b:s0+s6], $0x80, s5, s6, $0xb8;
	[tilespmem:$0x1ED00] =	vst v63  }
0x41: {  	_ =	swait.ge [sflag:s8], $0x1000  }
0x42: {  	[sflag:s8] =	ssyncset.done $0x0  }
0x43: {  	s5 =	rddreg [dreg:$0x8];
	[sflag:s8] =	ssyncadd.s32 $0xFFFFF000  }
0x44: {  	[hbm4b:s5+s2] =	stream.linear.scatter [tilespmem:s9], [sflag:$0x7], $0x1000, $0x38;
	[tilespmem:$0x1ED00] =	vst v63  }
0x45: {  	_ =	swait.ge [sflag:s26], $0x1000  }
0x46: {  	[sflag:s26] =	ssyncset.done $0x0  }
0x47: {  	s5 =	rddreg [dreg:$0x9];
	[sflag:s26] =	ssyncadd.s32 $0xFFFFF000  }
0x48: {  	[tilespmem:s9], [sflag:$0x1] =	stream.indirect.gather [hbm4b:s0+s6], $0x80, s5, s6, $0xb8;
	[tilespmem:$0x1ED00] =	vst v63  }
0x49: {  	_ =	swait.ge [sflag:s19], $0x1000  }
0x4a: {  	[sflag:s19] =	ssyncset.done $0x0  }
0x4b: {  	s5 =	rddreg [dreg:$0xa];
	[sflag:s19] =	ssyncadd.s32 $0xFFFFF000  }
0x4c: {  	[hbm4b:s5+s2] =	stream.linear.scatter [tilespmem:s25], [sflag:$0x7], $0x1000, $0x38;
	[tilespmem:$0x1ED00] =	vst v63  }
0x4d: {  	_ =	swait.ge [sflag:s26], $0x1000  }
0x4e: {  	[sflag:s26] =	ssyncset.done $0x0  }
0x4f: {  	s5 =	rddreg [dreg:$0xb];
	[sflag:s26] =	ssyncadd.s32 $0xFFFFF000  }
0x50: {  	[tilespmem:s25], [sflag:$0x2] =	stream.indirect.gather [hbm4b:s0+s6], $0x80, s5, s6, $0xb8;
	[tilespmem:$0x1ED00] =	vst v63  }
0x51: {  	_ =	swait.ge [sflag:s8], $0x1000  }
0x52: {  	[sflag:s8] =	ssyncset.done $0x0  }
0x53: {  	s5 =	rddreg [dreg:$0xd];
	[sflag:s8] =	ssyncadd.s32 $0xFFFFF000  }
0x54: {  	[hbm4b:s5+s2] =	stream.linear.scatter [tilespmem:s9], [sflag:$0x7], $0x1000, $0x38;
	[tilespmem:$0x1ED00] =	vst v63  }
0x55: {  	_ =	swait.ge [sflag:s26], $0x1000  }
0x56: {  	[sflag:s26] =	ssyncset.done $0x0  }
0x57: {  	s5 =	rddreg [dreg:$0xc];
	[sflag:s26] =	ssyncadd.s32 $0xFFFFF000  }
0x58: {  	[tilespmem:s9], [sflag:$0x1] =	stream.indirect.gather [hbm4b:s0+s6], $0x80, s5, s6, $0xb8;
	[tilespmem:$0x1ED00] =	vst v63  }
0x59: {  	_ =	swait.ge [sflag:s19], $0x1000  }
0x5a: {  	[sflag:s19] =	ssyncset.done $0x0  }
0x5b: {  	s5 =	rddreg [dreg:$0xe];
	[sflag:s19] =	ssyncadd.s32 $0xFFFFF000  }
0x5c: {  	[hbm4b:s5+s2] =	stream.linear.scatter [tilespmem:s25], [sflag:$0x7], $0x1000, $0x38;
	[tilespmem:$0x1ED00] =	vst v63  }
0x5d: {  	_ =	swait.ge [sflag:s26], $0x1000  }
0x5e: {  	[sflag:s26] =	ssyncset.done $0x0  }
0x5f: {  	s5 =	rddreg [dreg:$0xf];
	[sflag:s26] =	ssyncadd.s32 $0xFFFFF000  }
0x60: {  	[tilespmem:s25], [sflag:$0x2] =	stream.indirect.gather [hbm4b:s0+s6], $0x80, s5, s6, $0xb8;
	[tilespmem:$0x1ED00] =	vst v63  }
0x61: {  	_ =	swait.ge [sflag:s8], $0x1000  }
0x62: {  	[sflag:s8] =	ssyncset.done $0x0  }
0x63: {  	s5 =	rddreg [dreg:$0x10];
	[sflag:s8] =	ssyncadd.s32 $0xFFFFF000  }
0x64: {  	[hbm4b:s5+s2] =	stream.linear.scatter [tilespmem:s9], [sflag:$0x7], $0x1000, $0x38;
	[tilespmem:$0x1ED00] =	vst v63  }
0x65: {  	_ =	swait.ge [sflag:s26], $0x1000  }
0x66: {  	[sflag:s26] =	ssyncset.done $0x0  }
0x67: {  	s5 =	rddreg [dreg:$0x11];
	[sflag:s26] =	ssyncadd.s32 $0xFFFFF000  }
0x68: {  	[tilespmem:s9], [sflag:$0x1] =	stream.indirect.gather [hbm4b:s0+s6], $0x80, s5, s6, $0xb8;
	[tilespmem:$0x1ED00] =	vst v63  }
0x69: {  	_ =	swait.ge [sflag:s19], $0x1000  }
0x6a: {  	[sflag:s19] =	ssyncset.done $0x0  }
0x6b: {  	s5 =	rddreg [dreg:$0x13];
	[sflag:s19] =	ssyncadd.s32 $0xFFFFF000  }
0x6c: {  	[hbm4b:s5+s2] =	stream.linear.scatter [tilespmem:s25], [sflag:$0x7], $0x1000, $0x38;
	[tilespmem:$0x1ED00] =	vst v63  }
0x6d: {  	_ =	swait.ge [sflag:s26], $0x1000  }
0x6e: {  	[sflag:s26] =	ssyncset.done $0x0  }
0x6f: {  	s5 =	rddreg [dreg:$0x12];
	[sflag:s26] =	ssyncadd.s32 $0xFFFFF000  }
0x70: {  	[tilespmem:s25], [sflag:$0x2] =	stream.indirect.gather [hbm4b:s0+s6], $0x80, s5, s6, $0xb8;
	[tilespmem:$0x1ED00] =	vst v63  }
0x71: {  	_ =	swait.ge [sflag:s8], $0x1000  }
0x72: {  	[sflag:s8] =	ssyncset.done $0x0  }
0x73: {  	s5 =	rddreg [dreg:$0x14];
	[sflag:s8] =	ssyncadd.s32 $0xFFFFF000  }
0x74: {  	[hbm4b:s5+s2] =	stream.linear.scatter [tilespmem:s9], [sflag:$0x7], $0x1000, $0x38;
	[tilespmem:$0x1ED00] =	vst v63  }
0x75: {  	_ =	swait.ge [sflag:s26], $0x1000  }
0x76: {  	[sflag:s26] =	ssyncset.done $0x0  }
0x77: {  	s5 =	rddreg [dreg:$0x16];
	[sflag:s26] =	ssyncadd.s32 $0xFFFFF000  }
0x78: {  	[tilespmem:s9], [sflag:$0x1] =	stream.indirect.gather [hbm4b:s0+s6], $0x80, s5, s6, $0xb8;
	[tilespmem:$0x1ED00] =	vst v63  }
0x79: {  	_ =	swait.ge [sflag:s19], $0x1000  }
0x7a: {  	[sflag:s19] =	ssyncset.done $0x0  }
0x7b: {  	s5 =	rddreg [dreg:$0x15];
	[sflag:s19] =	ssyncadd.s32 $0xFFFFF000  }
0x7c: {  	[hbm4b:s5+s2] =	stream.linear.scatter [tilespmem:s25], [sflag:$0x7], $0x1000, $0x38;
	[tilespmem:$0x1ED00] =	vst v63  }
0x7d: {  	_ =	swait.ge [sflag:s26], $0x1000  }
0x7e: {  	[sflag:s26] =	ssyncset.done $0x0  }
0x7f: {  	s5 =	rddreg [dreg:$0x17];
	[sflag:s26] =	ssyncadd.s32 $0xFFFFF000  }
0x80: {  	[tilespmem:s25], [sflag:$0x2] =	stream.indirect.gather [hbm4b:s0+s6], $0x80, s5, s6, $0xb8;
	[tilespmem:$0x1ED00] =	vst v63  }
0x81: {  	_ =	swait.ge [sflag:s8], $0x1000  }
0x82: {  	[sflag:s8] =	ssyncset.done $0x0  }
0x83: {  	s6 =	rddreg [dreg:$0x18];
	[sflag:s8] =	ssyncadd.s32 $0xFFFFF000  }
0x84: {  	[hbm4b:s6+s2] =	stream.linear.scatter [tilespmem:s9], [sflag:$0x7], $0x1000, $0x38;
	[tilespmem:$0x1ED00] =	vst v63  }
0x85: {  	_ =	swait.ge [sflag:s26], $0x1000  }
0x86: {  	[sflag:s26] =	ssyncset.done $0x0  }
0x87: {  	[sflag:s26] =	ssyncadd.s32 $0xFFFFF000  }
0x88: {  	_ =	swait.ge [sflag:s19], $0x1000  }
0x89: {  	[sflag:s19] =	ssyncset.done $0x0  }
0x8a: {  	s9 =	rddreg [dreg:$0x19];
	[sflag:s19] =	ssyncadd.s32 $0xFFFFF000  }
0x8b: {  	[hbm4b:s9+s2] =	stream.linear.scatter [tilespmem:s25], [sflag:$0x7], $0x1000, $0x38;
	[tilespmem:$0x1ED00] =	vst v63  }
0x8c: {  	_ =	swait.ge [sflag:s26], $0x1000  }
0x8d: {  	[sflag:s26] =	ssyncset.done $0x0;
	s5 =	rddreg [dreg:$0x1f]  }
0x8e: {  	s6 =	simm.s32 $0x2800;
	s9 =	sld [smem:$0x7FD];
	[sflag:s26] =	ssyncadd.s32 $0xFFFFF000  }
0x8f: {  	[tilespmem:s6], [sflag:$0x3] =	stream.linear.gather [hbm4b:s5+s2], $0x100, $0x38;
	[tilespmem:$0x1ED00] =	vst v63  }
0x90: {  	s25 =	simm.s32 $0x2900  }
0x91: {  	[tilespmem:s25], [sflag:$0x4] =	stream.linear.gather [hbm4b:s9+s2], $0x100, $0x38;
	[tilespmem:$0x1ED00] =	vst v63  }
0x92: {  	_ =	swait.ge [sflag:s12], $0x100  }
0x93: {  	[sflag:s12] =	ssyncset.done $0x0  }
0x94: {  	[sflag:s12] =	ssyncadd.s32 $0xFFFFFF00  }
0x95: {  	v0 =	vld [tilespmem:$0x2800];
	_ =	sdelay $0x5  }
0x96: {  	v1 =	vld [tilespmem:$0x2810];
	_ =	sdelay $0x1  }
0x97: {  	v0 =	vld.idx.msk [tilespmem:v0+s2+$0x0], $0xffff;
	_ =	sdelay $0x3  }
0x98: {  	v2 =	vld [tilespmem:$0x2820]  }
0x99: {  	[tilespmem:$0x2C00] =	vst v0  }
0x9a: {  	v0 =	vld.idx.msk [tilespmem:v1+s2+$0x0], $0xffff;
	_ =	sdelay $0x3  }
0x9b: {  	v59 =	vld [tilespmem:$0x2830]  }
0x9c: {  	[tilespmem:$0x2C10] =	vst v0  }
0x9d: {  	v0 =	vld.idx.msk [tilespmem:v2+s2+$0x0], $0xffff;
	_ =	sdelay $0x3  }
0x9e: {  	v60 =	vld [tilespmem:$0x2840]  }
0x9f: {  	[tilespmem:$0x2C20] =	vst v0  }
0xa0: {  	v0 =	vld.idx.msk [tilespmem:v59+s2+$0x0], $0xffff;
	_ =	sdelay $0x3  }
0xa1: {  	v61 =	vld [tilespmem:$0x2850]  }
0xa2: {  	[tilespmem:$0x2C30] =	vst v0  }
0xa3: {  	v0 =	vld.idx.msk [tilespmem:v60+s2+$0x0], $0xffff;
	_ =	sdelay $0x3  }
0xa4: {  	v62 =	vld [tilespmem:$0x2860]  }
0xa5: {  	[tilespmem:$0x2C40] =	vst v0  }
0xa6: {  	v0 =	vld.idx.msk [tilespmem:v61+s2+$0x0], $0xffff;
	_ =	sdelay $0x3  }
0xa7: {  	v63 =	vld [tilespmem:$0x2870]  }
0xa8: {  	[tilespmem:$0x2C50] =	vst v0  }
0xa9: {  	v0 =	vld.idx.msk [tilespmem:v62+s2+$0x0], $0xffff;
	_ =	sdelay $0x4  }
0xaa: {  	[tilespmem:$0x2C60] =	vst v0  }
0xab: {  	v0 =	vld.idx.msk [tilespmem:v63+s2+$0x0], $0xffff;
	_ =	sdelay $0x4  }
0xac: {  	s6 =	simm.s32 $0x0;
	[tilespmem:$0x2C70] =	vst v0  }
0xad: {  	[tilespmem:s16], [sflag:$0x1] =	stream.indirect.gather [hbm4b:s30+s14], $0x40, s15, s14, $0xb8;
	[tilespmem:$0x1ED00] =	vst v63  }
.LBB2_2:
0xae: {  	_ =	swait.ge [sflag:s17], $0x100  }
0xaf: {  	[sflag:s17] =	ssyncset.done $0x0  }
0xb0: {  	[sflag:s17] =	ssyncadd.s32 $0xFFFFFF00  }
0xb1: {  	v0 =	vld [tilespmem:$0x2900];
	_ =	sdelay $0x5  }
0xb2: {  	v1 =	vld [tilespmem:$0x2910]  }
0xb3: {  	s0 =	simm.s32 $0x0  }
0xb4: {  	v0 =	vld.idx.msk [tilespmem:v0+s0+$0x0], $0xffff;
	_ =	sdelay $0x3  }
0xb5: {  	v2 =	vld [tilespmem:$0x2920]  }
0xb6: {  	[tilespmem:$0x2C80] =	vst v0  }
0xb7: {  	v0 =	vld.idx.msk [tilespmem:v1+s0+$0x0], $0xffff;
	_ =	sdelay $0x3  }
0xb8: {  	v1 =	vld [tilespmem:$0x2930]  }
0xb9: {  	[tilespmem:$0x2C90] =	vst v0  }
0xba: {  	v0 =	vld.idx.msk [tilespmem:v2+s0+$0x0], $0xffff;
	_ =	sdelay $0x3  }
0xbb: {  	v2 =	vld [tilespmem:$0x2940]  }
0xbc: {  	[tilespmem:$0x2CA0] =	vst v0  }
0xbd: {  	v0 =	vld.idx.msk [tilespmem:v1+s0+$0x0], $0xffff;
	_ =	sdelay $0x3  }
0xbe: {  	v1 =	vld [tilespmem:$0x2950]  }
0xbf: {  	[tilespmem:$0x2CB0] =	vst v0  }
0xc0: {  	v0 =	vld.idx.msk [tilespmem:v2+s0+$0x0], $0xffff;
	_ =	sdelay $0x3  }
0xc1: {  	v2 =	vld [tilespmem:$0x2960]  }
0xc2: {  	[tilespmem:$0x2CC0] =	vst v0  }
0xc3: {  	v0 =	vld.idx.msk [tilespmem:v1+s0+$0x0], $0xffff;
	_ =	sdelay $0x3  }
0xc4: {  	v1 =	vld [tilespmem:$0x2970]  }
0xc5: {  	[tilespmem:$0x2CD0] =	vst v0  }
0xc6: {  	v0 =	vld.idx.msk [tilespmem:v2+s0+$0x0], $0xffff;
	_ =	sdelay $0x4  }
0xc7: {  	[tilespmem:$0x2CE0] =	vst v0  }
0xc8: {  	v0 =	vld.idx.msk [tilespmem:v1+s0+$0x0], $0xffff;
	_ =	sdelay $0x1  }
0xc9: {  	s9 =	sshll.u32 s6, $0x2  }
0xca: {  	s5 =	sadd.s32 s9, s7  }
0xcb: {  	s5 =	sshll.u32 s5, $0x5  }
0xcc: {  	s5 =	sand.u32 $0x1FFFFFC0, s5;
	[tilespmem:$0x2CF0] =	vst v0  }
0xcd: {  	[tilespmem:s24], [sflag:$0x2] =	stream.indirect.gather [hbm4b:s30+s14], $0x40, s18, s14, $0xb8;
	[tilespmem:$0x1ED00] =	vst v63  }
0xce: {  	s25 =	simm.s32 $0x2A00;
	s5 =	sadd.s32 s29, s5  }
0xcf: {  	[tilespmem:s25], [sflag:$0x5] =	stream.linear.gather [hbm4b:s5+s0], $0x100, $0x38;
	[tilespmem:$0x1ED00] =	vst v63  }
0xd0: {  	_ =	swait.ge [sflag:s8], $0x2000  }
0xd1: {  	[sflag:s8] =	ssyncset.done $0x0  }
0xd2: {  	s25 =	simm.s32 $0x0;
	[sflag:s8] =	ssyncadd.s32 $0xFFFFE000  }
0xd3: {  	v0 =	vld [tilespmem:s25+$0x2D00]  }
0xd4: {  	v3 =	vld [tilespmem:s25+$0x2D10]  }
0xd5: {  	v4 =	vld [tilespmem:s25+$0x2D20]  }
0xd6: {  	v5 =	vld [tilespmem:s25+$0x2D30];
	_ =	sdelay $0x1  }
0xd7: {  	v1 =	vshll.u32 v0, $0x10  }
0xd8: {  	[tilespmem:s25+$0x2D00] =	vst v1;
	v1 =	vshll.u32 v3, $0x10  }
0xd9: {  	s0 =	simm.s32 $0x40;
	v2 =	vshll.u32 v4, $0x10;
	[tilespmem:s25+$0x2D10] =	vst v1  }
0xda: {  	v6 =	vshll.u32 v5, $0x10;
	v1 =	vld [tilespmem:s0+$0x2D00];
	[tilespmem:s25+$0x2D20] =	vst v2  }
0xdb: {  	v2 =	vld [tilespmem:s0+$0x2D10];
	[tilespmem:s25+$0x2D30] =	vst v6;
	v6 =	vand.u32 $0xFFFF0000, v0  }
0xdc: {  	s5 =	simm.s32 $0x200;
	v4 =	vand.u32 $0xFFFF0000, v4;
	v5 =	vand.u32 $0xFFFF0000, v5;
	v3 =	vand.u32 $0xFFFF0000, v3;
	v0 =	vld [tilespmem:s0+$0x2D20];
	[tilespmem:s25+$0x6D00] =	vst v6  }
.LBB2_3:
0xdd: {  	p0 =	sne.s32 s5, $0x7F00;
	v6 =	vld [tilespmem:s0+$0x2D30];
	[tilespmem:s25+$0x6D10] =	vst v3  }
0xde: {  	[tilespmem:s25+$0x6D20] =	vst v4  }
0xdf: {  	v3 =	vshll.u32 v1, $0x10;
	v7 =	vand.u32 $0xFFFF0000, v1;
	[tilespmem:s25+$0x6D30] =	vst v5;
	s25 =	smov.u32 s0  }
.Ltmp0:
0xe0: {  	[tilespmem:s25+$0x2D00] =	vst v3;
	v1 =	vshll.u32 v2, $0x10;
	v3 =	vand.u32 $0xFFFF0000, v2;
	(pc) =	sbr.rel @p0 .LBB2_3-.Ltmp0, $4  }
0xe1: {  	s0 =	sshra.s32 s5, $0x2;
	[tilespmem:s25+$0x2D10] =	vst v1;
	v2 =	vshll.u32 v0, $0x10;
	v4 =	vand.u32 $0xFFFF0000, v0  }
0xe2: {  	v1 =	vld [tilespmem:s0+$0x2D00];
	[tilespmem:s25+$0x2D20] =	vst v2;
	v0 =	vshll.u32 v6, $0x10;
	v5 =	vand.u32 $0xFFFF0000, v6  }
0xe3: {  	v2 =	vld [tilespmem:s0+$0x2D10];
	[tilespmem:s25+$0x2D30] =	vst v0  }
0xe4: {  	s5 =	sadd.s32 $0x100, s5;
	v0 =	vld [tilespmem:s0+$0x2D20];
	[tilespmem:s25+$0x6D00] =	vst v7  }
0xe5: {  	v6 =	vld [tilespmem:s0+$0x2D30];
	[tilespmem:s25+$0x6D10] =	vst v3  }
0xe6: {  	[tilespmem:s25+$0x6D20] =	vst v4  }
0xe7: {  	[tilespmem:s25+$0x6D30] =	vst v5;
	v3 =	vshll.u32 v1, $0x10  }
0xe8: {  	v1 =	vand.u32 $0xFFFF0000, v1;
	[tilespmem:s0+$0x2D00] =	vst v3  }
0xe9: {  	v3 =	vshll.u32 v2, $0x10;
	[tilespmem:s0+$0x6D00] =	vst v1  }
0xea: {  	v2 =	vand.u32 $0xFFFF0000, v2;
	[tilespmem:s0+$0x2D10] =	vst v3  }
0xeb: {  	v3 =	vshll.u32 v0, $0x10;
	[tilespmem:s0+$0x6D10] =	vst v2  }
0xec: {  	v0 =	vand.u32 $0xFFFF0000, v0;
	[tilespmem:s0+$0x2D20] =	vst v3  }
0xed: {  	v3 =	vshll.u32 v6, $0x10;
	[tilespmem:s0+$0x6D20] =	vst v0  }
0xee: {  	v1 =	vand.u32 $0xFFFF0000, v6;
	[tilespmem:s0+$0x2D30] =	vst v3  }
0xef: {  	[tilespmem:s0+$0x6D30] =	vst v1  }
0xf0: {  	[spmem:s20] =	stream.indirect.scatter.add.f32 [tilespmem:s16], [sflag:$0x7], $0x40, s21, s14, $0xb8;
	[tilespmem:$0x1ED00] =	vst v63  }
0xf1: {  	_ =	swait.ge [sflag:s26], $0x2000  }
0xf2: {  	[sflag:s26] =	ssyncset.done $0x0  }
0xf3: {  	s25 =	sadd.s32 s9, s10;
	[sflag:s26] =	ssyncadd.s32 $0xFFFFE000  }
0xf4: {  	[spmem:s22] =	stream.indirect.scatter.add.f32 [tilespmem:s23], [sflag:$0x7], $0x40, s21, s14, $0xb8;
	[tilespmem:$0x1ED00] =	vst v63  }
0xf5: {  	s0 =	sshll.u32 s25, $0x5;
	_ =	swait.ge [sflag:s26], $0x2000  }
0xf6: {  	s5 =	simm.s32 $0x0;
	s0 =	sand.u32 $0x1FFFFFE0, s0;
	[sflag:s26] =	ssyncset.done $0x0  }
0xf7: {  	s25 =	simm.s32 $0x2B00;
	s0 =	sadd.s32 s29, s0;
	[sflag:s26] =	ssyncadd.s32 $0xFFFFE000  }
0xf8: {  	[tilespmem:s25], [sflag:$0x6] =	stream.linear.gather [hbm4b:s0+s5], $0x100, $0x38;
	[tilespmem:$0x1ED00] =	vst v63  }
0xf9: {  	_ =	swait.ge [sflag:s3], $0x100  }
0xfa: {  	[sflag:s3] =	ssyncset.done $0x0  }
0xfb: {  	[sflag:s3] =	ssyncadd.s32 $0xFFFFFF00  }
0xfc: {  	v0 =	vld [tilespmem:$0x2A00];
	_ =	sdelay $0x5  }
0xfd: {  	v1 =	vld [tilespmem:$0x2A10];
	_ =	sdelay $0x1  }
0xfe: {  	v0 =	vld.idx.msk [tilespmem:v0+s5+$0x0], $0xffff;
	_ =	sdelay $0x3  }
0xff: {  	v2 =	vld [tilespmem:$0x2A20]  }
0x100: {  	[tilespmem:$0x2C00] =	vst v0  }
0x101: {  	v0 =	vld.idx.msk [tilespmem:v1+s5+$0x0], $0xffff;
	_ =	sdelay $0x3  }
0x102: {  	v1 =	vld [tilespmem:$0x2A30]  }
0x103: {  	[tilespmem:$0x2C10] =	vst v0  }
0x104: {  	v0 =	vld.idx.msk [tilespmem:v2+s5+$0x0], $0xffff;
	_ =	sdelay $0x3  }
0x105: {  	v2 =	vld [tilespmem:$0x2A40]  }
0x106: {  	[tilespmem:$0x2C20] =	vst v0  }
0x107: {  	v0 =	vld.idx.msk [tilespmem:v1+s5+$0x0], $0xffff;
	_ =	sdelay $0x3  }
0x108: {  	v1 =	vld [tilespmem:$0x2A50]  }
0x109: {  	[tilespmem:$0x2C30] =	vst v0  }
0x10a: {  	v0 =	vld.idx.msk [tilespmem:v2+s5+$0x0], $0xffff;
	_ =	sdelay $0x3  }
0x10b: {  	v2 =	vld [tilespmem:$0x2A60]  }
0x10c: {  	[tilespmem:$0x2C40] =	vst v0  }
0x10d: {  	v0 =	vld.idx.msk [tilespmem:v1+s5+$0x0], $0xffff;
	_ =	sdelay $0x3  }
0x10e: {  	v1 =	vld [tilespmem:$0x2A70]  }
0x10f: {  	[tilespmem:$0x2C50] =	vst v0  }
0x110: {  	v0 =	vld.idx.msk [tilespmem:v2+s5+$0x0], $0xffff;
	_ =	sdelay $0x4  }
0x111: {  	[tilespmem:$0x2C60] =	vst v0  }
0x112: {  	v0 =	vld.idx.msk [tilespmem:v1+s5+$0x0], $0xffff;
	_ =	sdelay $0x4  }
0x113: {  	[tilespmem:$0x2C70] =	vst v0  }
0x114: {  	[tilespmem:s16], [sflag:$0x1] =	stream.indirect.gather [hbm4b:s30+s14], $0x40, s15, s14, $0xb8;
	[tilespmem:$0x1ED00] =	vst v63  }
0x115: {  	_ =	swait.ge [sflag:s19], $0x2000  }
0x116: {  	[sflag:s19] =	ssyncset.done $0x0  }
0x117: {  	s25 =	simm.s32 $0x0;
	[sflag:s19] =	ssyncadd.s32 $0xFFFFE000  }
0x118: {  	v0 =	vld [tilespmem:s25+$0x4D00]  }
0x119: {  	v3 =	vld [tilespmem:s25+$0x4D10]  }
0x11a: {  	v4 =	vld [tilespmem:s25+$0x4D20]  }
0x11b: {  	v5 =	vld [tilespmem:s25+$0x4D30];
	_ =	sdelay $0x1  }
0x11c: {  	v1 =	vshll.u32 v0, $0x10  }
0x11d: {  	[tilespmem:s25+$0x4D00] =	vst v1;
	v1 =	vshll.u32 v3, $0x10  }
0x11e: {  	s0 =	simm.s32 $0x40;
	v2 =	vshll.u32 v4, $0x10;
	[tilespmem:s25+$0x4D10] =	vst v1  }
0x11f: {  	v6 =	vshll.u32 v5, $0x10;
	v1 =	vld [tilespmem:s0+$0x4D00];
	[tilespmem:s25+$0x4D20] =	vst v2  }
0x120: {  	v2 =	vld [tilespmem:s0+$0x4D10];
	[tilespmem:s25+$0x4D30] =	vst v6;
	v6 =	vand.u32 $0xFFFF0000, v0  }
0x121: {  	s5 =	simm.s32 $0x200;
	v4 =	vand.u32 $0xFFFF0000, v4;
	v5 =	vand.u32 $0xFFFF0000, v5;
	v3 =	vand.u32 $0xFFFF0000, v3;
	v0 =	vld [tilespmem:s0+$0x4D20];
	[tilespmem:s25+$0x6D00] =	vst v6  }
.LBB2_5:
0x122: {  	p0 =	sne.s32 s5, $0x7F00;
	v6 =	vld [tilespmem:s0+$0x4D30];
	[tilespmem:s25+$0x6D10] =	vst v3  }
0x123: {  	[tilespmem:s25+$0x6D20] =	vst v4  }
0x124: {  	v3 =	vshll.u32 v1, $0x10;
	v7 =	vand.u32 $0xFFFF0000, v1;
	[tilespmem:s25+$0x6D30] =	vst v5;
	s25 =	smov.u32 s0  }
.Ltmp1:
0x125: {  	[tilespmem:s25+$0x4D00] =	vst v3;
	v1 =	vshll.u32 v2, $0x10;
	v3 =	vand.u32 $0xFFFF0000, v2;
	(pc) =	sbr.rel @p0 .LBB2_5-.Ltmp1, $4  }
0x126: {  	s0 =	sshra.s32 s5, $0x2;
	[tilespmem:s25+$0x4D10] =	vst v1;
	v2 =	vshll.u32 v0, $0x10;
	v4 =	vand.u32 $0xFFFF0000, v0  }
0x127: {  	v1 =	vld [tilespmem:s0+$0x4D00];
	[tilespmem:s25+$0x4D20] =	vst v2;
	v0 =	vshll.u32 v6, $0x10;
	v5 =	vand.u32 $0xFFFF0000, v6  }
0x128: {  	v2 =	vld [tilespmem:s0+$0x4D10];
	[tilespmem:s25+$0x4D30] =	vst v0  }
0x129: {  	s5 =	sadd.s32 $0x100, s5;
	v0 =	vld [tilespmem:s0+$0x4D20];
	[tilespmem:s25+$0x6D00] =	vst v7  }
0x12a: {  	v6 =	vld [tilespmem:s0+$0x4D30];
	[tilespmem:s25+$0x6D10] =	vst v3  }
0x12b: {  	[tilespmem:s25+$0x6D20] =	vst v4  }
0x12c: {  	[tilespmem:s25+$0x6D30] =	vst v5;
	v3 =	vshll.u32 v1, $0x10  }
0x12d: {  	v1 =	vand.u32 $0xFFFF0000, v1;
	[tilespmem:s0+$0x4D00] =	vst v3  }
0x12e: {  	v3 =	vshll.u32 v2, $0x10;
	[tilespmem:s0+$0x6D00] =	vst v1  }
0x12f: {  	v2 =	vand.u32 $0xFFFF0000, v2;
	[tilespmem:s0+$0x4D10] =	vst v3  }
0x130: {  	v3 =	vshll.u32 v0, $0x10;
	[tilespmem:s0+$0x6D10] =	vst v2  }
0x131: {  	v0 =	vand.u32 $0xFFFF0000, v0;
	[tilespmem:s0+$0x4D20] =	vst v3  }
0x132: {  	v3 =	vshll.u32 v6, $0x10;
	[tilespmem:s0+$0x6D20] =	vst v0  }
0x133: {  	v1 =	vand.u32 $0xFFFF0000, v6;
	[tilespmem:s0+$0x4D30] =	vst v3  }
0x134: {  	[tilespmem:s0+$0x6D30] =	vst v1  }
0x135: {  	[spmem:s20] =	stream.indirect.scatter.add.f32 [tilespmem:s24], [sflag:$0x7], $0x40, s31, s14, $0xb8;
	[tilespmem:$0x1ED00] =	vst v63  }
0x136: {  	_ =	swait.ge [sflag:s26], $0x2000  }
0x137: {  	[sflag:s26] =	ssyncset.done $0x0  }
0x138: {  	s25 =	sadd.s32 s9, s11;
	[sflag:s26] =	ssyncadd.s32 $0xFFFFE000  }
0x139: {  	[spmem:s22] =	stream.indirect.scatter.add.f32 [tilespmem:s23], [sflag:$0x7], $0x40, s31, s14, $0xb8;
	[tilespmem:$0x1ED00] =	vst v63  }
0x13a: {  	s0 =	sshll.u32 s25, $0x5;
	_ =	swait.ge [sflag:s26], $0x2000  }
0x13b: {  	s5 =	simm.s32 $0x0;
	s0 =	sand.u32 $0x1FFFFF80, s0;
	[sflag:s26] =	ssyncset.done $0x0  }
0x13c: {  	s25 =	simm.s32 $0x2800;
	s0 =	sadd.s32 s29, s0;
	[sflag:s26] =	ssyncadd.s32 $0xFFFFE000  }
0x13d: {  	[tilespmem:s25], [sflag:$0x3] =	stream.linear.gather [hbm4b:s0+s5], $0x100, $0x38;
	[tilespmem:$0x1ED00] =	vst v63  }
0x13e: {  	_ =	swait.ge [sflag:s1], $0x100  }
0x13f: {  	[sflag:s1] =	ssyncset.done $0x0  }
0x140: {  	[sflag:s1] =	ssyncadd.s32 $0xFFFFFF00  }
0x141: {  	v0 =	vld [tilespmem:$0x2B00];
	_ =	sdelay $0x5  }
0x142: {  	v1 =	vld [tilespmem:$0x2B10];
	_ =	sdelay $0x1  }
0x143: {  	v0 =	vld.idx.msk [tilespmem:v0+s5+$0x0], $0xffff;
	_ =	sdelay $0x3  }
0x144: {  	v2 =	vld [tilespmem:$0x2B20]  }
0x145: {  	[tilespmem:$0x2C80] =	vst v0  }
0x146: {  	v0 =	vld.idx.msk [tilespmem:v1+s5+$0x0], $0xffff;
	_ =	sdelay $0x3  }
0x147: {  	v1 =	vld [tilespmem:$0x2B30]  }
0x148: {  	[tilespmem:$0x2C90] =	vst v0  }
0x149: {  	v0 =	vld.idx.msk [tilespmem:v2+s5+$0x0], $0xffff;
	_ =	sdelay $0x3  }
0x14a: {  	v2 =	vld [tilespmem:$0x2B40]  }
0x14b: {  	[tilespmem:$0x2CA0] =	vst v0  }
0x14c: {  	v0 =	vld.idx.msk [tilespmem:v1+s5+$0x0], $0xffff;
	_ =	sdelay $0x3  }
0x14d: {  	v1 =	vld [tilespmem:$0x2B50]  }
0x14e: {  	[tilespmem:$0x2CB0] =	vst v0  }
0x14f: {  	v0 =	vld.idx.msk [tilespmem:v2+s5+$0x0], $0xffff;
	_ =	sdelay $0x3  }
0x150: {  	v2 =	vld [tilespmem:$0x2B60]  }
0x151: {  	[tilespmem:$0x2CC0] =	vst v0  }
0x152: {  	v0 =	vld.idx.msk [tilespmem:v1+s5+$0x0], $0xffff;
	_ =	sdelay $0x3  }
0x153: {  	v1 =	vld [tilespmem:$0x2B70]  }
0x154: {  	[tilespmem:$0x2CD0] =	vst v0  }
0x155: {  	v0 =	vld.idx.msk [tilespmem:v2+s5+$0x0], $0xffff;
	_ =	sdelay $0x4  }
0x156: {  	[tilespmem:$0x2CE0] =	vst v0  }
0x157: {  	v0 =	vld.idx.msk [tilespmem:v1+s5+$0x0], $0xffff;
	_ =	sdelay $0x4  }
0x158: {  	[tilespmem:$0x2CF0] =	vst v0  }
0x159: {  	[tilespmem:s24], [sflag:$0x2] =	stream.indirect.gather [hbm4b:s30+s14], $0x40, s18, s14, $0xb8;
	[tilespmem:$0x1ED00] =	vst v63  }
0x15a: {  	_ =	swait.ge [sflag:s8], $0x2000  }
0x15b: {  	[sflag:s8] =	ssyncset.done $0x0  }
0x15c: {  	s25 =	simm.s32 $0x0;
	[sflag:s8] =	ssyncadd.s32 $0xFFFFE000  }
0x15d: {  	v0 =	vld [tilespmem:s25+$0x2D00]  }
0x15e: {  	v3 =	vld [tilespmem:s25+$0x2D10]  }
0x15f: {  	v4 =	vld [tilespmem:s25+$0x2D20]  }
0x160: {  	v5 =	vld [tilespmem:s25+$0x2D30];
	_ =	sdelay $0x1  }
0x161: {  	v1 =	vshll.u32 v0, $0x10  }
0x162: {  	[tilespmem:s25+$0x2D00] =	vst v1;
	v1 =	vshll.u32 v3, $0x10  }
0x163: {  	s0 =	simm.s32 $0x40;
	v2 =	vshll.u32 v4, $0x10;
	[tilespmem:s25+$0x2D10] =	vst v1  }
0x164: {  	v6 =	vshll.u32 v5, $0x10;
	v1 =	vld [tilespmem:s0+$0x2D00];
	[tilespmem:s25+$0x2D20] =	vst v2  }
0x165: {  	v2 =	vld [tilespmem:s0+$0x2D10];
	[tilespmem:s25+$0x2D30] =	vst v6;
	v6 =	vand.u32 $0xFFFF0000, v0  }
0x166: {  	s5 =	simm.s32 $0x200;
	v4 =	vand.u32 $0xFFFF0000, v4;
	v5 =	vand.u32 $0xFFFF0000, v5;
	v3 =	vand.u32 $0xFFFF0000, v3;
	v0 =	vld [tilespmem:s0+$0x2D20];
	[tilespmem:s25+$0x6D00] =	vst v6  }
.LBB2_7:
0x167: {  	p0 =	sne.s32 s5, $0x7F00;
	v6 =	vld [tilespmem:s0+$0x2D30];
	[tilespmem:s25+$0x6D10] =	vst v3  }
0x168: {  	[tilespmem:s25+$0x6D20] =	vst v4  }
0x169: {  	v3 =	vshll.u32 v1, $0x10;
	v7 =	vand.u32 $0xFFFF0000, v1;
	[tilespmem:s25+$0x6D30] =	vst v5;
	s25 =	smov.u32 s0  }
.Ltmp2:
0x16a: {  	[tilespmem:s25+$0x2D00] =	vst v3;
	v1 =	vshll.u32 v2, $0x10;
	v3 =	vand.u32 $0xFFFF0000, v2;
	(pc) =	sbr.rel @p0 .LBB2_7-.Ltmp2, $4  }
0x16b: {  	s0 =	sshra.s32 s5, $0x2;
	[tilespmem:s25+$0x2D10] =	vst v1;
	v2 =	vshll.u32 v0, $0x10;
	v4 =	vand.u32 $0xFFFF0000, v0  }
0x16c: {  	v1 =	vld [tilespmem:s0+$0x2D00];
	[tilespmem:s25+$0x2D20] =	vst v2;
	v0 =	vshll.u32 v6, $0x10;
	v5 =	vand.u32 $0xFFFF0000, v6  }
0x16d: {  	v2 =	vld [tilespmem:s0+$0x2D10];
	[tilespmem:s25+$0x2D30] =	vst v0  }
0x16e: {  	s5 =	sadd.s32 $0x100, s5;
	v0 =	vld [tilespmem:s0+$0x2D20];
	[tilespmem:s25+$0x6D00] =	vst v7  }
0x16f: {  	v6 =	vld [tilespmem:s0+$0x2D30];
	[tilespmem:s25+$0x6D10] =	vst v3  }
0x170: {  	[tilespmem:s25+$0x6D20] =	vst v4  }
0x171: {  	[tilespmem:s25+$0x6D30] =	vst v5;
	v3 =	vshll.u32 v1, $0x10  }
0x172: {  	v1 =	vand.u32 $0xFFFF0000, v1;
	[tilespmem:s0+$0x2D00] =	vst v3  }
0x173: {  	v3 =	vshll.u32 v2, $0x10;
	[tilespmem:s0+$0x6D00] =	vst v1  }
0x174: {  	v2 =	vand.u32 $0xFFFF0000, v2;
	[tilespmem:s0+$0x2D10] =	vst v3  }
0x175: {  	v3 =	vshll.u32 v0, $0x10;
	[tilespmem:s0+$0x6D10] =	vst v2  }
0x176: {  	v0 =	vand.u32 $0xFFFF0000, v0;
	[tilespmem:s0+$0x2D20] =	vst v3  }
0x177: {  	v3 =	vshll.u32 v6, $0x10;
	[tilespmem:s0+$0x6D20] =	vst v0  }
0x178: {  	v1 =	vand.u32 $0xFFFF0000, v6;
	[tilespmem:s0+$0x2D30] =	vst v3  }
0x179: {  	[tilespmem:s0+$0x6D30] =	vst v1  }
0x17a: {  	[spmem:s20] =	stream.indirect.scatter.add.f32 [tilespmem:s16], [sflag:$0x7], $0x40, s28, s14, $0xb8;
	[tilespmem:$0x1ED00] =	vst v63  }
0x17b: {  	_ =	swait.ge [sflag:s26], $0x2000  }
0x17c: {  	[sflag:s26] =	ssyncset.done $0x0  }
0x17d: {  	s9 =	sadd.s32 s9, s13;
	[sflag:s26] =	ssyncadd.s32 $0xFFFFE000  }
0x17e: {  	[spmem:s22] =	stream.indirect.scatter.add.f32 [tilespmem:s23], [sflag:$0x7], $0x40, s28, s14, $0xb8;
	[tilespmem:$0x1ED00] =	vst v63  }
0x17f: {  	s0 =	sshll.u32 s9, $0x5;
	_ =	swait.ge [sflag:s26], $0x2000  }
0x180: {  	s5 =	simm.s32 $0x0;
	s0 =	sand.u32 $0x1FFFFFA0, s0;
	[sflag:s26] =	ssyncset.done $0x0  }
0x181: {  	s25 =	simm.s32 $0x2900;
	s0 =	sadd.s32 s29, s0;
	[sflag:s26] =	ssyncadd.s32 $0xFFFFE000  }
0x182: {  	[tilespmem:s25], [sflag:$0x4] =	stream.linear.gather [hbm4b:s0+s5], $0x100, $0x38;
	[tilespmem:$0x1ED00] =	vst v63  }
0x183: {  	_ =	swait.ge [sflag:s19], $0x2000  }
0x184: {  	[sflag:s19] =	ssyncset.done $0x0  }
0x185: {  	s9 =	simm.s32 $0x0;
	[sflag:s19] =	ssyncadd.s32 $0xFFFFE000  }
0x186: {  	v0 =	vld [tilespmem:s9+$0x4D00]  }
0x187: {  	v3 =	vld [tilespmem:s9+$0x4D10]  }
0x188: {  	v4 =	vld [tilespmem:s9+$0x4D20]  }
0x189: {  	v5 =	vld [tilespmem:s9+$0x4D30];
	_ =	sdelay $0x1  }
0x18a: {  	v1 =	vshll.u32 v0, $0x10  }
0x18b: {  	[tilespmem:s9+$0x4D00] =	vst v1;
	v1 =	vshll.u32 v3, $0x10  }
0x18c: {  	s0 =	simm.s32 $0x40;
	v2 =	vshll.u32 v4, $0x10;
	[tilespmem:s9+$0x4D10] =	vst v1  }
0x18d: {  	v6 =	vshll.u32 v5, $0x10;
	v1 =	vld [tilespmem:s0+$0x4D00];
	[tilespmem:s9+$0x4D20] =	vst v2  }
0x18e: {  	v2 =	vld [tilespmem:s0+$0x4D10];
	[tilespmem:s9+$0x4D30] =	vst v6;
	v6 =	vand.u32 $0xFFFF0000, v0  }
0x18f: {  	s5 =	simm.s32 $0x200;
	v4 =	vand.u32 $0xFFFF0000, v4;
	v5 =	vand.u32 $0xFFFF0000, v5;
	v3 =	vand.u32 $0xFFFF0000, v3;
	v0 =	vld [tilespmem:s0+$0x4D20];
	[tilespmem:s9+$0x6D00] =	vst v6  }
.LBB2_9:
0x190: {  	p0 =	sne.s32 s5, $0x7F00;
	v6 =	vld [tilespmem:s0+$0x4D30];
	[tilespmem:s9+$0x6D10] =	vst v3  }
0x191: {  	[tilespmem:s9+$0x6D20] =	vst v4  }
0x192: {  	v3 =	vshll.u32 v1, $0x10;
	v7 =	vand.u32 $0xFFFF0000, v1;
	[tilespmem:s9+$0x6D30] =	vst v5;
	s9 =	smov.u32 s0  }
.Ltmp3:
0x193: {  	[tilespmem:s9+$0x4D00] =	vst v3;
	v1 =	vshll.u32 v2, $0x10;
	v3 =	vand.u32 $0xFFFF0000, v2;
	(pc) =	sbr.rel @p0 .LBB2_9-.Ltmp3, $4  }
0x194: {  	s0 =	sshra.s32 s5, $0x2;
	[tilespmem:s9+$0x4D10] =	vst v1;
	v2 =	vshll.u32 v0, $0x10;
	v4 =	vand.u32 $0xFFFF0000, v0  }
0x195: {  	v1 =	vld [tilespmem:s0+$0x4D00];
	[tilespmem:s9+$0x4D20] =	vst v2;
	v0 =	vshll.u32 v6, $0x10;
	v5 =	vand.u32 $0xFFFF0000, v6  }
0x196: {  	v2 =	vld [tilespmem:s0+$0x4D10];
	[tilespmem:s9+$0x4D30] =	vst v0  }
0x197: {  	s5 =	sadd.s32 $0x100, s5;
	v0 =	vld [tilespmem:s0+$0x4D20];
	[tilespmem:s9+$0x6D00] =	vst v7  }
0x198: {  	v6 =	vld [tilespmem:s0+$0x4D30];
	[tilespmem:s9+$0x6D10] =	vst v3  }
0x199: {  	[tilespmem:s9+$0x6D20] =	vst v4  }
0x19a: {  	[tilespmem:s9+$0x6D30] =	vst v5;
	v48 =	vshll.u32 v1, $0x10  }
0x19b: {  	v52 =	vand.u32 $0xFFFF0000, v1;
	[tilespmem:s0+$0x4D00] =	vst v48  }
0x19c: {  	v49 =	vshll.u32 v2, $0x10;
	[tilespmem:s0+$0x6D00] =	vst v52  }
0x19d: {  	v53 =	vand.u32 $0xFFFF0000, v2;
	[tilespmem:s0+$0x4D10] =	vst v49  }
0x19e: {  	v50 =	vshll.u32 v0, $0x10;
	[tilespmem:s0+$0x6D10] =	vst v53  }
0x19f: {  	v54 =	vand.u32 $0xFFFF0000, v0;
	[tilespmem:s0+$0x4D20] =	vst v50  }
0x1a0: {  	v51 =	vshll.u32 v6, $0x10;
	[tilespmem:s0+$0x6D20] =	vst v54  }
0x1a1: {  	v55 =	vand.u32 $0xFFFF0000, v6;
	[tilespmem:s0+$0x4D30] =	vst v51  }
0x1a2: {  	[tilespmem:s0+$0x6D30] =	vst v55  }
0x1a3: {  	[spmem:s20] =	stream.indirect.scatter.add.f32 [tilespmem:s24], [sflag:$0x7], $0x40, s4, s14, $0xb8;
	[tilespmem:$0x1ED00] =	vst v63  }
0x1a4: {  	_ =	swait.ge [sflag:s26], $0x2000  }
0x1a5: {  	[sflag:s26] =	ssyncset.done $0x0  }
0x1a6: {  	[sflag:s26] =	ssyncadd.s32 $0xFFFFE000  }
0x1a7: {  	[spmem:s22] =	stream.indirect.scatter.add.f32 [tilespmem:s23], [sflag:$0x7], $0x40, s4, s14, $0xb8;
	[tilespmem:$0x1ED00] =	vst v63  }
0x1a8: {  	_ =	swait.ge [sflag:s26], $0x2000  }
0x1a9: {  	[sflag:s26] =	ssyncset.done $0x0  }
0x1aa: {  	[sflag:s26] =	ssyncadd.s32 $0xFFFFE000  }
0x1ab: {  	_ =	swait.ge [sflag:s12], $0x100  }
0x1ac: {  	[sflag:s12] =	ssyncset.done $0x0  }
0x1ad: {  	[sflag:s12] =	ssyncadd.s32 $0xFFFFFF00  }
0x1ae: {  	v56 =	vld [tilespmem:$0x2800];
	_ =	sdelay $0x5  }
0x1af: {  	v57 =	vld [tilespmem:$0x2810];
	_ =	sdelay $0x1  }
0x1b0: {  	v0 =	vld.idx.msk [tilespmem:v56+s2+$0x0], $0xffff;
	_ =	sdelay $0x3  }
0x1b1: {  	v58 =	vld [tilespmem:$0x2820]  }
0x1b2: {  	[tilespmem:$0x2C00] =	vst v0  }
0x1b3: {  	v0 =	vld.idx.msk [tilespmem:v57+s2+$0x0], $0xffff;
	_ =	sdelay $0x3  }
0x1b4: {  	v59 =	vld [tilespmem:$0x2830]  }
0x1b5: {  	[tilespmem:$0x2C10] =	vst v0  }
0x1b6: {  	v0 =	vld.idx.msk [tilespmem:v58+s2+$0x0], $0xffff;
	_ =	sdelay $0x3  }
0x1b7: {  	v60 =	vld [tilespmem:$0x2840]  }
0x1b8: {  	[tilespmem:$0x2C20] =	vst v0  }
0x1b9: {  	v0 =	vld.idx.msk [tilespmem:v59+s2+$0x0], $0xffff;
	_ =	sdelay $0x3  }
0x1ba: {  	v61 =	vld [tilespmem:$0x2850]  }
0x1bb: {  	[tilespmem:$0x2C30] =	vst v0  }
0x1bc: {  	v0 =	vld.idx.msk [tilespmem:v60+s2+$0x0], $0xffff;
	_ =	sdelay $0x3  }
0x1bd: {  	v62 =	vld [tilespmem:$0x2860]  }
0x1be: {  	[tilespmem:$0x2C40] =	vst v0  }
0x1bf: {  	v0 =	vld.idx.msk [tilespmem:v61+s2+$0x0], $0xffff;
	_ =	sdelay $0x3  }
0x1c0: {  	v63 =	vld [tilespmem:$0x2870]  }
0x1c1: {  	[tilespmem:$0x2C50] =	vst v0  }
0x1c2: {  	v0 =	vld.idx.msk [tilespmem:v62+s2+$0x0], $0xffff;
	_ =	sdelay $0x4  }
0x1c3: {  	[tilespmem:$0x2C60] =	vst v0  }
0x1c4: {  	s6 =	sadd.s32 $0x1, s6;
	v0 =	vld.idx.msk [tilespmem:v63+s2+$0x0], $0xffff  }
0x1c5: {  	p0 =	sne.s32 s6, $0x13  }
.Ltmp4:
0x1c6: {  	_ = 	snop;
	(pc) =	sbr.rel @p0 .LBB2_2-.Ltmp4, $3  }
0x1c7: {  	_ =	sdelay $0x1  }
0x1c8: {  	[tilespmem:$0x2C70] =	vst v0  }
0x1c9: {  	[tilespmem:s16], [sflag:$0x1] =	stream.indirect.gather [hbm4b:s30+s14], $0x40, s15, s14, $0xb8;
	[tilespmem:$0x1ED00] =	vst v63  }
0x1ca: {  	_ =	swait.ge [sflag:s17], $0x100  }
0x1cb: {  	[sflag:s17] =	ssyncset.done $0x0  }
0x1cc: {  	[sflag:s17] =	ssyncadd.s32 $0xFFFFFF00  }
0x1cd: {  	v0 =	vld [tilespmem:$0x2900];
	_ =	sdelay $0x5  }
0x1ce: {  	v1 =	vld [tilespmem:$0x2910]  }
0x1cf: {  	s0 =	simm.s32 $0x0  }
0x1d0: {  	v0 =	vld.idx.msk [tilespmem:v0+s0+$0x0], $0xffff;
	_ =	sdelay $0x3  }
0x1d1: {  	v2 =	vld [tilespmem:$0x2920]  }
0x1d2: {  	[tilespmem:$0x2C80] =	vst v0  }
0x1d3: {  	v0 =	vld.idx.msk [tilespmem:v1+s0+$0x0], $0xffff;
	_ =	sdelay $0x3  }
0x1d4: {  	v1 =	vld [tilespmem:$0x2930]  }
0x1d5: {  	[tilespmem:$0x2C90] =	vst v0  }
0x1d6: {  	v0 =	vld.idx.msk [tilespmem:v2+s0+$0x0], $0xffff;
	_ =	sdelay $0x3  }
0x1d7: {  	v2 =	vld [tilespmem:$0x2940]  }
0x1d8: {  	[tilespmem:$0x2CA0] =	vst v0  }
0x1d9: {  	v0 =	vld.idx.msk [tilespmem:v1+s0+$0x0], $0xffff;
	_ =	sdelay $0x3  }
0x1da: {  	v1 =	vld [tilespmem:$0x2950]  }
0x1db: {  	[tilespmem:$0x2CB0] =	vst v0  }
0x1dc: {  	v0 =	vld.idx.msk [tilespmem:v2+s0+$0x0], $0xffff;
	_ =	sdelay $0x3  }
0x1dd: {  	v2 =	vld [tilespmem:$0x2960]  }
0x1de: {  	[tilespmem:$0x2CC0] =	vst v0  }
0x1df: {  	v0 =	vld.idx.msk [tilespmem:v1+s0+$0x0], $0xffff;
	_ =	sdelay $0x3  }
0x1e0: {  	v1 =	vld [tilespmem:$0x2970]  }
0x1e1: {  	[tilespmem:$0x2CD0] =	vst v0  }
0x1e2: {  	v0 =	vld.idx.msk [tilespmem:v2+s0+$0x0], $0xffff;
	_ =	sdelay $0x4  }
0x1e3: {  	[tilespmem:$0x2CE0] =	vst v0  }
0x1e4: {  	v0 =	vld.idx.msk [tilespmem:v1+s0+$0x0], $0xffff;
	_ =	sdelay $0x4  }
0x1e5: {  	s5 =	sld [smem:$0x7F9];
	[tilespmem:$0x2CF0] =	vst v0  }
0x1e6: {  	[tilespmem:s24], [sflag:$0x2] =	stream.indirect.gather [hbm4b:s30+s14], $0x40, s18, s14, $0xb8;
	[tilespmem:$0x1ED00] =	vst v63  }
0x1e7: {  	s6 =	simm.s32 $0x2A00  }
0x1e8: {  	[tilespmem:s6], [sflag:$0x5] =	stream.linear.gather [hbm4b:s5+s0], $0x100, $0x38;
	[tilespmem:$0x1ED00] =	vst v63  }
0x1e9: {  	_ =	swait.ge [sflag:s8], $0x2000  }
0x1ea: {  	[sflag:s8] =	ssyncset.done $0x0  }
0x1eb: {  	s6 =	simm.s32 $0x0;
	[sflag:s8] =	ssyncadd.s32 $0xFFFFE000  }
0x1ec: {  	v0 =	vld [tilespmem:s6+$0x2D00]  }
0x1ed: {  	v3 =	vld [tilespmem:s6+$0x2D10]  }
0x1ee: {  	v4 =	vld [tilespmem:s6+$0x2D20]  }
0x1ef: {  	v5 =	vld [tilespmem:s6+$0x2D30];
	_ =	sdelay $0x1  }
0x1f0: {  	v1 =	vshll.u32 v0, $0x10  }
0x1f1: {  	[tilespmem:s6+$0x2D00] =	vst v1;
	v1 =	vshll.u32 v3, $0x10  }
0x1f2: {  	s0 =	simm.s32 $0x40;
	v2 =	vshll.u32 v4, $0x10;
	[tilespmem:s6+$0x2D10] =	vst v1  }
0x1f3: {  	v6 =	vshll.u32 v5, $0x10;
	v1 =	vld [tilespmem:s0+$0x2D00];
	[tilespmem:s6+$0x2D20] =	vst v2  }
0x1f4: {  	v2 =	vld [tilespmem:s0+$0x2D10];
	[tilespmem:s6+$0x2D30] =	vst v6;
	v6 =	vand.u32 $0xFFFF0000, v0  }
0x1f5: {  	s5 =	simm.s32 $0x200;
	v4 =	vand.u32 $0xFFFF0000, v4;
	v5 =	vand.u32 $0xFFFF0000, v5;
	v3 =	vand.u32 $0xFFFF0000, v3;
	v0 =	vld [tilespmem:s0+$0x2D20];
	[tilespmem:s6+$0x6D00] =	vst v6  }
.LBB2_12:
0x1f6: {  	p0 =	sne.s32 s5, $0x7F00;
	v6 =	vld [tilespmem:s0+$0x2D30];
	[tilespmem:s6+$0x6D10] =	vst v3  }
0x1f7: {  	[tilespmem:s6+$0x6D20] =	vst v4  }
0x1f8: {  	v3 =	vshll.u32 v1, $0x10;
	v7 =	vand.u32 $0xFFFF0000, v1;
	[tilespmem:s6+$0x6D30] =	vst v5;
	s6 =	smov.u32 s0  }
.Ltmp5:
0x1f9: {  	[tilespmem:s6+$0x2D00] =	vst v3;
	v1 =	vshll.u32 v2, $0x10;
	v3 =	vand.u32 $0xFFFF0000, v2;
	(pc) =	sbr.rel @p0 .LBB2_12-.Ltmp5, $4  }
0x1fa: {  	s0 =	sshra.s32 s5, $0x2;
	[tilespmem:s6+$0x2D10] =	vst v1;
	v2 =	vshll.u32 v0, $0x10;
	v4 =	vand.u32 $0xFFFF0000, v0  }
0x1fb: {  	v1 =	vld [tilespmem:s0+$0x2D00];
	[tilespmem:s6+$0x2D20] =	vst v2;
	v0 =	vshll.u32 v6, $0x10;
	v5 =	vand.u32 $0xFFFF0000, v6  }
0x1fc: {  	v2 =	vld [tilespmem:s0+$0x2D10];
	[tilespmem:s6+$0x2D30] =	vst v0  }
0x1fd: {  	s5 =	sadd.s32 $0x100, s5;
	v0 =	vld [tilespmem:s0+$0x2D20];
	[tilespmem:s6+$0x6D00] =	vst v7  }
0x1fe: {  	v6 =	vld [tilespmem:s0+$0x2D30];
	[tilespmem:s6+$0x6D10] =	vst v3  }
0x1ff: {  	[tilespmem:s6+$0x6D20] =	vst v4  }
0x200: {  	[tilespmem:s6+$0x6D30] =	vst v5;
	v3 =	vshll.u32 v1, $0x10  }
0x201: {  	v1 =	vand.u32 $0xFFFF0000, v1;
	[tilespmem:s0+$0x2D00] =	vst v3  }
0x202: {  	v3 =	vshll.u32 v2, $0x10;
	[tilespmem:s0+$0x6D00] =	vst v1  }
0x203: {  	v2 =	vand.u32 $0xFFFF0000, v2;
	[tilespmem:s0+$0x2D10] =	vst v3  }
0x204: {  	v3 =	vshll.u32 v0, $0x10;
	[tilespmem:s0+$0x6D10] =	vst v2  }
0x205: {  	v0 =	vand.u32 $0xFFFF0000, v0;
	[tilespmem:s0+$0x2D20] =	vst v3  }
0x206: {  	v3 =	vshll.u32 v6, $0x10;
	[tilespmem:s0+$0x6D20] =	vst v0  }
0x207: {  	v1 =	vand.u32 $0xFFFF0000, v6;
	[tilespmem:s0+$0x2D30] =	vst v3  }
0x208: {  	[tilespmem:s0+$0x6D30] =	vst v1  }
0x209: {  	[spmem:s20] =	stream.indirect.scatter.add.f32 [tilespmem:s16], [sflag:$0x7], $0x40, s21, s14, $0xb8;
	[tilespmem:$0x1ED00] =	vst v63  }
0x20a: {  	_ =	swait.ge [sflag:s26], $0x2000  }
0x20b: {  	[sflag:s26] =	ssyncset.done $0x0  }
0x20c: {  	[sflag:s26] =	ssyncadd.s32 $0xFFFFE000  }
0x20d: {  	[spmem:s22] =	stream.indirect.scatter.add.f32 [tilespmem:s23], [sflag:$0x7], $0x40, s21, s14, $0xb8;
	[tilespmem:$0x1ED00] =	vst v63  }
0x20e: {  	_ =	swait.ge [sflag:s26], $0x2000  }
0x20f: {  	s5 =	sld [smem:$0x7FA]  }
0x210: {  	[sflag:s26] =	ssyncset.done $0x0  }
0x211: {  	s9 =	simm.s32 $0x0;
	s25 =	simm.s32 $0x2B00;
	[sflag:s26] =	ssyncadd.s32 $0xFFFFE000  }
0x212: {  	[tilespmem:s25], [sflag:$0x6] =	stream.linear.gather [hbm4b:s5+s9], $0x100, $0x38;
	[tilespmem:$0x1ED00] =	vst v63  }
0x213: {  	_ =	swait.ge [sflag:s3], $0x100  }
0x214: {  	[sflag:s3] =	ssyncset.done $0x0  }
0x215: {  	[sflag:s3] =	ssyncadd.s32 $0xFFFFFF00  }
0x216: {  	v0 =	vld [tilespmem:$0x2A00];
	_ =	sdelay $0x5  }
0x217: {  	v1 =	vld [tilespmem:$0x2A10];
	_ =	sdelay $0x1  }
0x218: {  	v0 =	vld.idx.msk [tilespmem:v0+s9+$0x0], $0xffff;
	_ =	sdelay $0x3  }
0x219: {  	v2 =	vld [tilespmem:$0x2A20]  }
0x21a: {  	[tilespmem:$0x2C00] =	vst v0  }
0x21b: {  	v0 =	vld.idx.msk [tilespmem:v1+s9+$0x0], $0xffff;
	_ =	sdelay $0x3  }
0x21c: {  	v1 =	vld [tilespmem:$0x2A30]  }
0x21d: {  	[tilespmem:$0x2C10] =	vst v0  }
0x21e: {  	v0 =	vld.idx.msk [tilespmem:v2+s9+$0x0], $0xffff;
	_ =	sdelay $0x3  }
0x21f: {  	v2 =	vld [tilespmem:$0x2A40]  }
0x220: {  	[tilespmem:$0x2C20] =	vst v0  }
0x221: {  	v0 =	vld.idx.msk [tilespmem:v1+s9+$0x0], $0xffff;
	_ =	sdelay $0x3  }
0x222: {  	v1 =	vld [tilespmem:$0x2A50]  }
0x223: {  	[tilespmem:$0x2C30] =	vst v0  }
0x224: {  	v0 =	vld.idx.msk [tilespmem:v2+s9+$0x0], $0xffff;
	_ =	sdelay $0x3  }
0x225: {  	v2 =	vld [tilespmem:$0x2A60]  }
0x226: {  	[tilespmem:$0x2C40] =	vst v0  }
0x227: {  	v0 =	vld.idx.msk [tilespmem:v1+s9+$0x0], $0xffff;
	_ =	sdelay $0x3  }
0x228: {  	v1 =	vld [tilespmem:$0x2A70]  }
0x229: {  	[tilespmem:$0x2C50] =	vst v0  }
0x22a: {  	v0 =	vld.idx.msk [tilespmem:v2+s9+$0x0], $0xffff;
	_ =	sdelay $0x4  }
0x22b: {  	[tilespmem:$0x2C60] =	vst v0  }
0x22c: {  	v0 =	vld.idx.msk [tilespmem:v1+s9+$0x0], $0xffff;
	_ =	sdelay $0x4  }
0x22d: {  	[tilespmem:$0x2C70] =	vst v0  }
0x22e: {  	[tilespmem:s16], [sflag:$0x1] =	stream.indirect.gather [hbm4b:s30+s14], $0x40, s15, s14, $0xb8;
	[tilespmem:$0x1ED00] =	vst v63  }
0x22f: {  	_ =	swait.ge [sflag:s19], $0x2000  }
0x230: {  	[sflag:s19] =	ssyncset.done $0x0  }
0x231: {  	s6 =	simm.s32 $0x0;
	[sflag:s19] =	ssyncadd.s32 $0xFFFFE000  }
0x232: {  	v0 =	vld [tilespmem:s6+$0x4D00]  }
0x233: {  	v3 =	vld [tilespmem:s6+$0x4D10]  }
0x234: {  	v4 =	vld [tilespmem:s6+$0x4D20]  }
0x235: {  	v5 =	vld [tilespmem:s6+$0x4D30];
	_ =	sdelay $0x1  }
0x236: {  	v1 =	vshll.u32 v0, $0x10  }
0x237: {  	[tilespmem:s6+$0x4D00] =	vst v1;
	v1 =	vshll.u32 v3, $0x10  }
0x238: {  	s0 =	simm.s32 $0x40;
	v2 =	vshll.u32 v4, $0x10;
	[tilespmem:s6+$0x4D10] =	vst v1  }
0x239: {  	v6 =	vshll.u32 v5, $0x10;
	v1 =	vld [tilespmem:s0+$0x4D00];
	[tilespmem:s6+$0x4D20] =	vst v2  }
0x23a: {  	v2 =	vld [tilespmem:s0+$0x4D10];
	[tilespmem:s6+$0x4D30] =	vst v6;
	v6 =	vand.u32 $0xFFFF0000, v0  }
0x23b: {  	s5 =	simm.s32 $0x200;
	v4 =	vand.u32 $0xFFFF0000, v4;
	v5 =	vand.u32 $0xFFFF0000, v5;
	v3 =	vand.u32 $0xFFFF0000, v3;
	v0 =	vld [tilespmem:s0+$0x4D20];
	[tilespmem:s6+$0x6D00] =	vst v6  }
.LBB2_14:
0x23c: {  	p0 =	sne.s32 s5, $0x7F00;
	v6 =	vld [tilespmem:s0+$0x4D30];
	[tilespmem:s6+$0x6D10] =	vst v3  }
0x23d: {  	[tilespmem:s6+$0x6D20] =	vst v4  }
0x23e: {  	v3 =	vshll.u32 v1, $0x10;
	v7 =	vand.u32 $0xFFFF0000, v1;
	[tilespmem:s6+$0x6D30] =	vst v5;
	s6 =	smov.u32 s0  }
.Ltmp6:
0x23f: {  	[tilespmem:s6+$0x4D00] =	vst v3;
	v1 =	vshll.u32 v2, $0x10;
	v3 =	vand.u32 $0xFFFF0000, v2;
	(pc) =	sbr.rel @p0 .LBB2_14-.Ltmp6, $4  }
0x240: {  	s0 =	sshra.s32 s5, $0x2;
	[tilespmem:s6+$0x4D10] =	vst v1;
	v2 =	vshll.u32 v0, $0x10;
	v4 =	vand.u32 $0xFFFF0000, v0  }
0x241: {  	v1 =	vld [tilespmem:s0+$0x4D00];
	[tilespmem:s6+$0x4D20] =	vst v2;
	v0 =	vshll.u32 v6, $0x10;
	v5 =	vand.u32 $0xFFFF0000, v6  }
0x242: {  	v2 =	vld [tilespmem:s0+$0x4D10];
	[tilespmem:s6+$0x4D30] =	vst v0  }
0x243: {  	s5 =	sadd.s32 $0x100, s5;
	v0 =	vld [tilespmem:s0+$0x4D20];
	[tilespmem:s6+$0x6D00] =	vst v7  }
0x244: {  	v6 =	vld [tilespmem:s0+$0x4D30];
	[tilespmem:s6+$0x6D10] =	vst v3  }
0x245: {  	[tilespmem:s6+$0x6D20] =	vst v4  }
0x246: {  	[tilespmem:s6+$0x6D30] =	vst v5;
	v3 =	vshll.u32 v1, $0x10  }
0x247: {  	v1 =	vand.u32 $0xFFFF0000, v1;
	[tilespmem:s0+$0x4D00] =	vst v3  }
0x248: {  	v3 =	vshll.u32 v2, $0x10;
	[tilespmem:s0+$0x6D00] =	vst v1  }
0x249: {  	v2 =	vand.u32 $0xFFFF0000, v2;
	[tilespmem:s0+$0x4D10] =	vst v3  }
0x24a: {  	v3 =	vshll.u32 v0, $0x10;
	[tilespmem:s0+$0x6D10] =	vst v2  }
0x24b: {  	v0 =	vand.u32 $0xFFFF0000, v0;
	[tilespmem:s0+$0x4D20] =	vst v3  }
0x24c: {  	v3 =	vshll.u32 v6, $0x10;
	[tilespmem:s0+$0x6D20] =	vst v0  }
0x24d: {  	v1 =	vand.u32 $0xFFFF0000, v6;
	[tilespmem:s0+$0x4D30] =	vst v3  }
0x24e: {  	[tilespmem:s0+$0x6D30] =	vst v1  }
0x24f: {  	[spmem:s20] =	stream.indirect.scatter.add.f32 [tilespmem:s24], [sflag:$0x7], $0x40, s31, s14, $0xb8;
	[tilespmem:$0x1ED00] =	vst v63  }
0x250: {  	_ =	swait.ge [sflag:s26], $0x2000  }
0x251: {  	[sflag:s26] =	ssyncset.done $0x0  }
0x252: {  	[sflag:s26] =	ssyncadd.s32 $0xFFFFE000  }
0x253: {  	[spmem:s22] =	stream.indirect.scatter.add.f32 [tilespmem:s23], [sflag:$0x7], $0x40, s31, s14, $0xb8;
	[tilespmem:$0x1ED00] =	vst v63  }
0x254: {  	_ =	swait.ge [sflag:s26], $0x2000  }
0x255: {  	[sflag:s26] =	ssyncset.done $0x0  }
0x256: {  	[sflag:s26] =	ssyncadd.s32 $0xFFFFE000  }
0x257: {  	_ =	swait.ge [sflag:s1], $0x100  }
0x258: {  	[sflag:s1] =	ssyncset.done $0x0  }
0x259: {  	[sflag:s1] =	ssyncadd.s32 $0xFFFFFF00  }
0x25a: {  	v0 =	vld [tilespmem:$0x2B00];
	_ =	sdelay $0x5  }
0x25b: {  	v1 =	vld [tilespmem:$0x2B10]  }
0x25c: {  	s25 =	simm.s32 $0x0  }
0x25d: {  	v0 =	vld.idx.msk [tilespmem:v0+s25+$0x0], $0xffff;
	_ =	sdelay $0x3  }
0x25e: {  	v2 =	vld [tilespmem:$0x2B20]  }
0x25f: {  	[tilespmem:$0x2C80] =	vst v0  }
0x260: {  	v0 =	vld.idx.msk [tilespmem:v1+s25+$0x0], $0xffff;
	_ =	sdelay $0x3  }
0x261: {  	v1 =	vld [tilespmem:$0x2B30]  }
0x262: {  	[tilespmem:$0x2C90] =	vst v0  }
0x263: {  	v0 =	vld.idx.msk [tilespmem:v2+s25+$0x0], $0xffff;
	_ =	sdelay $0x3  }
0x264: {  	v2 =	vld [tilespmem:$0x2B40]  }
0x265: {  	[tilespmem:$0x2CA0] =	vst v0  }
0x266: {  	v0 =	vld.idx.msk [tilespmem:v1+s25+$0x0], $0xffff;
	_ =	sdelay $0x3  }
0x267: {  	v1 =	vld [tilespmem:$0x2B50]  }
0x268: {  	[tilespmem:$0x2CB0] =	vst v0  }
0x269: {  	v0 =	vld.idx.msk [tilespmem:v2+s25+$0x0], $0xffff;
	_ =	sdelay $0x3  }
0x26a: {  	v2 =	vld [tilespmem:$0x2B60]  }
0x26b: {  	[tilespmem:$0x2CC0] =	vst v0  }
0x26c: {  	v0 =	vld.idx.msk [tilespmem:v1+s25+$0x0], $0xffff;
	_ =	sdelay $0x3  }
0x26d: {  	v1 =	vld [tilespmem:$0x2B70]  }
0x26e: {  	[tilespmem:$0x2CD0] =	vst v0  }
0x26f: {  	v0 =	vld.idx.msk [tilespmem:v2+s25+$0x0], $0xffff;
	_ =	sdelay $0x4  }
0x270: {  	[tilespmem:$0x2CE0] =	vst v0  }
0x271: {  	v0 =	vld.idx.msk [tilespmem:v1+s25+$0x0], $0xffff;
	_ =	sdelay $0x4  }
0x272: {  	[tilespmem:$0x2CF0] =	vst v0  }
0x273: {  	[tilespmem:s24], [sflag:$0x2] =	stream.indirect.gather [hbm4b:s30+s14], $0x40, s18, s14, $0xb8;
	[tilespmem:$0x1ED00] =	vst v63  }
0x274: {  	_ =	swait.ge [sflag:s8], $0x2000  }
0x275: {  	[sflag:s8] =	ssyncset.done $0x0  }
0x276: {  	s6 =	simm.s32 $0x0;
	[sflag:s8] =	ssyncadd.s32 $0xFFFFE000  }
0x277: {  	v0 =	vld [tilespmem:s6+$0x2D00]  }
0x278: {  	v3 =	vld [tilespmem:s6+$0x2D10]  }
0x279: {  	v4 =	vld [tilespmem:s6+$0x2D20]  }
0x27a: {  	v5 =	vld [tilespmem:s6+$0x2D30];
	_ =	sdelay $0x1  }
0x27b: {  	v1 =	vshll.u32 v0, $0x10  }
0x27c: {  	[tilespmem:s6+$0x2D00] =	vst v1;
	v1 =	vshll.u32 v3, $0x10  }
0x27d: {  	s0 =	simm.s32 $0x40;
	v2 =	vshll.u32 v4, $0x10;
	[tilespmem:s6+$0x2D10] =	vst v1  }
0x27e: {  	v6 =	vshll.u32 v5, $0x10;
	v1 =	vld [tilespmem:s0+$0x2D00];
	[tilespmem:s6+$0x2D20] =	vst v2  }
0x27f: {  	v2 =	vld [tilespmem:s0+$0x2D10];
	[tilespmem:s6+$0x2D30] =	vst v6;
	v6 =	vand.u32 $0xFFFF0000, v0  }
0x280: {  	s5 =	simm.s32 $0x200;
	v4 =	vand.u32 $0xFFFF0000, v4;
	v5 =	vand.u32 $0xFFFF0000, v5;
	v3 =	vand.u32 $0xFFFF0000, v3;
	v0 =	vld [tilespmem:s0+$0x2D20];
	[tilespmem:s6+$0x6D00] =	vst v6  }
.LBB2_16:
0x281: {  	p0 =	sne.s32 s5, $0x7F00;
	v6 =	vld [tilespmem:s0+$0x2D30];
	[tilespmem:s6+$0x6D10] =	vst v3  }
0x282: {  	[tilespmem:s6+$0x6D20] =	vst v4  }
0x283: {  	v3 =	vshll.u32 v1, $0x10;
	v7 =	vand.u32 $0xFFFF0000, v1;
	[tilespmem:s6+$0x6D30] =	vst v5;
	s6 =	smov.u32 s0  }
.Ltmp7:
0x284: {  	[tilespmem:s6+$0x2D00] =	vst v3;
	v1 =	vshll.u32 v2, $0x10;
	v3 =	vand.u32 $0xFFFF0000, v2;
	(pc) =	sbr.rel @p0 .LBB2_16-.Ltmp7, $4  }
0x285: {  	s0 =	sshra.s32 s5, $0x2;
	[tilespmem:s6+$0x2D10] =	vst v1;
	v2 =	vshll.u32 v0, $0x10;
	v4 =	vand.u32 $0xFFFF0000, v0  }
0x286: {  	v1 =	vld [tilespmem:s0+$0x2D00];
	[tilespmem:s6+$0x2D20] =	vst v2;
	v0 =	vshll.u32 v6, $0x10;
	v5 =	vand.u32 $0xFFFF0000, v6  }
0x287: {  	v2 =	vld [tilespmem:s0+$0x2D10];
	[tilespmem:s6+$0x2D30] =	vst v0  }
0x288: {  	s5 =	sadd.s32 $0x100, s5;
	v0 =	vld [tilespmem:s0+$0x2D20];
	[tilespmem:s6+$0x6D00] =	vst v7  }
0x289: {  	v6 =	vld [tilespmem:s0+$0x2D30];
	[tilespmem:s6+$0x6D10] =	vst v3  }
0x28a: {  	[tilespmem:s6+$0x6D20] =	vst v4  }
0x28b: {  	[tilespmem:s6+$0x6D30] =	vst v5;
	v3 =	vshll.u32 v1, $0x10  }
0x28c: {  	v1 =	vand.u32 $0xFFFF0000, v1;
	[tilespmem:s0+$0x2D00] =	vst v3  }
0x28d: {  	v3 =	vshll.u32 v2, $0x10;
	[tilespmem:s0+$0x6D00] =	vst v1  }
0x28e: {  	v2 =	vand.u32 $0xFFFF0000, v2;
	[tilespmem:s0+$0x2D10] =	vst v3  }
0x28f: {  	v3 =	vshll.u32 v0, $0x10;
	[tilespmem:s0+$0x6D10] =	vst v2  }
0x290: {  	v0 =	vand.u32 $0xFFFF0000, v0;
	[tilespmem:s0+$0x2D20] =	vst v3  }
0x291: {  	v3 =	vshll.u32 v6, $0x10;
	[tilespmem:s0+$0x6D20] =	vst v0  }
0x292: {  	v1 =	vand.u32 $0xFFFF0000, v6;
	[tilespmem:s0+$0x2D30] =	vst v3  }
0x293: {  	[tilespmem:s0+$0x6D30] =	vst v1  }
0x294: {  	[spmem:s20] =	stream.indirect.scatter.add.f32 [tilespmem:s16], [sflag:$0x7], $0x40, s28, s14, $0xb8;
	[tilespmem:$0x1ED00] =	vst v63  }
0x295: {  	_ =	swait.ge [sflag:s26], $0x2000  }
0x296: {  	[sflag:s26] =	ssyncset.done $0x0  }
0x297: {  	[sflag:s26] =	ssyncadd.s32 $0xFFFFE000  }
0x298: {  	[spmem:s22] =	stream.indirect.scatter.add.f32 [tilespmem:s23], [sflag:$0x7], $0x40, s28, s14, $0xb8;
	[tilespmem:$0x1ED00] =	vst v63  }
0x299: {  	_ =	swait.ge [sflag:s26], $0x2000  }
0x29a: {  	[sflag:s26] =	ssyncset.done $0x0  }
0x29b: {  	[sflag:s26] =	ssyncadd.s32 $0xFFFFE000  }
0x29c: {  	_ =	swait.ge [sflag:s19], $0x2000  }
0x29d: {  	[sflag:s19] =	ssyncset.done $0x0  }
0x29e: {  	s6 =	simm.s32 $0x0;
	[sflag:s19] =	ssyncadd.s32 $0xFFFFE000  }
0x29f: {  	v0 =	vld [tilespmem:s6+$0x4D00]  }
0x2a0: {  	v3 =	vld [tilespmem:s6+$0x4D10]  }
0x2a1: {  	v4 =	vld [tilespmem:s6+$0x4D20]  }
0x2a2: {  	v5 =	vld [tilespmem:s6+$0x4D30];
	_ =	sdelay $0x1  }
0x2a3: {  	v1 =	vshll.u32 v0, $0x10  }
0x2a4: {  	[tilespmem:s6+$0x4D00] =	vst v1;
	v1 =	vshll.u32 v3, $0x10  }
0x2a5: {  	s0 =	simm.s32 $0x40;
	v2 =	vshll.u32 v4, $0x10;
	[tilespmem:s6+$0x4D10] =	vst v1  }
0x2a6: {  	v6 =	vshll.u32 v5, $0x10;
	v1 =	vld [tilespmem:s0+$0x4D00];
	[tilespmem:s6+$0x4D20] =	vst v2  }
0x2a7: {  	v2 =	vld [tilespmem:s0+$0x4D10];
	[tilespmem:s6+$0x4D30] =	vst v6;
	v6 =	vand.u32 $0xFFFF0000, v0  }
0x2a8: {  	s5 =	simm.s32 $0x200;
	v4 =	vand.u32 $0xFFFF0000, v4;
	v5 =	vand.u32 $0xFFFF0000, v5;
	v3 =	vand.u32 $0xFFFF0000, v3;
	v0 =	vld [tilespmem:s0+$0x4D20];
	[tilespmem:s6+$0x6D00] =	vst v6  }
.LBB2_18:
0x2a9: {  	p0 =	sne.s32 s5, $0x7F00;
	v6 =	vld [tilespmem:s0+$0x4D30];
	[tilespmem:s6+$0x6D10] =	vst v3  }
0x2aa: {  	[tilespmem:s6+$0x6D20] =	vst v4  }
0x2ab: {  	v3 =	vshll.u32 v1, $0x10;
	v7 =	vand.u32 $0xFFFF0000, v1;
	[tilespmem:s6+$0x6D30] =	vst v5;
	s6 =	smov.u32 s0  }
.Ltmp8:
0x2ac: {  	[tilespmem:s6+$0x4D00] =	vst v3;
	v1 =	vshll.u32 v2, $0x10;
	v3 =	vand.u32 $0xFFFF0000, v2;
	(pc) =	sbr.rel @p0 .LBB2_18-.Ltmp8, $4  }
0x2ad: {  	s0 =	sshra.s32 s5, $0x2;
	[tilespmem:s6+$0x4D10] =	vst v1;
	v2 =	vshll.u32 v0, $0x10;
	v4 =	vand.u32 $0xFFFF0000, v0  }
0x2ae: {  	v1 =	vld [tilespmem:s0+$0x4D00];
	[tilespmem:s6+$0x4D20] =	vst v2;
	v0 =	vshll.u32 v6, $0x10;
	v5 =	vand.u32 $0xFFFF0000, v6  }
0x2af: {  	v2 =	vld [tilespmem:s0+$0x4D10];
	[tilespmem:s6+$0x4D30] =	vst v0  }
0x2b0: {  	s5 =	sadd.s32 $0x100, s5;
	v0 =	vld [tilespmem:s0+$0x4D20];
	[tilespmem:s6+$0x6D00] =	vst v7  }
0x2b1: {  	v6 =	vld [tilespmem:s0+$0x4D30];
	[tilespmem:s6+$0x6D10] =	vst v3  }
0x2b2: {  	[tilespmem:s6+$0x6D20] =	vst v4  }
0x2b3: {  	[tilespmem:s6+$0x6D30] =	vst v5;
	v56 =	vshll.u32 v1, $0x10  }
0x2b4: {  	v60 =	vand.u32 $0xFFFF0000, v1;
	[tilespmem:s0+$0x4D00] =	vst v56  }
0x2b5: {  	v57 =	vshll.u32 v2, $0x10;
	[tilespmem:s0+$0x6D00] =	vst v60  }
0x2b6: {  	v61 =	vand.u32 $0xFFFF0000, v2;
	[tilespmem:s0+$0x4D10] =	vst v57  }
0x2b7: {  	v58 =	vshll.u32 v0, $0x10;
	[tilespmem:s0+$0x6D10] =	vst v61  }
0x2b8: {  	v62 =	vand.u32 $0xFFFF0000, v0;
	[tilespmem:s0+$0x4D20] =	vst v58  }
0x2b9: {  	v59 =	vshll.u32 v6, $0x10;
	[tilespmem:s0+$0x6D20] =	vst v62  }
0x2ba: {  	v63 =	vand.u32 $0xFFFF0000, v6;
	[tilespmem:s0+$0x4D30] =	vst v59  }
0x2bb: {  	[tilespmem:s0+$0x6D30] =	vst v63  }
0x2bc: {  	[spmem:s20] =	stream.indirect.scatter.add.f32 [tilespmem:s24], [sflag:$0x7], $0x40, s4, s14, $0xb8;
	[tilespmem:$0x1ED00] =	vst v63  }
0x2bd: {  	_ =	swait.ge [sflag:s26], $0x2000  }
0x2be: {  	[sflag:s26] =	ssyncset.done $0x0  }
0x2bf: {  	[sflag:s26] =	ssyncadd.s32 $0xFFFFE000  }
0x2c0: {  	[spmem:s22] =	stream.indirect.scatter.add.f32 [tilespmem:s23], [sflag:$0x7], $0x40, s4, s14, $0xb8;
	[tilespmem:$0x1ED00] =	vst v63  }
0x2c1: {  	_ =	swait.ge [sflag:s26], $0x2000  }
0x2c2: {  	[sflag:s26] =	ssyncset.done $0x0  }
0x2c3: {  	[sflag:s26] =	ssyncadd.s32 $0xFFFFE000  }
0x2c4: {  	[bflag:$0x0] =	sbarrier.arrive $0xFFFF  }
0x2c5: {  	s5 =	sld [smem:$0x7F7]  }
0x2c6: {  	s25 =	sld [smem:$0x7F6];
	_ =	sdelay $0x1  }
0x2c7: {  	s9 =	rddreg [dreg:$0x1a]  }
0x2c8: {  	[hbm:s9], [sflag:s5] =	dma.local [spmem:s25], $0x1400  }
0x2c9: {  	_ =	swait.ge [sflag:s26], $0x1400  }
0x2ca: {  	s9 =	sld [smem:$0x7FB]  }
0x2cb: {  	s25 =	sld [smem:$0x7F8]  }
0x2cc: {  	[sflag:s26] =	ssyncset.done $0x0  }
0x2cd: {  	[sflag:s26] =	ssyncadd.s32 $0xFFFFEC00  }
0x2ce: {  	[hbm:s9], [sflag:s5] =	dma.local [spmem:s25], $0x1400  }
0x2cf: {  	_ =	swait.ge [sflag:s26], $0x1400  }
0x2d0: {  	s9 =	sld [smem:$0x7F5]  }
0x2d1: {  	s25 =	sld [smem:$0x7FC];
	_ =	sdelay $0x1  }
0x2d2: {  	s5 =	sadd.s32 $0x1, s9  }
0x2d3: {  	p0 =	sne.s32 s5, s25  }
.Ltmp9:
0x2d4: {  	_ = 	snop;
	(pc) =	sbr.rel @p0 .LBB2_1-.Ltmp9, $3  }
0x2d5: {  	_ =	sdelay $0x1  }
0x2d6: {  	[sflag:s26] =	ssyncset.done $0x0  }
0x2d7: {  	[sflag:s26] =	ssyncadd.s32 $0xFFFFEC00  }
0x2d8: {  	_ =	sfence.sel $0x180000  }
0x2d9: {  	[bflag:$0x0] =	sbarrier.arrive $0xFFFF  }
0x2da: {  	_ =	strace $0x9000004A  }
0x2db: {  	s0 =	stileid.u32;
	[bflag:$0x2] =	sbarrier.arrive $0xFFFF  }
0x2dc: {  	p0 =	sne.s32 s0, $0x0;
	s0 =	rddreg [dreg:$0x5]  }
0x2dd: {  	s0 =	sadd.s32 @!p0 $0x100000, s0  }
0x2de: {  	[sflag:s0] =	ssyncadd.tile.s32 @!p0 $0x1;
	_ =	shalt  }
.Lfunc_end2:
_tile_overlayer_lowered:
.L_overlay_start_2:
0x2df: {  	(tag) =	ssettag $0x2  }
0x2e0: {  	s0 =	rddreg [dreg:$0x0];
	s2 =	stileid.u32  }
0x2e1: {  	s1 =	rddreg [dreg:$0x1];
	p0 =	sne.s32 s2, $0x0  }
0x2e2: {  	s3 =	rddreg [dreg:$0x2];
	[bflag:$0x3] =	sbarrier.arrive $0xFFFF;
	s2 =	simm.s32 @!p0 $0x1C07  }
0x2e3: {  	[timem:s3], [sflag:s2] =	dma.local @!p0 [hbm:s0], s1  }
0x2e4: {  	s0 =	simm.s32 @!p0 $0x7  }
0x2e5: {  	_ =	swait.ge @!p0 [sflag:s0], s1  }
0x2e6: {  	s1 =	ssub.s32 @!p0 $0x0, s1;
	[sflag:s0] =	ssyncset.done @!p0 $0x0  }
0x2e7: {  	[sflag:s0] =	ssyncadd.s32 @!p0 s1  }
0x2e8: {  	[bflag:$0x3] =	sbarrier.arrive $0xFFFF  }
0x2e9: {  	_ =	shalt  }

// kernel: sparse-core-data-format-call.cloned.1.call-start
scs
called_computation_lowered:
.L_overlay_start_0:
0x0: {  	s1 =	sld [smem:$0x3FD9]  }
0x1: {  	s2 =	sld [smem:$0x3FFE];
	_ =	sdelay $0x1  }
0x2: {  	s3 =	srdreg.scid  }
0x3: {  	s0 =	sand.u32 $0x1, s3  }
0x4: {  	s17 =	sshll.u32 s0, $0xA;
	s1 =	sadd.s32 s2, s1  }
0x5: {  	s1 =	sadd.s32 s1, s17  }
0x6: {  	[smem:$0x3FBC] =	sst s1  }
0x7: {  	_ = 	snop  }
0x8: {  	(tm) =	ssettm $0x1  }
0x9: {  	s18 =	sld [smem:$0x3FFB];
	_ =	sdelay $0x3  }
0xa: {  	_ =	strace s18  }
0xb: {  	s1 =	sld [smem:$0x3FFC];
	_ =	sdelay $0x3  }
0xc: {  	_ =	strace s1  }
0xd: {  	s1 =	sld [smem:$0x3FFD];
	_ =	sdelay $0x3  }
0xe: {  	_ =	strace s1  }
0xf: {  	_ =	strace $0x8FFFFFFF  }
0x10: {  	s19 =	sld [smem:$0x3FDB];
	_ =	sdelay $0x1  }
0x11: {  	s20 =	simm.s32 $_scs_section_size  }
0x12: {  	s4 =	simm.s32 $_size__tile_overlayer_lowered;
	s5 =	simm.s32 $_tile_overlayer_lowered  }
0x13: {  	s23 =	simm.s32 $0x1BFF;
	s22 =	sshll.u32 s5, $0x1;
	s1 =	sadd.s32 s20, s19  }
0x14: {  	s6 =	simm.s32 $0x0;
	s21 =	sshll.u32 s4, $0x1;
	s4 =	sadd.s32 s22, s1  }
0x15: {  	[timem:s6], [sflag:s23] =	dma.local [hbm:s4], s21  }
0x16: {  	_ =	swait.ge [sflag:s23], s21  }
0x17: {  	s2 =	ssub.s32 $0x0, s21;
	[sflag:s23] =	ssyncset.done $0x0  }
0x18: {  	[sflag:s23] =	ssyncadd.s32 s2;
	_ =	sdelay $0x1  }
0x19: {  	s24 =	simm.s32 $0x1B8B  }
0x1a: {  	_ =	swait.ge [sflag:s24], $0x1  }
0x1b: {  	[sflag:s24] =	ssyncset.done $0x0  }
0x1c: {  	s26 =	simm.s32 $0x1B8E;
	s25 =	sld [smem:$0x3FFE];
	[sflag:s24] =	ssyncadd.s32 $0xFFFFFFFF  }
0x1d: {  	s27 =	simm.s32 $execute0_lowered;
	[smem:$0x3FD2] =	sst s26  }
0x1e: {  	s4 =	sshll.u32 s27, $0x1;
	_ =	strace $0x80000046;
	[dreg:$0x1] =	wrdreg $0xFFFFFFFF  }
0x1f: {  	s28 =	simm.s32 $_size_execute0_lowered;
	s1 =	sadd.s32 s1, s4;
	[dreg:$0x0] =	wrdreg $0x0  }
0x20: {  	s4 =	sshll.u32 s28, $0x1;
	[dreg:$0x2] =	wrdreg s1  }
0x21: {  	[dreg:$0x3] =	wrdreg s4  }
0x22: {  	[dreg:$0x4] =	wrdreg $0xC0  }
0x23: {  	_ =	task [dreg:s6], $0x5FFFF  }
0x24: {  	[dreg:$0x1] =	wrdreg $0xFFFFFFFF  }
0x25: {  	[dreg:$0x0] =	wrdreg $0x60  }
0x26: {  	[dreg:$0x2] =	wrdreg s25  }
0x27: {  	[dreg:$0x3] =	wrdreg $0x9  }
0x28: {  	_ =	task.clear_ibuf [dreg:s6], $0x4FFFF;
	_ =	strace $0x90000046  }
0x29: {  	s29 =	simm.s32 $0x9;
	_ =	strace $0x80000048  }
0x2a: {  	_ =	swait.ge [sflag:s29], $0x1  }
0x2b: {  	[sflag:s29] =	ssyncadd.s32 $0xFFFFFFFF  }
0x2c: {  	_ =	strace $0x90000048  }
0x2d: {  	_ =	sfence  }
0x2e: {  	s30 =	sld [smem:$0x0];
	_ =	sdelay $0x2  }
0x2f: {  	s31 =	sshll.u32 s3, $0xD;
	s3 =	sshrl.u32 s3, $0x2  }
0x30: {  	s2 =	sand.u32 $0x4000, s31;
	s1 =	sadd.s32 s3, s30  }
0x31: {  	s0 =	sor.u32 s2, s0;
	s1 =	sshll.u32 s1, $0x11  }
0x32: {  	s0 =	sor.u32 s1, s0  }
0x33: {  	s0 =	sadd.s32 $0x8F2B, s0  }
0x34: {  	[sflag:s0] =	ssyncadd.remote.s32 $0x1  }
0x35: {  	_ =	sfence.sel $0xFFFF  }
0x36: {  	[dreg:$0x0] =	wrdreg $0xFFFFFFFF;
	(pc) =	sbr.abs _section_cstart, $3  }
0x37: {  	[dreg:$0x1] =	wrdreg $0xFFFFFFFF  }
0x38: {  	_ =	task.clear_ibuf [dreg:s6], $0x2FFFF;
	_ =	strace $0x9FFFFFFF  }
0x39: {  	(tm) =	ssettm $0x7FFFFFFF  }
tec
execute0_lowered:
.L_overlay_start_1:
0x0: {  	(tag) =	ssettag $0x1  }
0x1: {  	s0 =	srdreg.scid  }
0x2: {  	s4 =	rddreg [dreg:$0x0];
	s1 =	stileid.u32  }
0x3: {  	s5 =	simm.s32 $0x1;
	s7 =	simm.s32 $0x2;
	s0 =	sshll.u32 s0, $0x4  }
0x4: {  	s11 =	simm.s32 $0x0;
	p0 =	por $0x0, $0x0;
	s2 =	sand.u32 $0x10, s0  }
.Ltmp0:
0x5: {  	s8 =	simm.s32 $0xC3800;
	s3 =	sor.u32 s1, s2;
	(pc) =	sbr.rel .LBB1_1-.Ltmp0, $4  }
0x6: {  	s10 =	simm.s32 $0x0;
	s0 =	rddreg [dreg:$0x1];
	s3 =	sshll.u32 s3, $0x7  }
0x7: {  	_ =	strace $0x80000047;
	s2 =	sadd.s32 $0x1A00, s4;
	s6 =	ssub.s32 $0x18680, s3  }
0x8: {  	s4 =	sadd.s32 $0x188400, s4;
	[sflag:s5] =	ssyncpa.u1 $0x0;
	s6 =	sshrl.u32 s6, $0xC  }
0x9: {  	[sflag:s7] =	ssyncpa.u1 $0x0;
	s9 =	smov.u32 s3;
	s7 =	sadd.s32 $0x2, s6  }
.LBB1_5:
0xa: {  	s13 =	sadd.s32 $0x1000, s9  }
0xb: {  	p2 =	sgt.s32 s13, $0x1869F  }
0xc: {  	s13 =	smov.u32 @p2 s3;
	p2 =	sne.s32 s10, s7  }
.Ltmp1:
0xd: {  	p1 =	slt.u32 s10, $0x2;
	(pc) =	sbr.rel @!p2 .LBB1_6-.Ltmp1, $4  }
0xe: {  	s12 =	simm.s32 @!p1 $0x2  }
0xf: {  	s14 =	sadd.s32 $0x1, s10;
	_ =	swait.ge @!p1 [sflag:s12], $0x4000  }
0x10: {  	s11 =	smov.u32 s9;
	p0 =	por !p0, !p0;
	[sflag:s12] =	ssyncset.done @!p1 $0x0  }
0x11: {  	s10 =	smov.u32 s14;
	s9 =	smov.u32 s13;
	[sflag:s12] =	ssyncadd.s32 @!p1 $0xFFFFC000  }
.LBB1_1:
0x12: {  	p1 =	sgt.u32 s10, s6  }
0x13: {  	s12 =	sand.u32 @!p1 $0x1FFFFFF, s9  }
0x14: {  	p2 =	sgt.s32 @!p1 s9, $0x18620;
	s13 =	smulhi.u32 @!p1 $0x14F8B59, s12  }
0x15: {  	s14 =	smov.u32 s9;
	s15 =	sshra.s32 @!p1 s9, $0x1F;
	p2 =	por !p2, p1  }
0x16: {  	s15 =	sand.u32 @!p1 s15, s9;
	s14 =	simm.s32 @p2 $0x18620;
	s13 =	sshrl.u32 @!p1 s13, $0x9  }
0x17: {  	s14 =	ssub.s32 @!p1 s14, s15;
	s13 =	smul.u32 @!p1 $0x186A0, s13  }
0x18: {  	s15 =	sxor.u32 @!p1 $0xFFFFFFFF, s10;
	s14 =	sadd.s32 @!p1 $0xFFFE79E0, s14  }
0x19: {  	s15 =	sshll.u32 @!p1 s15, $0xE;
	s12 =	ssub.s32 @!p1 s12, s13;
	s13 =	sshll.u32 @!p1 s14, $0x9  }
0x1a: {  	s15 =	sand.u32 @!p1 $0x4000, s15;
	p2 =	sgt.s32 @!p1 s14, $0x7F;
	s13 =	ssub.s32 @!p1 $0x10000, s13  }
0x1b: {  	p2 =	por !p2, p1;
	s12 =	sshll.u32 @!p1 s12, $0x4;
	s13 =	sshrl.u32 @!p1 s13, $0x2  }
0x1c: {  	s14 =	simm.s32 @!p1 $0x0;
	s12 =	sadd.s32 @!p1 s2, s12;
	s13 =	simm.s32 @!p2 $0x0  }
0x1d: {  	[tilespmem:s15], [sflag:$0x1] =	stream.linear.gather @!p1 [hbm4b:s12+s14], s13, $0x38;
	[tilespmem:$0x10100] =	vst v63  }
0x1e: {  	p1 =	seq.s32 s10, $0x0  }
0x1f: {  	p2 =	sge.u32 @!p1 s10, s7  }
0x20: {  	p1 =	por p1, p2  }
.Ltmp2:
0x21: {  	_ = 	snop;
	(pc) =	sbr.rel @p1 .LBB1_5-.Ltmp2, $1  }
0x22: {  	_ =	sdelay $0x3  }
0x23: {  	p1 =	sgt.s32 s11, $0x18620;
	s12 =	smov.u32 s11;
	s13 =	sshra.s32 s11, $0x1F  }
0x24: {  	s12 =	simm.s32 @!p1 $0x18620;
	s13 =	sand.u32 s13, s11  }
0x25: {  	s12 =	ssub.s32 s12, s13  }
0x26: {  	s12 =	sadd.s32 $0xFFFE79E0, s12  }
0x27: {  	s29 =	sshll.u32 s12, $0x9  }
0x28: {  	s13 =	ssub.s32 $0x10000, s29  }
0x29: {  	p1 =	sgt.s32 s12, $0x7F;
	s12 =	sshrl.u32 s13, $0x2  }
0x2a: {  	s13 =	simm.s32 $0x1;
	s12 =	simm.s32 @p1 $0x0  }
0x2b: {  	s13 =	simm.s32 @!p0 $0x0;
	_ =	swait.ge [sflag:s5], s12  }
0x2c: {  	s14 =	sshll.u32 s13, $0xE;
	s12 =	ssub.s32 $0x0, s12;
	[sflag:s5] =	ssyncset.done $0x0  }
0x2d: {  	s15 =	sor.u32 $0x40, s14;
	[sflag:s5] =	ssyncadd.s32 s12  }
0x2e: {  	s30 =	smul.u32 $0x10200, s13;
	v0 =	vld [tilespmem:s15+$0x30]  }
0x2f: {  	v1 =	vld [tilespmem:s15+$0xFFFFFFD0]  }
0x30: {  	s12 =	sshrl.u32 s30, $0x2;
	v5 =	vld [tilespmem:s15+$0xFFFFFFE0]  }
0x31: {  	s13 =	sor.u32 $0x8000, s12;
	v6 =	vld [tilespmem:s15+$0xFFFFFFF0]  }
0x32: {  	s31 =	sand.u32 $0x1, s10;
	v3 =	vld [tilespmem:s15+$0x0];
	s14 =	sadd.s32 $0x0, s13  }
0x33: {  	s12 =	smul.u32 $0x10200, s31;
	v4 =	vld [tilespmem:s15+$0x10];
	[tilespmem:s14+$0x3870 ss:$0x81] =	vst.msk $0xffff, v0  }
0x34: {  	v2 =	vld [tilespmem:s15+$0x20];
	[tilespmem:s14+$0x810 ss:$0x81] =	vst.msk $0xffff, v1  }
0x35: {  	s12 =	sshrl.u32 s12, $0x2;
	v0 =	vld [tilespmem:s15+$0xFFFFFFC0];
	[tilespmem:s14+$0x1020 ss:$0x81] =	vst.msk $0xffff, v5;
	s15 =	sadd.s32 $0x80, s15  }
0x36: {  	s16 =	simm.s32 $0x4;
	s17 =	simm.s32 $0x8;
	s12 =	sor.u32 $0x8000, s12;
	[tilespmem:s14+$0x1830 ss:$0x81] =	vst.msk $0xffff, v6;
	v1 =	vld [tilespmem:s15+$0x30]  }
.LBB1_3:
0x37: {  	p1 =	sne.s32 s17, $0x1FC;
	v5 =	vld [tilespmem:s15+$0xFFFFFFD0];
	[tilespmem:s14+$0x2040 ss:$0x81] =	vst.msk $0xffff, v3  }
0x38: {  	v6 =	vld [tilespmem:s15+$0xFFFFFFE0];
	[tilespmem:s14+$0x2850 ss:$0x81] =	vst.msk $0xffff, v4  }
0x39: {  	s18 =	sshra.s32 s16, $0x2;
	s16 =	smov.u32 s17;
	v7 =	vld [tilespmem:s15+$0xFFFFFFF0];
	[tilespmem:s14+$0x3060 ss:$0x81] =	vst.msk $0xffff, v2  }
.Ltmp3:
0x3a: {  	v3 =	vld [tilespmem:s15+$0x0];
	[tilespmem:s14+$0x0 ss:$0x81] =	vst.msk $0xffff, v0;
	s14 =	sadd.s32 s18, s13;
	(pc) =	sbr.rel @p1 .LBB1_3-.Ltmp3, $4  }
0x3b: {  	v4 =	vld [tilespmem:s15+$0x10];
	[tilespmem:s14+$0x3870 ss:$0x81] =	vst.msk $0xffff, v1  }
0x3c: {  	[tilespmem:s14+$0x810 ss:$0x81] =	vst.msk $0xffff, v5;
	v2 =	vld [tilespmem:s15+$0x20]  }
0x3d: {  	v0 =	vld [tilespmem:s15+$0xFFFFFFC0];
	[tilespmem:s14+$0x1020 ss:$0x81] =	vst.msk $0xffff, v6;
	s15 =	sadd.s32 $0x80, s15  }
0x3e: {  	s17 =	sadd.s32 $0x4, s17;
	v1 =	vld [tilespmem:s15+$0x30];
	[tilespmem:s14+$0x1830 ss:$0x81] =	vst.msk $0xffff, v7  }
0x3f: {  	v5 =	vld [tilespmem:s15+$0xFFFFFFD0];
	[tilespmem:s14+$0x2040 ss:$0x81] =	vst.msk $0xffff, v3;
	s17 =	sshll.u32 s11, $0x3  }
0x40: {  	v58 =	vld [tilespmem:s15+$0xFFFFFFE0];
	s25 =	sand.u32 $0x7F, s11;
	[tilespmem:s14+$0x2850 ss:$0x81] =	vst.msk $0xffff, v4;
	s17 =	sand.u32 $0xFFFFFC00, s17  }
0x41: {  	s16 =	sshra.s32 s16, $0x2;
	v59 =	vld [tilespmem:s15+$0xFFFFFFF0];
	[tilespmem:s14+$0x3060 ss:$0x81] =	vst.msk $0xffff, v2;
	s11 =	sor.u32 s25, s17  }
0x42: {  	v60 =	vld [tilespmem:s15+$0x0];
	s13 =	sadd.s32 s16, s13;
	[tilespmem:s14+$0x0 ss:$0x81] =	vst.msk $0xffff, v0;
	s26 =	smulhi.u32 $0xA79C7B17, s11  }
0x43: {  	v61 =	vld [tilespmem:s15+$0x10];
	[tilespmem:s13+$0x3870 ss:$0x81] =	vst.msk $0xffff, v1  }
0x44: {  	v62 =	vld [tilespmem:s15+$0x20];
	s27 =	smulhi.u32 $0xA79C7B17, s17;
	[tilespmem:s13+$0x810 ss:$0x81] =	vst.msk $0xffff, v5;
	s14 =	sshrl.u32 s26, $0x10  }
0x45: {  	v63 =	vld [tilespmem:s15+$0xFFFFFFC0];
	[tilespmem:s13+$0x1020 ss:$0x81] =	vst.msk $0xffff, v58;
	s14 =	smul.u32 $0x18700, s14  }
0x46: {  	s28 =	sshrl.u32 s27, $0x10;
	[tilespmem:s13+$0x1830 ss:$0x81] =	vst.msk $0xffff, v59  }
.Ltmp4:
0x47: {  	[tilespmem:s13+$0x2040 ss:$0x81] =	vst.msk $0xffff, v60;
	s29 =	sand.u32 $0x7F, s28;
	s11 =	ssub.s32 s11, s14;
	(pc) =	sbr.rel .LBB1_5-.Ltmp4, $4  }
0x48: {  	[tilespmem:s13+$0x2850 ss:$0x81] =	vst.msk $0xffff, v61;
	s14 =	smul.u32 $0x30E0, s29;
	s30 =	sshrl.u32 s11, $0x3;
	s11 =	sand.u32 $0x7, s11  }
0x49: {  	[tilespmem:s13+$0x3060 ss:$0x81] =	vst.msk $0xffff, v62;
	s15 =	sadd.s32 s4, s30;
	s11 =	sshll.u32 s11, $0x12  }
0x4a: {  	[tilespmem:s13+$0x0 ss:$0x81] =	vst.msk $0xffff, v63;
	s31 =	sadd.s32 s14, s15;
	s11 =	sor.u32 $0x400, s11  }
0x4b: {  	[hbm4b:s31+s11] =	stream.strided.scatter [tilespmem:s12], [sflag:$0x2], $0x4000, s8, s11, $0x20;
	[tilespmem:$0x10100] =	vst v63  }
.LBB1_6:
0x4c: {  	_ =	sfence.sel $0x180000  }
0x4d: {  	s2 =	simm.s32 $0x1;
	[bflag:$0x0] =	sbarrier.arrive $0xFFFF  }
0x4e: {  	s31 =	simm.s32 $0x2;
	[sflag:s2] =	ssyncpa.u1 $0x1  }
0x4f: {  	[sflag:s31] =	ssyncpa.u1 $0x1  }
0x50: {  	p0 =	sne.s32 s1, $0x0;
	_ =	strace $0x90000047  }
0x51: {  	s0 =	sadd.s32 @!p0 $0x100000, s0;
	[bflag:$0x2] =	sbarrier.arrive $0xFFFF  }
0x52: {  	[sflag:s0] =	ssyncadd.tile.s32 @!p0 $0x1;
	_ =	shalt  }
.Lfunc_end1:
_tile_overlayer_lowered:
.L_overlay_start_2:
0x53: {  	(tag) =	ssettag $0x2  }
0x54: {  	s0 =	rddreg [dreg:$0x0];
	s2 =	stileid.u32  }
0x55: {  	s1 =	rddreg [dreg:$0x1];
	p0 =	sne.s32 s2, $0x0  }
0x56: {  	s3 =	rddreg [dreg:$0x2];
	[bflag:$0x3] =	sbarrier.arrive $0xFFFF;
	s2 =	simm.s32 @!p0 $0x1C01  }
0x57: {  	[timem:s3], [sflag:s2] =	dma.local @!p0 [hbm:s0], s1  }
0x58: {  	s0 =	simm.s32 @!p0 $0x1  }
0x59: {  	_ =	swait.ge @!p0 [sflag:s0], s1  }
0x5a: {  	s1 =	ssub.s32 @!p0 $0x0, s1;
	[sflag:s0] =	ssyncset.done @!p0 $0x0  }
0x5b: {  	[sflag:s0] =	ssyncadd.s32 @!p0 s1  }
0x5c: {  	[bflag:$0x3] =	sbarrier.arrive $0xFFFF  }
0x5d: {  	_ =	shalt  }

</sc_bundles>
